<compile_context>
chip_gen: v7x
topology: tpu7x:2x2x1
jax: 0.10.2.dev20260603
libtpu: 0.0.44.dev20260713+nightly
codegen_flags: <defaults>
</compile_context>

<pallas_src>
import functools

import numpy as np

import jax
import jax.numpy as jnp
from jax import lax
from jax.experimental import pallas as pl
from jax.experimental.pallas import tpu as pltpu
from jax.experimental.pallas import tpu_sc as plsc

N = 10000
E = 320000
LD = 64
POS = 3

NC, NS, L = 2, 16, 16
NW = NC * NS
CH = 128
K0 = 102
K1 = 58
E_PAD = NS * (K0 + K1) * CH
N_PAD = 10240
RPT = N_PAD // NS

_F32 = jnp.float32
_BF16 = jnp.bfloat16



def _edge_sc_body(with_deg, S_hbm, D_hbm, src_hbm, dst_hbm, out_hbm, deg_hbm,
                  srcA, dstA, dstsA, sA, dA, hA,
                  srcB, dstB, dstsB, sB, dB, hB,
                  one_v, degbuf, G_sh, deg_sh,
                  gsemA, gsemB, ssemA, ssemB, isemA, isemB):
    c = lax.axis_index("c")
    s = lax.axis_index("s")
    zero16 = jnp.zeros((L,), _F32)

    def _zb(r, _):
        for q in range(LD // L):
            hA[r, pl.ds(q * L, L)] = zero16
        return 0
    lax.fori_loop(0, CH, _zb, 0)

    def _zdeg(i, _):
        degbuf[pl.ds(i * L, L)] = zero16
        return 0
    lax.fori_loop(0, RPT // L, _zdeg, 0)

    for q in range(CH // L):
        one_v[pl.ds(q * L, L)] = zero16 + 1.0

    for k in range(RPT // CH):
        pltpu.sync_copy(hA, G_sh.at[pl.ds(s * RPT + k * CH, CH)])
    pltpu.sync_copy(degbuf, deg_sh.at[pl.ds(s * RPT, RPT)])
    plsc.subcore_barrier()

    kcnt = jax.lax.select(c == 0, jnp.int32(K0), jnp.int32(K1))
    base = c * (NS * K0 * CH) + s * kcnt * CH
    bufs = ((srcA, dstA, dstsA, sA, dA, hA, gsemA, ssemA, isemA),
            (srcB, dstB, dstsB, sB, dB, hB, gsemB, ssemB, isemB))

    for P in range(2):
        src_v, dst_v, dsts, sb, db, hb, gsem, ssem, isem = bufs[P]
        off = base + P * CH
        pltpu.sync_copy(src_hbm.at[pl.ds(off, CH)], src_v)
        pltpu.sync_copy(dst_hbm.at[pl.ds(off, CH)], dst_v)
        pltpu.async_copy(S_hbm.at[src_v], sb, gsem)
        pltpu.async_copy(D_hbm.at[dst_v], db, gsem)

    def _pair(g, _):
        for P in range(2):
            src_v, dst_v, dsts, sb, db, hb, gsem, ssem, isem = bufs[P]
            ci = 2 * g + P
            pltpu.make_async_copy(S_hbm.at[src_v], sb, gsem).wait()
            pltpu.make_async_copy(D_hbm.at[dst_v], db, gsem).wait()

            @pl.when(g != 0)
            def _():
                pltpu.make_async_copy(hb, G_sh.at[dsts], ssem).wait()
                if with_deg:
                    pltpu.make_async_copy(one_v, deg_sh.at[dsts], ssem).wait()

            for q in range(CH // L):
                dsts[pl.ds(q * L, L)] = dst_v[pl.ds(q * L, L)]

            nxt = jnp.minimum(ci + 2, kcnt - 2 + P)
            noff = base + nxt * CH
            pltpu.async_copy(src_hbm.at[pl.ds(noff, CH)], src_v, isem)
            pltpu.async_copy(dst_hbm.at[pl.ds(noff, CH)], dst_v, isem)

            @plsc.parallel_loop(0, CH, step=1, unroll=8)
            def _relu(r):
                for q in range(LD // 32):
                    v = sb[r, pl.ds(q * 32, 32)] + db[r, pl.ds(q * 32, 32)]
                    h = jnp.maximum(v, jnp.zeros((32,), _BF16))
                    ha, hbv = plsc.unpack(h, format=plsc.PackFormat.INTERLEAVED)
                    hb[r, pl.ds(q * 32, L)] = ha
                    hb[r, pl.ds(q * 32 + L, L)] = hbv

            pltpu.async_copy(hb, G_sh.at[dsts], ssem, add=True)
            if with_deg:
                pltpu.async_copy(one_v, deg_sh.at[dsts], ssem, add=True)

            pltpu.make_async_copy(src_hbm.at[pl.ds(noff, CH)], src_v, isem).wait()
            pltpu.make_async_copy(dst_hbm.at[pl.ds(noff, CH)], dst_v, isem).wait()
            pltpu.async_copy(S_hbm.at[src_v], sb, gsem)
            pltpu.async_copy(D_hbm.at[dst_v], db, gsem)
        return 0
    lax.fori_loop(0, kcnt // 2, _pair, 0)

    for P in range(2):
        src_v, dst_v, dsts, sb, db, hb, gsem, ssem, isem = bufs[P]
        pltpu.make_async_copy(S_hbm.at[src_v], sb, gsem).wait()
        pltpu.make_async_copy(D_hbm.at[dst_v], db, gsem).wait()
        pltpu.make_async_copy(hb, G_sh.at[dsts], ssem).wait()
        if with_deg:
            pltpu.make_async_copy(one_v, deg_sh.at[dsts], ssem).wait()

    plsc.subcore_barrier()
    for k in range(RPT // CH):
        pltpu.sync_copy(G_sh.at[pl.ds(s * RPT + k * CH, CH)], hA)
        pltpu.sync_copy(hA, out_hbm.at[c, pl.ds(s * RPT + k * CH, CH)])
    pltpu.sync_copy(deg_sh.at[pl.ds(s * RPT, RPT)], degbuf)
    pltpu.sync_copy(degbuf, deg_hbm.at[c, pl.ds(s * RPT, RPT)])


@functools.lru_cache(maxsize=2)
def _edge_sc_kernel(with_deg):
  return pl.kernel(
    functools.partial(_edge_sc_body, with_deg),
    out_type=(pltpu.HBM((NC, N_PAD, LD), _F32),
              pltpu.HBM((NC, N_PAD), _F32)),
    mesh=plsc.VectorSubcoreMesh(core_axis_name="c", subcore_axis_name="s",
                                num_cores=NC, num_subcores=NS),
    scratch_types=(
        pltpu.VMEM((CH,), jnp.int32),
        pltpu.VMEM((CH,), jnp.int32),
        pltpu.VMEM((CH,), jnp.int32),
        pltpu.VMEM((CH, LD), _BF16),
        pltpu.VMEM((CH, LD), _BF16),
        pltpu.VMEM((CH, LD), _F32),
        pltpu.VMEM((CH,), jnp.int32),
        pltpu.VMEM((CH,), jnp.int32),
        pltpu.VMEM((CH,), jnp.int32),
        pltpu.VMEM((CH, LD), _BF16),
        pltpu.VMEM((CH, LD), _BF16),
        pltpu.VMEM((CH, LD), _F32),
        pltpu.VMEM((CH,), _F32),
        pltpu.VMEM((RPT,), _F32),
        pltpu.VMEM_SHARED((N_PAD, LD), _F32),
        pltpu.VMEM_SHARED((N_PAD,), _F32),
        pltpu.SemaphoreType.DMA,
        pltpu.SemaphoreType.DMA,
        pltpu.SemaphoreType.DMA,
        pltpu.SemaphoreType.DMA,
        pltpu.SemaphoreType.DMA,
        pltpu.SemaphoreType.DMA,
    ),
    compiler_params=pltpu.CompilerParams(use_tc_tiling_on_sc=False,
                                         needs_layout_passes=False),
  )


def _edge_sc(S, D, srcp, dstp, with_deg):
    Dp = jnp.pad(D, ((0, L), (0, 0)))
    return _edge_sc_kernel(with_deg)(S, Dp, srcp, dstp)



BR = 2000
GRID = N // BR


def _ln_rows(h, g, b):
    m = jnp.mean(h, axis=-1, keepdims=True)
    v = jnp.mean((h - m) ** 2, axis=-1, keepdims=True)
    return (h - m) * jax.lax.rsqrt(v + 1e-5) * g + b


def _tc1_body(nin, enc_W1, enc_b1, enc_W2, enc_b2, enc_g, enc_beta,
              Ws0, Wd0, Wp0, eb1_0, Wp1,
              x_o, S_o, D_o, Pw1_o):
    z = nin[...]
    feat = z[:, 6:10]
    h = jnp.maximum(jnp.dot(feat, enc_W1[...], preferred_element_type=_F32)
                    + enc_b1[...], 0.0)
    h = jnp.dot(h, enc_W2[...], preferred_element_type=_F32) + enc_b2[...]
    x = _ln_rows(h, enc_g[...], enc_beta[...])
    wp0 = Wp0[...]
    wp1 = Wp1[...]
    pw0 = (jnp.dot(z[:, 3:6], wp0[:3], preferred_element_type=_F32)
           + jnp.dot(z[:, 0:3], wp0[3:6], preferred_element_type=_F32))
    pw1 = (jnp.dot(z[:, 3:6], wp1[:3], preferred_element_type=_F32)
           + jnp.dot(z[:, 0:3], wp1[3:6], preferred_element_type=_F32))
    x_o[...] = x
    S_o[...] = (jnp.dot(x, Ws0[...], preferred_element_type=_F32)
                - pw0).astype(_BF16)
    D_o[...] = (jnp.dot(x, Wd0[...], preferred_element_type=_F32)
                + pw0 + eb1_0[...]).astype(_BF16)
    Pw1_o[...] = pw1


def _node_update(x, G, degT, eW2l, eb2l, nW1a, nW1b, nb1l, nW2l, nb2l, gl, bl):
    H = G[0] + G[1]
    dg = degT[:, 0:1] + degT[:, 1:2]
    agg = jnp.dot(H, eW2l, preferred_element_type=_F32) + dg * eb2l
    u = jnp.maximum(jnp.dot(x, nW1a, preferred_element_type=_F32)
                    + jnp.dot(agg, nW1b, preferred_element_type=_F32)
                    + nb1l, 0.0)
    u = jnp.dot(u, nW2l, preferred_element_type=_F32) + nb2l
    return x + _ln_rows(u, gl, bl)


def _tc2_body(x, G, degT, eW2l, eb2l, nW1a, nW1b, nb1l, nW2l, nb2l, gl, bl,
              Ws1, Wd1, eb1_1, Pw1,
              x_o, S_o, D_o):
    x1 = _node_update(x[...], G[...], degT[...], eW2l[...], eb2l[...],
                      nW1a[...], nW1b[...], nb1l[...], nW2l[...], nb2l[...],
                      gl[...], bl[...])
    pw1 = Pw1[...]
    x_o[...] = x1
    S_o[...] = (jnp.dot(x1, Ws1[...], preferred_element_type=_F32)
                - pw1).astype(_BF16)
    D_o[...] = (jnp.dot(x1, Wd1[...], preferred_element_type=_F32)
                + pw1 + eb1_1[...]).astype(_BF16)


def _tc3_body(x, G, degT, eW2l, eb2l, nW1a, nW1b, nb1l, nW2l, nb2l, gl, bl,
              dec_W1, dec_b1, dec_W2p, dec_b2p,
              win8, vel8, ntar8, ntyp,
              out_o, ls_o, nz_o):
    i = pl.program_id(0)
    xf = _node_update(x[...], G[...], degT[...], eW2l[...], eb2l[...],
                      nW1a[...], nW1b[...], nb1l[...], nW2l[...], nb2l[...],
                      gl[...], bl[...])
    d = jnp.maximum(jnp.dot(xf, dec_W1[...], preferred_element_type=_F32)
                    + dec_b1[...], 0.0)
    o = jnp.dot(d, dec_W2p[...], preferred_element_type=_F32) + dec_b2p[...]
    t8 = ntar8[...]
    fix = ntyp[...] == 3.0
    p08 = jnp.where(fix, t8, win8[...])
    o = o + p08 + vel8[...]
    interior = ntyp[...] == 0.0
    out_o[...] = jnp.where(interior, o, t8)
    diff = jnp.where(interior, o - t8, 0.0)
    ls_part = jnp.sum(diff * diff)
    nz_part = 3.0 * jnp.sum(jnp.where(interior, 1.0, 0.0))

    @pl.when(i == 0)
    def _init():
        ls_o[...] = ls_part.reshape(1, 1)
        nz_o[...] = nz_part.reshape(1, 1)

    @pl.when(i != 0)
    def _acc():
        ls_o[...] = ls_o[...] + ls_part.reshape(1, 1)
        nz_o[...] = nz_o[...] + nz_part.reshape(1, 1)


def _row_spec(width):
    return pl.BlockSpec((BR, width), lambda i: (i, 0))


def _full_spec(shape):
    nd = len(shape)
    return pl.BlockSpec(shape, lambda i: (0,) * nd)


_G_spec = pl.BlockSpec((NC, BR, LD), lambda i: (0, i, 0))


def _tc1_call(nin, *ws):
    w_specs = [_full_spec(w.shape) for w in ws]
    outf = jax.ShapeDtypeStruct((N, LD), _F32)
    outb = jax.ShapeDtypeStruct((N, LD), _BF16)
    return pl.pallas_call(
        _tc1_body,
        grid=(GRID,),
        in_specs=[_row_spec(10)] + w_specs,
        out_specs=[_row_spec(LD)] * 4,
        out_shape=[outf, outb, outb, outf],
    )(nin, *ws)


def _tc2_call(x, G, degT, *ws):
    w_specs = [_full_spec(w.shape) for w in ws[:-1]] + [_row_spec(LD)]
    outf = jax.ShapeDtypeStruct((N, LD), _F32)
    outb = jax.ShapeDtypeStruct((N, LD), _BF16)
    return pl.pallas_call(
        _tc2_body,
        grid=(GRID,),
        in_specs=[_row_spec(LD), _G_spec, _row_spec(NC)] + w_specs,
        out_specs=[_row_spec(LD)] * 3,
        out_shape=[outf, outb, outb],
    )(x, G, degT, *ws)


def _tc3_call(x, G, degT, *ws):
    w_specs = ([_full_spec(w.shape) for w in ws[:-4]]
               + [_row_spec(8), _row_spec(8), _row_spec(8), _row_spec(1)])
    return pl.pallas_call(
        _tc3_body,
        grid=(GRID,),
        in_specs=[_row_spec(LD), _G_spec, _row_spec(NC)] + w_specs,
        out_specs=[_row_spec(8),
                   pl.BlockSpec((1, 1), lambda i: (0, 0)),
                   pl.BlockSpec((1, 1), lambda i: (0, 0))],
        out_shape=[jax.ShapeDtypeStruct((N, 8), _F32),
                   jax.ShapeDtypeStruct((1, 1), _F32),
                   jax.ShapeDtypeStruct((1, 1), _F32)],
    )(x, G, degT, *ws)



def kernel(node_in, node_tar, m_idx, m_gs, enc_W1, enc_b1, enc_W2, enc_b2,
           enc_g, enc_beta, eW1, eb1, eW2, eb2, nW1, nb1, nW2, nb2,
           ln_g, ln_b, dec_W1, dec_b1, dec_W2, dec_b2):
    nin = node_in[0]
    ntar = node_tar[0]
    src = m_gs[0]
    dst = m_gs[1]
    pad = E_PAD - E
    srcp = jnp.concatenate([src, jnp.zeros((pad,), src.dtype)])
    dstp = jnp.concatenate([dst, jnp.full((pad,), N, dst.dtype)])

    r1 = lambda a: a.reshape(1, -1)
    perm = np.array(
        sum(([q * 32 + 2 * j for j in range(16)]
             + [q * 32 + 2 * j + 1 for j in range(16)]
             for q in range(LD // 32)), []), np.int32)
    Ws = [eW1[l, :LD] for l in range(2)]
    Wd = [eW1[l, LD:2 * LD] for l in range(2)]
    Wp = [eW1[l, 2 * LD:] for l in range(2)]
    nW1a = [nW1[l, :LD] for l in range(2)]
    nW1b = [nW1[l, LD:] for l in range(2)]

    x, S0, D0, Pw1 = _tc1_call(
        nin, enc_W1, r1(enc_b1), enc_W2, r1(enc_b2), r1(enc_g), r1(enc_beta),
        Ws[0], Wd[0], Wp[0], r1(eb1[0]), Wp[1])

    G, deg = _edge_sc(S0, D0, srcp, dstp, True)
    degT = deg.T

    x1, S1, D1 = _tc2_call(
        x, G, degT, eW2[0][perm], r1(eb2[0]), nW1a[0], nW1b[0], r1(nb1[0]),
        nW2[0], r1(nb2[0]), r1(ln_g[0]), r1(ln_b[0]),
        Ws[1], Wd[1], r1(eb1[1]), Pw1)

    G2, _unused_deg = _edge_sc(S1, D1, srcp, dstp, False)
    degT2 = degT

    dec_W2p = jnp.pad(dec_W2, ((0, 0), (0, 8 - POS)))
    dec_b2p = jnp.pad(r1(dec_b2), ((0, 0), (0, 8 - POS)))
    win8 = jnp.pad(nin[:, 0:POS], ((0, 0), (0, 8 - POS)))
    vel8 = jnp.pad(nin[:, 2 * POS:3 * POS], ((0, 0), (0, 8 - POS)))
    ntar8 = jnp.pad(ntar, ((0, 0), (0, 8 - POS)))
    ntyp = nin[:, 9:10]

    out8, lsum, nz = _tc3_call(
        x1, G2, degT2, eW2[1][perm], r1(eb2[1]), nW1a[1], nW1b[1], r1(nb1[1]),
        nW2[1], r1(nb2[1]), r1(ln_g[1]), r1(ln_b[1]),
        dec_W1, r1(dec_b1), dec_W2p, dec_b2p,
        win8, vel8, ntar8, ntyp)

    out = out8[:, :POS][None]
    nzs = nz[0, 0]
    return (lsum[0, 0] / nzs, out, nzs)

# --- scband reference (transcript-rebuilt; emitter-appended) ---
"""Pipeline reference for scband-flag-20718922236074 (READ-ONLY COPY).

The authoritative reference and input builder live on the scoring server;
editing this copy changes nothing except your own understanding.
"""

import jax, jax.numpy as jnp
import numpy as np

N = 10000
E = 320000
LD = 64
POS = 3
MP_TIMES = 1
LAYERS = 2

def _ln(x, g, b):
    m = x.mean(-1, keepdims=True)
    v = x.var(-1, keepdims=True)
    return (x - m) / jnp.sqrt(v + 1e-5) * g + b

def setup_inputs(seed: int = 0):
    key = jax.random.key(seed)
    ks = jax.random.split(key, 30)
    def w(k, shape):
        fan_in = shape[-2] if len(shape) > 1 else shape[-1]
        return jax.random.normal(k, shape, jnp.float32) / np.sqrt(fan_in)
    pos_w = jax.random.normal(ks[0], (1, N, POS), jnp.float32)
    pos_m = jax.random.normal(ks[1], (1, N, POS), jnp.float32)
    vel = jax.random.normal(ks[2], (1, N, POS), jnp.float32) * 0.1
    ntype = jnp.zeros((1, N, 1), jnp.float32)
    ntype = ntype.at[0, 0, 0].set(3.0).at[0, 1, 0].set(3.0)
    node_in = jnp.concatenate([pos_w, pos_m, vel, ntype], axis=-1)
    node_tar = jax.random.normal(ks[3], (1, N, POS), jnp.float32)
    m_idx = jax.random.randint(ks[4], (N // 2,), 0, N)
    m_gs = jax.random.randint(ks[5], (2, E), 0, N)
    return {
        'node_in': node_in, 'node_tar': node_tar, 'm_idx': m_idx, 'm_gs': m_gs,
        'enc_W1': w(ks[6], (POS + 1, LD)), 'enc_b1': jnp.zeros((LD,), jnp.float32),
        'enc_W2': w(ks[7], (LD, LD)), 'enc_b2': jnp.zeros((LD,), jnp.float32),
        'enc_g': jnp.ones((LD,), jnp.float32), 'enc_beta': jnp.zeros((LD,), jnp.float32),
        'eW1': w(ks[8], (LAYERS, 2 * LD + 2 * POS, LD)), 'eb1': jnp.zeros((LAYERS, LD), jnp.float32),
        'eW2': w(ks[9], (LAYERS, LD, LD)), 'eb2': jnp.zeros((LAYERS, LD), jnp.float32),
        'nW1': w(ks[10], (LAYERS, 2 * LD, LD)), 'nb1': jnp.zeros((LAYERS, LD), jnp.float32),
        'nW2': w(ks[11], (LAYERS, LD, LD)), 'nb2': jnp.zeros((LAYERS, LD), jnp.float32),
        'ln_g': jnp.ones((LAYERS, LD), jnp.float32), 'ln_b': jnp.zeros((LAYERS, LD), jnp.float32),
        'dec_W1': w(ks[12], (LD, LD)), 'dec_b1': jnp.zeros((LD,), jnp.float32),
        'dec_W2': w(ks[13], (LD, POS)), 'dec_b2': jnp.zeros((POS,), jnp.float32),
    }

def reference(node_in, node_tar, m_idx, m_gs, enc_W1, enc_b1, enc_W2, enc_b2, enc_g, enc_beta,
              eW1, eb1, eW2, eb2, nW1, nb1, nW2, nb2, ln_g, ln_b, dec_W1, dec_b1, dec_W2, dec_b2):
    # Flag._get_pos_type: world pos matrix = cat(node_in[:, pos:2pos], node_in[:, :pos])
    pos = jnp.concatenate([node_in[..., POS:2 * POS], node_in[..., :POS]], axis=-1)
    node_type = node_in[..., -1]
    # Flag._pre: overwrite fixed-node (type==3) positions with targets
    fix = (node_type == 3.0)[..., None]
    p0 = jnp.where(fix, node_tar[..., :POS], node_in[..., :POS])
    node_in = jnp.concatenate([p0, node_in[..., POS:2 * POS], node_in[..., 2 * POS:3 * POS], node_in[..., -1:]], axis=-1)
    vel = node_in[..., -1 - POS:-1]
    # temp buffer update (decayed, clamped); passed to process (unused in this approximation)
    temp = jnp.clip(jnp.asarray(5.0 * 0.999), 0.1, None)
    # Flag._get_nodal_latent_input: velocity + node type channels
    feat = node_in[..., -(1 + POS):]
    # encode MLP (with output layer norm)
    h = jnp.maximum(feat @ enc_W1 + enc_b1, 0.0)
    h = h @ enc_W2 + enc_b2
    x = _ln(h, enc_g, enc_beta)[0]
    p = pos[0]
    src = m_gs[0]
    dst = m_gs[1]
    # EvoMesh process: MP_times outer repeats of layer_num message-passing layers
    for _ in range(MP_TIMES):
        for l in range(LAYERS):
            e_in = jnp.concatenate([x[src], x[dst], p[dst] - p[src]], axis=-1)
            m = jnp.maximum(e_in @ eW1[l] + eb1[l], 0.0)
            m = m @ eW2[l] + eb2[l]
            agg = jax.ops.segment_sum(m, dst, num_segments=N)
            n_in = jnp.concatenate([x, agg], axis=-1)
            u = jnp.maximum(n_in @ nW1[l] + nb1[l], 0.0)
            u = u @ nW2[l] + nb2[l]
            x = x + _ln(u, ln_g[l], ln_b[l])
    x = x[None]
    # decode MLP (no layer norm)
    d = jnp.maximum(x @ dec_W1 + dec_b1, 0.0)
    out = d @ dec_W2 + dec_b2
    # Flag._update_states: second-order integration
    out = out + node_in[..., :POS] + vel
    # Flag._mask: only interior nodes (type==0) contribute to loss
    int_node = (node_type == 0.0)[..., None]
    mask = jnp.where(int_node, jnp.ones_like(node_tar), jnp.zeros_like(node_tar))
    out = jnp.where(int_node, out, node_tar)
    loss = (((out - node_tar) ** 2) * mask).sum()
    nz = mask.sum()
    return (loss / nz, out, nz)

if __name__ == "__main__":
    import jax
    _d = setup_inputs()
    print(jax.jit(kernel)(*tuple(_d.values())))

</pallas_src>

<mosaic_0001>
#map = affine_map<(d0, d1) -> (0, 0)>
#map1 = affine_map<(d0, d1) -> (0)>
#map2 = affine_map<(d0, d1) -> (0, 0, 0)>
module attributes {stable_mosaic.version = 14 : i64} {
  func.func @_edge_sc_body(%arg0: i32, %arg1: i32, %arg2: memref<10000x64xbf16, #tpu.memory_space<hbm>>, %arg3: memref<10016x64xbf16, #tpu.memory_space<hbm>>, %arg4: memref<327680xi32, #tpu.memory_space<hbm>>, %arg5: memref<327680xi32, #tpu.memory_space<hbm>>, %arg6: memref<2x10240x64xf32, #tpu.memory_space<hbm>>, %arg7: memref<2x10240xf32, #tpu.memory_space<hbm>>, %arg8: memref<128xi32, #tpu.memory_space<vmem>>, %arg9: memref<128xi32, #tpu.memory_space<vmem>>, %arg10: memref<128xi32, #tpu.memory_space<vmem>>, %arg11: memref<128x64xbf16, #tpu.memory_space<vmem>>, %arg12: memref<128x64xbf16, #tpu.memory_space<vmem>>, %arg13: memref<128x64xf32, #tpu.memory_space<vmem>>, %arg14: memref<128xi32, #tpu.memory_space<vmem>>, %arg15: memref<128xi32, #tpu.memory_space<vmem>>, %arg16: memref<128xi32, #tpu.memory_space<vmem>>, %arg17: memref<128x64xbf16, #tpu.memory_space<vmem>>, %arg18: memref<128x64xbf16, #tpu.memory_space<vmem>>, %arg19: memref<128x64xf32, #tpu.memory_space<vmem>>, %arg20: memref<128xf32, #tpu.memory_space<vmem>>, %arg21: memref<640xf32, #tpu.memory_space<vmem>>, %arg22: memref<10240x64xf32, #tpu.memory_space<vmem_shared>>, %arg23: memref<10240xf32, #tpu.memory_space<vmem_shared>>, %arg24: memref<!tpu.dma_semaphore, #tpu.memory_space<semaphore_mem>>, %arg25: memref<!tpu.dma_semaphore, #tpu.memory_space<semaphore_mem>>, %arg26: memref<!tpu.dma_semaphore, #tpu.memory_space<semaphore_mem>>, %arg27: memref<!tpu.dma_semaphore, #tpu.memory_space<semaphore_mem>>, %arg28: memref<!tpu.dma_semaphore, #tpu.memory_space<semaphore_mem>>, %arg29: memref<!tpu.dma_semaphore, #tpu.memory_space<semaphore_mem>>) attributes {dimension_semantics = [#tpu.dimension_semantics<core_parallel>, #tpu.dimension_semantics<subcore_parallel>], iteration_bounds = array<i64: 2, 16>, scalar_prefetch = 0 : i64, scratch_operands = 22 : i64, tpu.core_type = #tpu.core_type<sc_vector_subcore>, window_params = [{transform_indices = #map}, {transform_indices = #map}, {transform_indices = #map1}, {transform_indices = #map1}, {transform_indices = #map2}, {transform_indices = #map}]} {
    %broadcast_in_dim3A = arith.constant 0.000000e+00 : f32
    %broadcast_in_dim3A_0 = vector.broadcast %broadcast_in_dim3A : f32 to vector<16xf32>
    %scan3A = arith.constant 0 : i32
    %scan3A_1 = arith.constant 0 : i32
    %scan3A_2 = arith.constant 128 : i32
    %scan3A_3 = arith.addi %scan3A_1, %scan3A_2 : i32
    %scan3A_4 = arith.constant 1 : i32
    %scan3A_5 = scf.for %scan3A_191 = %scan3A_1 to %scan3A_3 step %scan3A_4 iter_args(%scan3A_192 = %scan3A) -> (i32)  : i32 {
      %swap3A_193 = arith.index_cast %scan3A_191 : i32 to index
      %swap3A_194 = arith.constant 0 : index
      %swap3A_195 = tpu.vector_load %arg13[%swap3A_193, %swap3A_194] {strides = array<i32>} : memref<128x64xf32, #tpu.memory_space<vmem>>, vector<16xf32>,
      tpu.vector_store %arg13[%swap3A_193, %swap3A_194], %broadcast_in_dim3A_0 {strides = array<i32>} : memref<128x64xf32, #tpu.memory_space<vmem>>, vector<16xf32>,
      %swap3A_196 = arith.index_cast %scan3A_191 : i32 to index
      %swap3A_197 = arith.constant 16 : index
      %swap3A_198 = tpu.vector_load %arg13[%swap3A_196, %swap3A_197] {strides = array<i32>} : memref<128x64xf32, #tpu.memory_space<vmem>>, vector<16xf32>,
      tpu.vector_store %arg13[%swap3A_196, %swap3A_197], %broadcast_in_dim3A_0 {strides = array<i32>} : memref<128x64xf32, #tpu.memory_space<vmem>>, vector<16xf32>,
      %swap3A_199 = arith.index_cast %scan3A_191 : i32 to index
      %swap3A_200 = arith.constant 32 : index
      %swap3A_201 = tpu.vector_load %arg13[%swap3A_199, %swap3A_200] {strides = array<i32>} : memref<128x64xf32, #tpu.memory_space<vmem>>, vector<16xf32>,
      tpu.vector_store %arg13[%swap3A_199, %swap3A_200], %broadcast_in_dim3A_0 {strides = array<i32>} : memref<128x64xf32, #tpu.memory_space<vmem>>, vector<16xf32>,
      %swap3A_202 = arith.index_cast %scan3A_191 : i32 to index
      %swap3A_203 = arith.constant 48 : index
      %swap3A_204 = tpu.vector_load %arg13[%swap3A_202, %swap3A_203] {strides = array<i32>} : memref<128x64xf32, #tpu.memory_space<vmem>>, vector<16xf32>,
      tpu.vector_store %arg13[%swap3A_202, %swap3A_203], %broadcast_in_dim3A_0 {strides = array<i32>} : memref<128x64xf32, #tpu.memory_space<vmem>>, vector<16xf32>,
      %scan3A_205 = arith.constant 0 : i32
      scf.yield %scan3A_205 : i32
    }
    %scan3A_6 = arith.constant 128 : i32
    %scan3A_7 = arith.constant 0 : i32
    %scan3A_8 = arith.constant 0 : i32
    %scan3A_9 = arith.constant 40 : i32
    %scan3A_10 = arith.addi %scan3A_8, %scan3A_9 : i32
    %scan3A_11 = arith.constant 1 : i32
    %scan3A_12 = scf.for %scan3A_191 = %scan3A_8 to %scan3A_10 step %scan3A_11 iter_args(%scan3A_192 = %scan3A_7) -> (i32)  : i32 {
      %mul3A_193 = arith.constant 16 : i32
      %mul3A_194 = arith.muli %scan3A_191, %mul3A_193 : i32
      %swap3A_195 = arith.index_cast %mul3A_194 : i32 to index
      %swap3A_196 = tpu.vector_load %arg21[%swap3A_195] {strides = array<i32>} : memref<640xf32, #tpu.memory_space<vmem>>, vector<16xf32>,
      tpu.vector_store %arg21[%swap3A_195], %broadcast_in_dim3A_0 {strides = array<i32>} : memref<640xf32, #tpu.memory_space<vmem>>, vector<16xf32>,
      %scan3A_197 = arith.constant 0 : i32
      scf.yield %scan3A_197 : i32
    }
    %scan3A_13 = arith.constant 40 : i32
    %add3A = arith.constant 1.000000e+00 : f32
    %add3A_14 = vector.broadcast %add3A : f32 to vector<16xf32>
    %add3A_15 = arith.addf %broadcast_in_dim3A_0, %add3A_14 : vector<16xf32>
    %swap3A = arith.constant 0 : index
    %swap3A_16 = tpu.vector_load %arg20[%swap3A] {strides = array<i32>} : memref<128xf32, #tpu.memory_space<vmem>>, vector<16xf32>,
    tpu.vector_store %arg20[%swap3A], %add3A_15 {strides = array<i32>} : memref<128xf32, #tpu.memory_space<vmem>>, vector<16xf32>,
    %add3A_17 = arith.constant 1.000000e+00 : f32
    %add3A_18 = vector.broadcast %add3A_17 : f32 to vector<16xf32>
    %add3A_19 = arith.addf %broadcast_in_dim3A_0, %add3A_18 : vector<16xf32>
    %swap3A_20 = arith.constant 16 : index
    %swap3A_21 = tpu.vector_load %arg20[%swap3A_20] {strides = array<i32>} : memref<128xf32, #tpu.memory_space<vmem>>, vector<16xf32>,
    tpu.vector_store %arg20[%swap3A_20], %add3A_19 {strides = array<i32>} : memref<128xf32, #tpu.memory_space<vmem>>, vector<16xf32>,
    %add3A_22 = arith.constant 1.000000e+00 : f32
    %add3A_23 = vector.broadcast %add3A_22 : f32 to vector<16xf32>
    %add3A_24 = arith.addf %broadcast_in_dim3A_0, %add3A_23 : vector<16xf32>
    %swap3A_25 = arith.constant 32 : index
    %swap3A_26 = tpu.vector_load %arg20[%swap3A_25] {strides = array<i32>} : memref<128xf32, #tpu.memory_space<vmem>>, vector<16xf32>,
    tpu.vector_store %arg20[%swap3A_25], %add3A_24 {strides = array<i32>} : memref<128xf32, #tpu.memory_space<vmem>>, vector<16xf32>,
    %add3A_27 = arith.constant 1.000000e+00 : f32
    %add3A_28 = vector.broadcast %add3A_27 : f32 to vector<16xf32>
    %add3A_29 = arith.addf %broadcast_in_dim3A_0, %add3A_28 : vector<16xf32>
    %swap3A_30 = arith.constant 48 : index
    %swap3A_31 = tpu.vector_load %arg20[%swap3A_30] {strides = array<i32>} : memref<128xf32, #tpu.memory_space<vmem>>, vector<16xf32>,
    tpu.vector_store %arg20[%swap3A_30], %add3A_29 {strides = array<i32>} : memref<128xf32, #tpu.memory_space<vmem>>, vector<16xf32>,
    %add3A_32 = arith.constant 1.000000e+00 : f32
    %add3A_33 = vector.broadcast %add3A_32 : f32 to vector<16xf32>
    %add3A_34 = arith.addf %broadcast_in_dim3A_0, %add3A_33 : vector<16xf32>
    %swap3A_35 = arith.constant 64 : index
    %swap3A_36 = tpu.vector_load %arg20[%swap3A_35] {strides = array<i32>} : memref<128xf32, #tpu.memory_space<vmem>>, vector<16xf32>,
    tpu.vector_store %arg20[%swap3A_35], %add3A_34 {strides = array<i32>} : memref<128xf32, #tpu.memory_space<vmem>>, vector<16xf32>,
    %add3A_37 = arith.constant 1.000000e+00 : f32
    %add3A_38 = vector.broadcast %add3A_37 : f32 to vector<16xf32>
    %add3A_39 = arith.addf %broadcast_in_dim3A_0, %add3A_38 : vector<16xf32>
    %swap3A_40 = arith.constant 80 : index
    %swap3A_41 = tpu.vector_load %arg20[%swap3A_40] {strides = array<i32>} : memref<128xf32, #tpu.memory_space<vmem>>, vector<16xf32>,
    tpu.vector_store %arg20[%swap3A_40], %add3A_39 {strides = array<i32>} : memref<128xf32, #tpu.memory_space<vmem>>, vector<16xf32>,
    %add3A_42 = arith.constant 1.000000e+00 : f32
    %add3A_43 = vector.broadcast %add3A_42 : f32 to vector<16xf32>
    %add3A_44 = arith.addf %broadcast_in_dim3A_0, %add3A_43 : vector<16xf32>
    %swap3A_45 = arith.constant 96 : index
    %swap3A_46 = tpu.vector_load %arg20[%swap3A_45] {strides = array<i32>} : memref<128xf32, #tpu.memory_space<vmem>>, vector<16xf32>,
    tpu.vector_store %arg20[%swap3A_45], %add3A_44 {strides = array<i32>} : memref<128xf32, #tpu.memory_space<vmem>>, vector<16xf32>,
    %add3A_47 = arith.constant 1.000000e+00 : f32
    %add3A_48 = vector.broadcast %add3A_47 : f32 to vector<16xf32>
    %add3A_49 = arith.addf %broadcast_in_dim3A_0, %add3A_48 : vector<16xf32>
    %swap3A_50 = arith.constant 112 : index
    %swap3A_51 = tpu.vector_load %arg20[%swap3A_50] {strides = array<i32>} : memref<128xf32, #tpu.memory_space<vmem>>, vector<16xf32>,
    tpu.vector_store %arg20[%swap3A_50], %add3A_49 {strides = array<i32>} : memref<128xf32, #tpu.memory_space<vmem>>, vector<16xf32>,
    %mul3A = arith.constant 640 : i32
    %mul3A_52 = arith.muli %arg1, %mul3A : i32
    %add3A_53 = arith.constant 0 : i32
    %add3A_54 = arith.addi %mul3A_52, %add3A_53 : i32
    "tpu.region"() ({
      %run_scoped3A = tpu.sem_alloc : memref<!tpu.dma_semaphore, #tpu.memory_space<semaphore_mem>>
      %dma_start3A_191 = arith.constant 0 : i32
      %dma_start3A_192 = tpu.memref_slice %arg22[%add3A_54, %dma_start3A_191] : memref<10240x64xf32, #tpu.memory_space<vmem_shared>> -> memref<128x64xf32, #tpu.memory_space<vmem_shared>>
      %dma_start3A_193 = arith.constant 0 : i32
      %dma_start3A_194 = tpu.memref_slice %arg22[%add3A_54, %dma_start3A_193] : memref<10240x64xf32, #tpu.memory_space<vmem_shared>> -> memref<128x64xf32, #tpu.memory_space<vmem_shared>>
      tpu.enqueue_dma source(%arg13 : memref<128x64xf32, #tpu.memory_space<vmem>>) target(%dma_start3A_194 : memref<128x64xf32, #tpu.memory_space<vmem_shared>>) target_semaphore(%run_scoped3A : memref<!tpu.dma_semaphore, #tpu.memory_space<semaphore_mem>>)
      %dma_wait3A_195 = arith.constant 0 : i32
      %dma_wait3A_196 = tpu.memref_slice %arg22[%add3A_54, %dma_wait3A_195] : memref<10240x64xf32, #tpu.memory_space<vmem_shared>> -> memref<128x64xf32, #tpu.memory_space<vmem_shared>>
      %dma_wait3A_197 = arith.constant 0 : i32
      %dma_wait3A_198 = tpu.memref_slice %arg22[%add3A_54, %dma_wait3A_197] : memref<10240x64xf32, #tpu.memory_space<vmem_shared>> -> memref<128x64xf32, #tpu.memory_space<vmem_shared>>
      tpu.wait_dma2 semaphore(%run_scoped3A : memref<!tpu.dma_semaphore, #tpu.memory_space<semaphore_mem>>) src(%arg13 : memref<128x64xf32, #tpu.memory_space<vmem>>) dst(%dma_wait3A_198 : memref<128x64xf32, #tpu.memory_space<vmem_shared>>)
      tpu.yield
    }) : () -> ()
    %mul3A_55 = arith.constant 640 : i32
    %mul3A_56 = arith.muli %arg1, %mul3A_55 : i32
    %add3A_57 = arith.constant 128 : i32
    %add3A_58 = arith.addi %mul3A_56, %add3A_57 : i32
    "tpu.region"() ({
      %run_scoped3A = tpu.sem_alloc : memref<!tpu.dma_semaphore, #tpu.memory_space<semaphore_mem>>
      %dma_start3A_191 = arith.constant 0 : i32
      %dma_start3A_192 = tpu.memref_slice %arg22[%add3A_58, %dma_start3A_191] : memref<10240x64xf32, #tpu.memory_space<vmem_shared>> -> memref<128x64xf32, #tpu.memory_space<vmem_shared>>
      %dma_start3A_193 = arith.constant 0 : i32
      %dma_start3A_194 = tpu.memref_slice %arg22[%add3A_58, %dma_start3A_193] : memref<10240x64xf32, #tpu.memory_space<vmem_shared>> -> memref<128x64xf32, #tpu.memory_space<vmem_shared>>
      tpu.enqueue_dma source(%arg13 : memref<128x64xf32, #tpu.memory_space<vmem>>) target(%dma_start3A_194 : memref<128x64xf32, #tpu.memory_space<vmem_shared>>) target_semaphore(%run_scoped3A : memref<!tpu.dma_semaphore, #tpu.memory_space<semaphore_mem>>)
      %dma_wait3A_195 = arith.constant 0 : i32
      %dma_wait3A_196 = tpu.memref_slice %arg22[%add3A_58, %dma_wait3A_195] : memref<10240x64xf32, #tpu.memory_space<vmem_shared>> -> memref<128x64xf32, #tpu.memory_space<vmem_shared>>
      %dma_wait3A_197 = arith.constant 0 : i32
      %dma_wait3A_198 = tpu.memref_slice %arg22[%add3A_58, %dma_wait3A_197] : memref<10240x64xf32, #tpu.memory_space<vmem_shared>> -> memref<128x64xf32, #tpu.memory_space<vmem_shared>>
      tpu.wait_dma2 semaphore(%run_scoped3A : memref<!tpu.dma_semaphore, #tpu.memory_space<semaphore_mem>>) src(%arg13 : memref<128x64xf32, #tpu.memory_space<vmem>>) dst(%dma_wait3A_198 : memref<128x64xf32, #tpu.memory_space<vmem_shared>>)
      tpu.yield
    }) : () -> ()
    %mul3A_59 = arith.constant 640 : i32
    %mul3A_60 = arith.muli %arg1, %mul3A_59 : i32
    %add3A_61 = arith.constant 256 : i32
    %add3A_62 = arith.addi %mul3A_60, %add3A_61 : i32
    "tpu.region"() ({
      %run_scoped3A = tpu.sem_alloc : memref<!tpu.dma_semaphore, #tpu.memory_space<semaphore_mem>>
      %dma_start3A_191 = arith.constant 0 : i32
      %dma_start3A_192 = tpu.memref_slice %arg22[%add3A_62, %dma_start3A_191] : memref<10240x64xf32, #tpu.memory_space<vmem_shared>> -> memref<128x64xf32, #tpu.memory_space<vmem_shared>>
      %dma_start3A_193 = arith.constant 0 : i32
      %dma_start3A_194 = tpu.memref_slice %arg22[%add3A_62, %dma_start3A_193] : memref<10240x64xf32, #tpu.memory_space<vmem_shared>> -> memref<128x64xf32, #tpu.memory_space<vmem_shared>>
      tpu.enqueue_dma source(%arg13 : memref<128x64xf32, #tpu.memory_space<vmem>>) target(%dma_start3A_194 : memref<128x64xf32, #tpu.memory_space<vmem_shared>>) target_semaphore(%run_scoped3A : memref<!tpu.dma_semaphore, #tpu.memory_space<semaphore_mem>>)
      %dma_wait3A_195 = arith.constant 0 : i32
      %dma_wait3A_196 = tpu.memref_slice %arg22[%add3A_62, %dma_wait3A_195] : memref<10240x64xf32, #tpu.memory_space<vmem_shared>> -> memref<128x64xf32, #tpu.memory_space<vmem_shared>>
      %dma_wait3A_197 = arith.constant 0 : i32
      %dma_wait3A_198 = tpu.memref_slice %arg22[%add3A_62, %dma_wait3A_197] : memref<10240x64xf32, #tpu.memory_space<vmem_shared>> -> memref<128x64xf32, #tpu.memory_space<vmem_shared>>
      tpu.wait_dma2 semaphore(%run_scoped3A : memref<!tpu.dma_semaphore, #tpu.memory_space<semaphore_mem>>) src(%arg13 : memref<128x64xf32, #tpu.memory_space<vmem>>) dst(%dma_wait3A_198 : memref<128x64xf32, #tpu.memory_space<vmem_shared>>)
      tpu.yield
    }) : () -> ()
    %mul3A_63 = arith.constant 640 : i32
    %mul3A_64 = arith.muli %arg1, %mul3A_63 : i32
    %add3A_65 = arith.constant 384 : i32
    %add3A_66 = arith.addi %mul3A_64, %add3A_65 : i32
    "tpu.region"() ({
      %run_scoped3A = tpu.sem_alloc : memref<!tpu.dma_semaphore, #tpu.memory_space<semaphore_mem>>
      %dma_start3A_191 = arith.constant 0 : i32
      %dma_start3A_192 = tpu.memref_slice %arg22[%add3A_66, %dma_start3A_191] : memref<10240x64xf32, #tpu.memory_space<vmem_shared>> -> memref<128x64xf32, #tpu.memory_space<vmem_shared>>
      %dma_start3A_193 = arith.constant 0 : i32
      %dma_start3A_194 = tpu.memref_slice %arg22[%add3A_66, %dma_start3A_193] : memref<10240x64xf32, #tpu.memory_space<vmem_shared>> -> memref<128x64xf32, #tpu.memory_space<vmem_shared>>
      tpu.enqueue_dma source(%arg13 : memref<128x64xf32, #tpu.memory_space<vmem>>) target(%dma_start3A_194 : memref<128x64xf32, #tpu.memory_space<vmem_shared>>) target_semaphore(%run_scoped3A : memref<!tpu.dma_semaphore, #tpu.memory_space<semaphore_mem>>)
      %dma_wait3A_195 = arith.constant 0 : i32
      %dma_wait3A_196 = tpu.memref_slice %arg22[%add3A_66, %dma_wait3A_195] : memref<10240x64xf32, #tpu.memory_space<vmem_shared>> -> memref<128x64xf32, #tpu.memory_space<vmem_shared>>
      %dma_wait3A_197 = arith.constant 0 : i32
      %dma_wait3A_198 = tpu.memref_slice %arg22[%add3A_66, %dma_wait3A_197] : memref<10240x64xf32, #tpu.memory_space<vmem_shared>> -> memref<128x64xf32, #tpu.memory_space<vmem_shared>>
      tpu.wait_dma2 semaphore(%run_scoped3A : memref<!tpu.dma_semaphore, #tpu.memory_space<semaphore_mem>>) src(%arg13 : memref<128x64xf32, #tpu.memory_space<vmem>>) dst(%dma_wait3A_198 : memref<128x64xf32, #tpu.memory_space<vmem_shared>>)
      tpu.yield
    }) : () -> ()
    %mul3A_67 = arith.constant 640 : i32
    %mul3A_68 = arith.muli %arg1, %mul3A_67 : i32
    %add3A_69 = arith.constant 512 : i32
    %add3A_70 = arith.addi %mul3A_68, %add3A_69 : i32
    "tpu.region"() ({
      %run_scoped3A = tpu.sem_alloc : memref<!tpu.dma_semaphore, #tpu.memory_space<semaphore_mem>>
      %dma_start3A_191 = arith.constant 0 : i32
      %dma_start3A_192 = tpu.memref_slice %arg22[%add3A_70, %dma_start3A_191] : memref<10240x64xf32, #tpu.memory_space<vmem_shared>> -> memref<128x64xf32, #tpu.memory_space<vmem_shared>>
      %dma_start3A_193 = arith.constant 0 : i32
      %dma_start3A_194 = tpu.memref_slice %arg22[%add3A_70, %dma_start3A_193] : memref<10240x64xf32, #tpu.memory_space<vmem_shared>> -> memref<128x64xf32, #tpu.memory_space<vmem_shared>>
      tpu.enqueue_dma source(%arg13 : memref<128x64xf32, #tpu.memory_space<vmem>>) target(%dma_start3A_194 : memref<128x64xf32, #tpu.memory_space<vmem_shared>>) target_semaphore(%run_scoped3A : memref<!tpu.dma_semaphore, #tpu.memory_space<semaphore_mem>>)
      %dma_wait3A_195 = arith.constant 0 : i32
      %dma_wait3A_196 = tpu.memref_slice %arg22[%add3A_70, %dma_wait3A_195] : memref<10240x64xf32, #tpu.memory_space<vmem_shared>> -> memref<128x64xf32, #tpu.memory_space<vmem_shared>>
      %dma_wait3A_197 = arith.constant 0 : i32
      %dma_wait3A_198 = tpu.memref_slice %arg22[%add3A_70, %dma_wait3A_197] : memref<10240x64xf32, #tpu.memory_space<vmem_shared>> -> memref<128x64xf32, #tpu.memory_space<vmem_shared>>
      tpu.wait_dma2 semaphore(%run_scoped3A : memref<!tpu.dma_semaphore, #tpu.memory_space<semaphore_mem>>) src(%arg13 : memref<128x64xf32, #tpu.memory_space<vmem>>) dst(%dma_wait3A_198 : memref<128x64xf32, #tpu.memory_space<vmem_shared>>)
      tpu.yield
    }) : () -> ()
    %mul3A_71 = arith.constant 640 : i32
    %mul3A_72 = arith.muli %arg1, %mul3A_71 : i32
    "tpu.region"() ({
      %run_scoped3A = tpu.sem_alloc : memref<!tpu.dma_semaphore, #tpu.memory_space<semaphore_mem>>
      %dma_start3A_191 = tpu.memref_slice %arg23[%mul3A_72] : memref<10240xf32, #tpu.memory_space<vmem_shared>> -> memref<640xf32, #tpu.memory_space<vmem_shared>>
      %dma_start3A_192 = tpu.memref_slice %arg23[%mul3A_72] : memref<10240xf32, #tpu.memory_space<vmem_shared>> -> memref<640xf32, #tpu.memory_space<vmem_shared>>
      tpu.enqueue_dma source(%arg21 : memref<640xf32, #tpu.memory_space<vmem>>) target(%dma_start3A_192 : memref<640xf32, #tpu.memory_space<vmem_shared>>) target_semaphore(%run_scoped3A : memref<!tpu.dma_semaphore, #tpu.memory_space<semaphore_mem>>)
      %dma_wait3A_193 = tpu.memref_slice %arg23[%mul3A_72] : memref<10240xf32, #tpu.memory_space<vmem_shared>> -> memref<640xf32, #tpu.memory_space<vmem_shared>>
      %dma_wait3A_194 = tpu.memref_slice %arg23[%mul3A_72] : memref<10240xf32, #tpu.memory_space<vmem_shared>> -> memref<640xf32, #tpu.memory_space<vmem_shared>>
      tpu.wait_dma2 semaphore(%run_scoped3A : memref<!tpu.dma_semaphore, #tpu.memory_space<semaphore_mem>>) src(%arg21 : memref<640xf32, #tpu.memory_space<vmem>>) dst(%dma_wait3A_194 : memref<640xf32, #tpu.memory_space<vmem_shared>>)
      tpu.yield
    }) : () -> ()
    %barrier3A = arith.constant 0 : index
    tpu.barrier barrier_id(%barrier3A)
    %eq3A = arith.constant 0 : i32
    %eq3A_73 = arith.cmpi eq, %arg0, %eq3A : i32
    %select_n3A = arith.constant 58 : i32
    %select_n3A_74 = arith.constant 102 : i32
    %select_n3A_75 = arith.select %eq3A_73, %select_n3A_74, %select_n3A : i32
    %mul3A_76 = arith.constant 208896 : i32
    %mul3A_77 = arith.muli %arg0, %mul3A_76 : i32
    %mul3A_78 = arith.muli %arg1, %select_n3A_75 : i32
    %mul3A_79 = arith.constant 128 : i32
    %mul3A_80 = arith.muli %mul3A_78, %mul3A_79 : i32
    %add3A_81 = arith.addi %mul3A_77, %mul3A_80 : i32
    %add3A_82 = arith.constant 0 : i32
    %add3A_83 = arith.addi %add3A_81, %add3A_82 : i32
    "tpu.region"() ({
      %run_scoped3A = tpu.sem_alloc : memref<!tpu.dma_semaphore, #tpu.memory_space<semaphore_mem>>
      %dma_start3A_191 = tpu.memref_slice %arg4[%add3A_83] : memref<327680xi32, #tpu.memory_space<hbm>> -> memref<128xi32, #tpu.memory_space<hbm>>
      %dma_start3A_192 = tpu.memref_slice %arg4[%add3A_83] : memref<327680xi32, #tpu.memory_space<hbm>> -> memref<128xi32, #tpu.memory_space<hbm>>
      tpu.enqueue_dma source(%dma_start3A_192 : memref<128xi32, #tpu.memory_space<hbm>>) target(%arg8 : memref<128xi32, #tpu.memory_space<vmem>>) target_semaphore(%run_scoped3A : memref<!tpu.dma_semaphore, #tpu.memory_space<semaphore_mem>>)
      %dma_wait3A_193 = tpu.memref_slice %arg4[%add3A_83] : memref<327680xi32, #tpu.memory_space<hbm>> -> memref<128xi32, #tpu.memory_space<hbm>>
      %dma_wait3A_194 = tpu.memref_slice %arg4[%add3A_83] : memref<327680xi32, #tpu.memory_space<hbm>> -> memref<128xi32, #tpu.memory_space<hbm>>
      tpu.wait_dma2 semaphore(%run_scoped3A : memref<!tpu.dma_semaphore, #tpu.memory_space<semaphore_mem>>) src(%dma_wait3A_194 : memref<128xi32, #tpu.memory_space<hbm>>) dst(%arg8 : memref<128xi32, #tpu.memory_space<vmem>>)
      tpu.yield
    }) : () -> ()
    "tpu.region"() ({
      %run_scoped3A = tpu.sem_alloc : memref<!tpu.dma_semaphore, #tpu.memory_space<semaphore_mem>>
      %dma_start3A_191 = tpu.memref_slice %arg5[%add3A_83] : memref<327680xi32, #tpu.memory_space<hbm>> -> memref<128xi32, #tpu.memory_space<hbm>>
      %dma_start3A_192 = tpu.memref_slice %arg5[%add3A_83] : memref<327680xi32, #tpu.memory_space<hbm>> -> memref<128xi32, #tpu.memory_space<hbm>>
      tpu.enqueue_dma source(%dma_start3A_192 : memref<128xi32, #tpu.memory_space<hbm>>) target(%arg9 : memref<128xi32, #tpu.memory_space<vmem>>) target_semaphore(%run_scoped3A : memref<!tpu.dma_semaphore, #tpu.memory_space<semaphore_mem>>)
      %dma_wait3A_193 = tpu.memref_slice %arg5[%add3A_83] : memref<327680xi32, #tpu.memory_space<hbm>> -> memref<128xi32, #tpu.memory_space<hbm>>
      %dma_wait3A_194 = tpu.memref_slice %arg5[%add3A_83] : memref<327680xi32, #tpu.memory_space<hbm>> -> memref<128xi32, #tpu.memory_space<hbm>>
      tpu.wait_dma2 semaphore(%run_scoped3A : memref<!tpu.dma_semaphore, #tpu.memory_space<semaphore_mem>>) src(%dma_wait3A_194 : memref<128xi32, #tpu.memory_space<hbm>>) dst(%arg9 : memref<128xi32, #tpu.memory_space<vmem>>)
      tpu.yield
    }) : () -> ()
    %dma_start3A = arith.constant 0 : i32
    %dma_start3A_84 = arith.constant 0 : i32
    %dma_start3A_85 = tpu.memref_slice %arg2[%dma_start3A, %dma_start3A_84] : memref<10000x64xbf16, #tpu.memory_space<hbm>> -> memref<10000x64xbf16, #tpu.memory_space<hbm>>
    tpu.enqueue_indirect_dma source(%dma_start3A_85 : memref<10000x64xbf16, #tpu.memory_space<hbm>>) target(%arg11 : memref<128x64xbf16, #tpu.memory_space<vmem>>) offsets(%arg8 : memref<128xi32, #tpu.memory_space<vmem>>) semaphore(%arg24 : memref<!tpu.dma_semaphore, #tpu.memory_space<semaphore_mem>>)
    %dma_start3A_86 = arith.constant 0 : i32
    %dma_start3A_87 = arith.constant 0 : i32
    %dma_start3A_88 = tpu.memref_slice %arg3[%dma_start3A_86, %dma_start3A_87] : memref<10016x64xbf16, #tpu.memory_space<hbm>> -> memref<10016x64xbf16, #tpu.memory_space<hbm>>
    tpu.enqueue_indirect_dma source(%dma_start3A_88 : memref<10016x64xbf16, #tpu.memory_space<hbm>>) target(%arg12 : memref<128x64xbf16, #tpu.memory_space<vmem>>) offsets(%arg9 : memref<128xi32, #tpu.memory_space<vmem>>) semaphore(%arg24 : memref<!tpu.dma_semaphore, #tpu.memory_space<semaphore_mem>>)
    %add3A_89 = arith.constant 128 : i32
    %add3A_90 = arith.addi %add3A_81, %add3A_89 : i32
    "tpu.region"() ({
      %run_scoped3A = tpu.sem_alloc : memref<!tpu.dma_semaphore, #tpu.memory_space<semaphore_mem>>
      %dma_start3A_191 = tpu.memref_slice %arg4[%add3A_90] : memref<327680xi32, #tpu.memory_space<hbm>> -> memref<128xi32, #tpu.memory_space<hbm>>
      %dma_start3A_192 = tpu.memref_slice %arg4[%add3A_90] : memref<327680xi32, #tpu.memory_space<hbm>> -> memref<128xi32, #tpu.memory_space<hbm>>
      tpu.enqueue_dma source(%dma_start3A_192 : memref<128xi32, #tpu.memory_space<hbm>>) target(%arg14 : memref<128xi32, #tpu.memory_space<vmem>>) target_semaphore(%run_scoped3A : memref<!tpu.dma_semaphore, #tpu.memory_space<semaphore_mem>>)
      %dma_wait3A_193 = tpu.memref_slice %arg4[%add3A_90] : memref<327680xi32, #tpu.memory_space<hbm>> -> memref<128xi32, #tpu.memory_space<hbm>>
      %dma_wait3A_194 = tpu.memref_slice %arg4[%add3A_90] : memref<327680xi32, #tpu.memory_space<hbm>> -> memref<128xi32, #tpu.memory_space<hbm>>
      tpu.wait_dma2 semaphore(%run_scoped3A : memref<!tpu.dma_semaphore, #tpu.memory_space<semaphore_mem>>) src(%dma_wait3A_194 : memref<128xi32, #tpu.memory_space<hbm>>) dst(%arg14 : memref<128xi32, #tpu.memory_space<vmem>>)
      tpu.yield
    }) : () -> ()
    "tpu.region"() ({
      %run_scoped3A = tpu.sem_alloc : memref<!tpu.dma_semaphore, #tpu.memory_space<semaphore_mem>>
      %dma_start3A_191 = tpu.memref_slice %arg5[%add3A_90] : memref<327680xi32, #tpu.memory_space<hbm>> -> memref<128xi32, #tpu.memory_space<hbm>>
      %dma_start3A_192 = tpu.memref_slice %arg5[%add3A_90] : memref<327680xi32, #tpu.memory_space<hbm>> -> memref<128xi32, #tpu.memory_space<hbm>>
      tpu.enqueue_dma source(%dma_start3A_192 : memref<128xi32, #tpu.memory_space<hbm>>) target(%arg15 : memref<128xi32, #tpu.memory_space<vmem>>) target_semaphore(%run_scoped3A : memref<!tpu.dma_semaphore, #tpu.memory_space<semaphore_mem>>)
      %dma_wait3A_193 = tpu.memref_slice %arg5[%add3A_90] : memref<327680xi32, #tpu.memory_space<hbm>> -> memref<128xi32, #tpu.memory_space<hbm>>
      %dma_wait3A_194 = tpu.memref_slice %arg5[%add3A_90] : memref<327680xi32, #tpu.memory_space<hbm>> -> memref<128xi32, #tpu.memory_space<hbm>>
      tpu.wait_dma2 semaphore(%run_scoped3A : memref<!tpu.dma_semaphore, #tpu.memory_space<semaphore_mem>>) src(%dma_wait3A_194 : memref<128xi32, #tpu.memory_space<hbm>>) dst(%arg15 : memref<128xi32, #tpu.memory_space<vmem>>)
      tpu.yield
    }) : () -> ()
    %dma_start3A_91 = arith.constant 0 : i32
    %dma_start3A_92 = arith.constant 0 : i32
    %dma_start3A_93 = tpu.memref_slice %arg2[%dma_start3A_91, %dma_start3A_92] : memref<10000x64xbf16, #tpu.memory_space<hbm>> -> memref<10000x64xbf16, #tpu.memory_space<hbm>>
    tpu.enqueue_indirect_dma source(%dma_start3A_93 : memref<10000x64xbf16, #tpu.memory_space<hbm>>) target(%arg17 : memref<128x64xbf16, #tpu.memory_space<vmem>>) offsets(%arg14 : memref<128xi32, #tpu.memory_space<vmem>>) semaphore(%arg25 : memref<!tpu.dma_semaphore, #tpu.memory_space<semaphore_mem>>)
    %dma_start3A_94 = arith.constant 0 : i32
    %dma_start3A_95 = arith.constant 0 : i32
    %dma_start3A_96 = tpu.memref_slice %arg3[%dma_start3A_94, %dma_start3A_95] : memref<10016x64xbf16, #tpu.memory_space<hbm>> -> memref<10016x64xbf16, #tpu.memory_space<hbm>>
    tpu.enqueue_indirect_dma source(%dma_start3A_96 : memref<10016x64xbf16, #tpu.memory_space<hbm>>) target(%arg18 : memref<128x64xbf16, #tpu.memory_space<vmem>>) offsets(%arg15 : memref<128xi32, #tpu.memory_space<vmem>>) semaphore(%arg25 : memref<!tpu.dma_semaphore, #tpu.memory_space<semaphore_mem>>)
    %jit3A = arith.constant 2 : i32
    %div3A = arith.divsi %select_n3A_75, %jit3A : i32
    %sign3A = arith.constant 0 : i32
    %sign3A_97 = arith.cmpi sgt, %select_n3A_75, %sign3A : i32
    %sign3A_98 = arith.extui %sign3A_97 : i1 to i32
    %sign3A_99 = arith.constant 0 : i32
    %sign3A_100 = arith.cmpi slt, %select_n3A_75, %sign3A_99 : i32
    %sign3A_101 = arith.extui %sign3A_100 : i1 to i32
    %sign3A_102 = arith.subi %sign3A_98, %sign3A_101 : i32
    %sign3A_103 = arith.constant 0 : i32
    %sign3A_104 = arith.cmpi sgt, %jit3A, %sign3A_103 : i32
    %sign3A_105 = arith.extui %sign3A_104 : i1 to i32
    %sign3A_106 = arith.constant 0 : i32
    %sign3A_107 = arith.cmpi slt, %jit3A, %sign3A_106 : i32
    %sign3A_108 = arith.extui %sign3A_107 : i1 to i32
    %sign3A_109 = arith.subi %sign3A_105, %sign3A_108 : i32
    %ne3A = arith.cmpi ne, %sign3A_102, %sign3A_109 : i32
    %rem3A = arith.remsi %select_n3A_75, %jit3A : i32
    %ne3A_110 = arith.constant 0 : i32
    %ne3A_111 = arith.cmpi ne, %rem3A, %ne3A_110 : i32
    %and3A = arith.andi %ne3A, %ne3A_111 : i1
    %sub3A = arith.constant 1 : i32
    %sub3A_112 = arith.subi %div3A, %sub3A : i32
    %select_n3A_113 = arith.select %and3A, %sub3A_112, %div3A : i32
    %while3A = arith.constant 0 : i32
    %while3A_114 = arith.constant 0 : i32
    %while3A_115 = arith.subi %select_n3A_113, %while3A : i32
    %while3A_116 = arith.addi %while3A, %while3A_115 : i32
    %while3A_117 = arith.constant 1 : i32
    %while3A_118 = arith.divsi %while3A_115, %while3A_117 : i32
    %while3A_119 = arith.muli %while3A_118, %while3A_117 : i32
    %while3A_120 = arith.addi %while3A, %while3A_119 : i32
    %while3A_121 = arith.constant 1 : i32
    %while3A_122 = scf.for %while3A_191 = %while3A to %while3A_120 step %while3A_121 iter_args(%while3A_192 = %while3A_114) -> (i32)  : i32 {
      %mul3A_193 = arith.constant 2 : i32
      %mul3A_194 = arith.muli %mul3A_193, %while3A_191 : i32
      %add3A_195 = arith.constant 0 : i32
      %add3A_196 = arith.addi %mul3A_194, %add3A_195 : i32
      %dma_wait3A_197 = arith.constant 0 : i32
      %dma_wait3A_198 = arith.constant 0 : i32
      %dma_wait3A_199 = tpu.memref_slice %arg2[%dma_wait3A_197, %dma_wait3A_198] : memref<10000x64xbf16, #tpu.memory_space<hbm>> -> memref<10000x64xbf16, #tpu.memory_space<hbm>>
      tpu.wait_indirect_dma semaphore(%arg24 : memref<!tpu.dma_semaphore, #tpu.memory_space<semaphore_mem>>) src(%dma_wait3A_199 : memref<10000x64xbf16, #tpu.memory_space<hbm>>) dst(%arg11 : memref<128x64xbf16, #tpu.memory_space<vmem>>)
      %dma_wait3A_200 = arith.constant 0 : i32
      %dma_wait3A_201 = arith.constant 0 : i32
      %dma_wait3A_202 = tpu.memref_slice %arg3[%dma_wait3A_200, %dma_wait3A_201] : memref<10016x64xbf16, #tpu.memory_space<hbm>> -> memref<10016x64xbf16, #tpu.memory_space<hbm>>
      tpu.wait_indirect_dma semaphore(%arg24 : memref<!tpu.dma_semaphore, #tpu.memory_space<semaphore_mem>>) src(%dma_wait3A_202 : memref<10016x64xbf16, #tpu.memory_space<hbm>>) dst(%arg12 : memref<128x64xbf16, #tpu.memory_space<vmem>>)
      %ne3A_203 = arith.constant 0 : i32
      %ne3A_204 = arith.cmpi ne, %while3A_191, %ne3A_203 : i32
      %convert_element_type3A = arith.extui %ne3A_204 : i1 to i32
      %cond3A = arith.constant 0 : i32
      %cond3A_205 = arith.cmpi ne, %convert_element_type3A, %cond3A : i32
      scf.if %cond3A_205 {
        %dma_wait3A_347 = arith.constant 0 : i32
        %dma_wait3A_348 = arith.constant 0 : i32
        %dma_wait3A_349 = tpu.memref_slice %arg22[%dma_wait3A_347, %dma_wait3A_348] : memref<10240x64xf32, #tpu.memory_space<vmem_shared>> -> memref<10240x64xf32, #tpu.memory_space<vmem_shared>>
        tpu.wait_indirect_dma semaphore(%arg26 : memref<!tpu.dma_semaphore, #tpu.memory_space<semaphore_mem>>) src(%arg13 : memref<128x64xf32, #tpu.memory_space<vmem>>) dst(%dma_wait3A_349 : memref<10240x64xf32, #tpu.memory_space<vmem_shared>>)
        %dma_wait3A_350 = arith.constant 0 : i32
        %dma_wait3A_351 = tpu.memref_slice %arg23[%dma_wait3A_350] : memref<10240xf32, #tpu.memory_space<vmem_shared>> -> memref<10240xf32, #tpu.memory_space<vmem_shared>>
        tpu.wait_indirect_dma semaphore(%arg26 : memref<!tpu.dma_semaphore, #tpu.memory_space<semaphore_mem>>) src(%arg20 : memref<128xf32, #tpu.memory_space<vmem>>) dst(%dma_wait3A_351 : memref<10240xf32, #tpu.memory_space<vmem_shared>>)
      } else {
      }
      %get3A = arith.constant 0 : index
      %get3A_206 = tpu.vector_load %arg9[%get3A] {strides = array<i32>} : memref<128xi32, #tpu.memory_space<vmem>>, vector<16xi32>,
      %swap3A_207 = arith.constant 0 : index
      %swap3A_208 = tpu.vector_load %arg10[%swap3A_207] {strides = array<i32>} : memref<128xi32, #tpu.memory_space<vmem>>, vector<16xi32>,
      tpu.vector_store %arg10[%swap3A_207], %get3A_206 {strides = array<i32>} : memref<128xi32, #tpu.memory_space<vmem>>, vector<16xi32>,
      %get3A_209 = arith.constant 16 : index
      %get3A_210 = tpu.vector_load %arg9[%get3A_209] {strides = array<i32>} : memref<128xi32, #tpu.memory_space<vmem>>, vector<16xi32>,
      %swap3A_211 = arith.constant 16 : index
      %swap3A_212 = tpu.vector_load %arg10[%swap3A_211] {strides = array<i32>} : memref<128xi32, #tpu.memory_space<vmem>>, vector<16xi32>,
      tpu.vector_store %arg10[%swap3A_211], %get3A_210 {strides = array<i32>} : memref<128xi32, #tpu.memory_space<vmem>>, vector<16xi32>,
      %get3A_213 = arith.constant 32 : index
      %get3A_214 = tpu.vector_load %arg9[%get3A_213] {strides = array<i32>} : memref<128xi32, #tpu.memory_space<vmem>>, vector<16xi32>,
      %swap3A_215 = arith.constant 32 : index
      %swap3A_216 = tpu.vector_load %arg10[%swap3A_215] {strides = array<i32>} : memref<128xi32, #tpu.memory_space<vmem>>, vector<16xi32>,
      tpu.vector_store %arg10[%swap3A_215], %get3A_214 {strides = array<i32>} : memref<128xi32, #tpu.memory_space<vmem>>, vector<16xi32>,
      %get3A_217 = arith.constant 48 : index
      %get3A_218 = tpu.vector_load %arg9[%get3A_217] {strides = array<i32>} : memref<128xi32, #tpu.memory_space<vmem>>, vector<16xi32>,
      %swap3A_219 = arith.constant 48 : index
      %swap3A_220 = tpu.vector_load %arg10[%swap3A_219] {strides = array<i32>} : memref<128xi32, #tpu.memory_space<vmem>>, vector<16xi32>,
      tpu.vector_store %arg10[%swap3A_219], %get3A_218 {strides = array<i32>} : memref<128xi32, #tpu.memory_space<vmem>>, vector<16xi32>,
      %get3A_221 = arith.constant 64 : index
      %get3A_222 = tpu.vector_load %arg9[%get3A_221] {strides = array<i32>} : memref<128xi32, #tpu.memory_space<vmem>>, vector<16xi32>,
      %swap3A_223 = arith.constant 64 : index
      %swap3A_224 = tpu.vector_load %arg10[%swap3A_223] {strides = array<i32>} : memref<128xi32, #tpu.memory_space<vmem>>, vector<16xi32>,
      tpu.vector_store %arg10[%swap3A_223], %get3A_222 {strides = array<i32>} : memref<128xi32, #tpu.memory_space<vmem>>, vector<16xi32>,
      %get3A_225 = arith.constant 80 : index
      %get3A_226 = tpu.vector_load %arg9[%get3A_225] {strides = array<i32>} : memref<128xi32, #tpu.memory_space<vmem>>, vector<16xi32>,
      %swap3A_227 = arith.constant 80 : index
      %swap3A_228 = tpu.vector_load %arg10[%swap3A_227] {strides = array<i32>} : memref<128xi32, #tpu.memory_space<vmem>>, vector<16xi32>,
      tpu.vector_store %arg10[%swap3A_227], %get3A_226 {strides = array<i32>} : memref<128xi32, #tpu.memory_space<vmem>>, vector<16xi32>,
      %get3A_229 = arith.constant 96 : index
      %get3A_230 = tpu.vector_load %arg9[%get3A_229] {strides = array<i32>} : memref<128xi32, #tpu.memory_space<vmem>>, vector<16xi32>,
      %swap3A_231 = arith.constant 96 : index
      %swap3A_232 = tpu.vector_load %arg10[%swap3A_231] {strides = array<i32>} : memref<128xi32, #tpu.memory_space<vmem>>, vector<16xi32>,
      tpu.vector_store %arg10[%swap3A_231], %get3A_230 {strides = array<i32>} : memref<128xi32, #tpu.memory_space<vmem>>, vector<16xi32>,
      %get3A_233 = arith.constant 112 : index
      %get3A_234 = tpu.vector_load %arg9[%get3A_233] {strides = array<i32>} : memref<128xi32, #tpu.memory_space<vmem>>, vector<16xi32>,
      %swap3A_235 = arith.constant 112 : index
      %swap3A_236 = tpu.vector_load %arg10[%swap3A_235] {strides = array<i32>} : memref<128xi32, #tpu.memory_space<vmem>>, vector<16xi32>,
      tpu.vector_store %arg10[%swap3A_235], %get3A_234 {strides = array<i32>} : memref<128xi32, #tpu.memory_space<vmem>>, vector<16xi32>,
      %add3A_237 = arith.constant 2 : i32
      %add3A_238 = arith.addi %add3A_196, %add3A_237 : i32
      %sub3A_239 = arith.constant 2 : i32
      %sub3A_240 = arith.subi %select_n3A_75, %sub3A_239 : i32
      %add3A_241 = arith.constant 0 : i32
      %add3A_242 = arith.addi %sub3A_240, %add3A_241 : i32
      %min3A = arith.minsi %add3A_238, %add3A_242 : i32
      %mul3A_243 = arith.constant 128 : i32
      %mul3A_244 = arith.muli %min3A, %mul3A_243 : i32
      %add3A_245 = arith.addi %add3A_81, %mul3A_244 : i32
      %dma_start3A_246 = tpu.memref_slice %arg4[%add3A_245] : memref<327680xi32, #tpu.memory_space<hbm>> -> memref<128xi32, #tpu.memory_space<hbm>>
      %dma_start3A_247 = tpu.memref_slice %arg4[%add3A_245] : memref<327680xi32, #tpu.memory_space<hbm>> -> memref<128xi32, #tpu.memory_space<hbm>>
      tpu.enqueue_dma source(%dma_start3A_247 : memref<128xi32, #tpu.memory_space<hbm>>) target(%arg8 : memref<128xi32, #tpu.memory_space<vmem>>) target_semaphore(%arg28 : memref<!tpu.dma_semaphore, #tpu.memory_space<semaphore_mem>>)
      %dma_start3A_248 = tpu.memref_slice %arg5[%add3A_245] : memref<327680xi32, #tpu.memory_space<hbm>> -> memref<128xi32, #tpu.memory_space<hbm>>
      %dma_start3A_249 = tpu.memref_slice %arg5[%add3A_245] : memref<327680xi32, #tpu.memory_space<hbm>> -> memref<128xi32, #tpu.memory_space<hbm>>
      tpu.enqueue_dma source(%dma_start3A_249 : memref<128xi32, #tpu.memory_space<hbm>>) target(%arg9 : memref<128xi32, #tpu.memory_space<vmem>>) target_semaphore(%arg28 : memref<!tpu.dma_semaphore, #tpu.memory_space<semaphore_mem>>)
      %parallel_loop3A = arith.constant 0 : i32
      %parallel_loop3A_250 = arith.constant 128 : i32
      %parallel_loop3A_251 = arith.constant 1 : i32
      scf.for %parallel_loop3A_347 = %parallel_loop3A to %parallel_loop3A_250 step %parallel_loop3A_251  : i32 {
        %parallel_loop3A_348 = arith.index_cast %parallel_loop3A_347 : i32 to index
        %parallel_loop3A_349 = arith.constant 0 : index
        %parallel_loop3A_350 = tpu.vector_load %arg11[%parallel_loop3A_348, %parallel_loop3A_349] {strides = array<i32>} : memref<128x64xbf16, #tpu.memory_space<vmem>>, vector<32xbf16>,
        %parallel_loop3A_351 = arith.index_cast %parallel_loop3A_347 : i32 to index
        %parallel_loop3A_352 = arith.constant 0 : index
        %parallel_loop3A_353 = tpu.vector_load %arg12[%parallel_loop3A_351, %parallel_loop3A_352] {strides = array<i32>} : memref<128x64xbf16, #tpu.memory_space<vmem>>, vector<32xbf16>,
        %parallel_loop3A_354 = arith.addf %parallel_loop3A_350, %parallel_loop3A_353 : vector<32xbf16>
        %parallel_loop3A_355 = arith.constant 0.000000e+00 : bf16
        %parallel_loop3A_356 = vector.broadcast %parallel_loop3A_355 : bf16 to vector<32xbf16>
        %parallel_loop3A_357 = arith.maximumf %parallel_loop3A_354, %parallel_loop3A_356 : vector<32xbf16>
        %parallel_loop3A_358 = tpu.unpack_subelements %parallel_loop3A_357, 0 {pack_format = #tpu.pack_format<interleaved>} : vector<32xbf16> -> vector<16xf32>
        %parallel_loop3A_359 = tpu.unpack_subelements %parallel_loop3A_357, 1 {pack_format = #tpu.pack_format<interleaved>} : vector<32xbf16> -> vector<16xf32>
        %parallel_loop3A_360 = arith.index_cast %parallel_loop3A_347 : i32 to index
        %parallel_loop3A_361 = arith.constant 0 : index
        %parallel_loop3A_362 = tpu.vector_load %arg13[%parallel_loop3A_360, %parallel_loop3A_361] {strides = array<i32>} : memref<128x64xf32, #tpu.memory_space<vmem>>, vector<16xf32>,
        tpu.vector_store %arg13[%parallel_loop3A_360, %parallel_loop3A_361], %parallel_loop3A_358 {strides = array<i32>} : memref<128x64xf32, #tpu.memory_space<vmem>>, vector<16xf32>,
        %parallel_loop3A_363 = arith.index_cast %parallel_loop3A_347 : i32 to index
        %parallel_loop3A_364 = arith.constant 16 : index
        %parallel_loop3A_365 = tpu.vector_load %arg13[%parallel_loop3A_363, %parallel_loop3A_364] {strides = array<i32>} : memref<128x64xf32, #tpu.memory_space<vmem>>, vector<16xf32>,
        tpu.vector_store %arg13[%parallel_loop3A_363, %parallel_loop3A_364], %parallel_loop3A_359 {strides = array<i32>} : memref<128x64xf32, #tpu.memory_space<vmem>>, vector<16xf32>,
        %parallel_loop3A_366 = arith.index_cast %parallel_loop3A_347 : i32 to index
        %parallel_loop3A_367 = arith.constant 32 : index
        %parallel_loop3A_368 = tpu.vector_load %arg11[%parallel_loop3A_366, %parallel_loop3A_367] {strides = array<i32>} : memref<128x64xbf16, #tpu.memory_space<vmem>>, vector<32xbf16>,
        %parallel_loop3A_369 = arith.index_cast %parallel_loop3A_347 : i32 to index
        %parallel_loop3A_370 = arith.constant 32 : index
        %parallel_loop3A_371 = tpu.vector_load %arg12[%parallel_loop3A_369, %parallel_loop3A_370] {strides = array<i32>} : memref<128x64xbf16, #tpu.memory_space<vmem>>, vector<32xbf16>,
        %parallel_loop3A_372 = arith.addf %parallel_loop3A_368, %parallel_loop3A_371 : vector<32xbf16>
        %parallel_loop3A_373 = arith.constant 0.000000e+00 : bf16
        %parallel_loop3A_374 = vector.broadcast %parallel_loop3A_373 : bf16 to vector<32xbf16>
        %parallel_loop3A_375 = arith.maximumf %parallel_loop3A_372, %parallel_loop3A_374 : vector<32xbf16>
        %parallel_loop3A_376 = tpu.unpack_subelements %parallel_loop3A_375, 0 {pack_format = #tpu.pack_format<interleaved>} : vector<32xbf16> -> vector<16xf32>
        %parallel_loop3A_377 = tpu.unpack_subelements %parallel_loop3A_375, 1 {pack_format = #tpu.pack_format<interleaved>} : vector<32xbf16> -> vector<16xf32>
        %parallel_loop3A_378 = arith.index_cast %parallel_loop3A_347 : i32 to index
        %parallel_loop3A_379 = arith.constant 32 : index
        %parallel_loop3A_380 = tpu.vector_load %arg13[%parallel_loop3A_378, %parallel_loop3A_379] {strides = array<i32>} : memref<128x64xf32, #tpu.memory_space<vmem>>, vector<16xf32>,
        tpu.vector_store %arg13[%parallel_loop3A_378, %parallel_loop3A_379], %parallel_loop3A_376 {strides = array<i32>} : memref<128x64xf32, #tpu.memory_space<vmem>>, vector<16xf32>,
        %parallel_loop3A_381 = arith.index_cast %parallel_loop3A_347 : i32 to index
        %parallel_loop3A_382 = arith.constant 48 : index
        %parallel_loop3A_383 = tpu.vector_load %arg13[%parallel_loop3A_381, %parallel_loop3A_382] {strides = array<i32>} : memref<128x64xf32, #tpu.memory_space<vmem>>, vector<16xf32>,
        tpu.vector_store %arg13[%parallel_loop3A_381, %parallel_loop3A_382], %parallel_loop3A_377 {strides = array<i32>} : memref<128x64xf32, #tpu.memory_space<vmem>>, vector<16xf32>,
      } {sc.loop_unroll_factor = 8 : i64, sc.parallel_access}
      %dma_start3A_252 = arith.constant 0 : i32
      %dma_start3A_253 = arith.constant 0 : i32
      %dma_start3A_254 = tpu.memref_slice %arg22[%dma_start3A_252, %dma_start3A_253] : memref<10240x64xf32, #tpu.memory_space<vmem_shared>> -> memref<10240x64xf32, #tpu.memory_space<vmem_shared>>
      tpu.enqueue_indirect_dma source(%arg13 : memref<128x64xf32, #tpu.memory_space<vmem>>) target(%dma_start3A_254 : memref<10240x64xf32, #tpu.memory_space<vmem_shared>>) offsets(%arg10 : memref<128xi32, #tpu.memory_space<vmem>>) semaphore(%arg26 : memref<!tpu.dma_semaphore, #tpu.memory_space<semaphore_mem>>) {add = true}
      %dma_start3A_255 = arith.constant 0 : i32
      %dma_start3A_256 = tpu.memref_slice %arg23[%dma_start3A_255] : memref<10240xf32, #tpu.memory_space<vmem_shared>> -> memref<10240xf32, #tpu.memory_space<vmem_shared>>
      tpu.enqueue_indirect_dma source(%arg20 : memref<128xf32, #tpu.memory_space<vmem>>) target(%dma_start3A_256 : memref<10240xf32, #tpu.memory_space<vmem_shared>>) offsets(%arg10 : memref<128xi32, #tpu.memory_space<vmem>>) semaphore(%arg26 : memref<!tpu.dma_semaphore, #tpu.memory_space<semaphore_mem>>) {add = true}
      %dma_wait3A_257 = tpu.memref_slice %arg4[%add3A_245] : memref<327680xi32, #tpu.memory_space<hbm>> -> memref<128xi32, #tpu.memory_space<hbm>>
      %dma_wait3A_258 = tpu.memref_slice %arg4[%add3A_245] : memref<327680xi32, #tpu.memory_space<hbm>> -> memref<128xi32, #tpu.memory_space<hbm>>
      tpu.wait_dma2 semaphore(%arg28 : memref<!tpu.dma_semaphore, #tpu.memory_space<semaphore_mem>>) src(%dma_wait3A_258 : memref<128xi32, #tpu.memory_space<hbm>>) dst(%arg8 : memref<128xi32, #tpu.memory_space<vmem>>)
      %dma_wait3A_259 = tpu.memref_slice %arg5[%add3A_245] : memref<327680xi32, #tpu.memory_space<hbm>> -> memref<128xi32, #tpu.memory_space<hbm>>
      %dma_wait3A_260 = tpu.memref_slice %arg5[%add3A_245] : memref<327680xi32, #tpu.memory_space<hbm>> -> memref<128xi32, #tpu.memory_space<hbm>>
      tpu.wait_dma2 semaphore(%arg28 : memref<!tpu.dma_semaphore, #tpu.memory_space<semaphore_mem>>) src(%dma_wait3A_260 : memref<128xi32, #tpu.memory_space<hbm>>) dst(%arg9 : memref<128xi32, #tpu.memory_space<vmem>>)
      %dma_start3A_261 = arith.constant 0 : i32
      %dma_start3A_262 = arith.constant 0 : i32
      %dma_start3A_263 = tpu.memref_slice %arg2[%dma_start3A_261, %dma_start3A_262] : memref<10000x64xbf16, #tpu.memory_space<hbm>> -> memref<10000x64xbf16, #tpu.memory_space<hbm>>
      tpu.enqueue_indirect_dma source(%dma_start3A_263 : memref<10000x64xbf16, #tpu.memory_space<hbm>>) target(%arg11 : memref<128x64xbf16, #tpu.memory_space<vmem>>) offsets(%arg8 : memref<128xi32, #tpu.memory_space<vmem>>) semaphore(%arg24 : memref<!tpu.dma_semaphore, #tpu.memory_space<semaphore_mem>>)
      %dma_start3A_264 = arith.constant 0 : i32
      %dma_start3A_265 = arith.constant 0 : i32
      %dma_start3A_266 = tpu.memref_slice %arg3[%dma_start3A_264, %dma_start3A_265] : memref<10016x64xbf16, #tpu.memory_space<hbm>> -> memref<10016x64xbf16, #tpu.memory_space<hbm>>
      tpu.enqueue_indirect_dma source(%dma_start3A_266 : memref<10016x64xbf16, #tpu.memory_space<hbm>>) target(%arg12 : memref<128x64xbf16, #tpu.memory_space<vmem>>) offsets(%arg9 : memref<128xi32, #tpu.memory_space<vmem>>) semaphore(%arg24 : memref<!tpu.dma_semaphore, #tpu.memory_space<semaphore_mem>>)
      %mul3A_267 = arith.constant 2 : i32
      %mul3A_268 = arith.muli %mul3A_267, %while3A_191 : i32
      %add3A_269 = arith.constant 1 : i32
      %add3A_270 = arith.addi %mul3A_268, %add3A_269 : i32
      %dma_wait3A_271 = arith.constant 0 : i32
      %dma_wait3A_272 = arith.constant 0 : i32
      %dma_wait3A_273 = tpu.memref_slice %arg2[%dma_wait3A_271, %dma_wait3A_272] : memref<10000x64xbf16, #tpu.memory_space<hbm>> -> memref<10000x64xbf16, #tpu.memory_space<hbm>>
      tpu.wait_indirect_dma semaphore(%arg25 : memref<!tpu.dma_semaphore, #tpu.memory_space<semaphore_mem>>) src(%dma_wait3A_273 : memref<10000x64xbf16, #tpu.memory_space<hbm>>) dst(%arg17 : memref<128x64xbf16, #tpu.memory_space<vmem>>)
      %dma_wait3A_274 = arith.constant 0 : i32
      %dma_wait3A_275 = arith.constant 0 : i32
      %dma_wait3A_276 = tpu.memref_slice %arg3[%dma_wait3A_274, %dma_wait3A_275] : memref<10016x64xbf16, #tpu.memory_space<hbm>> -> memref<10016x64xbf16, #tpu.memory_space<hbm>>
      tpu.wait_indirect_dma semaphore(%arg25 : memref<!tpu.dma_semaphore, #tpu.memory_space<semaphore_mem>>) src(%dma_wait3A_276 : memref<10016x64xbf16, #tpu.memory_space<hbm>>) dst(%arg18 : memref<128x64xbf16, #tpu.memory_space<vmem>>)
      %ne3A_277 = arith.constant 0 : i32
      %ne3A_278 = arith.cmpi ne, %while3A_191, %ne3A_277 : i32
      %convert_element_type3A_279 = arith.extui %ne3A_278 : i1 to i32
      %cond3A_280 = arith.constant 0 : i32
      %cond3A_281 = arith.cmpi ne, %convert_element_type3A_279, %cond3A_280 : i32
      scf.if %cond3A_281 {
        %dma_wait3A_347 = arith.constant 0 : i32
        %dma_wait3A_348 = arith.constant 0 : i32
        %dma_wait3A_349 = tpu.memref_slice %arg22[%dma_wait3A_347, %dma_wait3A_348] : memref<10240x64xf32, #tpu.memory_space<vmem_shared>> -> memref<10240x64xf32, #tpu.memory_space<vmem_shared>>
        tpu.wait_indirect_dma semaphore(%arg27 : memref<!tpu.dma_semaphore, #tpu.memory_space<semaphore_mem>>) src(%arg19 : memref<128x64xf32, #tpu.memory_space<vmem>>) dst(%dma_wait3A_349 : memref<10240x64xf32, #tpu.memory_space<vmem_shared>>)
        %dma_wait3A_350 = arith.constant 0 : i32
        %dma_wait3A_351 = tpu.memref_slice %arg23[%dma_wait3A_350] : memref<10240xf32, #tpu.memory_space<vmem_shared>> -> memref<10240xf32, #tpu.memory_space<vmem_shared>>
        tpu.wait_indirect_dma semaphore(%arg27 : memref<!tpu.dma_semaphore, #tpu.memory_space<semaphore_mem>>) src(%arg20 : memref<128xf32, #tpu.memory_space<vmem>>) dst(%dma_wait3A_351 : memref<10240xf32, #tpu.memory_space<vmem_shared>>)
      } else {
      }
      %get3A_282 = arith.constant 0 : index
      %get3A_283 = tpu.vector_load %arg15[%get3A_282] {strides = array<i32>} : memref<128xi32, #tpu.memory_space<vmem>>, vector<16xi32>,
      %swap3A_284 = arith.constant 0 : index
      %swap3A_285 = tpu.vector_load %arg16[%swap3A_284] {strides = array<i32>} : memref<128xi32, #tpu.memory_space<vmem>>, vector<16xi32>,
      tpu.vector_store %arg16[%swap3A_284], %get3A_283 {strides = array<i32>} : memref<128xi32, #tpu.memory_space<vmem>>, vector<16xi32>,
      %get3A_286 = arith.constant 16 : index
      %get3A_287 = tpu.vector_load %arg15[%get3A_286] {strides = array<i32>} : memref<128xi32, #tpu.memory_space<vmem>>, vector<16xi32>,
      %swap3A_288 = arith.constant 16 : index
      %swap3A_289 = tpu.vector_load %arg16[%swap3A_288] {strides = array<i32>} : memref<128xi32, #tpu.memory_space<vmem>>, vector<16xi32>,
      tpu.vector_store %arg16[%swap3A_288], %get3A_287 {strides = array<i32>} : memref<128xi32, #tpu.memory_space<vmem>>, vector<16xi32>,
      %get3A_290 = arith.constant 32 : index
      %get3A_291 = tpu.vector_load %arg15[%get3A_290] {strides = array<i32>} : memref<128xi32, #tpu.memory_space<vmem>>, vector<16xi32>,
      %swap3A_292 = arith.constant 32 : index
      %swap3A_293 = tpu.vector_load %arg16[%swap3A_292] {strides = array<i32>} : memref<128xi32, #tpu.memory_space<vmem>>, vector<16xi32>,
      tpu.vector_store %arg16[%swap3A_292], %get3A_291 {strides = array<i32>} : memref<128xi32, #tpu.memory_space<vmem>>, vector<16xi32>,
      %get3A_294 = arith.constant 48 : index
      %get3A_295 = tpu.vector_load %arg15[%get3A_294] {strides = array<i32>} : memref<128xi32, #tpu.memory_space<vmem>>, vector<16xi32>,
      %swap3A_296 = arith.constant 48 : index
      %swap3A_297 = tpu.vector_load %arg16[%swap3A_296] {strides = array<i32>} : memref<128xi32, #tpu.memory_space<vmem>>, vector<16xi32>,
      tpu.vector_store %arg16[%swap3A_296], %get3A_295 {strides = array<i32>} : memref<128xi32, #tpu.memory_space<vmem>>, vector<16xi32>,
      %get3A_298 = arith.constant 64 : index
      %get3A_299 = tpu.vector_load %arg15[%get3A_298] {strides = array<i32>} : memref<128xi32, #tpu.memory_space<vmem>>, vector<16xi32>,
      %swap3A_300 = arith.constant 64 : index
      %swap3A_301 = tpu.vector_load %arg16[%swap3A_300] {strides = array<i32>} : memref<128xi32, #tpu.memory_space<vmem>>, vector<16xi32>,
      tpu.vector_store %arg16[%swap3A_300], %get3A_299 {strides = array<i32>} : memref<128xi32, #tpu.memory_space<vmem>>, vector<16xi32>,
      %get3A_302 = arith.constant 80 : index
      %get3A_303 = tpu.vector_load %arg15[%get3A_302] {strides = array<i32>} : memref<128xi32, #tpu.memory_space<vmem>>, vector<16xi32>,
      %swap3A_304 = arith.constant 80 : index
      %swap3A_305 = tpu.vector_load %arg16[%swap3A_304] {strides = array<i32>} : memref<128xi32, #tpu.memory_space<vmem>>, vector<16xi32>,
      tpu.vector_store %arg16[%swap3A_304], %get3A_303 {strides = array<i32>} : memref<128xi32, #tpu.memory_space<vmem>>, vector<16xi32>,
      %get3A_306 = arith.constant 96 : index
      %get3A_307 = tpu.vector_load %arg15[%get3A_306] {strides = array<i32>} : memref<128xi32, #tpu.memory_space<vmem>>, vector<16xi32>,
      %swap3A_308 = arith.constant 96 : index
      %swap3A_309 = tpu.vector_load %arg16[%swap3A_308] {strides = array<i32>} : memref<128xi32, #tpu.memory_space<vmem>>, vector<16xi32>,
      tpu.vector_store %arg16[%swap3A_308], %get3A_307 {strides = array<i32>} : memref<128xi32, #tpu.memory_space<vmem>>, vector<16xi32>,
      %get3A_310 = arith.constant 112 : index
      %get3A_311 = tpu.vector_load %arg15[%get3A_310] {strides = array<i32>} : memref<128xi32, #tpu.memory_space<vmem>>, vector<16xi32>,
      %swap3A_312 = arith.constant 112 : index
      %swap3A_313 = tpu.vector_load %arg16[%swap3A_312] {strides = array<i32>} : memref<128xi32, #tpu.memory_space<vmem>>, vector<16xi32>,
      tpu.vector_store %arg16[%swap3A_312], %get3A_311 {strides = array<i32>} : memref<128xi32, #tpu.memory_space<vmem>>, vector<16xi32>,
      %add3A_314 = arith.constant 2 : i32
      %add3A_315 = arith.addi %add3A_270, %add3A_314 : i32
      %sub3A_316 = arith.constant 2 : i32
      %sub3A_317 = arith.subi %select_n3A_75, %sub3A_316 : i32
      %add3A_318 = arith.constant 1 : i32
      %add3A_319 = arith.addi %sub3A_317, %add3A_318 : i32
      %min3A_320 = arith.minsi %add3A_315, %add3A_319 : i32
      %mul3A_321 = arith.constant 128 : i32
      %mul3A_322 = arith.muli %min3A_320, %mul3A_321 : i32
      %add3A_323 = arith.addi %add3A_81, %mul3A_322 : i32
      %dma_start3A_324 = tpu.memref_slice %arg4[%add3A_323] : memref<327680xi32, #tpu.memory_space<hbm>> -> memref<128xi32, #tpu.memory_space<hbm>>
      %dma_start3A_325 = tpu.memref_slice %arg4[%add3A_323] : memref<327680xi32, #tpu.memory_space<hbm>> -> memref<128xi32, #tpu.memory_space<hbm>>
      tpu.enqueue_dma source(%dma_start3A_325 : memref<128xi32, #tpu.memory_space<hbm>>) target(%arg14 : memref<128xi32, #tpu.memory_space<vmem>>) target_semaphore(%arg29 : memref<!tpu.dma_semaphore, #tpu.memory_space<semaphore_mem>>)
      %dma_start3A_326 = tpu.memref_slice %arg5[%add3A_323] : memref<327680xi32, #tpu.memory_space<hbm>> -> memref<128xi32, #tpu.memory_space<hbm>>
      %dma_start3A_327 = tpu.memref_slice %arg5[%add3A_323] : memref<327680xi32, #tpu.memory_space<hbm>> -> memref<128xi32, #tpu.memory_space<hbm>>
      tpu.enqueue_dma source(%dma_start3A_327 : memref<128xi32, #tpu.memory_space<hbm>>) target(%arg15 : memref<128xi32, #tpu.memory_space<vmem>>) target_semaphore(%arg29 : memref<!tpu.dma_semaphore, #tpu.memory_space<semaphore_mem>>)
      %parallel_loop3A_328 = arith.constant 0 : i32
      %parallel_loop3A_329 = arith.constant 128 : i32
      %parallel_loop3A_330 = arith.constant 1 : i32
      scf.for %parallel_loop3A_347 = %parallel_loop3A_328 to %parallel_loop3A_329 step %parallel_loop3A_330  : i32 {
        %parallel_loop3A_348 = arith.index_cast %parallel_loop3A_347 : i32 to index
        %parallel_loop3A_349 = arith.constant 0 : index
        %parallel_loop3A_350 = tpu.vector_load %arg17[%parallel_loop3A_348, %parallel_loop3A_349] {strides = array<i32>} : memref<128x64xbf16, #tpu.memory_space<vmem>>, vector<32xbf16>,
        %parallel_loop3A_351 = arith.index_cast %parallel_loop3A_347 : i32 to index
        %parallel_loop3A_352 = arith.constant 0 : index
        %parallel_loop3A_353 = tpu.vector_load %arg18[%parallel_loop3A_351, %parallel_loop3A_352] {strides = array<i32>} : memref<128x64xbf16, #tpu.memory_space<vmem>>, vector<32xbf16>,
        %parallel_loop3A_354 = arith.addf %parallel_loop3A_350, %parallel_loop3A_353 : vector<32xbf16>
        %parallel_loop3A_355 = arith.constant 0.000000e+00 : bf16
        %parallel_loop3A_356 = vector.broadcast %parallel_loop3A_355 : bf16 to vector<32xbf16>
        %parallel_loop3A_357 = arith.maximumf %parallel_loop3A_354, %parallel_loop3A_356 : vector<32xbf16>
        %parallel_loop3A_358 = tpu.unpack_subelements %parallel_loop3A_357, 0 {pack_format = #tpu.pack_format<interleaved>} : vector<32xbf16> -> vector<16xf32>
        %parallel_loop3A_359 = tpu.unpack_subelements %parallel_loop3A_357, 1 {pack_format = #tpu.pack_format<interleaved>} : vector<32xbf16> -> vector<16xf32>
        %parallel_loop3A_360 = arith.index_cast %parallel_loop3A_347 : i32 to index
        %parallel_loop3A_361 = arith.constant 0 : index
        %parallel_loop3A_362 = tpu.vector_load %arg19[%parallel_loop3A_360, %parallel_loop3A_361] {strides = array<i32>} : memref<128x64xf32, #tpu.memory_space<vmem>>, vector<16xf32>,
        tpu.vector_store %arg19[%parallel_loop3A_360, %parallel_loop3A_361], %parallel_loop3A_358 {strides = array<i32>} : memref<128x64xf32, #tpu.memory_space<vmem>>, vector<16xf32>,
        %parallel_loop3A_363 = arith.index_cast %parallel_loop3A_347 : i32 to index
        %parallel_loop3A_364 = arith.constant 16 : index
        %parallel_loop3A_365 = tpu.vector_load %arg19[%parallel_loop3A_363, %parallel_loop3A_364] {strides = array<i32>} : memref<128x64xf32, #tpu.memory_space<vmem>>, vector<16xf32>,
        tpu.vector_store %arg19[%parallel_loop3A_363, %parallel_loop3A_364], %parallel_loop3A_359 {strides = array<i32>} : memref<128x64xf32, #tpu.memory_space<vmem>>, vector<16xf32>,
        %parallel_loop3A_366 = arith.index_cast %parallel_loop3A_347 : i32 to index
        %parallel_loop3A_367 = arith.constant 32 : index
        %parallel_loop3A_368 = tpu.vector_load %arg17[%parallel_loop3A_366, %parallel_loop3A_367] {strides = array<i32>} : memref<128x64xbf16, #tpu.memory_space<vmem>>, vector<32xbf16>,
        %parallel_loop3A_369 = arith.index_cast %parallel_loop3A_347 : i32 to index
        %parallel_loop3A_370 = arith.constant 32 : index
        %parallel_loop3A_371 = tpu.vector_load %arg18[%parallel_loop3A_369, %parallel_loop3A_370] {strides = array<i32>} : memref<128x64xbf16, #tpu.memory_space<vmem>>, vector<32xbf16>,
        %parallel_loop3A_372 = arith.addf %parallel_loop3A_368, %parallel_loop3A_371 : vector<32xbf16>
        %parallel_loop3A_373 = arith.constant 0.000000e+00 : bf16
        %parallel_loop3A_374 = vector.broadcast %parallel_loop3A_373 : bf16 to vector<32xbf16>
        %parallel_loop3A_375 = arith.maximumf %parallel_loop3A_372, %parallel_loop3A_374 : vector<32xbf16>
        %parallel_loop3A_376 = tpu.unpack_subelements %parallel_loop3A_375, 0 {pack_format = #tpu.pack_format<interleaved>} : vector<32xbf16> -> vector<16xf32>
        %parallel_loop3A_377 = tpu.unpack_subelements %parallel_loop3A_375, 1 {pack_format = #tpu.pack_format<interleaved>} : vector<32xbf16> -> vector<16xf32>
        %parallel_loop3A_378 = arith.index_cast %parallel_loop3A_347 : i32 to index
        %parallel_loop3A_379 = arith.constant 32 : index
        %parallel_loop3A_380 = tpu.vector_load %arg19[%parallel_loop3A_378, %parallel_loop3A_379] {strides = array<i32>} : memref<128x64xf32, #tpu.memory_space<vmem>>, vector<16xf32>,
        tpu.vector_store %arg19[%parallel_loop3A_378, %parallel_loop3A_379], %parallel_loop3A_376 {strides = array<i32>} : memref<128x64xf32, #tpu.memory_space<vmem>>, vector<16xf32>,
        %parallel_loop3A_381 = arith.index_cast %parallel_loop3A_347 : i32 to index
        %parallel_loop3A_382 = arith.constant 48 : index
        %parallel_loop3A_383 = tpu.vector_load %arg19[%parallel_loop3A_381, %parallel_loop3A_382] {strides = array<i32>} : memref<128x64xf32, #tpu.memory_space<vmem>>, vector<16xf32>,
        tpu.vector_store %arg19[%parallel_loop3A_381, %parallel_loop3A_382], %parallel_loop3A_377 {strides = array<i32>} : memref<128x64xf32, #tpu.memory_space<vmem>>, vector<16xf32>,
      } {sc.loop_unroll_factor = 8 : i64, sc.parallel_access}
      %dma_start3A_331 = arith.constant 0 : i32
      %dma_start3A_332 = arith.constant 0 : i32
      %dma_start3A_333 = tpu.memref_slice %arg22[%dma_start3A_331, %dma_start3A_332] : memref<10240x64xf32, #tpu.memory_space<vmem_shared>> -> memref<10240x64xf32, #tpu.memory_space<vmem_shared>>
      tpu.enqueue_indirect_dma source(%arg19 : memref<128x64xf32, #tpu.memory_space<vmem>>) target(%dma_start3A_333 : memref<10240x64xf32, #tpu.memory_space<vmem_shared>>) offsets(%arg16 : memref<128xi32, #tpu.memory_space<vmem>>) semaphore(%arg27 : memref<!tpu.dma_semaphore, #tpu.memory_space<semaphore_mem>>) {add = true}
      %dma_start3A_334 = arith.constant 0 : i32
      %dma_start3A_335 = tpu.memref_slice %arg23[%dma_start3A_334] : memref<10240xf32, #tpu.memory_space<vmem_shared>> -> memref<10240xf32, #tpu.memory_space<vmem_shared>>
      tpu.enqueue_indirect_dma source(%arg20 : memref<128xf32, #tpu.memory_space<vmem>>) target(%dma_start3A_335 : memref<10240xf32, #tpu.memory_space<vmem_shared>>) offsets(%arg16 : memref<128xi32, #tpu.memory_space<vmem>>) semaphore(%arg27 : memref<!tpu.dma_semaphore, #tpu.memory_space<semaphore_mem>>) {add = true}
      %dma_wait3A_336 = tpu.memref_slice %arg4[%add3A_323] : memref<327680xi32, #tpu.memory_space<hbm>> -> memref<128xi32, #tpu.memory_space<hbm>>
      %dma_wait3A_337 = tpu.memref_slice %arg4[%add3A_323] : memref<327680xi32, #tpu.memory_space<hbm>> -> memref<128xi32, #tpu.memory_space<hbm>>
      tpu.wait_dma2 semaphore(%arg29 : memref<!tpu.dma_semaphore, #tpu.memory_space<semaphore_mem>>) src(%dma_wait3A_337 : memref<128xi32, #tpu.memory_space<hbm>>) dst(%arg14 : memref<128xi32, #tpu.memory_space<vmem>>)
      %dma_wait3A_338 = tpu.memref_slice %arg5[%add3A_323] : memref<327680xi32, #tpu.memory_space<hbm>> -> memref<128xi32, #tpu.memory_space<hbm>>
      %dma_wait3A_339 = tpu.memref_slice %arg5[%add3A_323] : memref<327680xi32, #tpu.memory_space<hbm>> -> memref<128xi32, #tpu.memory_space<hbm>>
      tpu.wait_dma2 semaphore(%arg29 : memref<!tpu.dma_semaphore, #tpu.memory_space<semaphore_mem>>) src(%dma_wait3A_339 : memref<128xi32, #tpu.memory_space<hbm>>) dst(%arg15 : memref<128xi32, #tpu.memory_space<vmem>>)
      %dma_start3A_340 = arith.constant 0 : i32
      %dma_start3A_341 = arith.constant 0 : i32
      %dma_start3A_342 = tpu.memref_slice %arg2[%dma_start3A_340, %dma_start3A_341] : memref<10000x64xbf16, #tpu.memory_space<hbm>> -> memref<10000x64xbf16, #tpu.memory_space<hbm>>
      tpu.enqueue_indirect_dma source(%dma_start3A_342 : memref<10000x64xbf16, #tpu.memory_space<hbm>>) target(%arg17 : memref<128x64xbf16, #tpu.memory_space<vmem>>) offsets(%arg14 : memref<128xi32, #tpu.memory_space<vmem>>) semaphore(%arg25 : memref<!tpu.dma_semaphore, #tpu.memory_space<semaphore_mem>>)
      %dma_start3A_343 = arith.constant 0 : i32
      %dma_start3A_344 = arith.constant 0 : i32
      %dma_start3A_345 = tpu.memref_slice %arg3[%dma_start3A_343, %dma_start3A_344] : memref<10016x64xbf16, #tpu.memory_space<hbm>> -> memref<10016x64xbf16, #tpu.memory_space<hbm>>
      tpu.enqueue_indirect_dma source(%dma_start3A_345 : memref<10016x64xbf16, #tpu.memory_space<hbm>>) target(%arg18 : memref<128x64xbf16, #tpu.memory_space<vmem>>) offsets(%arg15 : memref<128xi32, #tpu.memory_space<vmem>>) semaphore(%arg25 : memref<!tpu.dma_semaphore, #tpu.memory_space<semaphore_mem>>)
      %while3A_346 = arith.constant 0 : i32
      scf.yield %while3A_346 : i32
    }
    %while3A_123 = arith.constant 1 : i32
    %while3A_124 = scf.for %while3A_191 = %while3A_120 to %while3A_116 step %while3A_123 iter_args(%while3A_192 = %while3A_122) -> (i32)  : i32 {
      %mul3A_193 = arith.constant 2 : i32
      %mul3A_194 = arith.muli %mul3A_193, %while3A_191 : i32
      %add3A_195 = arith.constant 0 : i32
      %add3A_196 = arith.addi %mul3A_194, %add3A_195 : i32
      %dma_wait3A_197 = arith.constant 0 : i32
      %dma_wait3A_198 = arith.constant 0 : i32
      %dma_wait3A_199 = tpu.memref_slice %arg2[%dma_wait3A_197, %dma_wait3A_198] : memref<10000x64xbf16, #tpu.memory_space<hbm>> -> memref<10000x64xbf16, #tpu.memory_space<hbm>>
      tpu.wait_indirect_dma semaphore(%arg24 : memref<!tpu.dma_semaphore, #tpu.memory_space<semaphore_mem>>) src(%dma_wait3A_199 : memref<10000x64xbf16, #tpu.memory_space<hbm>>) dst(%arg11 : memref<128x64xbf16, #tpu.memory_space<vmem>>)
      %dma_wait3A_200 = arith.constant 0 : i32
      %dma_wait3A_201 = arith.constant 0 : i32
      %dma_wait3A_202 = tpu.memref_slice %arg3[%dma_wait3A_200, %dma_wait3A_201] : memref<10016x64xbf16, #tpu.memory_space<hbm>> -> memref<10016x64xbf16, #tpu.memory_space<hbm>>
      tpu.wait_indirect_dma semaphore(%arg24 : memref<!tpu.dma_semaphore, #tpu.memory_space<semaphore_mem>>) src(%dma_wait3A_202 : memref<10016x64xbf16, #tpu.memory_space<hbm>>) dst(%arg12 : memref<128x64xbf16, #tpu.memory_space<vmem>>)
      %ne3A_203 = arith.constant 0 : i32
      %ne3A_204 = arith.cmpi ne, %while3A_191, %ne3A_203 : i32
      %convert_element_type3A = arith.extui %ne3A_204 : i1 to i32
      %cond3A = arith.constant 0 : i32
      %cond3A_205 = arith.cmpi ne, %convert_element_type3A, %cond3A : i32
      scf.if %cond3A_205 {
        %dma_wait3A_347 = arith.constant 0 : i32
        %dma_wait3A_348 = arith.constant 0 : i32
        %dma_wait3A_349 = tpu.memref_slice %arg22[%dma_wait3A_347, %dma_wait3A_348] : memref<10240x64xf32, #tpu.memory_space<vmem_shared>> -> memref<10240x64xf32, #tpu.memory_space<vmem_shared>>
        tpu.wait_indirect_dma semaphore(%arg26 : memref<!tpu.dma_semaphore, #tpu.memory_space<semaphore_mem>>) src(%arg13 : memref<128x64xf32, #tpu.memory_space<vmem>>) dst(%dma_wait3A_349 : memref<10240x64xf32, #tpu.memory_space<vmem_shared>>)
        %dma_wait3A_350 = arith.constant 0 : i32
        %dma_wait3A_351 = tpu.memref_slice %arg23[%dma_wait3A_350] : memref<10240xf32, #tpu.memory_space<vmem_shared>> -> memref<10240xf32, #tpu.memory_space<vmem_shared>>
        tpu.wait_indirect_dma semaphore(%arg26 : memref<!tpu.dma_semaphore, #tpu.memory_space<semaphore_mem>>) src(%arg20 : memref<128xf32, #tpu.memory_space<vmem>>) dst(%dma_wait3A_351 : memref<10240xf32, #tpu.memory_space<vmem_shared>>)
      } else {
      }
      %get3A = arith.constant 0 : index
      %get3A_206 = tpu.vector_load %arg9[%get3A] {strides = array<i32>} : memref<128xi32, #tpu.memory_space<vmem>>, vector<16xi32>,
      %swap3A_207 = arith.constant 0 : index
      %swap3A_208 = tpu.vector_load %arg10[%swap3A_207] {strides = array<i32>} : memref<128xi32, #tpu.memory_space<vmem>>, vector<16xi32>,
      tpu.vector_store %arg10[%swap3A_207], %get3A_206 {strides = array<i32>} : memref<128xi32, #tpu.memory_space<vmem>>, vector<16xi32>,
      %get3A_209 = arith.constant 16 : index
      %get3A_210 = tpu.vector_load %arg9[%get3A_209] {strides = array<i32>} : memref<128xi32, #tpu.memory_space<vmem>>, vector<16xi32>,
      %swap3A_211 = arith.constant 16 : index
      %swap3A_212 = tpu.vector_load %arg10[%swap3A_211] {strides = array<i32>} : memref<128xi32, #tpu.memory_space<vmem>>, vector<16xi32>,
      tpu.vector_store %arg10[%swap3A_211], %get3A_210 {strides = array<i32>} : memref<128xi32, #tpu.memory_space<vmem>>, vector<16xi32>,
      %get3A_213 = arith.constant 32 : index
      %get3A_214 = tpu.vector_load %arg9[%get3A_213] {strides = array<i32>} : memref<128xi32, #tpu.memory_space<vmem>>, vector<16xi32>,
      %swap3A_215 = arith.constant 32 : index
      %swap3A_216 = tpu.vector_load %arg10[%swap3A_215] {strides = array<i32>} : memref<128xi32, #tpu.memory_space<vmem>>, vector<16xi32>,
      tpu.vector_store %arg10[%swap3A_215], %get3A_214 {strides = array<i32>} : memref<128xi32, #tpu.memory_space<vmem>>, vector<16xi32>,
      %get3A_217 = arith.constant 48 : index
      %get3A_218 = tpu.vector_load %arg9[%get3A_217] {strides = array<i32>} : memref<128xi32, #tpu.memory_space<vmem>>, vector<16xi32>,
      %swap3A_219 = arith.constant 48 : index
      %swap3A_220 = tpu.vector_load %arg10[%swap3A_219] {strides = array<i32>} : memref<128xi32, #tpu.memory_space<vmem>>, vector<16xi32>,
      tpu.vector_store %arg10[%swap3A_219], %get3A_218 {strides = array<i32>} : memref<128xi32, #tpu.memory_space<vmem>>, vector<16xi32>,
      %get3A_221 = arith.constant 64 : index
      %get3A_222 = tpu.vector_load %arg9[%get3A_221] {strides = array<i32>} : memref<128xi32, #tpu.memory_space<vmem>>, vector<16xi32>,
      %swap3A_223 = arith.constant 64 : index
      %swap3A_224 = tpu.vector_load %arg10[%swap3A_223] {strides = array<i32>} : memref<128xi32, #tpu.memory_space<vmem>>, vector<16xi32>,
      tpu.vector_store %arg10[%swap3A_223], %get3A_222 {strides = array<i32>} : memref<128xi32, #tpu.memory_space<vmem>>, vector<16xi32>,
      %get3A_225 = arith.constant 80 : index
      %get3A_226 = tpu.vector_load %arg9[%get3A_225] {strides = array<i32>} : memref<128xi32, #tpu.memory_space<vmem>>, vector<16xi32>,
      %swap3A_227 = arith.constant 80 : index
      %swap3A_228 = tpu.vector_load %arg10[%swap3A_227] {strides = array<i32>} : memref<128xi32, #tpu.memory_space<vmem>>, vector<16xi32>,
      tpu.vector_store %arg10[%swap3A_227], %get3A_226 {strides = array<i32>} : memref<128xi32, #tpu.memory_space<vmem>>, vector<16xi32>,
      %get3A_229 = arith.constant 96 : index
      %get3A_230 = tpu.vector_load %arg9[%get3A_229] {strides = array<i32>} : memref<128xi32, #tpu.memory_space<vmem>>, vector<16xi32>,
      %swap3A_231 = arith.constant 96 : index
      %swap3A_232 = tpu.vector_load %arg10[%swap3A_231] {strides = array<i32>} : memref<128xi32, #tpu.memory_space<vmem>>, vector<16xi32>,
      tpu.vector_store %arg10[%swap3A_231], %get3A_230 {strides = array<i32>} : memref<128xi32, #tpu.memory_space<vmem>>, vector<16xi32>,
      %get3A_233 = arith.constant 112 : index
      %get3A_234 = tpu.vector_load %arg9[%get3A_233] {strides = array<i32>} : memref<128xi32, #tpu.memory_space<vmem>>, vector<16xi32>,
      %swap3A_235 = arith.constant 112 : index
      %swap3A_236 = tpu.vector_load %arg10[%swap3A_235] {strides = array<i32>} : memref<128xi32, #tpu.memory_space<vmem>>, vector<16xi32>,
      tpu.vector_store %arg10[%swap3A_235], %get3A_234 {strides = array<i32>} : memref<128xi32, #tpu.memory_space<vmem>>, vector<16xi32>,
      %add3A_237 = arith.constant 2 : i32
      %add3A_238 = arith.addi %add3A_196, %add3A_237 : i32
      %sub3A_239 = arith.constant 2 : i32
      %sub3A_240 = arith.subi %select_n3A_75, %sub3A_239 : i32
      %add3A_241 = arith.constant 0 : i32
      %add3A_242 = arith.addi %sub3A_240, %add3A_241 : i32
      %min3A = arith.minsi %add3A_238, %add3A_242 : i32
      %mul3A_243 = arith.constant 128 : i32
      %mul3A_244 = arith.muli %min3A, %mul3A_243 : i32
      %add3A_245 = arith.addi %add3A_81, %mul3A_244 : i32
      %dma_start3A_246 = tpu.memref_slice %arg4[%add3A_245] : memref<327680xi32, #tpu.memory_space<hbm>> -> memref<128xi32, #tpu.memory_space<hbm>>
      %dma_start3A_247 = tpu.memref_slice %arg4[%add3A_245] : memref<327680xi32, #tpu.memory_space<hbm>> -> memref<128xi32, #tpu.memory_space<hbm>>
      tpu.enqueue_dma source(%dma_start3A_247 : memref<128xi32, #tpu.memory_space<hbm>>) target(%arg8 : memref<128xi32, #tpu.memory_space<vmem>>) target_semaphore(%arg28 : memref<!tpu.dma_semaphore, #tpu.memory_space<semaphore_mem>>)
      %dma_start3A_248 = tpu.memref_slice %arg5[%add3A_245] : memref<327680xi32, #tpu.memory_space<hbm>> -> memref<128xi32, #tpu.memory_space<hbm>>
      %dma_start3A_249 = tpu.memref_slice %arg5[%add3A_245] : memref<327680xi32, #tpu.memory_space<hbm>> -> memref<128xi32, #tpu.memory_space<hbm>>
      tpu.enqueue_dma source(%dma_start3A_249 : memref<128xi32, #tpu.memory_space<hbm>>) target(%arg9 : memref<128xi32, #tpu.memory_space<vmem>>) target_semaphore(%arg28 : memref<!tpu.dma_semaphore, #tpu.memory_space<semaphore_mem>>)
      %parallel_loop3A = arith.constant 0 : i32
      %parallel_loop3A_250 = arith.constant 128 : i32
      %parallel_loop3A_251 = arith.constant 1 : i32
      scf.for %parallel_loop3A_347 = %parallel_loop3A to %parallel_loop3A_250 step %parallel_loop3A_251  : i32 {
        %parallel_loop3A_348 = arith.index_cast %parallel_loop3A_347 : i32 to index
        %parallel_loop3A_349 = arith.constant 0 : index
        %parallel_loop3A_350 = tpu.vector_load %arg11[%parallel_loop3A_348, %parallel_loop3A_349] {strides = array<i32>} : memref<128x64xbf16, #tpu.memory_space<vmem>>, vector<32xbf16>,
        %parallel_loop3A_351 = arith.index_cast %parallel_loop3A_347 : i32 to index
        %parallel_loop3A_352 = arith.constant 0 : index
        %parallel_loop3A_353 = tpu.vector_load %arg12[%parallel_loop3A_351, %parallel_loop3A_352] {strides = array<i32>} : memref<128x64xbf16, #tpu.memory_space<vmem>>, vector<32xbf16>,
        %parallel_loop3A_354 = arith.addf %parallel_loop3A_350, %parallel_loop3A_353 : vector<32xbf16>
        %parallel_loop3A_355 = arith.constant 0.000000e+00 : bf16
        %parallel_loop3A_356 = vector.broadcast %parallel_loop3A_355 : bf16 to vector<32xbf16>
        %parallel_loop3A_357 = arith.maximumf %parallel_loop3A_354, %parallel_loop3A_356 : vector<32xbf16>
        %parallel_loop3A_358 = tpu.unpack_subelements %parallel_loop3A_357, 0 {pack_format = #tpu.pack_format<interleaved>} : vector<32xbf16> -> vector<16xf32>
        %parallel_loop3A_359 = tpu.unpack_subelements %parallel_loop3A_357, 1 {pack_format = #tpu.pack_format<interleaved>} : vector<32xbf16> -> vector<16xf32>
        %parallel_loop3A_360 = arith.index_cast %parallel_loop3A_347 : i32 to index
        %parallel_loop3A_361 = arith.constant 0 : index
        %parallel_loop3A_362 = tpu.vector_load %arg13[%parallel_loop3A_360, %parallel_loop3A_361] {strides = array<i32>} : memref<128x64xf32, #tpu.memory_space<vmem>>, vector<16xf32>,
        tpu.vector_store %arg13[%parallel_loop3A_360, %parallel_loop3A_361], %parallel_loop3A_358 {strides = array<i32>} : memref<128x64xf32, #tpu.memory_space<vmem>>, vector<16xf32>,
        %parallel_loop3A_363 = arith.index_cast %parallel_loop3A_347 : i32 to index
        %parallel_loop3A_364 = arith.constant 16 : index
        %parallel_loop3A_365 = tpu.vector_load %arg13[%parallel_loop3A_363, %parallel_loop3A_364] {strides = array<i32>} : memref<128x64xf32, #tpu.memory_space<vmem>>, vector<16xf32>,
        tpu.vector_store %arg13[%parallel_loop3A_363, %parallel_loop3A_364], %parallel_loop3A_359 {strides = array<i32>} : memref<128x64xf32, #tpu.memory_space<vmem>>, vector<16xf32>,
        %parallel_loop3A_366 = arith.index_cast %parallel_loop3A_347 : i32 to index
        %parallel_loop3A_367 = arith.constant 32 : index
        %parallel_loop3A_368 = tpu.vector_load %arg11[%parallel_loop3A_366, %parallel_loop3A_367] {strides = array<i32>} : memref<128x64xbf16, #tpu.memory_space<vmem>>, vector<32xbf16>,
        %parallel_loop3A_369 = arith.index_cast %parallel_loop3A_347 : i32 to index
        %parallel_loop3A_370 = arith.constant 32 : index
        %parallel_loop3A_371 = tpu.vector_load %arg12[%parallel_loop3A_369, %parallel_loop3A_370] {strides = array<i32>} : memref<128x64xbf16, #tpu.memory_space<vmem>>, vector<32xbf16>,
        %parallel_loop3A_372 = arith.addf %parallel_loop3A_368, %parallel_loop3A_371 : vector<32xbf16>
        %parallel_loop3A_373 = arith.constant 0.000000e+00 : bf16
        %parallel_loop3A_374 = vector.broadcast %parallel_loop3A_373 : bf16 to vector<32xbf16>
        %parallel_loop3A_375 = arith.maximumf %parallel_loop3A_372, %parallel_loop3A_374 : vector<32xbf16>
        %parallel_loop3A_376 = tpu.unpack_subelements %parallel_loop3A_375, 0 {pack_format = #tpu.pack_format<interleaved>} : vector<32xbf16> -> vector<16xf32>
        %parallel_loop3A_377 = tpu.unpack_subelements %parallel_loop3A_375, 1 {pack_format = #tpu.pack_format<interleaved>} : vector<32xbf16> -> vector<16xf32>
        %parallel_loop3A_378 = arith.index_cast %parallel_loop3A_347 : i32 to index
        %parallel_loop3A_379 = arith.constant 32 : index
        %parallel_loop3A_380 = tpu.vector_load %arg13[%parallel_loop3A_378, %parallel_loop3A_379] {strides = array<i32>} : memref<128x64xf32, #tpu.memory_space<vmem>>, vector<16xf32>,
        tpu.vector_store %arg13[%parallel_loop3A_378, %parallel_loop3A_379], %parallel_loop3A_376 {strides = array<i32>} : memref<128x64xf32, #tpu.memory_space<vmem>>, vector<16xf32>,
        %parallel_loop3A_381 = arith.index_cast %parallel_loop3A_347 : i32 to index
        %parallel_loop3A_382 = arith.constant 48 : index
        %parallel_loop3A_383 = tpu.vector_load %arg13[%parallel_loop3A_381, %parallel_loop3A_382] {strides = array<i32>} : memref<128x64xf32, #tpu.memory_space<vmem>>, vector<16xf32>,
        tpu.vector_store %arg13[%parallel_loop3A_381, %parallel_loop3A_382], %parallel_loop3A_377 {strides = array<i32>} : memref<128x64xf32, #tpu.memory_space<vmem>>, vector<16xf32>,
      } {sc.loop_unroll_factor = 8 : i64, sc.parallel_access}
      %dma_start3A_252 = arith.constant 0 : i32
      %dma_start3A_253 = arith.constant 0 : i32
      %dma_start3A_254 = tpu.memref_slice %arg22[%dma_start3A_252, %dma_start3A_253] : memref<10240x64xf32, #tpu.memory_space<vmem_shared>> -> memref<10240x64xf32, #tpu.memory_space<vmem_shared>>
      tpu.enqueue_indirect_dma source(%arg13 : memref<128x64xf32, #tpu.memory_space<vmem>>) target(%dma_start3A_254 : memref<10240x64xf32, #tpu.memory_space<vmem_shared>>) offsets(%arg10 : memref<128xi32, #tpu.memory_space<vmem>>) semaphore(%arg26 : memref<!tpu.dma_semaphore, #tpu.memory_space<semaphore_mem>>) {add = true}
      %dma_start3A_255 = arith.constant 0 : i32
      %dma_start3A_256 = tpu.memref_slice %arg23[%dma_start3A_255] : memref<10240xf32, #tpu.memory_space<vmem_shared>> -> memref<10240xf32, #tpu.memory_space<vmem_shared>>
      tpu.enqueue_indirect_dma source(%arg20 : memref<128xf32, #tpu.memory_space<vmem>>) target(%dma_start3A_256 : memref<10240xf32, #tpu.memory_space<vmem_shared>>) offsets(%arg10 : memref<128xi32, #tpu.memory_space<vmem>>) semaphore(%arg26 : memref<!tpu.dma_semaphore, #tpu.memory_space<semaphore_mem>>) {add = true}
      %dma_wait3A_257 = tpu.memref_slice %arg4[%add3A_245] : memref<327680xi32, #tpu.memory_space<hbm>> -> memref<128xi32, #tpu.memory_space<hbm>>
      %dma_wait3A_258 = tpu.memref_slice %arg4[%add3A_245] : memref<327680xi32, #tpu.memory_space<hbm>> -> memref<128xi32, #tpu.memory_space<hbm>>
      tpu.wait_dma2 semaphore(%arg28 : memref<!tpu.dma_semaphore, #tpu.memory_space<semaphore_mem>>) src(%dma_wait3A_258 : memref<128xi32, #tpu.memory_space<hbm>>) dst(%arg8 : memref<128xi32, #tpu.memory_space<vmem>>)
      %dma_wait3A_259 = tpu.memref_slice %arg5[%add3A_245] : memref<327680xi32, #tpu.memory_space<hbm>> -> memref<128xi32, #tpu.memory_space<hbm>>
      %dma_wait3A_260 = tpu.memref_slice %arg5[%add3A_245] : memref<327680xi32, #tpu.memory_space<hbm>> -> memref<128xi32, #tpu.memory_space<hbm>>
      tpu.wait_dma2 semaphore(%arg28 : memref<!tpu.dma_semaphore, #tpu.memory_space<semaphore_mem>>) src(%dma_wait3A_260 : memref<128xi32, #tpu.memory_space<hbm>>) dst(%arg9 : memref<128xi32, #tpu.memory_space<vmem>>)
      %dma_start3A_261 = arith.constant 0 : i32
      %dma_start3A_262 = arith.constant 0 : i32
      %dma_start3A_263 = tpu.memref_slice %arg2[%dma_start3A_261, %dma_start3A_262] : memref<10000x64xbf16, #tpu.memory_space<hbm>> -> memref<10000x64xbf16, #tpu.memory_space<hbm>>
      tpu.enqueue_indirect_dma source(%dma_start3A_263 : memref<10000x64xbf16, #tpu.memory_space<hbm>>) target(%arg11 : memref<128x64xbf16, #tpu.memory_space<vmem>>) offsets(%arg8 : memref<128xi32, #tpu.memory_space<vmem>>) semaphore(%arg24 : memref<!tpu.dma_semaphore, #tpu.memory_space<semaphore_mem>>)
      %dma_start3A_264 = arith.constant 0 : i32
      %dma_start3A_265 = arith.constant 0 : i32
      %dma_start3A_266 = tpu.memref_slice %arg3[%dma_start3A_264, %dma_start3A_265] : memref<10016x64xbf16, #tpu.memory_space<hbm>> -> memref<10016x64xbf16, #tpu.memory_space<hbm>>
      tpu.enqueue_indirect_dma source(%dma_start3A_266 : memref<10016x64xbf16, #tpu.memory_space<hbm>>) target(%arg12 : memref<128x64xbf16, #tpu.memory_space<vmem>>) offsets(%arg9 : memref<128xi32, #tpu.memory_space<vmem>>) semaphore(%arg24 : memref<!tpu.dma_semaphore, #tpu.memory_space<semaphore_mem>>)
      %mul3A_267 = arith.constant 2 : i32
      %mul3A_268 = arith.muli %mul3A_267, %while3A_191 : i32
      %add3A_269 = arith.constant 1 : i32
      %add3A_270 = arith.addi %mul3A_268, %add3A_269 : i32
      %dma_wait3A_271 = arith.constant 0 : i32
      %dma_wait3A_272 = arith.constant 0 : i32
      %dma_wait3A_273 = tpu.memref_slice %arg2[%dma_wait3A_271, %dma_wait3A_272] : memref<10000x64xbf16, #tpu.memory_space<hbm>> -> memref<10000x64xbf16, #tpu.memory_space<hbm>>
      tpu.wait_indirect_dma semaphore(%arg25 : memref<!tpu.dma_semaphore, #tpu.memory_space<semaphore_mem>>) src(%dma_wait3A_273 : memref<10000x64xbf16, #tpu.memory_space<hbm>>) dst(%arg17 : memref<128x64xbf16, #tpu.memory_space<vmem>>)
      %dma_wait3A_274 = arith.constant 0 : i32
      %dma_wait3A_275 = arith.constant 0 : i32
      %dma_wait3A_276 = tpu.memref_slice %arg3[%dma_wait3A_274, %dma_wait3A_275] : memref<10016x64xbf16, #tpu.memory_space<hbm>> -> memref<10016x64xbf16, #tpu.memory_space<hbm>>
      tpu.wait_indirect_dma semaphore(%arg25 : memref<!tpu.dma_semaphore, #tpu.memory_space<semaphore_mem>>) src(%dma_wait3A_276 : memref<10016x64xbf16, #tpu.memory_space<hbm>>) dst(%arg18 : memref<128x64xbf16, #tpu.memory_space<vmem>>)
      %ne3A_277 = arith.constant 0 : i32
      %ne3A_278 = arith.cmpi ne, %while3A_191, %ne3A_277 : i32
      %convert_element_type3A_279 = arith.extui %ne3A_278 : i1 to i32
      %cond3A_280 = arith.constant 0 : i32
      %cond3A_281 = arith.cmpi ne, %convert_element_type3A_279, %cond3A_280 : i32
      scf.if %cond3A_281 {
        %dma_wait3A_347 = arith.constant 0 : i32
        %dma_wait3A_348 = arith.constant 0 : i32
        %dma_wait3A_349 = tpu.memref_slice %arg22[%dma_wait3A_347, %dma_wait3A_348] : memref<10240x64xf32, #tpu.memory_space<vmem_shared>> -> memref<10240x64xf32, #tpu.memory_space<vmem_shared>>
        tpu.wait_indirect_dma semaphore(%arg27 : memref<!tpu.dma_semaphore, #tpu.memory_space<semaphore_mem>>) src(%arg19 : memref<128x64xf32, #tpu.memory_space<vmem>>) dst(%dma_wait3A_349 : memref<10240x64xf32, #tpu.memory_space<vmem_shared>>)
        %dma_wait3A_350 = arith.constant 0 : i32
        %dma_wait3A_351 = tpu.memref_slice %arg23[%dma_wait3A_350] : memref<10240xf32, #tpu.memory_space<vmem_shared>> -> memref<10240xf32, #tpu.memory_space<vmem_shared>>
        tpu.wait_indirect_dma semaphore(%arg27 : memref<!tpu.dma_semaphore, #tpu.memory_space<semaphore_mem>>) src(%arg20 : memref<128xf32, #tpu.memory_space<vmem>>) dst(%dma_wait3A_351 : memref<10240xf32, #tpu.memory_space<vmem_shared>>)
      } else {
      }
      %get3A_282 = arith.constant 0 : index
      %get3A_283 = tpu.vector_load %arg15[%get3A_282] {strides = array<i32>} : memref<128xi32, #tpu.memory_space<vmem>>, vector<16xi32>,
      %swap3A_284 = arith.constant 0 : index
      %swap3A_285 = tpu.vector_load %arg16[%swap3A_284] {strides = array<i32>} : memref<128xi32, #tpu.memory_space<vmem>>, vector<16xi32>,
      tpu.vector_store %arg16[%swap3A_284], %get3A_283 {strides = array<i32>} : memref<128xi32, #tpu.memory_space<vmem>>, vector<16xi32>,
      %get3A_286 = arith.constant 16 : index
      %get3A_287 = tpu.vector_load %arg15[%get3A_286] {strides = array<i32>} : memref<128xi32, #tpu.memory_space<vmem>>, vector<16xi32>,
      %swap3A_288 = arith.constant 16 : index
      %swap3A_289 = tpu.vector_load %arg16[%swap3A_288] {strides = array<i32>} : memref<128xi32, #tpu.memory_space<vmem>>, vector<16xi32>,
      tpu.vector_store %arg16[%swap3A_288], %get3A_287 {strides = array<i32>} : memref<128xi32, #tpu.memory_space<vmem>>, vector<16xi32>,
      %get3A_290 = arith.constant 32 : index
      %get3A_291 = tpu.vector_load %arg15[%get3A_290] {strides = array<i32>} : memref<128xi32, #tpu.memory_space<vmem>>, vector<16xi32>,
      %swap3A_292 = arith.constant 32 : index
      %swap3A_293 = tpu.vector_load %arg16[%swap3A_292] {strides = array<i32>} : memref<128xi32, #tpu.memory_space<vmem>>, vector<16xi32>,
      tpu.vector_store %arg16[%swap3A_292], %get3A_291 {strides = array<i32>} : memref<128xi32, #tpu.memory_space<vmem>>, vector<16xi32>,
      %get3A_294 = arith.constant 48 : index
      %get3A_295 = tpu.vector_load %arg15[%get3A_294] {strides = array<i32>} : memref<128xi32, #tpu.memory_space<vmem>>, vector<16xi32>,
      %swap3A_296 = arith.constant 48 : index
      %swap3A_297 = tpu.vector_load %arg16[%swap3A_296] {strides = array<i32>} : memref<128xi32, #tpu.memory_space<vmem>>, vector<16xi32>,
      tpu.vector_store %arg16[%swap3A_296], %get3A_295 {strides = array<i32>} : memref<128xi32, #tpu.memory_space<vmem>>, vector<16xi32>,
      %get3A_298 = arith.constant 64 : index
      %get3A_299 = tpu.vector_load %arg15[%get3A_298] {strides = array<i32>} : memref<128xi32, #tpu.memory_space<vmem>>, vector<16xi32>,
      %swap3A_300 = arith.constant 64 : index
      %swap3A_301 = tpu.vector_load %arg16[%swap3A_300] {strides = array<i32>} : memref<128xi32, #tpu.memory_space<vmem>>, vector<16xi32>,
      tpu.vector_store %arg16[%swap3A_300], %get3A_299 {strides = array<i32>} : memref<128xi32, #tpu.memory_space<vmem>>, vector<16xi32>,
      %get3A_302 = arith.constant 80 : index
      %get3A_303 = tpu.vector_load %arg15[%get3A_302] {strides = array<i32>} : memref<128xi32, #tpu.memory_space<vmem>>, vector<16xi32>,
      %swap3A_304 = arith.constant 80 : index
      %swap3A_305 = tpu.vector_load %arg16[%swap3A_304] {strides = array<i32>} : memref<128xi32, #tpu.memory_space<vmem>>, vector<16xi32>,
      tpu.vector_store %arg16[%swap3A_304], %get3A_303 {strides = array<i32>} : memref<128xi32, #tpu.memory_space<vmem>>, vector<16xi32>,
      %get3A_306 = arith.constant 96 : index
      %get3A_307 = tpu.vector_load %arg15[%get3A_306] {strides = array<i32>} : memref<128xi32, #tpu.memory_space<vmem>>, vector<16xi32>,
      %swap3A_308 = arith.constant 96 : index
      %swap3A_309 = tpu.vector_load %arg16[%swap3A_308] {strides = array<i32>} : memref<128xi32, #tpu.memory_space<vmem>>, vector<16xi32>,
      tpu.vector_store %arg16[%swap3A_308], %get3A_307 {strides = array<i32>} : memref<128xi32, #tpu.memory_space<vmem>>, vector<16xi32>,
      %get3A_310 = arith.constant 112 : index
      %get3A_311 = tpu.vector_load %arg15[%get3A_310] {strides = array<i32>} : memref<128xi32, #tpu.memory_space<vmem>>, vector<16xi32>,
      %swap3A_312 = arith.constant 112 : index
      %swap3A_313 = tpu.vector_load %arg16[%swap3A_312] {strides = array<i32>} : memref<128xi32, #tpu.memory_space<vmem>>, vector<16xi32>,
      tpu.vector_store %arg16[%swap3A_312], %get3A_311 {strides = array<i32>} : memref<128xi32, #tpu.memory_space<vmem>>, vector<16xi32>,
      %add3A_314 = arith.constant 2 : i32
      %add3A_315 = arith.addi %add3A_270, %add3A_314 : i32
      %sub3A_316 = arith.constant 2 : i32
      %sub3A_317 = arith.subi %select_n3A_75, %sub3A_316 : i32
      %add3A_318 = arith.constant 1 : i32
      %add3A_319 = arith.addi %sub3A_317, %add3A_318 : i32
      %min3A_320 = arith.minsi %add3A_315, %add3A_319 : i32
      %mul3A_321 = arith.constant 128 : i32
      %mul3A_322 = arith.muli %min3A_320, %mul3A_321 : i32
      %add3A_323 = arith.addi %add3A_81, %mul3A_322 : i32
      %dma_start3A_324 = tpu.memref_slice %arg4[%add3A_323] : memref<327680xi32, #tpu.memory_space<hbm>> -> memref<128xi32, #tpu.memory_space<hbm>>
      %dma_start3A_325 = tpu.memref_slice %arg4[%add3A_323] : memref<327680xi32, #tpu.memory_space<hbm>> -> memref<128xi32, #tpu.memory_space<hbm>>
      tpu.enqueue_dma source(%dma_start3A_325 : memref<128xi32, #tpu.memory_space<hbm>>) target(%arg14 : memref<128xi32, #tpu.memory_space<vmem>>) target_semaphore(%arg29 : memref<!tpu.dma_semaphore, #tpu.memory_space<semaphore_mem>>)
      %dma_start3A_326 = tpu.memref_slice %arg5[%add3A_323] : memref<327680xi32, #tpu.memory_space<hbm>> -> memref<128xi32, #tpu.memory_space<hbm>>
      %dma_start3A_327 = tpu.memref_slice %arg5[%add3A_323] : memref<327680xi32, #tpu.memory_space<hbm>> -> memref<128xi32, #tpu.memory_space<hbm>>
      tpu.enqueue_dma source(%dma_start3A_327 : memref<128xi32, #tpu.memory_space<hbm>>) target(%arg15 : memref<128xi32, #tpu.memory_space<vmem>>) target_semaphore(%arg29 : memref<!tpu.dma_semaphore, #tpu.memory_space<semaphore_mem>>)
      %parallel_loop3A_328 = arith.constant 0 : i32
      %parallel_loop3A_329 = arith.constant 128 : i32
      %parallel_loop3A_330 = arith.constant 1 : i32
      scf.for %parallel_loop3A_347 = %parallel_loop3A_328 to %parallel_loop3A_329 step %parallel_loop3A_330  : i32 {
        %parallel_loop3A_348 = arith.index_cast %parallel_loop3A_347 : i32 to index
        %parallel_loop3A_349 = arith.constant 0 : index
        %parallel_loop3A_350 = tpu.vector_load %arg17[%parallel_loop3A_348, %parallel_loop3A_349] {strides = array<i32>} : memref<128x64xbf16, #tpu.memory_space<vmem>>, vector<32xbf16>,
        %parallel_loop3A_351 = arith.index_cast %parallel_loop3A_347 : i32 to index
        %parallel_loop3A_352 = arith.constant 0 : index
        %parallel_loop3A_353 = tpu.vector_load %arg18[%parallel_loop3A_351, %parallel_loop3A_352] {strides = array<i32>} : memref<128x64xbf16, #tpu.memory_space<vmem>>, vector<32xbf16>,
        %parallel_loop3A_354 = arith.addf %parallel_loop3A_350, %parallel_loop3A_353 : vector<32xbf16>
        %parallel_loop3A_355 = arith.constant 0.000000e+00 : bf16
        %parallel_loop3A_356 = vector.broadcast %parallel_loop3A_355 : bf16 to vector<32xbf16>
        %parallel_loop3A_357 = arith.maximumf %parallel_loop3A_354, %parallel_loop3A_356 : vector<32xbf16>
        %parallel_loop3A_358 = tpu.unpack_subelements %parallel_loop3A_357, 0 {pack_format = #tpu.pack_format<interleaved>} : vector<32xbf16> -> vector<16xf32>
        %parallel_loop3A_359 = tpu.unpack_subelements %parallel_loop3A_357, 1 {pack_format = #tpu.pack_format<interleaved>} : vector<32xbf16> -> vector<16xf32>
        %parallel_loop3A_360 = arith.index_cast %parallel_loop3A_347 : i32 to index
        %parallel_loop3A_361 = arith.constant 0 : index
        %parallel_loop3A_362 = tpu.vector_load %arg19[%parallel_loop3A_360, %parallel_loop3A_361] {strides = array<i32>} : memref<128x64xf32, #tpu.memory_space<vmem>>, vector<16xf32>,
        tpu.vector_store %arg19[%parallel_loop3A_360, %parallel_loop3A_361], %parallel_loop3A_358 {strides = array<i32>} : memref<128x64xf32, #tpu.memory_space<vmem>>, vector<16xf32>,
        %parallel_loop3A_363 = arith.index_cast %parallel_loop3A_347 : i32 to index
        %parallel_loop3A_364 = arith.constant 16 : index
        %parallel_loop3A_365 = tpu.vector_load %arg19[%parallel_loop3A_363, %parallel_loop3A_364] {strides = array<i32>} : memref<128x64xf32, #tpu.memory_space<vmem>>, vector<16xf32>,
        tpu.vector_store %arg19[%parallel_loop3A_363, %parallel_loop3A_364], %parallel_loop3A_359 {strides = array<i32>} : memref<128x64xf32, #tpu.memory_space<vmem>>, vector<16xf32>,
        %parallel_loop3A_366 = arith.index_cast %parallel_loop3A_347 : i32 to index
        %parallel_loop3A_367 = arith.constant 32 : index
        %parallel_loop3A_368 = tpu.vector_load %arg17[%parallel_loop3A_366, %parallel_loop3A_367] {strides = array<i32>} : memref<128x64xbf16, #tpu.memory_space<vmem>>, vector<32xbf16>,
        %parallel_loop3A_369 = arith.index_cast %parallel_loop3A_347 : i32 to index
        %parallel_loop3A_370 = arith.constant 32 : index
        %parallel_loop3A_371 = tpu.vector_load %arg18[%parallel_loop3A_369, %parallel_loop3A_370] {strides = array<i32>} : memref<128x64xbf16, #tpu.memory_space<vmem>>, vector<32xbf16>,
        %parallel_loop3A_372 = arith.addf %parallel_loop3A_368, %parallel_loop3A_371 : vector<32xbf16>
        %parallel_loop3A_373 = arith.constant 0.000000e+00 : bf16
        %parallel_loop3A_374 = vector.broadcast %parallel_loop3A_373 : bf16 to vector<32xbf16>
        %parallel_loop3A_375 = arith.maximumf %parallel_loop3A_372, %parallel_loop3A_374 : vector<32xbf16>
        %parallel_loop3A_376 = tpu.unpack_subelements %parallel_loop3A_375, 0 {pack_format = #tpu.pack_format<interleaved>} : vector<32xbf16> -> vector<16xf32>
        %parallel_loop3A_377 = tpu.unpack_subelements %parallel_loop3A_375, 1 {pack_format = #tpu.pack_format<interleaved>} : vector<32xbf16> -> vector<16xf32>
        %parallel_loop3A_378 = arith.index_cast %parallel_loop3A_347 : i32 to index
        %parallel_loop3A_379 = arith.constant 32 : index
        %parallel_loop3A_380 = tpu.vector_load %arg19[%parallel_loop3A_378, %parallel_loop3A_379] {strides = array<i32>} : memref<128x64xf32, #tpu.memory_space<vmem>>, vector<16xf32>,
        tpu.vector_store %arg19[%parallel_loop3A_378, %parallel_loop3A_379], %parallel_loop3A_376 {strides = array<i32>} : memref<128x64xf32, #tpu.memory_space<vmem>>, vector<16xf32>,
        %parallel_loop3A_381 = arith.index_cast %parallel_loop3A_347 : i32 to index
        %parallel_loop3A_382 = arith.constant 48 : index
        %parallel_loop3A_383 = tpu.vector_load %arg19[%parallel_loop3A_381, %parallel_loop3A_382] {strides = array<i32>} : memref<128x64xf32, #tpu.memory_space<vmem>>, vector<16xf32>,
        tpu.vector_store %arg19[%parallel_loop3A_381, %parallel_loop3A_382], %parallel_loop3A_377 {strides = array<i32>} : memref<128x64xf32, #tpu.memory_space<vmem>>, vector<16xf32>,
      } {sc.loop_unroll_factor = 8 : i64, sc.parallel_access}
      %dma_start3A_331 = arith.constant 0 : i32
      %dma_start3A_332 = arith.constant 0 : i32
      %dma_start3A_333 = tpu.memref_slice %arg22[%dma_start3A_331, %dma_start3A_332] : memref<10240x64xf32, #tpu.memory_space<vmem_shared>> -> memref<10240x64xf32, #tpu.memory_space<vmem_shared>>
      tpu.enqueue_indirect_dma source(%arg19 : memref<128x64xf32, #tpu.memory_space<vmem>>) target(%dma_start3A_333 : memref<10240x64xf32, #tpu.memory_space<vmem_shared>>) offsets(%arg16 : memref<128xi32, #tpu.memory_space<vmem>>) semaphore(%arg27 : memref<!tpu.dma_semaphore, #tpu.memory_space<semaphore_mem>>) {add = true}
      %dma_start3A_334 = arith.constant 0 : i32
      %dma_start3A_335 = tpu.memref_slice %arg23[%dma_start3A_334] : memref<10240xf32, #tpu.memory_space<vmem_shared>> -> memref<10240xf32, #tpu.memory_space<vmem_shared>>
      tpu.enqueue_indirect_dma source(%arg20 : memref<128xf32, #tpu.memory_space<vmem>>) target(%dma_start3A_335 : memref<10240xf32, #tpu.memory_space<vmem_shared>>) offsets(%arg16 : memref<128xi32, #tpu.memory_space<vmem>>) semaphore(%arg27 : memref<!tpu.dma_semaphore, #tpu.memory_space<semaphore_mem>>) {add = true}
      %dma_wait3A_336 = tpu.memref_slice %arg4[%add3A_323] : memref<327680xi32, #tpu.memory_space<hbm>> -> memref<128xi32, #tpu.memory_space<hbm>>
      %dma_wait3A_337 = tpu.memref_slice %arg4[%add3A_323] : memref<327680xi32, #tpu.memory_space<hbm>> -> memref<128xi32, #tpu.memory_space<hbm>>
      tpu.wait_dma2 semaphore(%arg29 : memref<!tpu.dma_semaphore, #tpu.memory_space<semaphore_mem>>) src(%dma_wait3A_337 : memref<128xi32, #tpu.memory_space<hbm>>) dst(%arg14 : memref<128xi32, #tpu.memory_space<vmem>>)
      %dma_wait3A_338 = tpu.memref_slice %arg5[%add3A_323] : memref<327680xi32, #tpu.memory_space<hbm>> -> memref<128xi32, #tpu.memory_space<hbm>>
      %dma_wait3A_339 = tpu.memref_slice %arg5[%add3A_323] : memref<327680xi32, #tpu.memory_space<hbm>> -> memref<128xi32, #tpu.memory_space<hbm>>
      tpu.wait_dma2 semaphore(%arg29 : memref<!tpu.dma_semaphore, #tpu.memory_space<semaphore_mem>>) src(%dma_wait3A_339 : memref<128xi32, #tpu.memory_space<hbm>>) dst(%arg15 : memref<128xi32, #tpu.memory_space<vmem>>)
      %dma_start3A_340 = arith.constant 0 : i32
      %dma_start3A_341 = arith.constant 0 : i32
      %dma_start3A_342 = tpu.memref_slice %arg2[%dma_start3A_340, %dma_start3A_341] : memref<10000x64xbf16, #tpu.memory_space<hbm>> -> memref<10000x64xbf16, #tpu.memory_space<hbm>>
      tpu.enqueue_indirect_dma source(%dma_start3A_342 : memref<10000x64xbf16, #tpu.memory_space<hbm>>) target(%arg17 : memref<128x64xbf16, #tpu.memory_space<vmem>>) offsets(%arg14 : memref<128xi32, #tpu.memory_space<vmem>>) semaphore(%arg25 : memref<!tpu.dma_semaphore, #tpu.memory_space<semaphore_mem>>)
      %dma_start3A_343 = arith.constant 0 : i32
      %dma_start3A_344 = arith.constant 0 : i32
      %dma_start3A_345 = tpu.memref_slice %arg3[%dma_start3A_343, %dma_start3A_344] : memref<10016x64xbf16, #tpu.memory_space<hbm>> -> memref<10016x64xbf16, #tpu.memory_space<hbm>>
      tpu.enqueue_indirect_dma source(%dma_start3A_345 : memref<10016x64xbf16, #tpu.memory_space<hbm>>) target(%arg18 : memref<128x64xbf16, #tpu.memory_space<vmem>>) offsets(%arg15 : memref<128xi32, #tpu.memory_space<vmem>>) semaphore(%arg25 : memref<!tpu.dma_semaphore, #tpu.memory_space<semaphore_mem>>)
      %while3A_346 = arith.constant 0 : i32
      scf.yield %while3A_346 : i32
    }
    %dma_wait3A = arith.constant 0 : i32
    %dma_wait3A_125 = arith.constant 0 : i32
    %dma_wait3A_126 = tpu.memref_slice %arg2[%dma_wait3A, %dma_wait3A_125] : memref<10000x64xbf16, #tpu.memory_space<hbm>> -> memref<10000x64xbf16, #tpu.memory_space<hbm>>
    tpu.wait_indirect_dma semaphore(%arg24 : memref<!tpu.dma_semaphore, #tpu.memory_space<semaphore_mem>>) src(%dma_wait3A_126 : memref<10000x64xbf16, #tpu.memory_space<hbm>>) dst(%arg11 : memref<128x64xbf16, #tpu.memory_space<vmem>>)
    %dma_wait3A_127 = arith.constant 0 : i32
    %dma_wait3A_128 = arith.constant 0 : i32
    %dma_wait3A_129 = tpu.memref_slice %arg3[%dma_wait3A_127, %dma_wait3A_128] : memref<10016x64xbf16, #tpu.memory_space<hbm>> -> memref<10016x64xbf16, #tpu.memory_space<hbm>>
    tpu.wait_indirect_dma semaphore(%arg24 : memref<!tpu.dma_semaphore, #tpu.memory_space<semaphore_mem>>) src(%dma_wait3A_129 : memref<10016x64xbf16, #tpu.memory_space<hbm>>) dst(%arg12 : memref<128x64xbf16, #tpu.memory_space<vmem>>)
    %dma_wait3A_130 = arith.constant 0 : i32
    %dma_wait3A_131 = arith.constant 0 : i32
    %dma_wait3A_132 = tpu.memref_slice %arg22[%dma_wait3A_130, %dma_wait3A_131] : memref<10240x64xf32, #tpu.memory_space<vmem_shared>> -> memref<10240x64xf32, #tpu.memory_space<vmem_shared>>
    tpu.wait_indirect_dma semaphore(%arg26 : memref<!tpu.dma_semaphore, #tpu.memory_space<semaphore_mem>>) src(%arg13 : memref<128x64xf32, #tpu.memory_space<vmem>>) dst(%dma_wait3A_132 : memref<10240x64xf32, #tpu.memory_space<vmem_shared>>)
    %dma_wait3A_133 = arith.constant 0 : i32
    %dma_wait3A_134 = tpu.memref_slice %arg23[%dma_wait3A_133] : memref<10240xf32, #tpu.memory_space<vmem_shared>> -> memref<10240xf32, #tpu.memory_space<vmem_shared>>
    tpu.wait_indirect_dma semaphore(%arg26 : memref<!tpu.dma_semaphore, #tpu.memory_space<semaphore_mem>>) src(%arg20 : memref<128xf32, #tpu.memory_space<vmem>>) dst(%dma_wait3A_134 : memref<10240xf32, #tpu.memory_space<vmem_shared>>)
    %dma_wait3A_135 = arith.constant 0 : i32
    %dma_wait3A_136 = arith.constant 0 : i32
    %dma_wait3A_137 = tpu.memref_slice %arg2[%dma_wait3A_135, %dma_wait3A_136] : memref<10000x64xbf16, #tpu.memory_space<hbm>> -> memref<10000x64xbf16, #tpu.memory_space<hbm>>
    tpu.wait_indirect_dma semaphore(%arg25 : memref<!tpu.dma_semaphore, #tpu.memory_space<semaphore_mem>>) src(%dma_wait3A_137 : memref<10000x64xbf16, #tpu.memory_space<hbm>>) dst(%arg17 : memref<128x64xbf16, #tpu.memory_space<vmem>>)
    %dma_wait3A_138 = arith.constant 0 : i32
    %dma_wait3A_139 = arith.constant 0 : i32
    %dma_wait3A_140 = tpu.memref_slice %arg3[%dma_wait3A_138, %dma_wait3A_139] : memref<10016x64xbf16, #tpu.memory_space<hbm>> -> memref<10016x64xbf16, #tpu.memory_space<hbm>>
    tpu.wait_indirect_dma semaphore(%arg25 : memref<!tpu.dma_semaphore, #tpu.memory_space<semaphore_mem>>) src(%dma_wait3A_140 : memref<10016x64xbf16, #tpu.memory_space<hbm>>) dst(%arg18 : memref<128x64xbf16, #tpu.memory_space<vmem>>)
    %dma_wait3A_141 = arith.constant 0 : i32
    %dma_wait3A_142 = arith.constant 0 : i32
    %dma_wait3A_143 = tpu.memref_slice %arg22[%dma_wait3A_141, %dma_wait3A_142] : memref<10240x64xf32, #tpu.memory_space<vmem_shared>> -> memref<10240x64xf32, #tpu.memory_space<vmem_shared>>
    tpu.wait_indirect_dma semaphore(%arg27 : memref<!tpu.dma_semaphore, #tpu.memory_space<semaphore_mem>>) src(%arg19 : memref<128x64xf32, #tpu.memory_space<vmem>>) dst(%dma_wait3A_143 : memref<10240x64xf32, #tpu.memory_space<vmem_shared>>)
    %dma_wait3A_144 = arith.constant 0 : i32
    %dma_wait3A_145 = tpu.memref_slice %arg23[%dma_wait3A_144] : memref<10240xf32, #tpu.memory_space<vmem_shared>> -> memref<10240xf32, #tpu.memory_space<vmem_shared>>
    tpu.wait_indirect_dma semaphore(%arg27 : memref<!tpu.dma_semaphore, #tpu.memory_space<semaphore_mem>>) src(%arg20 : memref<128xf32, #tpu.memory_space<vmem>>) dst(%dma_wait3A_145 : memref<10240xf32, #tpu.memory_space<vmem_shared>>)
    %barrier3A_146 = arith.constant 0 : index
    tpu.barrier barrier_id(%barrier3A_146)
    %mul3A_147 = arith.constant 640 : i32
    %mul3A_148 = arith.muli %arg1, %mul3A_147 : i32
    %add3A_149 = arith.constant 0 : i32
    %add3A_150 = arith.addi %mul3A_148, %add3A_149 : i32
    "tpu.region"() ({
      %run_scoped3A = tpu.sem_alloc : memref<!tpu.dma_semaphore, #tpu.memory_space<semaphore_mem>>
      %dma_start3A_191 = arith.constant 0 : i32
      %dma_start3A_192 = tpu.memref_slice %arg22[%add3A_150, %dma_start3A_191] : memref<10240x64xf32, #tpu.memory_space<vmem_shared>> -> memref<128x64xf32, #tpu.memory_space<vmem_shared>>
      %dma_start3A_193 = arith.constant 0 : i32
      %dma_start3A_194 = tpu.memref_slice %arg22[%add3A_150, %dma_start3A_193] : memref<10240x64xf32, #tpu.memory_space<vmem_shared>> -> memref<128x64xf32, #tpu.memory_space<vmem_shared>>
      tpu.enqueue_dma source(%dma_start3A_194 : memref<128x64xf32, #tpu.memory_space<vmem_shared>>) target(%arg13 : memref<128x64xf32, #tpu.memory_space<vmem>>) target_semaphore(%run_scoped3A : memref<!tpu.dma_semaphore, #tpu.memory_space<semaphore_mem>>)
      %dma_wait3A_195 = arith.constant 0 : i32
      %dma_wait3A_196 = tpu.memref_slice %arg22[%add3A_150, %dma_wait3A_195] : memref<10240x64xf32, #tpu.memory_space<vmem_shared>> -> memref<128x64xf32, #tpu.memory_space<vmem_shared>>
      %dma_wait3A_197 = arith.constant 0 : i32
      %dma_wait3A_198 = tpu.memref_slice %arg22[%add3A_150, %dma_wait3A_197] : memref<10240x64xf32, #tpu.memory_space<vmem_shared>> -> memref<128x64xf32, #tpu.memory_space<vmem_shared>>
      tpu.wait_dma2 semaphore(%run_scoped3A : memref<!tpu.dma_semaphore, #tpu.memory_space<semaphore_mem>>) src(%dma_wait3A_198 : memref<128x64xf32, #tpu.memory_space<vmem_shared>>) dst(%arg13 : memref<128x64xf32, #tpu.memory_space<vmem>>)
      tpu.yield
    }) : () -> ()
    %mul3A_151 = arith.constant 640 : i32
    %mul3A_152 = arith.muli %arg1, %mul3A_151 : i32
    %add3A_153 = arith.constant 0 : i32
    %add3A_154 = arith.addi %mul3A_152, %add3A_153 : i32
    "tpu.region"() ({
      %run_scoped3A = tpu.sem_alloc : memref<!tpu.dma_semaphore, #tpu.memory_space<semaphore_mem>>
      %dma_start3A_191 = arith.constant 0 : i32
      %dma_start3A_192 = tpu.memref_slice %arg6[%arg0, %add3A_154, %dma_start3A_191] : memref<2x10240x64xf32, #tpu.memory_space<hbm>> -> memref<1x128x64xf32, #tpu.memory_space<hbm>>
      %dma_start3A_193 = tpu.memref_squeeze %dma_start3A_192 : memref<1x128x64xf32, #tpu.memory_space<hbm>> -> memref<128x64xf32, #tpu.memory_space<hbm>>
      %dma_start3A_194 = arith.constant 0 : i32
      %dma_start3A_195 = tpu.memref_slice %arg6[%arg0, %add3A_154, %dma_start3A_194] : memref<2x10240x64xf32, #tpu.memory_space<hbm>> -> memref<1x128x64xf32, #tpu.memory_space<hbm>>
      %dma_start3A_196 = tpu.memref_squeeze %dma_start3A_195 : memref<1x128x64xf32, #tpu.memory_space<hbm>> -> memref<128x64xf32, #tpu.memory_space<hbm>>
      tpu.enqueue_dma source(%arg13 : memref<128x64xf32, #tpu.memory_space<vmem>>) target(%dma_start3A_196 : memref<128x64xf32, #tpu.memory_space<hbm>>) target_semaphore(%run_scoped3A : memref<!tpu.dma_semaphore, #tpu.memory_space<semaphore_mem>>)
      %dma_wait3A_197 = arith.constant 0 : i32
      %dma_wait3A_198 = tpu.memref_slice %arg6[%arg0, %add3A_154, %dma_wait3A_197] : memref<2x10240x64xf32, #tpu.memory_space<hbm>> -> memref<1x128x64xf32, #tpu.memory_space<hbm>>
      %dma_wait3A_199 = tpu.memref_squeeze %dma_wait3A_198 : memref<1x128x64xf32, #tpu.memory_space<hbm>> -> memref<128x64xf32, #tpu.memory_space<hbm>>
      %dma_wait3A_200 = arith.constant 0 : i32
      %dma_wait3A_201 = tpu.memref_slice %arg6[%arg0, %add3A_154, %dma_wait3A_200] : memref<2x10240x64xf32, #tpu.memory_space<hbm>> -> memref<1x128x64xf32, #tpu.memory_space<hbm>>
      %dma_wait3A_202 = tpu.memref_squeeze %dma_wait3A_201 : memref<1x128x64xf32, #tpu.memory_space<hbm>> -> memref<128x64xf32, #tpu.memory_space<hbm>>
      tpu.wait_dma2 semaphore(%run_scoped3A : memref<!tpu.dma_semaphore, #tpu.memory_space<semaphore_mem>>) src(%arg13 : memref<128x64xf32, #tpu.memory_space<vmem>>) dst(%dma_wait3A_202 : memref<128x64xf32, #tpu.memory_space<hbm>>)
      tpu.yield
    }) : () -> ()
    %mul3A_155 = arith.constant 640 : i32
    %mul3A_156 = arith.muli %arg1, %mul3A_155 : i32
    %add3A_157 = arith.constant 128 : i32
    %add3A_158 = arith.addi %mul3A_156, %add3A_157 : i32
    "tpu.region"() ({
      %run_scoped3A = tpu.sem_alloc : memref<!tpu.dma_semaphore, #tpu.memory_space<semaphore_mem>>
      %dma_start3A_191 = arith.constant 0 : i32
      %dma_start3A_192 = tpu.memref_slice %arg22[%add3A_158, %dma_start3A_191] : memref<10240x64xf32, #tpu.memory_space<vmem_shared>> -> memref<128x64xf32, #tpu.memory_space<vmem_shared>>
      %dma_start3A_193 = arith.constant 0 : i32
      %dma_start3A_194 = tpu.memref_slice %arg22[%add3A_158, %dma_start3A_193] : memref<10240x64xf32, #tpu.memory_space<vmem_shared>> -> memref<128x64xf32, #tpu.memory_space<vmem_shared>>
      tpu.enqueue_dma source(%dma_start3A_194 : memref<128x64xf32, #tpu.memory_space<vmem_shared>>) target(%arg13 : memref<128x64xf32, #tpu.memory_space<vmem>>) target_semaphore(%run_scoped3A : memref<!tpu.dma_semaphore, #tpu.memory_space<semaphore_mem>>)
      %dma_wait3A_195 = arith.constant 0 : i32
      %dma_wait3A_196 = tpu.memref_slice %arg22[%add3A_158, %dma_wait3A_195] : memref<10240x64xf32, #tpu.memory_space<vmem_shared>> -> memref<128x64xf32, #tpu.memory_space<vmem_shared>>
      %dma_wait3A_197 = arith.constant 0 : i32
      %dma_wait3A_198 = tpu.memref_slice %arg22[%add3A_158, %dma_wait3A_197] : memref<10240x64xf32, #tpu.memory_space<vmem_shared>> -> memref<128x64xf32, #tpu.memory_space<vmem_shared>>
      tpu.wait_dma2 semaphore(%run_scoped3A : memref<!tpu.dma_semaphore, #tpu.memory_space<semaphore_mem>>) src(%dma_wait3A_198 : memref<128x64xf32, #tpu.memory_space<vmem_shared>>) dst(%arg13 : memref<128x64xf32, #tpu.memory_space<vmem>>)
      tpu.yield
    }) : () -> ()
    %mul3A_159 = arith.constant 640 : i32
    %mul3A_160 = arith.muli %arg1, %mul3A_159 : i32
    %add3A_161 = arith.constant 128 : i32
    %add3A_162 = arith.addi %mul3A_160, %add3A_161 : i32
    "tpu.region"() ({
      %run_scoped3A = tpu.sem_alloc : memref<!tpu.dma_semaphore, #tpu.memory_space<semaphore_mem>>
      %dma_start3A_191 = arith.constant 0 : i32
      %dma_start3A_192 = tpu.memref_slice %arg6[%arg0, %add3A_162, %dma_start3A_191] : memref<2x10240x64xf32, #tpu.memory_space<hbm>> -> memref<1x128x64xf32, #tpu.memory_space<hbm>>
      %dma_start3A_193 = tpu.memref_squeeze %dma_start3A_192 : memref<1x128x64xf32, #tpu.memory_space<hbm>> -> memref<128x64xf32, #tpu.memory_space<hbm>>
      %dma_start3A_194 = arith.constant 0 : i32
      %dma_start3A_195 = tpu.memref_slice %arg6[%arg0, %add3A_162, %dma_start3A_194] : memref<2x10240x64xf32, #tpu.memory_space<hbm>> -> memref<1x128x64xf32, #tpu.memory_space<hbm>>
      %dma_start3A_196 = tpu.memref_squeeze %dma_start3A_195 : memref<1x128x64xf32, #tpu.memory_space<hbm>> -> memref<128x64xf32, #tpu.memory_space<hbm>>
      tpu.enqueue_dma source(%arg13 : memref<128x64xf32, #tpu.memory_space<vmem>>) target(%dma_start3A_196 : memref<128x64xf32, #tpu.memory_space<hbm>>) target_semaphore(%run_scoped3A : memref<!tpu.dma_semaphore, #tpu.memory_space<semaphore_mem>>)
      %dma_wait3A_197 = arith.constant 0 : i32
      %dma_wait3A_198 = tpu.memref_slice %arg6[%arg0, %add3A_162, %dma_wait3A_197] : memref<2x10240x64xf32, #tpu.memory_space<hbm>> -> memref<1x128x64xf32, #tpu.memory_space<hbm>>
      %dma_wait3A_199 = tpu.memref_squeeze %dma_wait3A_198 : memref<1x128x64xf32, #tpu.memory_space<hbm>> -> memref<128x64xf32, #tpu.memory_space<hbm>>
      %dma_wait3A_200 = arith.constant 0 : i32
      %dma_wait3A_201 = tpu.memref_slice %arg6[%arg0, %add3A_162, %dma_wait3A_200] : memref<2x10240x64xf32, #tpu.memory_space<hbm>> -> memref<1x128x64xf32, #tpu.memory_space<hbm>>
      %dma_wait3A_202 = tpu.memref_squeeze %dma_wait3A_201 : memref<1x128x64xf32, #tpu.memory_space<hbm>> -> memref<128x64xf32, #tpu.memory_space<hbm>>
      tpu.wait_dma2 semaphore(%run_scoped3A : memref<!tpu.dma_semaphore, #tpu.memory_space<semaphore_mem>>) src(%arg13 : memref<128x64xf32, #tpu.memory_space<vmem>>) dst(%dma_wait3A_202 : memref<128x64xf32, #tpu.memory_space<hbm>>)
      tpu.yield
    }) : () -> ()
    %mul3A_163 = arith.constant 640 : i32
    %mul3A_164 = arith.muli %arg1, %mul3A_163 : i32
    %add3A_165 = arith.constant 256 : i32
    %add3A_166 = arith.addi %mul3A_164, %add3A_165 : i32
    "tpu.region"() ({
      %run_scoped3A = tpu.sem_alloc : memref<!tpu.dma_semaphore, #tpu.memory_space<semaphore_mem>>
      %dma_start3A_191 = arith.constant 0 : i32
      %dma_start3A_192 = tpu.memref_slice %arg22[%add3A_166, %dma_start3A_191] : memref<10240x64xf32, #tpu.memory_space<vmem_shared>> -> memref<128x64xf32, #tpu.memory_space<vmem_shared>>
      %dma_start3A_193 = arith.constant 0 : i32
      %dma_start3A_194 = tpu.memref_slice %arg22[%add3A_166, %dma_start3A_193] : memref<10240x64xf32, #tpu.memory_space<vmem_shared>> -> memref<128x64xf32, #tpu.memory_space<vmem_shared>>
      tpu.enqueue_dma source(%dma_start3A_194 : memref<128x64xf32, #tpu.memory_space<vmem_shared>>) target(%arg13 : memref<128x64xf32, #tpu.memory_space<vmem>>) target_semaphore(%run_scoped3A : memref<!tpu.dma_semaphore, #tpu.memory_space<semaphore_mem>>)
      %dma_wait3A_195 = arith.constant 0 : i32
      %dma_wait3A_196 = tpu.memref_slice %arg22[%add3A_166, %dma_wait3A_195] : memref<10240x64xf32, #tpu.memory_space<vmem_shared>> -> memref<128x64xf32, #tpu.memory_space<vmem_shared>>
      %dma_wait3A_197 = arith.constant 0 : i32
      %dma_wait3A_198 = tpu.memref_slice %arg22[%add3A_166, %dma_wait3A_197] : memref<10240x64xf32, #tpu.memory_space<vmem_shared>> -> memref<128x64xf32, #tpu.memory_space<vmem_shared>>
      tpu.wait_dma2 semaphore(%run_scoped3A : memref<!tpu.dma_semaphore, #tpu.memory_space<semaphore_mem>>) src(%dma_wait3A_198 : memref<128x64xf32, #tpu.memory_space<vmem_shared>>) dst(%arg13 : memref<128x64xf32, #tpu.memory_space<vmem>>)
      tpu.yield
    }) : () -> ()
    %mul3A_167 = arith.constant 640 : i32
    %mul3A_168 = arith.muli %arg1, %mul3A_167 : i32
    %add3A_169 = arith.constant 256 : i32
    %add3A_170 = arith.addi %mul3A_168, %add3A_169 : i32
    "tpu.region"() ({
      %run_scoped3A = tpu.sem_alloc : memref<!tpu.dma_semaphore, #tpu.memory_space<semaphore_mem>>
      %dma_start3A_191 = arith.constant 0 : i32
      %dma_start3A_192 = tpu.memref_slice %arg6[%arg0, %add3A_170, %dma_start3A_191] : memref<2x10240x64xf32, #tpu.memory_space<hbm>> -> memref<1x128x64xf32, #tpu.memory_space<hbm>>
      %dma_start3A_193 = tpu.memref_squeeze %dma_start3A_192 : memref<1x128x64xf32, #tpu.memory_space<hbm>> -> memref<128x64xf32, #tpu.memory_space<hbm>>
      %dma_start3A_194 = arith.constant 0 : i32
      %dma_start3A_195 = tpu.memref_slice %arg6[%arg0, %add3A_170, %dma_start3A_194] : memref<2x10240x64xf32, #tpu.memory_space<hbm>> -> memref<1x128x64xf32, #tpu.memory_space<hbm>>
      %dma_start3A_196 = tpu.memref_squeeze %dma_start3A_195 : memref<1x128x64xf32, #tpu.memory_space<hbm>> -> memref<128x64xf32, #tpu.memory_space<hbm>>
      tpu.enqueue_dma source(%arg13 : memref<128x64xf32, #tpu.memory_space<vmem>>) target(%dma_start3A_196 : memref<128x64xf32, #tpu.memory_space<hbm>>) target_semaphore(%run_scoped3A : memref<!tpu.dma_semaphore, #tpu.memory_space<semaphore_mem>>)
      %dma_wait3A_197 = arith.constant 0 : i32
      %dma_wait3A_198 = tpu.memref_slice %arg6[%arg0, %add3A_170, %dma_wait3A_197] : memref<2x10240x64xf32, #tpu.memory_space<hbm>> -> memref<1x128x64xf32, #tpu.memory_space<hbm>>
      %dma_wait3A_199 = tpu.memref_squeeze %dma_wait3A_198 : memref<1x128x64xf32, #tpu.memory_space<hbm>> -> memref<128x64xf32, #tpu.memory_space<hbm>>
      %dma_wait3A_200 = arith.constant 0 : i32
      %dma_wait3A_201 = tpu.memref_slice %arg6[%arg0, %add3A_170, %dma_wait3A_200] : memref<2x10240x64xf32, #tpu.memory_space<hbm>> -> memref<1x128x64xf32, #tpu.memory_space<hbm>>
      %dma_wait3A_202 = tpu.memref_squeeze %dma_wait3A_201 : memref<1x128x64xf32, #tpu.memory_space<hbm>> -> memref<128x64xf32, #tpu.memory_space<hbm>>
      tpu.wait_dma2 semaphore(%run_scoped3A : memref<!tpu.dma_semaphore, #tpu.memory_space<semaphore_mem>>) src(%arg13 : memref<128x64xf32, #tpu.memory_space<vmem>>) dst(%dma_wait3A_202 : memref<128x64xf32, #tpu.memory_space<hbm>>)
      tpu.yield
    }) : () -> ()
    %mul3A_171 = arith.constant 640 : i32
    %mul3A_172 = arith.muli %arg1, %mul3A_171 : i32
    %add3A_173 = arith.constant 384 : i32
    %add3A_174 = arith.addi %mul3A_172, %add3A_173 : i32
    "tpu.region"() ({
      %run_scoped3A = tpu.sem_alloc : memref<!tpu.dma_semaphore, #tpu.memory_space<semaphore_mem>>
      %dma_start3A_191 = arith.constant 0 : i32
      %dma_start3A_192 = tpu.memref_slice %arg22[%add3A_174, %dma_start3A_191] : memref<10240x64xf32, #tpu.memory_space<vmem_shared>> -> memref<128x64xf32, #tpu.memory_space<vmem_shared>>
      %dma_start3A_193 = arith.constant 0 : i32
      %dma_start3A_194 = tpu.memref_slice %arg22[%add3A_174, %dma_start3A_193] : memref<10240x64xf32, #tpu.memory_space<vmem_shared>> -> memref<128x64xf32, #tpu.memory_space<vmem_shared>>
      tpu.enqueue_dma source(%dma_start3A_194 : memref<128x64xf32, #tpu.memory_space<vmem_shared>>) target(%arg13 : memref<128x64xf32, #tpu.memory_space<vmem>>) target_semaphore(%run_scoped3A : memref<!tpu.dma_semaphore, #tpu.memory_space<semaphore_mem>>)
      %dma_wait3A_195 = arith.constant 0 : i32
      %dma_wait3A_196 = tpu.memref_slice %arg22[%add3A_174, %dma_wait3A_195] : memref<10240x64xf32, #tpu.memory_space<vmem_shared>> -> memref<128x64xf32, #tpu.memory_space<vmem_shared>>
      %dma_wait3A_197 = arith.constant 0 : i32
      %dma_wait3A_198 = tpu.memref_slice %arg22[%add3A_174, %dma_wait3A_197] : memref<10240x64xf32, #tpu.memory_space<vmem_shared>> -> memref<128x64xf32, #tpu.memory_space<vmem_shared>>
      tpu.wait_dma2 semaphore(%run_scoped3A : memref<!tpu.dma_semaphore, #tpu.memory_space<semaphore_mem>>) src(%dma_wait3A_198 : memref<128x64xf32, #tpu.memory_space<vmem_shared>>) dst(%arg13 : memref<128x64xf32, #tpu.memory_space<vmem>>)
      tpu.yield
    }) : () -> ()
    %mul3A_175 = arith.constant 640 : i32
    %mul3A_176 = arith.muli %arg1, %mul3A_175 : i32
    %add3A_177 = arith.constant 384 : i32
    %add3A_178 = arith.addi %mul3A_176, %add3A_177 : i32
    "tpu.region"() ({
      %run_scoped3A = tpu.sem_alloc : memref<!tpu.dma_semaphore, #tpu.memory_space<semaphore_mem>>
      %dma_start3A_191 = arith.constant 0 : i32
      %dma_start3A_192 = tpu.memref_slice %arg6[%arg0, %add3A_178, %dma_start3A_191] : memref<2x10240x64xf32, #tpu.memory_space<hbm>> -> memref<1x128x64xf32, #tpu.memory_space<hbm>>
      %dma_start3A_193 = tpu.memref_squeeze %dma_start3A_192 : memref<1x128x64xf32, #tpu.memory_space<hbm>> -> memref<128x64xf32, #tpu.memory_space<hbm>>
      %dma_start3A_194 = arith.constant 0 : i32
      %dma_start3A_195 = tpu.memref_slice %arg6[%arg0, %add3A_178, %dma_start3A_194] : memref<2x10240x64xf32, #tpu.memory_space<hbm>> -> memref<1x128x64xf32, #tpu.memory_space<hbm>>
      %dma_start3A_196 = tpu.memref_squeeze %dma_start3A_195 : memref<1x128x64xf32, #tpu.memory_space<hbm>> -> memref<128x64xf32, #tpu.memory_space<hbm>>
      tpu.enqueue_dma source(%arg13 : memref<128x64xf32, #tpu.memory_space<vmem>>) target(%dma_start3A_196 : memref<128x64xf32, #tpu.memory_space<hbm>>) target_semaphore(%run_scoped3A : memref<!tpu.dma_semaphore, #tpu.memory_space<semaphore_mem>>)
      %dma_wait3A_197 = arith.constant 0 : i32
      %dma_wait3A_198 = tpu.memref_slice %arg6[%arg0, %add3A_178, %dma_wait3A_197] : memref<2x10240x64xf32, #tpu.memory_space<hbm>> -> memref<1x128x64xf32, #tpu.memory_space<hbm>>
      %dma_wait3A_199 = tpu.memref_squeeze %dma_wait3A_198 : memref<1x128x64xf32, #tpu.memory_space<hbm>> -> memref<128x64xf32, #tpu.memory_space<hbm>>
      %dma_wait3A_200 = arith.constant 0 : i32
      %dma_wait3A_201 = tpu.memref_slice %arg6[%arg0, %add3A_178, %dma_wait3A_200] : memref<2x10240x64xf32, #tpu.memory_space<hbm>> -> memref<1x128x64xf32, #tpu.memory_space<hbm>>
      %dma_wait3A_202 = tpu.memref_squeeze %dma_wait3A_201 : memref<1x128x64xf32, #tpu.memory_space<hbm>> -> memref<128x64xf32, #tpu.memory_space<hbm>>
      tpu.wait_dma2 semaphore(%run_scoped3A : memref<!tpu.dma_semaphore, #tpu.memory_space<semaphore_mem>>) src(%arg13 : memref<128x64xf32, #tpu.memory_space<vmem>>) dst(%dma_wait3A_202 : memref<128x64xf32, #tpu.memory_space<hbm>>)
      tpu.yield
    }) : () -> ()
    %mul3A_179 = arith.constant 640 : i32
    %mul3A_180 = arith.muli %arg1, %mul3A_179 : i32
    %add3A_181 = arith.constant 512 : i32
    %add3A_182 = arith.addi %mul3A_180, %add3A_181 : i32
    "tpu.region"() ({
      %run_scoped3A = tpu.sem_alloc : memref<!tpu.dma_semaphore, #tpu.memory_space<semaphore_mem>>
      %dma_start3A_191 = arith.constant 0 : i32
      %dma_start3A_192 = tpu.memref_slice %arg22[%add3A_182, %dma_start3A_191] : memref<10240x64xf32, #tpu.memory_space<vmem_shared>> -> memref<128x64xf32, #tpu.memory_space<vmem_shared>>
      %dma_start3A_193 = arith.constant 0 : i32
      %dma_start3A_194 = tpu.memref_slice %arg22[%add3A_182, %dma_start3A_193] : memref<10240x64xf32, #tpu.memory_space<vmem_shared>> -> memref<128x64xf32, #tpu.memory_space<vmem_shared>>
      tpu.enqueue_dma source(%dma_start3A_194 : memref<128x64xf32, #tpu.memory_space<vmem_shared>>) target(%arg13 : memref<128x64xf32, #tpu.memory_space<vmem>>) target_semaphore(%run_scoped3A : memref<!tpu.dma_semaphore, #tpu.memory_space<semaphore_mem>>)
      %dma_wait3A_195 = arith.constant 0 : i32
      %dma_wait3A_196 = tpu.memref_slice %arg22[%add3A_182, %dma_wait3A_195] : memref<10240x64xf32, #tpu.memory_space<vmem_shared>> -> memref<128x64xf32, #tpu.memory_space<vmem_shared>>
      %dma_wait3A_197 = arith.constant 0 : i32
      %dma_wait3A_198 = tpu.memref_slice %arg22[%add3A_182, %dma_wait3A_197] : memref<10240x64xf32, #tpu.memory_space<vmem_shared>> -> memref<128x64xf32, #tpu.memory_space<vmem_shared>>
      tpu.wait_dma2 semaphore(%run_scoped3A : memref<!tpu.dma_semaphore, #tpu.memory_space<semaphore_mem>>) src(%dma_wait3A_198 : memref<128x64xf32, #tpu.memory_space<vmem_shared>>) dst(%arg13 : memref<128x64xf32, #tpu.memory_space<vmem>>)
      tpu.yield
    }) : () -> ()
    %mul3A_183 = arith.constant 640 : i32
    %mul3A_184 = arith.muli %arg1, %mul3A_183 : i32
    %add3A_185 = arith.constant 512 : i32
    %add3A_186 = arith.addi %mul3A_184, %add3A_185 : i32
    "tpu.region"() ({
      %run_scoped3A = tpu.sem_alloc : memref<!tpu.dma_semaphore, #tpu.memory_space<semaphore_mem>>
      %dma_start3A_191 = arith.constant 0 : i32
      %dma_start3A_192 = tpu.memref_slice %arg6[%arg0, %add3A_186, %dma_start3A_191] : memref<2x10240x64xf32, #tpu.memory_space<hbm>> -> memref<1x128x64xf32, #tpu.memory_space<hbm>>
      %dma_start3A_193 = tpu.memref_squeeze %dma_start3A_192 : memref<1x128x64xf32, #tpu.memory_space<hbm>> -> memref<128x64xf32, #tpu.memory_space<hbm>>
      %dma_start3A_194 = arith.constant 0 : i32
      %dma_start3A_195 = tpu.memref_slice %arg6[%arg0, %add3A_186, %dma_start3A_194] : memref<2x10240x64xf32, #tpu.memory_space<hbm>> -> memref<1x128x64xf32, #tpu.memory_space<hbm>>
      %dma_start3A_196 = tpu.memref_squeeze %dma_start3A_195 : memref<1x128x64xf32, #tpu.memory_space<hbm>> -> memref<128x64xf32, #tpu.memory_space<hbm>>
      tpu.enqueue_dma source(%arg13 : memref<128x64xf32, #tpu.memory_space<vmem>>) target(%dma_start3A_196 : memref<128x64xf32, #tpu.memory_space<hbm>>) target_semaphore(%run_scoped3A : memref<!tpu.dma_semaphore, #tpu.memory_space<semaphore_mem>>)
      %dma_wait3A_197 = arith.constant 0 : i32
      %dma_wait3A_198 = tpu.memref_slice %arg6[%arg0, %add3A_186, %dma_wait3A_197] : memref<2x10240x64xf32, #tpu.memory_space<hbm>> -> memref<1x128x64xf32, #tpu.memory_space<hbm>>
      %dma_wait3A_199 = tpu.memref_squeeze %dma_wait3A_198 : memref<1x128x64xf32, #tpu.memory_space<hbm>> -> memref<128x64xf32, #tpu.memory_space<hbm>>
      %dma_wait3A_200 = arith.constant 0 : i32
      %dma_wait3A_201 = tpu.memref_slice %arg6[%arg0, %add3A_186, %dma_wait3A_200] : memref<2x10240x64xf32, #tpu.memory_space<hbm>> -> memref<1x128x64xf32, #tpu.memory_space<hbm>>
      %dma_wait3A_202 = tpu.memref_squeeze %dma_wait3A_201 : memref<1x128x64xf32, #tpu.memory_space<hbm>> -> memref<128x64xf32, #tpu.memory_space<hbm>>
      tpu.wait_dma2 semaphore(%run_scoped3A : memref<!tpu.dma_semaphore, #tpu.memory_space<semaphore_mem>>) src(%arg13 : memref<128x64xf32, #tpu.memory_space<vmem>>) dst(%dma_wait3A_202 : memref<128x64xf32, #tpu.memory_space<hbm>>)
      tpu.yield
    }) : () -> ()
    %mul3A_187 = arith.constant 640 : i32
    %mul3A_188 = arith.muli %arg1, %mul3A_187 : i32
    "tpu.region"() ({
      %run_scoped3A = tpu.sem_alloc : memref<!tpu.dma_semaphore, #tpu.memory_space<semaphore_mem>>
      %dma_start3A_191 = tpu.memref_slice %arg23[%mul3A_188] : memref<10240xf32, #tpu.memory_space<vmem_shared>> -> memref<640xf32, #tpu.memory_space<vmem_shared>>
      %dma_start3A_192 = tpu.memref_slice %arg23[%mul3A_188] : memref<10240xf32, #tpu.memory_space<vmem_shared>> -> memref<640xf32, #tpu.memory_space<vmem_shared>>
      tpu.enqueue_dma source(%dma_start3A_192 : memref<640xf32, #tpu.memory_space<vmem_shared>>) target(%arg21 : memref<640xf32, #tpu.memory_space<vmem>>) target_semaphore(%run_scoped3A : memref<!tpu.dma_semaphore, #tpu.memory_space<semaphore_mem>>)
      %dma_wait3A_193 = tpu.memref_slice %arg23[%mul3A_188] : memref<10240xf32, #tpu.memory_space<vmem_shared>> -> memref<640xf32, #tpu.memory_space<vmem_shared>>
      %dma_wait3A_194 = tpu.memref_slice %arg23[%mul3A_188] : memref<10240xf32, #tpu.memory_space<vmem_shared>> -> memref<640xf32, #tpu.memory_space<vmem_shared>>
      tpu.wait_dma2 semaphore(%run_scoped3A : memref<!tpu.dma_semaphore, #tpu.memory_space<semaphore_mem>>) src(%dma_wait3A_194 : memref<640xf32, #tpu.memory_space<vmem_shared>>) dst(%arg21 : memref<640xf32, #tpu.memory_space<vmem>>)
      tpu.yield
    }) : () -> ()
    %mul3A_189 = arith.constant 640 : i32
    %mul3A_190 = arith.muli %arg1, %mul3A_189 : i32
    "tpu.region"() ({
      %run_scoped3A = tpu.sem_alloc : memref<!tpu.dma_semaphore, #tpu.memory_space<semaphore_mem>>
      %dma_start3A_191 = tpu.memref_slice %arg7[%arg0, %mul3A_190] : memref<2x10240xf32, #tpu.memory_space<hbm>> -> memref<1x640xf32, #tpu.memory_space<hbm>>
      %dma_start3A_192 = tpu.memref_squeeze %dma_start3A_191 : memref<1x640xf32, #tpu.memory_space<hbm>> -> memref<640xf32, #tpu.memory_space<hbm>>
      %dma_start3A_193 = tpu.memref_slice %arg7[%arg0, %mul3A_190] : memref<2x10240xf32, #tpu.memory_space<hbm>> -> memref<1x640xf32, #tpu.memory_space<hbm>>
      %dma_start3A_194 = tpu.memref_squeeze %dma_start3A_193 : memref<1x640xf32, #tpu.memory_space<hbm>> -> memref<640xf32, #tpu.memory_space<hbm>>
      tpu.enqueue_dma source(%arg21 : memref<640xf32, #tpu.memory_space<vmem>>) target(%dma_start3A_194 : memref<640xf32, #tpu.memory_space<hbm>>) target_semaphore(%run_scoped3A : memref<!tpu.dma_semaphore, #tpu.memory_space<semaphore_mem>>)
      %dma_wait3A_195 = tpu.memref_slice %arg7[%arg0, %mul3A_190] : memref<2x10240xf32, #tpu.memory_space<hbm>> -> memref<1x640xf32, #tpu.memory_space<hbm>>
      %dma_wait3A_196 = tpu.memref_squeeze %dma_wait3A_195 : memref<1x640xf32, #tpu.memory_space<hbm>> -> memref<640xf32, #tpu.memory_space<hbm>>
      %dma_wait3A_197 = tpu.memref_slice %arg7[%arg0, %mul3A_190] : memref<2x10240xf32, #tpu.memory_space<hbm>> -> memref<1x640xf32, #tpu.memory_space<hbm>>
      %dma_wait3A_198 = tpu.memref_squeeze %dma_wait3A_197 : memref<1x640xf32, #tpu.memory_space<hbm>> -> memref<640xf32, #tpu.memory_space<hbm>>
      tpu.wait_dma2 semaphore(%run_scoped3A : memref<!tpu.dma_semaphore, #tpu.memory_space<semaphore_mem>>) src(%arg21 : memref<640xf32, #tpu.memory_space<vmem>>) dst(%dma_wait3A_198 : memref<640xf32, #tpu.memory_space<hbm>>)
      tpu.yield
    }) : () -> ()
    return
  }
}

#map = affine_map<(d0, d1) -> (0, 0)>
#map1 = affine_map<(d0, d1) -> (0)>
#map2 = affine_map<(d0, d1) -> (0, 0, 0)>
module attributes {stable_mosaic.version = 14 : i64} {
  func.func @_edge_sc_body(%arg0: i32, %arg1: i32, %arg2: memref<10000x64xbf16, #tpu.memory_space<hbm>>, %arg3: memref<10016x64xbf16, #tpu.memory_space<hbm>>, %arg4: memref<327680xi32, #tpu.memory_space<hbm>>, %arg5: memref<327680xi32, #tpu.memory_space<hbm>>, %arg6: memref<2x10240x64xf32, #tpu.memory_space<hbm>>, %arg7: memref<2x10240xf32, #tpu.memory_space<hbm>>, %arg8: memref<128xi32, #tpu.memory_space<vmem>>, %arg9: memref<128xi32, #tpu.memory_space<vmem>>, %arg10: memref<128xi32, #tpu.memory_space<vmem>>, %arg11: memref<128x64xbf16, #tpu.memory_space<vmem>>, %arg12: memref<128x64xbf16, #tpu.memory_space<vmem>>, %arg13: memref<128x64xf32, #tpu.memory_space<vmem>>, %arg14: memref<128xi32, #tpu.memory_space<vmem>>, %arg15: memref<128xi32, #tpu.memory_space<vmem>>, %arg16: memref<128xi32, #tpu.memory_space<vmem>>, %arg17: memref<128x64xbf16, #tpu.memory_space<vmem>>, %arg18: memref<128x64xbf16, #tpu.memory_space<vmem>>, %arg19: memref<128x64xf32, #tpu.memory_space<vmem>>, %arg20: memref<128xf32, #tpu.memory_space<vmem>>, %arg21: memref<640xf32, #tpu.memory_space<vmem>>, %arg22: memref<10240x64xf32, #tpu.memory_space<vmem_shared>>, %arg23: memref<10240xf32, #tpu.memory_space<vmem_shared>>, %arg24: memref<!tpu.dma_semaphore, #tpu.memory_space<semaphore_mem>>, %arg25: memref<!tpu.dma_semaphore, #tpu.memory_space<semaphore_mem>>, %arg26: memref<!tpu.dma_semaphore, #tpu.memory_space<semaphore_mem>>, %arg27: memref<!tpu.dma_semaphore, #tpu.memory_space<semaphore_mem>>, %arg28: memref<!tpu.dma_semaphore, #tpu.memory_space<semaphore_mem>>, %arg29: memref<!tpu.dma_semaphore, #tpu.memory_space<semaphore_mem>>) attributes {dimension_semantics = [#tpu.dimension_semantics<core_parallel>, #tpu.dimension_semantics<subcore_parallel>], iteration_bounds = array<i64: 2, 16>, scalar_prefetch = 0 : i64, scratch_operands = 22 : i64, tpu.core_type = #tpu.core_type<sc_vector_subcore>, window_params = [{transform_indices = #map}, {transform_indices = #map}, {transform_indices = #map1}, {transform_indices = #map1}, {transform_indices = #map2}, {transform_indices = #map}]} {
    %broadcast_in_dim3A = arith.constant 0.000000e+00 : f32
    %broadcast_in_dim3A_0 = vector.broadcast %broadcast_in_dim3A : f32 to vector<16xf32>
    %scan3A = arith.constant 0 : i32
    %scan3A_1 = arith.constant 0 : i32
    %scan3A_2 = arith.constant 128 : i32
    %scan3A_3 = arith.addi %scan3A_1, %scan3A_2 : i32
    %scan3A_4 = arith.constant 1 : i32
    %scan3A_5 = scf.for %scan3A_187 = %scan3A_1 to %scan3A_3 step %scan3A_4 iter_args(%scan3A_188 = %scan3A) -> (i32)  : i32 {
      %swap3A_189 = arith.index_cast %scan3A_187 : i32 to index
      %swap3A_190 = arith.constant 0 : index
      %swap3A_191 = tpu.vector_load %arg13[%swap3A_189, %swap3A_190] {strides = array<i32>} : memref<128x64xf32, #tpu.memory_space<vmem>>, vector<16xf32>,
      tpu.vector_store %arg13[%swap3A_189, %swap3A_190], %broadcast_in_dim3A_0 {strides = array<i32>} : memref<128x64xf32, #tpu.memory_space<vmem>>, vector<16xf32>,
      %swap3A_192 = arith.index_cast %scan3A_187 : i32 to index
      %swap3A_193 = arith.constant 16 : index
      %swap3A_194 = tpu.vector_load %arg13[%swap3A_192, %swap3A_193] {strides = array<i32>} : memref<128x64xf32, #tpu.memory_space<vmem>>, vector<16xf32>,
      tpu.vector_store %arg13[%swap3A_192, %swap3A_193], %broadcast_in_dim3A_0 {strides = array<i32>} : memref<128x64xf32, #tpu.memory_space<vmem>>, vector<16xf32>,
      %swap3A_195 = arith.index_cast %scan3A_187 : i32 to index
      %swap3A_196 = arith.constant 32 : index
      %swap3A_197 = tpu.vector_load %arg13[%swap3A_195, %swap3A_196] {strides = array<i32>} : memref<128x64xf32, #tpu.memory_space<vmem>>, vector<16xf32>,
      tpu.vector_store %arg13[%swap3A_195, %swap3A_196], %broadcast_in_dim3A_0 {strides = array<i32>} : memref<128x64xf32, #tpu.memory_space<vmem>>, vector<16xf32>,
      %swap3A_198 = arith.index_cast %scan3A_187 : i32 to index
      %swap3A_199 = arith.constant 48 : index
      %swap3A_200 = tpu.vector_load %arg13[%swap3A_198, %swap3A_199] {strides = array<i32>} : memref<128x64xf32, #tpu.memory_space<vmem>>, vector<16xf32>,
      tpu.vector_store %arg13[%swap3A_198, %swap3A_199], %broadcast_in_dim3A_0 {strides = array<i32>} : memref<128x64xf32, #tpu.memory_space<vmem>>, vector<16xf32>,
      %scan3A_201 = arith.constant 0 : i32
      scf.yield %scan3A_201 : i32
    }
    %scan3A_6 = arith.constant 128 : i32
    %scan3A_7 = arith.constant 0 : i32
    %scan3A_8 = arith.constant 0 : i32
    %scan3A_9 = arith.constant 40 : i32
    %scan3A_10 = arith.addi %scan3A_8, %scan3A_9 : i32
    %scan3A_11 = arith.constant 1 : i32
    %scan3A_12 = scf.for %scan3A_187 = %scan3A_8 to %scan3A_10 step %scan3A_11 iter_args(%scan3A_188 = %scan3A_7) -> (i32)  : i32 {
      %mul3A_189 = arith.constant 16 : i32
      %mul3A_190 = arith.muli %scan3A_187, %mul3A_189 : i32
      %swap3A_191 = arith.index_cast %mul3A_190 : i32 to index
      %swap3A_192 = tpu.vector_load %arg21[%swap3A_191] {strides = array<i32>} : memref<640xf32, #tpu.memory_space<vmem>>, vector<16xf32>,
      tpu.vector_store %arg21[%swap3A_191], %broadcast_in_dim3A_0 {strides = array<i32>} : memref<640xf32, #tpu.memory_space<vmem>>, vector<16xf32>,
      %scan3A_193 = arith.constant 0 : i32
      scf.yield %scan3A_193 : i32
    }
    %scan3A_13 = arith.constant 40 : i32
    %add3A = arith.constant 1.000000e+00 : f32
    %add3A_14 = vector.broadcast %add3A : f32 to vector<16xf32>
    %add3A_15 = arith.addf %broadcast_in_dim3A_0, %add3A_14 : vector<16xf32>
    %swap3A = arith.constant 0 : index
    %swap3A_16 = tpu.vector_load %arg20[%swap3A] {strides = array<i32>} : memref<128xf32, #tpu.memory_space<vmem>>, vector<16xf32>,
    tpu.vector_store %arg20[%swap3A], %add3A_15 {strides = array<i32>} : memref<128xf32, #tpu.memory_space<vmem>>, vector<16xf32>,
    %add3A_17 = arith.constant 1.000000e+00 : f32
    %add3A_18 = vector.broadcast %add3A_17 : f32 to vector<16xf32>
    %add3A_19 = arith.addf %broadcast_in_dim3A_0, %add3A_18 : vector<16xf32>
    %swap3A_20 = arith.constant 16 : index
    %swap3A_21 = tpu.vector_load %arg20[%swap3A_20] {strides = array<i32>} : memref<128xf32, #tpu.memory_space<vmem>>, vector<16xf32>,
    tpu.vector_store %arg20[%swap3A_20], %add3A_19 {strides = array<i32>} : memref<128xf32, #tpu.memory_space<vmem>>, vector<16xf32>,
    %add3A_22 = arith.constant 1.000000e+00 : f32
    %add3A_23 = vector.broadcast %add3A_22 : f32 to vector<16xf32>
    %add3A_24 = arith.addf %broadcast_in_dim3A_0, %add3A_23 : vector<16xf32>
    %swap3A_25 = arith.constant 32 : index
    %swap3A_26 = tpu.vector_load %arg20[%swap3A_25] {strides = array<i32>} : memref<128xf32, #tpu.memory_space<vmem>>, vector<16xf32>,
    tpu.vector_store %arg20[%swap3A_25], %add3A_24 {strides = array<i32>} : memref<128xf32, #tpu.memory_space<vmem>>, vector<16xf32>,
    %add3A_27 = arith.constant 1.000000e+00 : f32
    %add3A_28 = vector.broadcast %add3A_27 : f32 to vector<16xf32>
    %add3A_29 = arith.addf %broadcast_in_dim3A_0, %add3A_28 : vector<16xf32>
    %swap3A_30 = arith.constant 48 : index
    %swap3A_31 = tpu.vector_load %arg20[%swap3A_30] {strides = array<i32>} : memref<128xf32, #tpu.memory_space<vmem>>, vector<16xf32>,
    tpu.vector_store %arg20[%swap3A_30], %add3A_29 {strides = array<i32>} : memref<128xf32, #tpu.memory_space<vmem>>, vector<16xf32>,
    %add3A_32 = arith.constant 1.000000e+00 : f32
    %add3A_33 = vector.broadcast %add3A_32 : f32 to vector<16xf32>
    %add3A_34 = arith.addf %broadcast_in_dim3A_0, %add3A_33 : vector<16xf32>
    %swap3A_35 = arith.constant 64 : index
    %swap3A_36 = tpu.vector_load %arg20[%swap3A_35] {strides = array<i32>} : memref<128xf32, #tpu.memory_space<vmem>>, vector<16xf32>,
    tpu.vector_store %arg20[%swap3A_35], %add3A_34 {strides = array<i32>} : memref<128xf32, #tpu.memory_space<vmem>>, vector<16xf32>,
    %add3A_37 = arith.constant 1.000000e+00 : f32
    %add3A_38 = vector.broadcast %add3A_37 : f32 to vector<16xf32>
    %add3A_39 = arith.addf %broadcast_in_dim3A_0, %add3A_38 : vector<16xf32>
    %swap3A_40 = arith.constant 80 : index
    %swap3A_41 = tpu.vector_load %arg20[%swap3A_40] {strides = array<i32>} : memref<128xf32, #tpu.memory_space<vmem>>, vector<16xf32>,
    tpu.vector_store %arg20[%swap3A_40], %add3A_39 {strides = array<i32>} : memref<128xf32, #tpu.memory_space<vmem>>, vector<16xf32>,
    %add3A_42 = arith.constant 1.000000e+00 : f32
    %add3A_43 = vector.broadcast %add3A_42 : f32 to vector<16xf32>
    %add3A_44 = arith.addf %broadcast_in_dim3A_0, %add3A_43 : vector<16xf32>
    %swap3A_45 = arith.constant 96 : index
    %swap3A_46 = tpu.vector_load %arg20[%swap3A_45] {strides = array<i32>} : memref<128xf32, #tpu.memory_space<vmem>>, vector<16xf32>,
    tpu.vector_store %arg20[%swap3A_45], %add3A_44 {strides = array<i32>} : memref<128xf32, #tpu.memory_space<vmem>>, vector<16xf32>,
    %add3A_47 = arith.constant 1.000000e+00 : f32
    %add3A_48 = vector.broadcast %add3A_47 : f32 to vector<16xf32>
    %add3A_49 = arith.addf %broadcast_in_dim3A_0, %add3A_48 : vector<16xf32>
    %swap3A_50 = arith.constant 112 : index
    %swap3A_51 = tpu.vector_load %arg20[%swap3A_50] {strides = array<i32>} : memref<128xf32, #tpu.memory_space<vmem>>, vector<16xf32>,
    tpu.vector_store %arg20[%swap3A_50], %add3A_49 {strides = array<i32>} : memref<128xf32, #tpu.memory_space<vmem>>, vector<16xf32>,
    %mul3A = arith.constant 640 : i32
    %mul3A_52 = arith.muli %arg1, %mul3A : i32
    %add3A_53 = arith.constant 0 : i32
    %add3A_54 = arith.addi %mul3A_52, %add3A_53 : i32
    "tpu.region"() ({
      %run_scoped3A = tpu.sem_alloc : memref<!tpu.dma_semaphore, #tpu.memory_space<semaphore_mem>>
      %dma_start3A_187 = arith.constant 0 : i32
      %dma_start3A_188 = tpu.memref_slice %arg22[%add3A_54, %dma_start3A_187] : memref<10240x64xf32, #tpu.memory_space<vmem_shared>> -> memref<128x64xf32, #tpu.memory_space<vmem_shared>>
      %dma_start3A_189 = arith.constant 0 : i32
      %dma_start3A_190 = tpu.memref_slice %arg22[%add3A_54, %dma_start3A_189] : memref<10240x64xf32, #tpu.memory_space<vmem_shared>> -> memref<128x64xf32, #tpu.memory_space<vmem_shared>>
      tpu.enqueue_dma source(%arg13 : memref<128x64xf32, #tpu.memory_space<vmem>>) target(%dma_start3A_190 : memref<128x64xf32, #tpu.memory_space<vmem_shared>>) target_semaphore(%run_scoped3A : memref<!tpu.dma_semaphore, #tpu.memory_space<semaphore_mem>>)
      %dma_wait3A_191 = arith.constant 0 : i32
      %dma_wait3A_192 = tpu.memref_slice %arg22[%add3A_54, %dma_wait3A_191] : memref<10240x64xf32, #tpu.memory_space<vmem_shared>> -> memref<128x64xf32, #tpu.memory_space<vmem_shared>>
      %dma_wait3A_193 = arith.constant 0 : i32
      %dma_wait3A_194 = tpu.memref_slice %arg22[%add3A_54, %dma_wait3A_193] : memref<10240x64xf32, #tpu.memory_space<vmem_shared>> -> memref<128x64xf32, #tpu.memory_space<vmem_shared>>
      tpu.wait_dma2 semaphore(%run_scoped3A : memref<!tpu.dma_semaphore, #tpu.memory_space<semaphore_mem>>) src(%arg13 : memref<128x64xf32, #tpu.memory_space<vmem>>) dst(%dma_wait3A_194 : memref<128x64xf32, #tpu.memory_space<vmem_shared>>)
      tpu.yield
    }) : () -> ()
    %mul3A_55 = arith.constant 640 : i32
    %mul3A_56 = arith.muli %arg1, %mul3A_55 : i32
    %add3A_57 = arith.constant 128 : i32
    %add3A_58 = arith.addi %mul3A_56, %add3A_57 : i32
    "tpu.region"() ({
      %run_scoped3A = tpu.sem_alloc : memref<!tpu.dma_semaphore, #tpu.memory_space<semaphore_mem>>
      %dma_start3A_187 = arith.constant 0 : i32
      %dma_start3A_188 = tpu.memref_slice %arg22[%add3A_58, %dma_start3A_187] : memref<10240x64xf32, #tpu.memory_space<vmem_shared>> -> memref<128x64xf32, #tpu.memory_space<vmem_shared>>
      %dma_start3A_189 = arith.constant 0 : i32
      %dma_start3A_190 = tpu.memref_slice %arg22[%add3A_58, %dma_start3A_189] : memref<10240x64xf32, #tpu.memory_space<vmem_shared>> -> memref<128x64xf32, #tpu.memory_space<vmem_shared>>
      tpu.enqueue_dma source(%arg13 : memref<128x64xf32, #tpu.memory_space<vmem>>) target(%dma_start3A_190 : memref<128x64xf32, #tpu.memory_space<vmem_shared>>) target_semaphore(%run_scoped3A : memref<!tpu.dma_semaphore, #tpu.memory_space<semaphore_mem>>)
      %dma_wait3A_191 = arith.constant 0 : i32
      %dma_wait3A_192 = tpu.memref_slice %arg22[%add3A_58, %dma_wait3A_191] : memref<10240x64xf32, #tpu.memory_space<vmem_shared>> -> memref<128x64xf32, #tpu.memory_space<vmem_shared>>
      %dma_wait3A_193 = arith.constant 0 : i32
      %dma_wait3A_194 = tpu.memref_slice %arg22[%add3A_58, %dma_wait3A_193] : memref<10240x64xf32, #tpu.memory_space<vmem_shared>> -> memref<128x64xf32, #tpu.memory_space<vmem_shared>>
      tpu.wait_dma2 semaphore(%run_scoped3A : memref<!tpu.dma_semaphore, #tpu.memory_space<semaphore_mem>>) src(%arg13 : memref<128x64xf32, #tpu.memory_space<vmem>>) dst(%dma_wait3A_194 : memref<128x64xf32, #tpu.memory_space<vmem_shared>>)
      tpu.yield
    }) : () -> ()
    %mul3A_59 = arith.constant 640 : i32
    %mul3A_60 = arith.muli %arg1, %mul3A_59 : i32
    %add3A_61 = arith.constant 256 : i32
    %add3A_62 = arith.addi %mul3A_60, %add3A_61 : i32
    "tpu.region"() ({
      %run_scoped3A = tpu.sem_alloc : memref<!tpu.dma_semaphore, #tpu.memory_space<semaphore_mem>>
      %dma_start3A_187 = arith.constant 0 : i32
      %dma_start3A_188 = tpu.memref_slice %arg22[%add3A_62, %dma_start3A_187] : memref<10240x64xf32, #tpu.memory_space<vmem_shared>> -> memref<128x64xf32, #tpu.memory_space<vmem_shared>>
      %dma_start3A_189 = arith.constant 0 : i32
      %dma_start3A_190 = tpu.memref_slice %arg22[%add3A_62, %dma_start3A_189] : memref<10240x64xf32, #tpu.memory_space<vmem_shared>> -> memref<128x64xf32, #tpu.memory_space<vmem_shared>>
      tpu.enqueue_dma source(%arg13 : memref<128x64xf32, #tpu.memory_space<vmem>>) target(%dma_start3A_190 : memref<128x64xf32, #tpu.memory_space<vmem_shared>>) target_semaphore(%run_scoped3A : memref<!tpu.dma_semaphore, #tpu.memory_space<semaphore_mem>>)
      %dma_wait3A_191 = arith.constant 0 : i32
      %dma_wait3A_192 = tpu.memref_slice %arg22[%add3A_62, %dma_wait3A_191] : memref<10240x64xf32, #tpu.memory_space<vmem_shared>> -> memref<128x64xf32, #tpu.memory_space<vmem_shared>>
      %dma_wait3A_193 = arith.constant 0 : i32
      %dma_wait3A_194 = tpu.memref_slice %arg22[%add3A_62, %dma_wait3A_193] : memref<10240x64xf32, #tpu.memory_space<vmem_shared>> -> memref<128x64xf32, #tpu.memory_space<vmem_shared>>
      tpu.wait_dma2 semaphore(%run_scoped3A : memref<!tpu.dma_semaphore, #tpu.memory_space<semaphore_mem>>) src(%arg13 : memref<128x64xf32, #tpu.memory_space<vmem>>) dst(%dma_wait3A_194 : memref<128x64xf32, #tpu.memory_space<vmem_shared>>)
      tpu.yield
    }) : () -> ()
    %mul3A_63 = arith.constant 640 : i32
    %mul3A_64 = arith.muli %arg1, %mul3A_63 : i32
    %add3A_65 = arith.constant 384 : i32
    %add3A_66 = arith.addi %mul3A_64, %add3A_65 : i32
    "tpu.region"() ({
      %run_scoped3A = tpu.sem_alloc : memref<!tpu.dma_semaphore, #tpu.memory_space<semaphore_mem>>
      %dma_start3A_187 = arith.constant 0 : i32
      %dma_start3A_188 = tpu.memref_slice %arg22[%add3A_66, %dma_start3A_187] : memref<10240x64xf32, #tpu.memory_space<vmem_shared>> -> memref<128x64xf32, #tpu.memory_space<vmem_shared>>
      %dma_start3A_189 = arith.constant 0 : i32
      %dma_start3A_190 = tpu.memref_slice %arg22[%add3A_66, %dma_start3A_189] : memref<10240x64xf32, #tpu.memory_space<vmem_shared>> -> memref<128x64xf32, #tpu.memory_space<vmem_shared>>
      tpu.enqueue_dma source(%arg13 : memref<128x64xf32, #tpu.memory_space<vmem>>) target(%dma_start3A_190 : memref<128x64xf32, #tpu.memory_space<vmem_shared>>) target_semaphore(%run_scoped3A : memref<!tpu.dma_semaphore, #tpu.memory_space<semaphore_mem>>)
      %dma_wait3A_191 = arith.constant 0 : i32
      %dma_wait3A_192 = tpu.memref_slice %arg22[%add3A_66, %dma_wait3A_191] : memref<10240x64xf32, #tpu.memory_space<vmem_shared>> -> memref<128x64xf32, #tpu.memory_space<vmem_shared>>
      %dma_wait3A_193 = arith.constant 0 : i32
      %dma_wait3A_194 = tpu.memref_slice %arg22[%add3A_66, %dma_wait3A_193] : memref<10240x64xf32, #tpu.memory_space<vmem_shared>> -> memref<128x64xf32, #tpu.memory_space<vmem_shared>>
      tpu.wait_dma2 semaphore(%run_scoped3A : memref<!tpu.dma_semaphore, #tpu.memory_space<semaphore_mem>>) src(%arg13 : memref<128x64xf32, #tpu.memory_space<vmem>>) dst(%dma_wait3A_194 : memref<128x64xf32, #tpu.memory_space<vmem_shared>>)
      tpu.yield
    }) : () -> ()
    %mul3A_67 = arith.constant 640 : i32
    %mul3A_68 = arith.muli %arg1, %mul3A_67 : i32
    %add3A_69 = arith.constant 512 : i32
    %add3A_70 = arith.addi %mul3A_68, %add3A_69 : i32
    "tpu.region"() ({
      %run_scoped3A = tpu.sem_alloc : memref<!tpu.dma_semaphore, #tpu.memory_space<semaphore_mem>>
      %dma_start3A_187 = arith.constant 0 : i32
      %dma_start3A_188 = tpu.memref_slice %arg22[%add3A_70, %dma_start3A_187] : memref<10240x64xf32, #tpu.memory_space<vmem_shared>> -> memref<128x64xf32, #tpu.memory_space<vmem_shared>>
      %dma_start3A_189 = arith.constant 0 : i32
      %dma_start3A_190 = tpu.memref_slice %arg22[%add3A_70, %dma_start3A_189] : memref<10240x64xf32, #tpu.memory_space<vmem_shared>> -> memref<128x64xf32, #tpu.memory_space<vmem_shared>>
      tpu.enqueue_dma source(%arg13 : memref<128x64xf32, #tpu.memory_space<vmem>>) target(%dma_start3A_190 : memref<128x64xf32, #tpu.memory_space<vmem_shared>>) target_semaphore(%run_scoped3A : memref<!tpu.dma_semaphore, #tpu.memory_space<semaphore_mem>>)
      %dma_wait3A_191 = arith.constant 0 : i32
      %dma_wait3A_192 = tpu.memref_slice %arg22[%add3A_70, %dma_wait3A_191] : memref<10240x64xf32, #tpu.memory_space<vmem_shared>> -> memref<128x64xf32, #tpu.memory_space<vmem_shared>>
      %dma_wait3A_193 = arith.constant 0 : i32
      %dma_wait3A_194 = tpu.memref_slice %arg22[%add3A_70, %dma_wait3A_193] : memref<10240x64xf32, #tpu.memory_space<vmem_shared>> -> memref<128x64xf32, #tpu.memory_space<vmem_shared>>
      tpu.wait_dma2 semaphore(%run_scoped3A : memref<!tpu.dma_semaphore, #tpu.memory_space<semaphore_mem>>) src(%arg13 : memref<128x64xf32, #tpu.memory_space<vmem>>) dst(%dma_wait3A_194 : memref<128x64xf32, #tpu.memory_space<vmem_shared>>)
      tpu.yield
    }) : () -> ()
    %mul3A_71 = arith.constant 640 : i32
    %mul3A_72 = arith.muli %arg1, %mul3A_71 : i32
    "tpu.region"() ({
      %run_scoped3A = tpu.sem_alloc : memref<!tpu.dma_semaphore, #tpu.memory_space<semaphore_mem>>
      %dma_start3A_187 = tpu.memref_slice %arg23[%mul3A_72] : memref<10240xf32, #tpu.memory_space<vmem_shared>> -> memref<640xf32, #tpu.memory_space<vmem_shared>>
      %dma_start3A_188 = tpu.memref_slice %arg23[%mul3A_72] : memref<10240xf32, #tpu.memory_space<vmem_shared>> -> memref<640xf32, #tpu.memory_space<vmem_shared>>
      tpu.enqueue_dma source(%arg21 : memref<640xf32, #tpu.memory_space<vmem>>) target(%dma_start3A_188 : memref<640xf32, #tpu.memory_space<vmem_shared>>) target_semaphore(%run_scoped3A : memref<!tpu.dma_semaphore, #tpu.memory_space<semaphore_mem>>)
      %dma_wait3A_189 = tpu.memref_slice %arg23[%mul3A_72] : memref<10240xf32, #tpu.memory_space<vmem_shared>> -> memref<640xf32, #tpu.memory_space<vmem_shared>>
      %dma_wait3A_190 = tpu.memref_slice %arg23[%mul3A_72] : memref<10240xf32, #tpu.memory_space<vmem_shared>> -> memref<640xf32, #tpu.memory_space<vmem_shared>>
      tpu.wait_dma2 semaphore(%run_scoped3A : memref<!tpu.dma_semaphore, #tpu.memory_space<semaphore_mem>>) src(%arg21 : memref<640xf32, #tpu.memory_space<vmem>>) dst(%dma_wait3A_190 : memref<640xf32, #tpu.memory_space<vmem_shared>>)
      tpu.yield
    }) : () -> ()
    %barrier3A = arith.constant 0 : index
    tpu.barrier barrier_id(%barrier3A)
    %eq3A = arith.constant 0 : i32
    %eq3A_73 = arith.cmpi eq, %arg0, %eq3A : i32
    %select_n3A = arith.constant 58 : i32
    %select_n3A_74 = arith.constant 102 : i32
    %select_n3A_75 = arith.select %eq3A_73, %select_n3A_74, %select_n3A : i32
    %mul3A_76 = arith.constant 208896 : i32
    %mul3A_77 = arith.muli %arg0, %mul3A_76 : i32
    %mul3A_78 = arith.muli %arg1, %select_n3A_75 : i32
    %mul3A_79 = arith.constant 128 : i32
    %mul3A_80 = arith.muli %mul3A_78, %mul3A_79 : i32
    %add3A_81 = arith.addi %mul3A_77, %mul3A_80 : i32
    %add3A_82 = arith.constant 0 : i32
    %add3A_83 = arith.addi %add3A_81, %add3A_82 : i32
    "tpu.region"() ({
      %run_scoped3A = tpu.sem_alloc : memref<!tpu.dma_semaphore, #tpu.memory_space<semaphore_mem>>
      %dma_start3A_187 = tpu.memref_slice %arg4[%add3A_83] : memref<327680xi32, #tpu.memory_space<hbm>> -> memref<128xi32, #tpu.memory_space<hbm>>
      %dma_start3A_188 = tpu.memref_slice %arg4[%add3A_83] : memref<327680xi32, #tpu.memory_space<hbm>> -> memref<128xi32, #tpu.memory_space<hbm>>
      tpu.enqueue_dma source(%dma_start3A_188 : memref<128xi32, #tpu.memory_space<hbm>>) target(%arg8 : memref<128xi32, #tpu.memory_space<vmem>>) target_semaphore(%run_scoped3A : memref<!tpu.dma_semaphore, #tpu.memory_space<semaphore_mem>>)
      %dma_wait3A_189 = tpu.memref_slice %arg4[%add3A_83] : memref<327680xi32, #tpu.memory_space<hbm>> -> memref<128xi32, #tpu.memory_space<hbm>>
      %dma_wait3A_190 = tpu.memref_slice %arg4[%add3A_83] : memref<327680xi32, #tpu.memory_space<hbm>> -> memref<128xi32, #tpu.memory_space<hbm>>
      tpu.wait_dma2 semaphore(%run_scoped3A : memref<!tpu.dma_semaphore, #tpu.memory_space<semaphore_mem>>) src(%dma_wait3A_190 : memref<128xi32, #tpu.memory_space<hbm>>) dst(%arg8 : memref<128xi32, #tpu.memory_space<vmem>>)
      tpu.yield
    }) : () -> ()
    "tpu.region"() ({
      %run_scoped3A = tpu.sem_alloc : memref<!tpu.dma_semaphore, #tpu.memory_space<semaphore_mem>>
      %dma_start3A_187 = tpu.memref_slice %arg5[%add3A_83] : memref<327680xi32, #tpu.memory_space<hbm>> -> memref<128xi32, #tpu.memory_space<hbm>>
      %dma_start3A_188 = tpu.memref_slice %arg5[%add3A_83] : memref<327680xi32, #tpu.memory_space<hbm>> -> memref<128xi32, #tpu.memory_space<hbm>>
      tpu.enqueue_dma source(%dma_start3A_188 : memref<128xi32, #tpu.memory_space<hbm>>) target(%arg9 : memref<128xi32, #tpu.memory_space<vmem>>) target_semaphore(%run_scoped3A : memref<!tpu.dma_semaphore, #tpu.memory_space<semaphore_mem>>)
      %dma_wait3A_189 = tpu.memref_slice %arg5[%add3A_83] : memref<327680xi32, #tpu.memory_space<hbm>> -> memref<128xi32, #tpu.memory_space<hbm>>
      %dma_wait3A_190 = tpu.memref_slice %arg5[%add3A_83] : memref<327680xi32, #tpu.memory_space<hbm>> -> memref<128xi32, #tpu.memory_space<hbm>>
      tpu.wait_dma2 semaphore(%run_scoped3A : memref<!tpu.dma_semaphore, #tpu.memory_space<semaphore_mem>>) src(%dma_wait3A_190 : memref<128xi32, #tpu.memory_space<hbm>>) dst(%arg9 : memref<128xi32, #tpu.memory_space<vmem>>)
      tpu.yield
    }) : () -> ()
    %dma_start3A = arith.constant 0 : i32
    %dma_start3A_84 = arith.constant 0 : i32
    %dma_start3A_85 = tpu.memref_slice %arg2[%dma_start3A, %dma_start3A_84] : memref<10000x64xbf16, #tpu.memory_space<hbm>> -> memref<10000x64xbf16, #tpu.memory_space<hbm>>
    tpu.enqueue_indirect_dma source(%dma_start3A_85 : memref<10000x64xbf16, #tpu.memory_space<hbm>>) target(%arg11 : memref<128x64xbf16, #tpu.memory_space<vmem>>) offsets(%arg8 : memref<128xi32, #tpu.memory_space<vmem>>) semaphore(%arg24 : memref<!tpu.dma_semaphore, #tpu.memory_space<semaphore_mem>>)
    %dma_start3A_86 = arith.constant 0 : i32
    %dma_start3A_87 = arith.constant 0 : i32
    %dma_start3A_88 = tpu.memref_slice %arg3[%dma_start3A_86, %dma_start3A_87] : memref<10016x64xbf16, #tpu.memory_space<hbm>> -> memref<10016x64xbf16, #tpu.memory_space<hbm>>
    tpu.enqueue_indirect_dma source(%dma_start3A_88 : memref<10016x64xbf16, #tpu.memory_space<hbm>>) target(%arg12 : memref<128x64xbf16, #tpu.memory_space<vmem>>) offsets(%arg9 : memref<128xi32, #tpu.memory_space<vmem>>) semaphore(%arg24 : memref<!tpu.dma_semaphore, #tpu.memory_space<semaphore_mem>>)
    %add3A_89 = arith.constant 128 : i32
    %add3A_90 = arith.addi %add3A_81, %add3A_89 : i32
    "tpu.region"() ({
      %run_scoped3A = tpu.sem_alloc : memref<!tpu.dma_semaphore, #tpu.memory_space<semaphore_mem>>
      %dma_start3A_187 = tpu.memref_slice %arg4[%add3A_90] : memref<327680xi32, #tpu.memory_space<hbm>> -> memref<128xi32, #tpu.memory_space<hbm>>
      %dma_start3A_188 = tpu.memref_slice %arg4[%add3A_90] : memref<327680xi32, #tpu.memory_space<hbm>> -> memref<128xi32, #tpu.memory_space<hbm>>
      tpu.enqueue_dma source(%dma_start3A_188 : memref<128xi32, #tpu.memory_space<hbm>>) target(%arg14 : memref<128xi32, #tpu.memory_space<vmem>>) target_semaphore(%run_scoped3A : memref<!tpu.dma_semaphore, #tpu.memory_space<semaphore_mem>>)
      %dma_wait3A_189 = tpu.memref_slice %arg4[%add3A_90] : memref<327680xi32, #tpu.memory_space<hbm>> -> memref<128xi32, #tpu.memory_space<hbm>>
      %dma_wait3A_190 = tpu.memref_slice %arg4[%add3A_90] : memref<327680xi32, #tpu.memory_space<hbm>> -> memref<128xi32, #tpu.memory_space<hbm>>
      tpu.wait_dma2 semaphore(%run_scoped3A : memref<!tpu.dma_semaphore, #tpu.memory_space<semaphore_mem>>) src(%dma_wait3A_190 : memref<128xi32, #tpu.memory_space<hbm>>) dst(%arg14 : memref<128xi32, #tpu.memory_space<vmem>>)
      tpu.yield
    }) : () -> ()
    "tpu.region"() ({
      %run_scoped3A = tpu.sem_alloc : memref<!tpu.dma_semaphore, #tpu.memory_space<semaphore_mem>>
      %dma_start3A_187 = tpu.memref_slice %arg5[%add3A_90] : memref<327680xi32, #tpu.memory_space<hbm>> -> memref<128xi32, #tpu.memory_space<hbm>>
      %dma_start3A_188 = tpu.memref_slice %arg5[%add3A_90] : memref<327680xi32, #tpu.memory_space<hbm>> -> memref<128xi32, #tpu.memory_space<hbm>>
      tpu.enqueue_dma source(%dma_start3A_188 : memref<128xi32, #tpu.memory_space<hbm>>) target(%arg15 : memref<128xi32, #tpu.memory_space<vmem>>) target_semaphore(%run_scoped3A : memref<!tpu.dma_semaphore, #tpu.memory_space<semaphore_mem>>)
      %dma_wait3A_189 = tpu.memref_slice %arg5[%add3A_90] : memref<327680xi32, #tpu.memory_space<hbm>> -> memref<128xi32, #tpu.memory_space<hbm>>
      %dma_wait3A_190 = tpu.memref_slice %arg5[%add3A_90] : memref<327680xi32, #tpu.memory_space<hbm>> -> memref<128xi32, #tpu.memory_space<hbm>>
      tpu.wait_dma2 semaphore(%run_scoped3A : memref<!tpu.dma_semaphore, #tpu.memory_space<semaphore_mem>>) src(%dma_wait3A_190 : memref<128xi32, #tpu.memory_space<hbm>>) dst(%arg15 : memref<128xi32, #tpu.memory_space<vmem>>)
      tpu.yield
    }) : () -> ()
    %dma_start3A_91 = arith.constant 0 : i32
    %dma_start3A_92 = arith.constant 0 : i32
    %dma_start3A_93 = tpu.memref_slice %arg2[%dma_start3A_91, %dma_start3A_92] : memref<10000x64xbf16, #tpu.memory_space<hbm>> -> memref<10000x64xbf16, #tpu.memory_space<hbm>>
    tpu.enqueue_indirect_dma source(%dma_start3A_93 : memref<10000x64xbf16, #tpu.memory_space<hbm>>) target(%arg17 : memref<128x64xbf16, #tpu.memory_space<vmem>>) offsets(%arg14 : memref<128xi32, #tpu.memory_space<vmem>>) semaphore(%arg25 : memref<!tpu.dma_semaphore, #tpu.memory_space<semaphore_mem>>)
    %dma_start3A_94 = arith.constant 0 : i32
    %dma_start3A_95 = arith.constant 0 : i32
    %dma_start3A_96 = tpu.memref_slice %arg3[%dma_start3A_94, %dma_start3A_95] : memref<10016x64xbf16, #tpu.memory_space<hbm>> -> memref<10016x64xbf16, #tpu.memory_space<hbm>>
    tpu.enqueue_indirect_dma source(%dma_start3A_96 : memref<10016x64xbf16, #tpu.memory_space<hbm>>) target(%arg18 : memref<128x64xbf16, #tpu.memory_space<vmem>>) offsets(%arg15 : memref<128xi32, #tpu.memory_space<vmem>>) semaphore(%arg25 : memref<!tpu.dma_semaphore, #tpu.memory_space<semaphore_mem>>)
    %jit3A = arith.constant 2 : i32
    %div3A = arith.divsi %select_n3A_75, %jit3A : i32
    %sign3A = arith.constant 0 : i32
    %sign3A_97 = arith.cmpi sgt, %select_n3A_75, %sign3A : i32
    %sign3A_98 = arith.extui %sign3A_97 : i1 to i32
    %sign3A_99 = arith.constant 0 : i32
    %sign3A_100 = arith.cmpi slt, %select_n3A_75, %sign3A_99 : i32
    %sign3A_101 = arith.extui %sign3A_100 : i1 to i32
    %sign3A_102 = arith.subi %sign3A_98, %sign3A_101 : i32
    %sign3A_103 = arith.constant 0 : i32
    %sign3A_104 = arith.cmpi sgt, %jit3A, %sign3A_103 : i32
    %sign3A_105 = arith.extui %sign3A_104 : i1 to i32
    %sign3A_106 = arith.constant 0 : i32
    %sign3A_107 = arith.cmpi slt, %jit3A, %sign3A_106 : i32
    %sign3A_108 = arith.extui %sign3A_107 : i1 to i32
    %sign3A_109 = arith.subi %sign3A_105, %sign3A_108 : i32
    %ne3A = arith.cmpi ne, %sign3A_102, %sign3A_109 : i32
    %rem3A = arith.remsi %select_n3A_75, %jit3A : i32
    %ne3A_110 = arith.constant 0 : i32
    %ne3A_111 = arith.cmpi ne, %rem3A, %ne3A_110 : i32
    %and3A = arith.andi %ne3A, %ne3A_111 : i1
    %sub3A = arith.constant 1 : i32
    %sub3A_112 = arith.subi %div3A, %sub3A : i32
    %select_n3A_113 = arith.select %and3A, %sub3A_112, %div3A : i32
    %while3A = arith.constant 0 : i32
    %while3A_114 = arith.constant 0 : i32
    %while3A_115 = arith.subi %select_n3A_113, %while3A : i32
    %while3A_116 = arith.addi %while3A, %while3A_115 : i32
    %while3A_117 = arith.constant 1 : i32
    %while3A_118 = arith.divsi %while3A_115, %while3A_117 : i32
    %while3A_119 = arith.muli %while3A_118, %while3A_117 : i32
    %while3A_120 = arith.addi %while3A, %while3A_119 : i32
    %while3A_121 = arith.constant 1 : i32
    %while3A_122 = scf.for %while3A_187 = %while3A to %while3A_120 step %while3A_121 iter_args(%while3A_188 = %while3A_114) -> (i32)  : i32 {
      %mul3A_189 = arith.constant 2 : i32
      %mul3A_190 = arith.muli %mul3A_189, %while3A_187 : i32
      %add3A_191 = arith.constant 0 : i32
      %add3A_192 = arith.addi %mul3A_190, %add3A_191 : i32
      %dma_wait3A_193 = arith.constant 0 : i32
      %dma_wait3A_194 = arith.constant 0 : i32
      %dma_wait3A_195 = tpu.memref_slice %arg2[%dma_wait3A_193, %dma_wait3A_194] : memref<10000x64xbf16, #tpu.memory_space<hbm>> -> memref<10000x64xbf16, #tpu.memory_space<hbm>>
      tpu.wait_indirect_dma semaphore(%arg24 : memref<!tpu.dma_semaphore, #tpu.memory_space<semaphore_mem>>) src(%dma_wait3A_195 : memref<10000x64xbf16, #tpu.memory_space<hbm>>) dst(%arg11 : memref<128x64xbf16, #tpu.memory_space<vmem>>)
      %dma_wait3A_196 = arith.constant 0 : i32
      %dma_wait3A_197 = arith.constant 0 : i32
      %dma_wait3A_198 = tpu.memref_slice %arg3[%dma_wait3A_196, %dma_wait3A_197] : memref<10016x64xbf16, #tpu.memory_space<hbm>> -> memref<10016x64xbf16, #tpu.memory_space<hbm>>
      tpu.wait_indirect_dma semaphore(%arg24 : memref<!tpu.dma_semaphore, #tpu.memory_space<semaphore_mem>>) src(%dma_wait3A_198 : memref<10016x64xbf16, #tpu.memory_space<hbm>>) dst(%arg12 : memref<128x64xbf16, #tpu.memory_space<vmem>>)
      %ne3A_199 = arith.constant 0 : i32
      %ne3A_200 = arith.cmpi ne, %while3A_187, %ne3A_199 : i32
      %convert_element_type3A = arith.extui %ne3A_200 : i1 to i32
      %cond3A = arith.constant 0 : i32
      %cond3A_201 = arith.cmpi ne, %convert_element_type3A, %cond3A : i32
      scf.if %cond3A_201 {
        %dma_wait3A_339 = arith.constant 0 : i32
        %dma_wait3A_340 = arith.constant 0 : i32
        %dma_wait3A_341 = tpu.memref_slice %arg22[%dma_wait3A_339, %dma_wait3A_340] : memref<10240x64xf32, #tpu.memory_space<vmem_shared>> -> memref<10240x64xf32, #tpu.memory_space<vmem_shared>>
        tpu.wait_indirect_dma semaphore(%arg26 : memref<!tpu.dma_semaphore, #tpu.memory_space<semaphore_mem>>) src(%arg13 : memref<128x64xf32, #tpu.memory_space<vmem>>) dst(%dma_wait3A_341 : memref<10240x64xf32, #tpu.memory_space<vmem_shared>>)
      } else {
      }
      %get3A = arith.constant 0 : index
      %get3A_202 = tpu.vector_load %arg9[%get3A] {strides = array<i32>} : memref<128xi32, #tpu.memory_space<vmem>>, vector<16xi32>,
      %swap3A_203 = arith.constant 0 : index
      %swap3A_204 = tpu.vector_load %arg10[%swap3A_203] {strides = array<i32>} : memref<128xi32, #tpu.memory_space<vmem>>, vector<16xi32>,
      tpu.vector_store %arg10[%swap3A_203], %get3A_202 {strides = array<i32>} : memref<128xi32, #tpu.memory_space<vmem>>, vector<16xi32>,
      %get3A_205 = arith.constant 16 : index
      %get3A_206 = tpu.vector_load %arg9[%get3A_205] {strides = array<i32>} : memref<128xi32, #tpu.memory_space<vmem>>, vector<16xi32>,
      %swap3A_207 = arith.constant 16 : index
      %swap3A_208 = tpu.vector_load %arg10[%swap3A_207] {strides = array<i32>} : memref<128xi32, #tpu.memory_space<vmem>>, vector<16xi32>,
      tpu.vector_store %arg10[%swap3A_207], %get3A_206 {strides = array<i32>} : memref<128xi32, #tpu.memory_space<vmem>>, vector<16xi32>,
      %get3A_209 = arith.constant 32 : index
      %get3A_210 = tpu.vector_load %arg9[%get3A_209] {strides = array<i32>} : memref<128xi32, #tpu.memory_space<vmem>>, vector<16xi32>,
      %swap3A_211 = arith.constant 32 : index
      %swap3A_212 = tpu.vector_load %arg10[%swap3A_211] {strides = array<i32>} : memref<128xi32, #tpu.memory_space<vmem>>, vector<16xi32>,
      tpu.vector_store %arg10[%swap3A_211], %get3A_210 {strides = array<i32>} : memref<128xi32, #tpu.memory_space<vmem>>, vector<16xi32>,
      %get3A_213 = arith.constant 48 : index
      %get3A_214 = tpu.vector_load %arg9[%get3A_213] {strides = array<i32>} : memref<128xi32, #tpu.memory_space<vmem>>, vector<16xi32>,
      %swap3A_215 = arith.constant 48 : index
      %swap3A_216 = tpu.vector_load %arg10[%swap3A_215] {strides = array<i32>} : memref<128xi32, #tpu.memory_space<vmem>>, vector<16xi32>,
      tpu.vector_store %arg10[%swap3A_215], %get3A_214 {strides = array<i32>} : memref<128xi32, #tpu.memory_space<vmem>>, vector<16xi32>,
      %get3A_217 = arith.constant 64 : index
      %get3A_218 = tpu.vector_load %arg9[%get3A_217] {strides = array<i32>} : memref<128xi32, #tpu.memory_space<vmem>>, vector<16xi32>,
      %swap3A_219 = arith.constant 64 : index
      %swap3A_220 = tpu.vector_load %arg10[%swap3A_219] {strides = array<i32>} : memref<128xi32, #tpu.memory_space<vmem>>, vector<16xi32>,
      tpu.vector_store %arg10[%swap3A_219], %get3A_218 {strides = array<i32>} : memref<128xi32, #tpu.memory_space<vmem>>, vector<16xi32>,
      %get3A_221 = arith.constant 80 : index
      %get3A_222 = tpu.vector_load %arg9[%get3A_221] {strides = array<i32>} : memref<128xi32, #tpu.memory_space<vmem>>, vector<16xi32>,
      %swap3A_223 = arith.constant 80 : index
      %swap3A_224 = tpu.vector_load %arg10[%swap3A_223] {strides = array<i32>} : memref<128xi32, #tpu.memory_space<vmem>>, vector<16xi32>,
      tpu.vector_store %arg10[%swap3A_223], %get3A_222 {strides = array<i32>} : memref<128xi32, #tpu.memory_space<vmem>>, vector<16xi32>,
      %get3A_225 = arith.constant 96 : index
      %get3A_226 = tpu.vector_load %arg9[%get3A_225] {strides = array<i32>} : memref<128xi32, #tpu.memory_space<vmem>>, vector<16xi32>,
      %swap3A_227 = arith.constant 96 : index
      %swap3A_228 = tpu.vector_load %arg10[%swap3A_227] {strides = array<i32>} : memref<128xi32, #tpu.memory_space<vmem>>, vector<16xi32>,
      tpu.vector_store %arg10[%swap3A_227], %get3A_226 {strides = array<i32>} : memref<128xi32, #tpu.memory_space<vmem>>, vector<16xi32>,
      %get3A_229 = arith.constant 112 : index
      %get3A_230 = tpu.vector_load %arg9[%get3A_229] {strides = array<i32>} : memref<128xi32, #tpu.memory_space<vmem>>, vector<16xi32>,
      %swap3A_231 = arith.constant 112 : index
      %swap3A_232 = tpu.vector_load %arg10[%swap3A_231] {strides = array<i32>} : memref<128xi32, #tpu.memory_space<vmem>>, vector<16xi32>,
      tpu.vector_store %arg10[%swap3A_231], %get3A_230 {strides = array<i32>} : memref<128xi32, #tpu.memory_space<vmem>>, vector<16xi32>,
      %add3A_233 = arith.constant 2 : i32
      %add3A_234 = arith.addi %add3A_192, %add3A_233 : i32
      %sub3A_235 = arith.constant 2 : i32
      %sub3A_236 = arith.subi %select_n3A_75, %sub3A_235 : i32
      %add3A_237 = arith.constant 0 : i32
      %add3A_238 = arith.addi %sub3A_236, %add3A_237 : i32
      %min3A = arith.minsi %add3A_234, %add3A_238 : i32
      %mul3A_239 = arith.constant 128 : i32
      %mul3A_240 = arith.muli %min3A, %mul3A_239 : i32
      %add3A_241 = arith.addi %add3A_81, %mul3A_240 : i32
      %dma_start3A_242 = tpu.memref_slice %arg4[%add3A_241] : memref<327680xi32, #tpu.memory_space<hbm>> -> memref<128xi32, #tpu.memory_space<hbm>>
      %dma_start3A_243 = tpu.memref_slice %arg4[%add3A_241] : memref<327680xi32, #tpu.memory_space<hbm>> -> memref<128xi32, #tpu.memory_space<hbm>>
      tpu.enqueue_dma source(%dma_start3A_243 : memref<128xi32, #tpu.memory_space<hbm>>) target(%arg8 : memref<128xi32, #tpu.memory_space<vmem>>) target_semaphore(%arg28 : memref<!tpu.dma_semaphore, #tpu.memory_space<semaphore_mem>>)
      %dma_start3A_244 = tpu.memref_slice %arg5[%add3A_241] : memref<327680xi32, #tpu.memory_space<hbm>> -> memref<128xi32, #tpu.memory_space<hbm>>
      %dma_start3A_245 = tpu.memref_slice %arg5[%add3A_241] : memref<327680xi32, #tpu.memory_space<hbm>> -> memref<128xi32, #tpu.memory_space<hbm>>
      tpu.enqueue_dma source(%dma_start3A_245 : memref<128xi32, #tpu.memory_space<hbm>>) target(%arg9 : memref<128xi32, #tpu.memory_space<vmem>>) target_semaphore(%arg28 : memref<!tpu.dma_semaphore, #tpu.memory_space<semaphore_mem>>)
      %parallel_loop3A = arith.constant 0 : i32
      %parallel_loop3A_246 = arith.constant 128 : i32
      %parallel_loop3A_247 = arith.constant 1 : i32
      scf.for %parallel_loop3A_339 = %parallel_loop3A to %parallel_loop3A_246 step %parallel_loop3A_247  : i32 {
        %parallel_loop3A_340 = arith.index_cast %parallel_loop3A_339 : i32 to index
        %parallel_loop3A_341 = arith.constant 0 : index
        %parallel_loop3A_342 = tpu.vector_load %arg11[%parallel_loop3A_340, %parallel_loop3A_341] {strides = array<i32>} : memref<128x64xbf16, #tpu.memory_space<vmem>>, vector<32xbf16>,
        %parallel_loop3A_343 = arith.index_cast %parallel_loop3A_339 : i32 to index
        %parallel_loop3A_344 = arith.constant 0 : index
        %parallel_loop3A_345 = tpu.vector_load %arg12[%parallel_loop3A_343, %parallel_loop3A_344] {strides = array<i32>} : memref<128x64xbf16, #tpu.memory_space<vmem>>, vector<32xbf16>,
        %parallel_loop3A_346 = arith.addf %parallel_loop3A_342, %parallel_loop3A_345 : vector<32xbf16>
        %parallel_loop3A_347 = arith.constant 0.000000e+00 : bf16
        %parallel_loop3A_348 = vector.broadcast %parallel_loop3A_347 : bf16 to vector<32xbf16>
        %parallel_loop3A_349 = arith.maximumf %parallel_loop3A_346, %parallel_loop3A_348 : vector<32xbf16>
        %parallel_loop3A_350 = tpu.unpack_subelements %parallel_loop3A_349, 0 {pack_format = #tpu.pack_format<interleaved>} : vector<32xbf16> -> vector<16xf32>
        %parallel_loop3A_351 = tpu.unpack_subelements %parallel_loop3A_349, 1 {pack_format = #tpu.pack_format<interleaved>} : vector<32xbf16> -> vector<16xf32>
        %parallel_loop3A_352 = arith.index_cast %parallel_loop3A_339 : i32 to index
        %parallel_loop3A_353 = arith.constant 0 : index
        %parallel_loop3A_354 = tpu.vector_load %arg13[%parallel_loop3A_352, %parallel_loop3A_353] {strides = array<i32>} : memref<128x64xf32, #tpu.memory_space<vmem>>, vector<16xf32>,
        tpu.vector_store %arg13[%parallel_loop3A_352, %parallel_loop3A_353], %parallel_loop3A_350 {strides = array<i32>} : memref<128x64xf32, #tpu.memory_space<vmem>>, vector<16xf32>,
        %parallel_loop3A_355 = arith.index_cast %parallel_loop3A_339 : i32 to index
        %parallel_loop3A_356 = arith.constant 16 : index
        %parallel_loop3A_357 = tpu.vector_load %arg13[%parallel_loop3A_355, %parallel_loop3A_356] {strides = array<i32>} : memref<128x64xf32, #tpu.memory_space<vmem>>, vector<16xf32>,
        tpu.vector_store %arg13[%parallel_loop3A_355, %parallel_loop3A_356], %parallel_loop3A_351 {strides = array<i32>} : memref<128x64xf32, #tpu.memory_space<vmem>>, vector<16xf32>,
        %parallel_loop3A_358 = arith.index_cast %parallel_loop3A_339 : i32 to index
        %parallel_loop3A_359 = arith.constant 32 : index
        %parallel_loop3A_360 = tpu.vector_load %arg11[%parallel_loop3A_358, %parallel_loop3A_359] {strides = array<i32>} : memref<128x64xbf16, #tpu.memory_space<vmem>>, vector<32xbf16>,
        %parallel_loop3A_361 = arith.index_cast %parallel_loop3A_339 : i32 to index
        %parallel_loop3A_362 = arith.constant 32 : index
        %parallel_loop3A_363 = tpu.vector_load %arg12[%parallel_loop3A_361, %parallel_loop3A_362] {strides = array<i32>} : memref<128x64xbf16, #tpu.memory_space<vmem>>, vector<32xbf16>,
        %parallel_loop3A_364 = arith.addf %parallel_loop3A_360, %parallel_loop3A_363 : vector<32xbf16>
        %parallel_loop3A_365 = arith.constant 0.000000e+00 : bf16
        %parallel_loop3A_366 = vector.broadcast %parallel_loop3A_365 : bf16 to vector<32xbf16>
        %parallel_loop3A_367 = arith.maximumf %parallel_loop3A_364, %parallel_loop3A_366 : vector<32xbf16>
        %parallel_loop3A_368 = tpu.unpack_subelements %parallel_loop3A_367, 0 {pack_format = #tpu.pack_format<interleaved>} : vector<32xbf16> -> vector<16xf32>
        %parallel_loop3A_369 = tpu.unpack_subelements %parallel_loop3A_367, 1 {pack_format = #tpu.pack_format<interleaved>} : vector<32xbf16> -> vector<16xf32>
        %parallel_loop3A_370 = arith.index_cast %parallel_loop3A_339 : i32 to index
        %parallel_loop3A_371 = arith.constant 32 : index
        %parallel_loop3A_372 = tpu.vector_load %arg13[%parallel_loop3A_370, %parallel_loop3A_371] {strides = array<i32>} : memref<128x64xf32, #tpu.memory_space<vmem>>, vector<16xf32>,
        tpu.vector_store %arg13[%parallel_loop3A_370, %parallel_loop3A_371], %parallel_loop3A_368 {strides = array<i32>} : memref<128x64xf32, #tpu.memory_space<vmem>>, vector<16xf32>,
        %parallel_loop3A_373 = arith.index_cast %parallel_loop3A_339 : i32 to index
        %parallel_loop3A_374 = arith.constant 48 : index
        %parallel_loop3A_375 = tpu.vector_load %arg13[%parallel_loop3A_373, %parallel_loop3A_374] {strides = array<i32>} : memref<128x64xf32, #tpu.memory_space<vmem>>, vector<16xf32>,
        tpu.vector_store %arg13[%parallel_loop3A_373, %parallel_loop3A_374], %parallel_loop3A_369 {strides = array<i32>} : memref<128x64xf32, #tpu.memory_space<vmem>>, vector<16xf32>,
      } {sc.loop_unroll_factor = 8 : i64, sc.parallel_access}
      %dma_start3A_248 = arith.constant 0 : i32
      %dma_start3A_249 = arith.constant 0 : i32
      %dma_start3A_250 = tpu.memref_slice %arg22[%dma_start3A_248, %dma_start3A_249] : memref<10240x64xf32, #tpu.memory_space<vmem_shared>> -> memref<10240x64xf32, #tpu.memory_space<vmem_shared>>
      tpu.enqueue_indirect_dma source(%arg13 : memref<128x64xf32, #tpu.memory_space<vmem>>) target(%dma_start3A_250 : memref<10240x64xf32, #tpu.memory_space<vmem_shared>>) offsets(%arg10 : memref<128xi32, #tpu.memory_space<vmem>>) semaphore(%arg26 : memref<!tpu.dma_semaphore, #tpu.memory_space<semaphore_mem>>) {add = true}
      %dma_wait3A_251 = tpu.memref_slice %arg4[%add3A_241] : memref<327680xi32, #tpu.memory_space<hbm>> -> memref<128xi32, #tpu.memory_space<hbm>>
      %dma_wait3A_252 = tpu.memref_slice %arg4[%add3A_241] : memref<327680xi32, #tpu.memory_space<hbm>> -> memref<128xi32, #tpu.memory_space<hbm>>
      tpu.wait_dma2 semaphore(%arg28 : memref<!tpu.dma_semaphore, #tpu.memory_space<semaphore_mem>>) src(%dma_wait3A_252 : memref<128xi32, #tpu.memory_space<hbm>>) dst(%arg8 : memref<128xi32, #tpu.memory_space<vmem>>)
      %dma_wait3A_253 = tpu.memref_slice %arg5[%add3A_241] : memref<327680xi32, #tpu.memory_space<hbm>> -> memref<128xi32, #tpu.memory_space<hbm>>
      %dma_wait3A_254 = tpu.memref_slice %arg5[%add3A_241] : memref<327680xi32, #tpu.memory_space<hbm>> -> memref<128xi32, #tpu.memory_space<hbm>>
      tpu.wait_dma2 semaphore(%arg28 : memref<!tpu.dma_semaphore, #tpu.memory_space<semaphore_mem>>) src(%dma_wait3A_254 : memref<128xi32, #tpu.memory_space<hbm>>) dst(%arg9 : memref<128xi32, #tpu.memory_space<vmem>>)
      %dma_start3A_255 = arith.constant 0 : i32
      %dma_start3A_256 = arith.constant 0 : i32
      %dma_start3A_257 = tpu.memref_slice %arg2[%dma_start3A_255, %dma_start3A_256] : memref<10000x64xbf16, #tpu.memory_space<hbm>> -> memref<10000x64xbf16, #tpu.memory_space<hbm>>
      tpu.enqueue_indirect_dma source(%dma_start3A_257 : memref<10000x64xbf16, #tpu.memory_space<hbm>>) target(%arg11 : memref<128x64xbf16, #tpu.memory_space<vmem>>) offsets(%arg8 : memref<128xi32, #tpu.memory_space<vmem>>) semaphore(%arg24 : memref<!tpu.dma_semaphore, #tpu.memory_space<semaphore_mem>>)
      %dma_start3A_258 = arith.constant 0 : i32
      %dma_start3A_259 = arith.constant 0 : i32
      %dma_start3A_260 = tpu.memref_slice %arg3[%dma_start3A_258, %dma_start3A_259] : memref<10016x64xbf16, #tpu.memory_space<hbm>> -> memref<10016x64xbf16, #tpu.memory_space<hbm>>
      tpu.enqueue_indirect_dma source(%dma_start3A_260 : memref<10016x64xbf16, #tpu.memory_space<hbm>>) target(%arg12 : memref<128x64xbf16, #tpu.memory_space<vmem>>) offsets(%arg9 : memref<128xi32, #tpu.memory_space<vmem>>) semaphore(%arg24 : memref<!tpu.dma_semaphore, #tpu.memory_space<semaphore_mem>>)
      %mul3A_261 = arith.constant 2 : i32
      %mul3A_262 = arith.muli %mul3A_261, %while3A_187 : i32
      %add3A_263 = arith.constant 1 : i32
      %add3A_264 = arith.addi %mul3A_262, %add3A_263 : i32
      %dma_wait3A_265 = arith.constant 0 : i32
      %dma_wait3A_266 = arith.constant 0 : i32
      %dma_wait3A_267 = tpu.memref_slice %arg2[%dma_wait3A_265, %dma_wait3A_266] : memref<10000x64xbf16, #tpu.memory_space<hbm>> -> memref<10000x64xbf16, #tpu.memory_space<hbm>>
      tpu.wait_indirect_dma semaphore(%arg25 : memref<!tpu.dma_semaphore, #tpu.memory_space<semaphore_mem>>) src(%dma_wait3A_267 : memref<10000x64xbf16, #tpu.memory_space<hbm>>) dst(%arg17 : memref<128x64xbf16, #tpu.memory_space<vmem>>)
      %dma_wait3A_268 = arith.constant 0 : i32
      %dma_wait3A_269 = arith.constant 0 : i32
      %dma_wait3A_270 = tpu.memref_slice %arg3[%dma_wait3A_268, %dma_wait3A_269] : memref<10016x64xbf16, #tpu.memory_space<hbm>> -> memref<10016x64xbf16, #tpu.memory_space<hbm>>
      tpu.wait_indirect_dma semaphore(%arg25 : memref<!tpu.dma_semaphore, #tpu.memory_space<semaphore_mem>>) src(%dma_wait3A_270 : memref<10016x64xbf16, #tpu.memory_space<hbm>>) dst(%arg18 : memref<128x64xbf16, #tpu.memory_space<vmem>>)
      %ne3A_271 = arith.constant 0 : i32
      %ne3A_272 = arith.cmpi ne, %while3A_187, %ne3A_271 : i32
      %convert_element_type3A_273 = arith.extui %ne3A_272 : i1 to i32
      %cond3A_274 = arith.constant 0 : i32
      %cond3A_275 = arith.cmpi ne, %convert_element_type3A_273, %cond3A_274 : i32
      scf.if %cond3A_275 {
        %dma_wait3A_339 = arith.constant 0 : i32
        %dma_wait3A_340 = arith.constant 0 : i32
        %dma_wait3A_341 = tpu.memref_slice %arg22[%dma_wait3A_339, %dma_wait3A_340] : memref<10240x64xf32, #tpu.memory_space<vmem_shared>> -> memref<10240x64xf32, #tpu.memory_space<vmem_shared>>
        tpu.wait_indirect_dma semaphore(%arg27 : memref<!tpu.dma_semaphore, #tpu.memory_space<semaphore_mem>>) src(%arg19 : memref<128x64xf32, #tpu.memory_space<vmem>>) dst(%dma_wait3A_341 : memref<10240x64xf32, #tpu.memory_space<vmem_shared>>)
      } else {
      }
      %get3A_276 = arith.constant 0 : index
      %get3A_277 = tpu.vector_load %arg15[%get3A_276] {strides = array<i32>} : memref<128xi32, #tpu.memory_space<vmem>>, vector<16xi32>,
      %swap3A_278 = arith.constant 0 : index
      %swap3A_279 = tpu.vector_load %arg16[%swap3A_278] {strides = array<i32>} : memref<128xi32, #tpu.memory_space<vmem>>, vector<16xi32>,
      tpu.vector_store %arg16[%swap3A_278], %get3A_277 {strides = array<i32>} : memref<128xi32, #tpu.memory_space<vmem>>, vector<16xi32>,
      %get3A_280 = arith.constant 16 : index
      %get3A_281 = tpu.vector_load %arg15[%get3A_280] {strides = array<i32>} : memref<128xi32, #tpu.memory_space<vmem>>, vector<16xi32>,
      %swap3A_282 = arith.constant 16 : index
      %swap3A_283 = tpu.vector_load %arg16[%swap3A_282] {strides = array<i32>} : memref<128xi32, #tpu.memory_space<vmem>>, vector<16xi32>,
      tpu.vector_store %arg16[%swap3A_282], %get3A_281 {strides = array<i32>} : memref<128xi32, #tpu.memory_space<vmem>>, vector<16xi32>,
      %get3A_284 = arith.constant 32 : index
      %get3A_285 = tpu.vector_load %arg15[%get3A_284] {strides = array<i32>} : memref<128xi32, #tpu.memory_space<vmem>>, vector<16xi32>,
      %swap3A_286 = arith.constant 32 : index
      %swap3A_287 = tpu.vector_load %arg16[%swap3A_286] {strides = array<i32>} : memref<128xi32, #tpu.memory_space<vmem>>, vector<16xi32>,
      tpu.vector_store %arg16[%swap3A_286], %get3A_285 {strides = array<i32>} : memref<128xi32, #tpu.memory_space<vmem>>, vector<16xi32>,
      %get3A_288 = arith.constant 48 : index
      %get3A_289 = tpu.vector_load %arg15[%get3A_288] {strides = array<i32>} : memref<128xi32, #tpu.memory_space<vmem>>, vector<16xi32>,
      %swap3A_290 = arith.constant 48 : index
      %swap3A_291 = tpu.vector_load %arg16[%swap3A_290] {strides = array<i32>} : memref<128xi32, #tpu.memory_space<vmem>>, vector<16xi32>,
      tpu.vector_store %arg16[%swap3A_290], %get3A_289 {strides = array<i32>} : memref<128xi32, #tpu.memory_space<vmem>>, vector<16xi32>,
      %get3A_292 = arith.constant 64 : index
      %get3A_293 = tpu.vector_load %arg15[%get3A_292] {strides = array<i32>} : memref<128xi32, #tpu.memory_space<vmem>>, vector<16xi32>,
      %swap3A_294 = arith.constant 64 : index
      %swap3A_295 = tpu.vector_load %arg16[%swap3A_294] {strides = array<i32>} : memref<128xi32, #tpu.memory_space<vmem>>, vector<16xi32>,
      tpu.vector_store %arg16[%swap3A_294], %get3A_293 {strides = array<i32>} : memref<128xi32, #tpu.memory_space<vmem>>, vector<16xi32>,
      %get3A_296 = arith.constant 80 : index
      %get3A_297 = tpu.vector_load %arg15[%get3A_296] {strides = array<i32>} : memref<128xi32, #tpu.memory_space<vmem>>, vector<16xi32>,
      %swap3A_298 = arith.constant 80 : index
      %swap3A_299 = tpu.vector_load %arg16[%swap3A_298] {strides = array<i32>} : memref<128xi32, #tpu.memory_space<vmem>>, vector<16xi32>,
      tpu.vector_store %arg16[%swap3A_298], %get3A_297 {strides = array<i32>} : memref<128xi32, #tpu.memory_space<vmem>>, vector<16xi32>,
      %get3A_300 = arith.constant 96 : index
      %get3A_301 = tpu.vector_load %arg15[%get3A_300] {strides = array<i32>} : memref<128xi32, #tpu.memory_space<vmem>>, vector<16xi32>,
      %swap3A_302 = arith.constant 96 : index
      %swap3A_303 = tpu.vector_load %arg16[%swap3A_302] {strides = array<i32>} : memref<128xi32, #tpu.memory_space<vmem>>, vector<16xi32>,
      tpu.vector_store %arg16[%swap3A_302], %get3A_301 {strides = array<i32>} : memref<128xi32, #tpu.memory_space<vmem>>, vector<16xi32>,
      %get3A_304 = arith.constant 112 : index
      %get3A_305 = tpu.vector_load %arg15[%get3A_304] {strides = array<i32>} : memref<128xi32, #tpu.memory_space<vmem>>, vector<16xi32>,
      %swap3A_306 = arith.constant 112 : index
      %swap3A_307 = tpu.vector_load %arg16[%swap3A_306] {strides = array<i32>} : memref<128xi32, #tpu.memory_space<vmem>>, vector<16xi32>,
      tpu.vector_store %arg16[%swap3A_306], %get3A_305 {strides = array<i32>} : memref<128xi32, #tpu.memory_space<vmem>>, vector<16xi32>,
      %add3A_308 = arith.constant 2 : i32
      %add3A_309 = arith.addi %add3A_264, %add3A_308 : i32
      %sub3A_310 = arith.constant 2 : i32
      %sub3A_311 = arith.subi %select_n3A_75, %sub3A_310 : i32
      %add3A_312 = arith.constant 1 : i32
      %add3A_313 = arith.addi %sub3A_311, %add3A_312 : i32
      %min3A_314 = arith.minsi %add3A_309, %add3A_313 : i32
      %mul3A_315 = arith.constant 128 : i32
      %mul3A_316 = arith.muli %min3A_314, %mul3A_315 : i32
      %add3A_317 = arith.addi %add3A_81, %mul3A_316 : i32
      %dma_start3A_318 = tpu.memref_slice %arg4[%add3A_317] : memref<327680xi32, #tpu.memory_space<hbm>> -> memref<128xi32, #tpu.memory_space<hbm>>
      %dma_start3A_319 = tpu.memref_slice %arg4[%add3A_317] : memref<327680xi32, #tpu.memory_space<hbm>> -> memref<128xi32, #tpu.memory_space<hbm>>
      tpu.enqueue_dma source(%dma_start3A_319 : memref<128xi32, #tpu.memory_space<hbm>>) target(%arg14 : memref<128xi32, #tpu.memory_space<vmem>>) target_semaphore(%arg29 : memref<!tpu.dma_semaphore, #tpu.memory_space<semaphore_mem>>)
      %dma_start3A_320 = tpu.memref_slice %arg5[%add3A_317] : memref<327680xi32, #tpu.memory_space<hbm>> -> memref<128xi32, #tpu.memory_space<hbm>>
      %dma_start3A_321 = tpu.memref_slice %arg5[%add3A_317] : memref<327680xi32, #tpu.memory_space<hbm>> -> memref<128xi32, #tpu.memory_space<hbm>>
      tpu.enqueue_dma source(%dma_start3A_321 : memref<128xi32, #tpu.memory_space<hbm>>) target(%arg15 : memref<128xi32, #tpu.memory_space<vmem>>) target_semaphore(%arg29 : memref<!tpu.dma_semaphore, #tpu.memory_space<semaphore_mem>>)
      %parallel_loop3A_322 = arith.constant 0 : i32
      %parallel_loop3A_323 = arith.constant 128 : i32
      %parallel_loop3A_324 = arith.constant 1 : i32
      scf.for %parallel_loop3A_339 = %parallel_loop3A_322 to %parallel_loop3A_323 step %parallel_loop3A_324  : i32 {
        %parallel_loop3A_340 = arith.index_cast %parallel_loop3A_339 : i32 to index
        %parallel_loop3A_341 = arith.constant 0 : index
        %parallel_loop3A_342 = tpu.vector_load %arg17[%parallel_loop3A_340, %parallel_loop3A_341] {strides = array<i32>} : memref<128x64xbf16, #tpu.memory_space<vmem>>, vector<32xbf16>,
        %parallel_loop3A_343 = arith.index_cast %parallel_loop3A_339 : i32 to index
        %parallel_loop3A_344 = arith.constant 0 : index
        %parallel_loop3A_345 = tpu.vector_load %arg18[%parallel_loop3A_343, %parallel_loop3A_344] {strides = array<i32>} : memref<128x64xbf16, #tpu.memory_space<vmem>>, vector<32xbf16>,
        %parallel_loop3A_346 = arith.addf %parallel_loop3A_342, %parallel_loop3A_345 : vector<32xbf16>
        %parallel_loop3A_347 = arith.constant 0.000000e+00 : bf16
        %parallel_loop3A_348 = vector.broadcast %parallel_loop3A_347 : bf16 to vector<32xbf16>
        %parallel_loop3A_349 = arith.maximumf %parallel_loop3A_346, %parallel_loop3A_348 : vector<32xbf16>
        %parallel_loop3A_350 = tpu.unpack_subelements %parallel_loop3A_349, 0 {pack_format = #tpu.pack_format<interleaved>} : vector<32xbf16> -> vector<16xf32>
        %parallel_loop3A_351 = tpu.unpack_subelements %parallel_loop3A_349, 1 {pack_format = #tpu.pack_format<interleaved>} : vector<32xbf16> -> vector<16xf32>
        %parallel_loop3A_352 = arith.index_cast %parallel_loop3A_339 : i32 to index
        %parallel_loop3A_353 = arith.constant 0 : index
        %parallel_loop3A_354 = tpu.vector_load %arg19[%parallel_loop3A_352, %parallel_loop3A_353] {strides = array<i32>} : memref<128x64xf32, #tpu.memory_space<vmem>>, vector<16xf32>,
        tpu.vector_store %arg19[%parallel_loop3A_352, %parallel_loop3A_353], %parallel_loop3A_350 {strides = array<i32>} : memref<128x64xf32, #tpu.memory_space<vmem>>, vector<16xf32>,
        %parallel_loop3A_355 = arith.index_cast %parallel_loop3A_339 : i32 to index
        %parallel_loop3A_356 = arith.constant 16 : index
        %parallel_loop3A_357 = tpu.vector_load %arg19[%parallel_loop3A_355, %parallel_loop3A_356] {strides = array<i32>} : memref<128x64xf32, #tpu.memory_space<vmem>>, vector<16xf32>,
        tpu.vector_store %arg19[%parallel_loop3A_355, %parallel_loop3A_356], %parallel_loop3A_351 {strides = array<i32>} : memref<128x64xf32, #tpu.memory_space<vmem>>, vector<16xf32>,
        %parallel_loop3A_358 = arith.index_cast %parallel_loop3A_339 : i32 to index
        %parallel_loop3A_359 = arith.constant 32 : index
        %parallel_loop3A_360 = tpu.vector_load %arg17[%parallel_loop3A_358, %parallel_loop3A_359] {strides = array<i32>} : memref<128x64xbf16, #tpu.memory_space<vmem>>, vector<32xbf16>,
        %parallel_loop3A_361 = arith.index_cast %parallel_loop3A_339 : i32 to index
        %parallel_loop3A_362 = arith.constant 32 : index
        %parallel_loop3A_363 = tpu.vector_load %arg18[%parallel_loop3A_361, %parallel_loop3A_362] {strides = array<i32>} : memref<128x64xbf16, #tpu.memory_space<vmem>>, vector<32xbf16>,
        %parallel_loop3A_364 = arith.addf %parallel_loop3A_360, %parallel_loop3A_363 : vector<32xbf16>
        %parallel_loop3A_365 = arith.constant 0.000000e+00 : bf16
        %parallel_loop3A_366 = vector.broadcast %parallel_loop3A_365 : bf16 to vector<32xbf16>
        %parallel_loop3A_367 = arith.maximumf %parallel_loop3A_364, %parallel_loop3A_366 : vector<32xbf16>
        %parallel_loop3A_368 = tpu.unpack_subelements %parallel_loop3A_367, 0 {pack_format = #tpu.pack_format<interleaved>} : vector<32xbf16> -> vector<16xf32>
        %parallel_loop3A_369 = tpu.unpack_subelements %parallel_loop3A_367, 1 {pack_format = #tpu.pack_format<interleaved>} : vector<32xbf16> -> vector<16xf32>
        %parallel_loop3A_370 = arith.index_cast %parallel_loop3A_339 : i32 to index
        %parallel_loop3A_371 = arith.constant 32 : index
        %parallel_loop3A_372 = tpu.vector_load %arg19[%parallel_loop3A_370, %parallel_loop3A_371] {strides = array<i32>} : memref<128x64xf32, #tpu.memory_space<vmem>>, vector<16xf32>,
        tpu.vector_store %arg19[%parallel_loop3A_370, %parallel_loop3A_371], %parallel_loop3A_368 {strides = array<i32>} : memref<128x64xf32, #tpu.memory_space<vmem>>, vector<16xf32>,
        %parallel_loop3A_373 = arith.index_cast %parallel_loop3A_339 : i32 to index
        %parallel_loop3A_374 = arith.constant 48 : index
        %parallel_loop3A_375 = tpu.vector_load %arg19[%parallel_loop3A_373, %parallel_loop3A_374] {strides = array<i32>} : memref<128x64xf32, #tpu.memory_space<vmem>>, vector<16xf32>,
        tpu.vector_store %arg19[%parallel_loop3A_373, %parallel_loop3A_374], %parallel_loop3A_369 {strides = array<i32>} : memref<128x64xf32, #tpu.memory_space<vmem>>, vector<16xf32>,
      } {sc.loop_unroll_factor = 8 : i64, sc.parallel_access}
      %dma_start3A_325 = arith.constant 0 : i32
      %dma_start3A_326 = arith.constant 0 : i32
      %dma_start3A_327 = tpu.memref_slice %arg22[%dma_start3A_325, %dma_start3A_326] : memref<10240x64xf32, #tpu.memory_space<vmem_shared>> -> memref<10240x64xf32, #tpu.memory_space<vmem_shared>>
      tpu.enqueue_indirect_dma source(%arg19 : memref<128x64xf32, #tpu.memory_space<vmem>>) target(%dma_start3A_327 : memref<10240x64xf32, #tpu.memory_space<vmem_shared>>) offsets(%arg16 : memref<128xi32, #tpu.memory_space<vmem>>) semaphore(%arg27 : memref<!tpu.dma_semaphore, #tpu.memory_space<semaphore_mem>>) {add = true}
      %dma_wait3A_328 = tpu.memref_slice %arg4[%add3A_317] : memref<327680xi32, #tpu.memory_space<hbm>> -> memref<128xi32, #tpu.memory_space<hbm>>
      %dma_wait3A_329 = tpu.memref_slice %arg4[%add3A_317] : memref<327680xi32, #tpu.memory_space<hbm>> -> memref<128xi32, #tpu.memory_space<hbm>>
      tpu.wait_dma2 semaphore(%arg29 : memref<!tpu.dma_semaphore, #tpu.memory_space<semaphore_mem>>) src(%dma_wait3A_329 : memref<128xi32, #tpu.memory_space<hbm>>) dst(%arg14 : memref<128xi32, #tpu.memory_space<vmem>>)
      %dma_wait3A_330 = tpu.memref_slice %arg5[%add3A_317] : memref<327680xi32, #tpu.memory_space<hbm>> -> memref<128xi32, #tpu.memory_space<hbm>>
      %dma_wait3A_331 = tpu.memref_slice %arg5[%add3A_317] : memref<327680xi32, #tpu.memory_space<hbm>> -> memref<128xi32, #tpu.memory_space<hbm>>
      tpu.wait_dma2 semaphore(%arg29 : memref<!tpu.dma_semaphore, #tpu.memory_space<semaphore_mem>>) src(%dma_wait3A_331 : memref<128xi32, #tpu.memory_space<hbm>>) dst(%arg15 : memref<128xi32, #tpu.memory_space<vmem>>)
      %dma_start3A_332 = arith.constant 0 : i32
      %dma_start3A_333 = arith.constant 0 : i32
      %dma_start3A_334 = tpu.memref_slice %arg2[%dma_start3A_332, %dma_start3A_333] : memref<10000x64xbf16, #tpu.memory_space<hbm>> -> memref<10000x64xbf16, #tpu.memory_space<hbm>>
      tpu.enqueue_indirect_dma source(%dma_start3A_334 : memref<10000x64xbf16, #tpu.memory_space<hbm>>) target(%arg17 : memref<128x64xbf16, #tpu.memory_space<vmem>>) offsets(%arg14 : memref<128xi32, #tpu.memory_space<vmem>>) semaphore(%arg25 : memref<!tpu.dma_semaphore, #tpu.memory_space<semaphore_mem>>)
      %dma_start3A_335 = arith.constant 0 : i32
      %dma_start3A_336 = arith.constant 0 : i32
      %dma_start3A_337 = tpu.memref_slice %arg3[%dma_start3A_335, %dma_start3A_336] : memref<10016x64xbf16, #tpu.memory_space<hbm>> -> memref<10016x64xbf16, #tpu.memory_space<hbm>>
      tpu.enqueue_indirect_dma source(%dma_start3A_337 : memref<10016x64xbf16, #tpu.memory_space<hbm>>) target(%arg18 : memref<128x64xbf16, #tpu.memory_space<vmem>>) offsets(%arg15 : memref<128xi32, #tpu.memory_space<vmem>>) semaphore(%arg25 : memref<!tpu.dma_semaphore, #tpu.memory_space<semaphore_mem>>)
      %while3A_338 = arith.constant 0 : i32
      scf.yield %while3A_338 : i32
    }
    %while3A_123 = arith.constant 1 : i32
    %while3A_124 = scf.for %while3A_187 = %while3A_120 to %while3A_116 step %while3A_123 iter_args(%while3A_188 = %while3A_122) -> (i32)  : i32 {
      %mul3A_189 = arith.constant 2 : i32
      %mul3A_190 = arith.muli %mul3A_189, %while3A_187 : i32
      %add3A_191 = arith.constant 0 : i32
      %add3A_192 = arith.addi %mul3A_190, %add3A_191 : i32
      %dma_wait3A_193 = arith.constant 0 : i32
      %dma_wait3A_194 = arith.constant 0 : i32
      %dma_wait3A_195 = tpu.memref_slice %arg2[%dma_wait3A_193, %dma_wait3A_194] : memref<10000x64xbf16, #tpu.memory_space<hbm>> -> memref<10000x64xbf16, #tpu.memory_space<hbm>>
      tpu.wait_indirect_dma semaphore(%arg24 : memref<!tpu.dma_semaphore, #tpu.memory_space<semaphore_mem>>) src(%dma_wait3A_195 : memref<10000x64xbf16, #tpu.memory_space<hbm>>) dst(%arg11 : memref<128x64xbf16, #tpu.memory_space<vmem>>)
      %dma_wait3A_196 = arith.constant 0 : i32
      %dma_wait3A_197 = arith.constant 0 : i32
      %dma_wait3A_198 = tpu.memref_slice %arg3[%dma_wait3A_196, %dma_wait3A_197] : memref<10016x64xbf16, #tpu.memory_space<hbm>> -> memref<10016x64xbf16, #tpu.memory_space<hbm>>
      tpu.wait_indirect_dma semaphore(%arg24 : memref<!tpu.dma_semaphore, #tpu.memory_space<semaphore_mem>>) src(%dma_wait3A_198 : memref<10016x64xbf16, #tpu.memory_space<hbm>>) dst(%arg12 : memref<128x64xbf16, #tpu.memory_space<vmem>>)
      %ne3A_199 = arith.constant 0 : i32
      %ne3A_200 = arith.cmpi ne, %while3A_187, %ne3A_199 : i32
      %convert_element_type3A = arith.extui %ne3A_200 : i1 to i32
      %cond3A = arith.constant 0 : i32
      %cond3A_201 = arith.cmpi ne, %convert_element_type3A, %cond3A : i32
      scf.if %cond3A_201 {
        %dma_wait3A_339 = arith.constant 0 : i32
        %dma_wait3A_340 = arith.constant 0 : i32
        %dma_wait3A_341 = tpu.memref_slice %arg22[%dma_wait3A_339, %dma_wait3A_340] : memref<10240x64xf32, #tpu.memory_space<vmem_shared>> -> memref<10240x64xf32, #tpu.memory_space<vmem_shared>>
        tpu.wait_indirect_dma semaphore(%arg26 : memref<!tpu.dma_semaphore, #tpu.memory_space<semaphore_mem>>) src(%arg13 : memref<128x64xf32, #tpu.memory_space<vmem>>) dst(%dma_wait3A_341 : memref<10240x64xf32, #tpu.memory_space<vmem_shared>>)
      } else {
      }
      %get3A = arith.constant 0 : index
      %get3A_202 = tpu.vector_load %arg9[%get3A] {strides = array<i32>} : memref<128xi32, #tpu.memory_space<vmem>>, vector<16xi32>,
      %swap3A_203 = arith.constant 0 : index
      %swap3A_204 = tpu.vector_load %arg10[%swap3A_203] {strides = array<i32>} : memref<128xi32, #tpu.memory_space<vmem>>, vector<16xi32>,
      tpu.vector_store %arg10[%swap3A_203], %get3A_202 {strides = array<i32>} : memref<128xi32, #tpu.memory_space<vmem>>, vector<16xi32>,
      %get3A_205 = arith.constant 16 : index
      %get3A_206 = tpu.vector_load %arg9[%get3A_205] {strides = array<i32>} : memref<128xi32, #tpu.memory_space<vmem>>, vector<16xi32>,
      %swap3A_207 = arith.constant 16 : index
      %swap3A_208 = tpu.vector_load %arg10[%swap3A_207] {strides = array<i32>} : memref<128xi32, #tpu.memory_space<vmem>>, vector<16xi32>,
      tpu.vector_store %arg10[%swap3A_207], %get3A_206 {strides = array<i32>} : memref<128xi32, #tpu.memory_space<vmem>>, vector<16xi32>,
      %get3A_209 = arith.constant 32 : index
      %get3A_210 = tpu.vector_load %arg9[%get3A_209] {strides = array<i32>} : memref<128xi32, #tpu.memory_space<vmem>>, vector<16xi32>,
      %swap3A_211 = arith.constant 32 : index
      %swap3A_212 = tpu.vector_load %arg10[%swap3A_211] {strides = array<i32>} : memref<128xi32, #tpu.memory_space<vmem>>, vector<16xi32>,
      tpu.vector_store %arg10[%swap3A_211], %get3A_210 {strides = array<i32>} : memref<128xi32, #tpu.memory_space<vmem>>, vector<16xi32>,
      %get3A_213 = arith.constant 48 : index
      %get3A_214 = tpu.vector_load %arg9[%get3A_213] {strides = array<i32>} : memref<128xi32, #tpu.memory_space<vmem>>, vector<16xi32>,
      %swap3A_215 = arith.constant 48 : index
      %swap3A_216 = tpu.vector_load %arg10[%swap3A_215] {strides = array<i32>} : memref<128xi32, #tpu.memory_space<vmem>>, vector<16xi32>,
      tpu.vector_store %arg10[%swap3A_215], %get3A_214 {strides = array<i32>} : memref<128xi32, #tpu.memory_space<vmem>>, vector<16xi32>,
      %get3A_217 = arith.constant 64 : index
      %get3A_218 = tpu.vector_load %arg9[%get3A_217] {strides = array<i32>} : memref<128xi32, #tpu.memory_space<vmem>>, vector<16xi32>,
      %swap3A_219 = arith.constant 64 : index
      %swap3A_220 = tpu.vector_load %arg10[%swap3A_219] {strides = array<i32>} : memref<128xi32, #tpu.memory_space<vmem>>, vector<16xi32>,
      tpu.vector_store %arg10[%swap3A_219], %get3A_218 {strides = array<i32>} : memref<128xi32, #tpu.memory_space<vmem>>, vector<16xi32>,
      %get3A_221 = arith.constant 80 : index
      %get3A_222 = tpu.vector_load %arg9[%get3A_221] {strides = array<i32>} : memref<128xi32, #tpu.memory_space<vmem>>, vector<16xi32>,
      %swap3A_223 = arith.constant 80 : index
      %swap3A_224 = tpu.vector_load %arg10[%swap3A_223] {strides = array<i32>} : memref<128xi32, #tpu.memory_space<vmem>>, vector<16xi32>,
      tpu.vector_store %arg10[%swap3A_223], %get3A_222 {strides = array<i32>} : memref<128xi32, #tpu.memory_space<vmem>>, vector<16xi32>,
      %get3A_225 = arith.constant 96 : index
      %get3A_226 = tpu.vector_load %arg9[%get3A_225] {strides = array<i32>} : memref<128xi32, #tpu.memory_space<vmem>>, vector<16xi32>,
      %swap3A_227 = arith.constant 96 : index
      %swap3A_228 = tpu.vector_load %arg10[%swap3A_227] {strides = array<i32>} : memref<128xi32, #tpu.memory_space<vmem>>, vector<16xi32>,
      tpu.vector_store %arg10[%swap3A_227], %get3A_226 {strides = array<i32>} : memref<128xi32, #tpu.memory_space<vmem>>, vector<16xi32>,
      %get3A_229 = arith.constant 112 : index
      %get3A_230 = tpu.vector_load %arg9[%get3A_229] {strides = array<i32>} : memref<128xi32, #tpu.memory_space<vmem>>, vector<16xi32>,
      %swap3A_231 = arith.constant 112 : index
      %swap3A_232 = tpu.vector_load %arg10[%swap3A_231] {strides = array<i32>} : memref<128xi32, #tpu.memory_space<vmem>>, vector<16xi32>,
      tpu.vector_store %arg10[%swap3A_231], %get3A_230 {strides = array<i32>} : memref<128xi32, #tpu.memory_space<vmem>>, vector<16xi32>,
      %add3A_233 = arith.constant 2 : i32
      %add3A_234 = arith.addi %add3A_192, %add3A_233 : i32
      %sub3A_235 = arith.constant 2 : i32
      %sub3A_236 = arith.subi %select_n3A_75, %sub3A_235 : i32
      %add3A_237 = arith.constant 0 : i32
      %add3A_238 = arith.addi %sub3A_236, %add3A_237 : i32
      %min3A = arith.minsi %add3A_234, %add3A_238 : i32
      %mul3A_239 = arith.constant 128 : i32
      %mul3A_240 = arith.muli %min3A, %mul3A_239 : i32
      %add3A_241 = arith.addi %add3A_81, %mul3A_240 : i32
      %dma_start3A_242 = tpu.memref_slice %arg4[%add3A_241] : memref<327680xi32, #tpu.memory_space<hbm>> -> memref<128xi32, #tpu.memory_space<hbm>>
      %dma_start3A_243 = tpu.memref_slice %arg4[%add3A_241] : memref<327680xi32, #tpu.memory_space<hbm>> -> memref<128xi32, #tpu.memory_space<hbm>>
      tpu.enqueue_dma source(%dma_start3A_243 : memref<128xi32, #tpu.memory_space<hbm>>) target(%arg8 : memref<128xi32, #tpu.memory_space<vmem>>) target_semaphore(%arg28 : memref<!tpu.dma_semaphore, #tpu.memory_space<semaphore_mem>>)
      %dma_start3A_244 = tpu.memref_slice %arg5[%add3A_241] : memref<327680xi32, #tpu.memory_space<hbm>> -> memref<128xi32, #tpu.memory_space<hbm>>
      %dma_start3A_245 = tpu.memref_slice %arg5[%add3A_241] : memref<327680xi32, #tpu.memory_space<hbm>> -> memref<128xi32, #tpu.memory_space<hbm>>
      tpu.enqueue_dma source(%dma_start3A_245 : memref<128xi32, #tpu.memory_space<hbm>>) target(%arg9 : memref<128xi32, #tpu.memory_space<vmem>>) target_semaphore(%arg28 : memref<!tpu.dma_semaphore, #tpu.memory_space<semaphore_mem>>)
      %parallel_loop3A = arith.constant 0 : i32
      %parallel_loop3A_246 = arith.constant 128 : i32
      %parallel_loop3A_247 = arith.constant 1 : i32
      scf.for %parallel_loop3A_339 = %parallel_loop3A to %parallel_loop3A_246 step %parallel_loop3A_247  : i32 {
        %parallel_loop3A_340 = arith.index_cast %parallel_loop3A_339 : i32 to index
        %parallel_loop3A_341 = arith.constant 0 : index
        %parallel_loop3A_342 = tpu.vector_load %arg11[%parallel_loop3A_340, %parallel_loop3A_341] {strides = array<i32>} : memref<128x64xbf16, #tpu.memory_space<vmem>>, vector<32xbf16>,
        %parallel_loop3A_343 = arith.index_cast %parallel_loop3A_339 : i32 to index
        %parallel_loop3A_344 = arith.constant 0 : index
        %parallel_loop3A_345 = tpu.vector_load %arg12[%parallel_loop3A_343, %parallel_loop3A_344] {strides = array<i32>} : memref<128x64xbf16, #tpu.memory_space<vmem>>, vector<32xbf16>,
        %parallel_loop3A_346 = arith.addf %parallel_loop3A_342, %parallel_loop3A_345 : vector<32xbf16>
        %parallel_loop3A_347 = arith.constant 0.000000e+00 : bf16
        %parallel_loop3A_348 = vector.broadcast %parallel_loop3A_347 : bf16 to vector<32xbf16>
        %parallel_loop3A_349 = arith.maximumf %parallel_loop3A_346, %parallel_loop3A_348 : vector<32xbf16>
        %parallel_loop3A_350 = tpu.unpack_subelements %parallel_loop3A_349, 0 {pack_format = #tpu.pack_format<interleaved>} : vector<32xbf16> -> vector<16xf32>
        %parallel_loop3A_351 = tpu.unpack_subelements %parallel_loop3A_349, 1 {pack_format = #tpu.pack_format<interleaved>} : vector<32xbf16> -> vector<16xf32>
        %parallel_loop3A_352 = arith.index_cast %parallel_loop3A_339 : i32 to index
        %parallel_loop3A_353 = arith.constant 0 : index
        %parallel_loop3A_354 = tpu.vector_load %arg13[%parallel_loop3A_352, %parallel_loop3A_353] {strides = array<i32>} : memref<128x64xf32, #tpu.memory_space<vmem>>, vector<16xf32>,
        tpu.vector_store %arg13[%parallel_loop3A_352, %parallel_loop3A_353], %parallel_loop3A_350 {strides = array<i32>} : memref<128x64xf32, #tpu.memory_space<vmem>>, vector<16xf32>,
        %parallel_loop3A_355 = arith.index_cast %parallel_loop3A_339 : i32 to index
        %parallel_loop3A_356 = arith.constant 16 : index
        %parallel_loop3A_357 = tpu.vector_load %arg13[%parallel_loop3A_355, %parallel_loop3A_356] {strides = array<i32>} : memref<128x64xf32, #tpu.memory_space<vmem>>, vector<16xf32>,
        tpu.vector_store %arg13[%parallel_loop3A_355, %parallel_loop3A_356], %parallel_loop3A_351 {strides = array<i32>} : memref<128x64xf32, #tpu.memory_space<vmem>>, vector<16xf32>,
        %parallel_loop3A_358 = arith.index_cast %parallel_loop3A_339 : i32 to index
        %parallel_loop3A_359 = arith.constant 32 : index
        %parallel_loop3A_360 = tpu.vector_load %arg11[%parallel_loop3A_358, %parallel_loop3A_359] {strides = array<i32>} : memref<128x64xbf16, #tpu.memory_space<vmem>>, vector<32xbf16>,
        %parallel_loop3A_361 = arith.index_cast %parallel_loop3A_339 : i32 to index
        %parallel_loop3A_362 = arith.constant 32 : index
        %parallel_loop3A_363 = tpu.vector_load %arg12[%parallel_loop3A_361, %parallel_loop3A_362] {strides = array<i32>} : memref<128x64xbf16, #tpu.memory_space<vmem>>, vector<32xbf16>,
        %parallel_loop3A_364 = arith.addf %parallel_loop3A_360, %parallel_loop3A_363 : vector<32xbf16>
        %parallel_loop3A_365 = arith.constant 0.000000e+00 : bf16
        %parallel_loop3A_366 = vector.broadcast %parallel_loop3A_365 : bf16 to vector<32xbf16>
        %parallel_loop3A_367 = arith.maximumf %parallel_loop3A_364, %parallel_loop3A_366 : vector<32xbf16>
        %parallel_loop3A_368 = tpu.unpack_subelements %parallel_loop3A_367, 0 {pack_format = #tpu.pack_format<interleaved>} : vector<32xbf16> -> vector<16xf32>
        %parallel_loop3A_369 = tpu.unpack_subelements %parallel_loop3A_367, 1 {pack_format = #tpu.pack_format<interleaved>} : vector<32xbf16> -> vector<16xf32>
        %parallel_loop3A_370 = arith.index_cast %parallel_loop3A_339 : i32 to index
        %parallel_loop3A_371 = arith.constant 32 : index
        %parallel_loop3A_372 = tpu.vector_load %arg13[%parallel_loop3A_370, %parallel_loop3A_371] {strides = array<i32>} : memref<128x64xf32, #tpu.memory_space<vmem>>, vector<16xf32>,
        tpu.vector_store %arg13[%parallel_loop3A_370, %parallel_loop3A_371], %parallel_loop3A_368 {strides = array<i32>} : memref<128x64xf32, #tpu.memory_space<vmem>>, vector<16xf32>,
        %parallel_loop3A_373 = arith.index_cast %parallel_loop3A_339 : i32 to index
        %parallel_loop3A_374 = arith.constant 48 : index
        %parallel_loop3A_375 = tpu.vector_load %arg13[%parallel_loop3A_373, %parallel_loop3A_374] {strides = array<i32>} : memref<128x64xf32, #tpu.memory_space<vmem>>, vector<16xf32>,
        tpu.vector_store %arg13[%parallel_loop3A_373, %parallel_loop3A_374], %parallel_loop3A_369 {strides = array<i32>} : memref<128x64xf32, #tpu.memory_space<vmem>>, vector<16xf32>,
      } {sc.loop_unroll_factor = 8 : i64, sc.parallel_access}
      %dma_start3A_248 = arith.constant 0 : i32
      %dma_start3A_249 = arith.constant 0 : i32
      %dma_start3A_250 = tpu.memref_slice %arg22[%dma_start3A_248, %dma_start3A_249] : memref<10240x64xf32, #tpu.memory_space<vmem_shared>> -> memref<10240x64xf32, #tpu.memory_space<vmem_shared>>
      tpu.enqueue_indirect_dma source(%arg13 : memref<128x64xf32, #tpu.memory_space<vmem>>) target(%dma_start3A_250 : memref<10240x64xf32, #tpu.memory_space<vmem_shared>>) offsets(%arg10 : memref<128xi32, #tpu.memory_space<vmem>>) semaphore(%arg26 : memref<!tpu.dma_semaphore, #tpu.memory_space<semaphore_mem>>) {add = true}
      %dma_wait3A_251 = tpu.memref_slice %arg4[%add3A_241] : memref<327680xi32, #tpu.memory_space<hbm>> -> memref<128xi32, #tpu.memory_space<hbm>>
      %dma_wait3A_252 = tpu.memref_slice %arg4[%add3A_241] : memref<327680xi32, #tpu.memory_space<hbm>> -> memref<128xi32, #tpu.memory_space<hbm>>
      tpu.wait_dma2 semaphore(%arg28 : memref<!tpu.dma_semaphore, #tpu.memory_space<semaphore_mem>>) src(%dma_wait3A_252 : memref<128xi32, #tpu.memory_space<hbm>>) dst(%arg8 : memref<128xi32, #tpu.memory_space<vmem>>)
      %dma_wait3A_253 = tpu.memref_slice %arg5[%add3A_241] : memref<327680xi32, #tpu.memory_space<hbm>> -> memref<128xi32, #tpu.memory_space<hbm>>
      %dma_wait3A_254 = tpu.memref_slice %arg5[%add3A_241] : memref<327680xi32, #tpu.memory_space<hbm>> -> memref<128xi32, #tpu.memory_space<hbm>>
      tpu.wait_dma2 semaphore(%arg28 : memref<!tpu.dma_semaphore, #tpu.memory_space<semaphore_mem>>) src(%dma_wait3A_254 : memref<128xi32, #tpu.memory_space<hbm>>) dst(%arg9 : memref<128xi32, #tpu.memory_space<vmem>>)
      %dma_start3A_255 = arith.constant 0 : i32
      %dma_start3A_256 = arith.constant 0 : i32
      %dma_start3A_257 = tpu.memref_slice %arg2[%dma_start3A_255, %dma_start3A_256] : memref<10000x64xbf16, #tpu.memory_space<hbm>> -> memref<10000x64xbf16, #tpu.memory_space<hbm>>
      tpu.enqueue_indirect_dma source(%dma_start3A_257 : memref<10000x64xbf16, #tpu.memory_space<hbm>>) target(%arg11 : memref<128x64xbf16, #tpu.memory_space<vmem>>) offsets(%arg8 : memref<128xi32, #tpu.memory_space<vmem>>) semaphore(%arg24 : memref<!tpu.dma_semaphore, #tpu.memory_space<semaphore_mem>>)
      %dma_start3A_258 = arith.constant 0 : i32
      %dma_start3A_259 = arith.constant 0 : i32
      %dma_start3A_260 = tpu.memref_slice %arg3[%dma_start3A_258, %dma_start3A_259] : memref<10016x64xbf16, #tpu.memory_space<hbm>> -> memref<10016x64xbf16, #tpu.memory_space<hbm>>
      tpu.enqueue_indirect_dma source(%dma_start3A_260 : memref<10016x64xbf16, #tpu.memory_space<hbm>>) target(%arg12 : memref<128x64xbf16, #tpu.memory_space<vmem>>) offsets(%arg9 : memref<128xi32, #tpu.memory_space<vmem>>) semaphore(%arg24 : memref<!tpu.dma_semaphore, #tpu.memory_space<semaphore_mem>>)
      %mul3A_261 = arith.constant 2 : i32
      %mul3A_262 = arith.muli %mul3A_261, %while3A_187 : i32
      %add3A_263 = arith.constant 1 : i32
      %add3A_264 = arith.addi %mul3A_262, %add3A_263 : i32
      %dma_wait3A_265 = arith.constant 0 : i32
      %dma_wait3A_266 = arith.constant 0 : i32
      %dma_wait3A_267 = tpu.memref_slice %arg2[%dma_wait3A_265, %dma_wait3A_266] : memref<10000x64xbf16, #tpu.memory_space<hbm>> -> memref<10000x64xbf16, #tpu.memory_space<hbm>>
      tpu.wait_indirect_dma semaphore(%arg25 : memref<!tpu.dma_semaphore, #tpu.memory_space<semaphore_mem>>) src(%dma_wait3A_267 : memref<10000x64xbf16, #tpu.memory_space<hbm>>) dst(%arg17 : memref<128x64xbf16, #tpu.memory_space<vmem>>)
      %dma_wait3A_268 = arith.constant 0 : i32
      %dma_wait3A_269 = arith.constant 0 : i32
      %dma_wait3A_270 = tpu.memref_slice %arg3[%dma_wait3A_268, %dma_wait3A_269] : memref<10016x64xbf16, #tpu.memory_space<hbm>> -> memref<10016x64xbf16, #tpu.memory_space<hbm>>
      tpu.wait_indirect_dma semaphore(%arg25 : memref<!tpu.dma_semaphore, #tpu.memory_space<semaphore_mem>>) src(%dma_wait3A_270 : memref<10016x64xbf16, #tpu.memory_space<hbm>>) dst(%arg18 : memref<128x64xbf16, #tpu.memory_space<vmem>>)
      %ne3A_271 = arith.constant 0 : i32
      %ne3A_272 = arith.cmpi ne, %while3A_187, %ne3A_271 : i32
      %convert_element_type3A_273 = arith.extui %ne3A_272 : i1 to i32
      %cond3A_274 = arith.constant 0 : i32
      %cond3A_275 = arith.cmpi ne, %convert_element_type3A_273, %cond3A_274 : i32
      scf.if %cond3A_275 {
        %dma_wait3A_339 = arith.constant 0 : i32
        %dma_wait3A_340 = arith.constant 0 : i32
        %dma_wait3A_341 = tpu.memref_slice %arg22[%dma_wait3A_339, %dma_wait3A_340] : memref<10240x64xf32, #tpu.memory_space<vmem_shared>> -> memref<10240x64xf32, #tpu.memory_space<vmem_shared>>
        tpu.wait_indirect_dma semaphore(%arg27 : memref<!tpu.dma_semaphore, #tpu.memory_space<semaphore_mem>>) src(%arg19 : memref<128x64xf32, #tpu.memory_space<vmem>>) dst(%dma_wait3A_341 : memref<10240x64xf32, #tpu.memory_space<vmem_shared>>)
      } else {
      }
      %get3A_276 = arith.constant 0 : index
      %get3A_277 = tpu.vector_load %arg15[%get3A_276] {strides = array<i32>} : memref<128xi32, #tpu.memory_space<vmem>>, vector<16xi32>,
      %swap3A_278 = arith.constant 0 : index
      %swap3A_279 = tpu.vector_load %arg16[%swap3A_278] {strides = array<i32>} : memref<128xi32, #tpu.memory_space<vmem>>, vector<16xi32>,
      tpu.vector_store %arg16[%swap3A_278], %get3A_277 {strides = array<i32>} : memref<128xi32, #tpu.memory_space<vmem>>, vector<16xi32>,
      %get3A_280 = arith.constant 16 : index
      %get3A_281 = tpu.vector_load %arg15[%get3A_280] {strides = array<i32>} : memref<128xi32, #tpu.memory_space<vmem>>, vector<16xi32>,
      %swap3A_282 = arith.constant 16 : index
      %swap3A_283 = tpu.vector_load %arg16[%swap3A_282] {strides = array<i32>} : memref<128xi32, #tpu.memory_space<vmem>>, vector<16xi32>,
      tpu.vector_store %arg16[%swap3A_282], %get3A_281 {strides = array<i32>} : memref<128xi32, #tpu.memory_space<vmem>>, vector<16xi32>,
      %get3A_284 = arith.constant 32 : index
      %get3A_285 = tpu.vector_load %arg15[%get3A_284] {strides = array<i32>} : memref<128xi32, #tpu.memory_space<vmem>>, vector<16xi32>,
      %swap3A_286 = arith.constant 32 : index
      %swap3A_287 = tpu.vector_load %arg16[%swap3A_286] {strides = array<i32>} : memref<128xi32, #tpu.memory_space<vmem>>, vector<16xi32>,
      tpu.vector_store %arg16[%swap3A_286], %get3A_285 {strides = array<i32>} : memref<128xi32, #tpu.memory_space<vmem>>, vector<16xi32>,
      %get3A_288 = arith.constant 48 : index
      %get3A_289 = tpu.vector_load %arg15[%get3A_288] {strides = array<i32>} : memref<128xi32, #tpu.memory_space<vmem>>, vector<16xi32>,
      %swap3A_290 = arith.constant 48 : index
      %swap3A_291 = tpu.vector_load %arg16[%swap3A_290] {strides = array<i32>} : memref<128xi32, #tpu.memory_space<vmem>>, vector<16xi32>,
      tpu.vector_store %arg16[%swap3A_290], %get3A_289 {strides = array<i32>} : memref<128xi32, #tpu.memory_space<vmem>>, vector<16xi32>,
      %get3A_292 = arith.constant 64 : index
      %get3A_293 = tpu.vector_load %arg15[%get3A_292] {strides = array<i32>} : memref<128xi32, #tpu.memory_space<vmem>>, vector<16xi32>,
      %swap3A_294 = arith.constant 64 : index
      %swap3A_295 = tpu.vector_load %arg16[%swap3A_294] {strides = array<i32>} : memref<128xi32, #tpu.memory_space<vmem>>, vector<16xi32>,
      tpu.vector_store %arg16[%swap3A_294], %get3A_293 {strides = array<i32>} : memref<128xi32, #tpu.memory_space<vmem>>, vector<16xi32>,
      %get3A_296 = arith.constant 80 : index
      %get3A_297 = tpu.vector_load %arg15[%get3A_296] {strides = array<i32>} : memref<128xi32, #tpu.memory_space<vmem>>, vector<16xi32>,
      %swap3A_298 = arith.constant 80 : index
      %swap3A_299 = tpu.vector_load %arg16[%swap3A_298] {strides = array<i32>} : memref<128xi32, #tpu.memory_space<vmem>>, vector<16xi32>,
      tpu.vector_store %arg16[%swap3A_298], %get3A_297 {strides = array<i32>} : memref<128xi32, #tpu.memory_space<vmem>>, vector<16xi32>,
      %get3A_300 = arith.constant 96 : index
      %get3A_301 = tpu.vector_load %arg15[%get3A_300] {strides = array<i32>} : memref<128xi32, #tpu.memory_space<vmem>>, vector<16xi32>,
      %swap3A_302 = arith.constant 96 : index
      %swap3A_303 = tpu.vector_load %arg16[%swap3A_302] {strides = array<i32>} : memref<128xi32, #tpu.memory_space<vmem>>, vector<16xi32>,
      tpu.vector_store %arg16[%swap3A_302], %get3A_301 {strides = array<i32>} : memref<128xi32, #tpu.memory_space<vmem>>, vector<16xi32>,
      %get3A_304 = arith.constant 112 : index
      %get3A_305 = tpu.vector_load %arg15[%get3A_304] {strides = array<i32>} : memref<128xi32, #tpu.memory_space<vmem>>, vector<16xi32>,
      %swap3A_306 = arith.constant 112 : index
      %swap3A_307 = tpu.vector_load %arg16[%swap3A_306] {strides = array<i32>} : memref<128xi32, #tpu.memory_space<vmem>>, vector<16xi32>,
      tpu.vector_store %arg16[%swap3A_306], %get3A_305 {strides = array<i32>} : memref<128xi32, #tpu.memory_space<vmem>>, vector<16xi32>,
      %add3A_308 = arith.constant 2 : i32
      %add3A_309 = arith.addi %add3A_264, %add3A_308 : i32
      %sub3A_310 = arith.constant 2 : i32
      %sub3A_311 = arith.subi %select_n3A_75, %sub3A_310 : i32
      %add3A_312 = arith.constant 1 : i32
      %add3A_313 = arith.addi %sub3A_311, %add3A_312 : i32
      %min3A_314 = arith.minsi %add3A_309, %add3A_313 : i32
      %mul3A_315 = arith.constant 128 : i32
      %mul3A_316 = arith.muli %min3A_314, %mul3A_315 : i32
      %add3A_317 = arith.addi %add3A_81, %mul3A_316 : i32
      %dma_start3A_318 = tpu.memref_slice %arg4[%add3A_317] : memref<327680xi32, #tpu.memory_space<hbm>> -> memref<128xi32, #tpu.memory_space<hbm>>
      %dma_start3A_319 = tpu.memref_slice %arg4[%add3A_317] : memref<327680xi32, #tpu.memory_space<hbm>> -> memref<128xi32, #tpu.memory_space<hbm>>
      tpu.enqueue_dma source(%dma_start3A_319 : memref<128xi32, #tpu.memory_space<hbm>>) target(%arg14 : memref<128xi32, #tpu.memory_space<vmem>>) target_semaphore(%arg29 : memref<!tpu.dma_semaphore, #tpu.memory_space<semaphore_mem>>)
      %dma_start3A_320 = tpu.memref_slice %arg5[%add3A_317] : memref<327680xi32, #tpu.memory_space<hbm>> -> memref<128xi32, #tpu.memory_space<hbm>>
      %dma_start3A_321 = tpu.memref_slice %arg5[%add3A_317] : memref<327680xi32, #tpu.memory_space<hbm>> -> memref<128xi32, #tpu.memory_space<hbm>>
      tpu.enqueue_dma source(%dma_start3A_321 : memref<128xi32, #tpu.memory_space<hbm>>) target(%arg15 : memref<128xi32, #tpu.memory_space<vmem>>) target_semaphore(%arg29 : memref<!tpu.dma_semaphore, #tpu.memory_space<semaphore_mem>>)
      %parallel_loop3A_322 = arith.constant 0 : i32
      %parallel_loop3A_323 = arith.constant 128 : i32
      %parallel_loop3A_324 = arith.constant 1 : i32
      scf.for %parallel_loop3A_339 = %parallel_loop3A_322 to %parallel_loop3A_323 step %parallel_loop3A_324  : i32 {
        %parallel_loop3A_340 = arith.index_cast %parallel_loop3A_339 : i32 to index
        %parallel_loop3A_341 = arith.constant 0 : index
        %parallel_loop3A_342 = tpu.vector_load %arg17[%parallel_loop3A_340, %parallel_loop3A_341] {strides = array<i32>} : memref<128x64xbf16, #tpu.memory_space<vmem>>, vector<32xbf16>,
        %parallel_loop3A_343 = arith.index_cast %parallel_loop3A_339 : i32 to index
        %parallel_loop3A_344 = arith.constant 0 : index
        %parallel_loop3A_345 = tpu.vector_load %arg18[%parallel_loop3A_343, %parallel_loop3A_344] {strides = array<i32>} : memref<128x64xbf16, #tpu.memory_space<vmem>>, vector<32xbf16>,
        %parallel_loop3A_346 = arith.addf %parallel_loop3A_342, %parallel_loop3A_345 : vector<32xbf16>
        %parallel_loop3A_347 = arith.constant 0.000000e+00 : bf16
        %parallel_loop3A_348 = vector.broadcast %parallel_loop3A_347 : bf16 to vector<32xbf16>
        %parallel_loop3A_349 = arith.maximumf %parallel_loop3A_346, %parallel_loop3A_348 : vector<32xbf16>
        %parallel_loop3A_350 = tpu.unpack_subelements %parallel_loop3A_349, 0 {pack_format = #tpu.pack_format<interleaved>} : vector<32xbf16> -> vector<16xf32>
        %parallel_loop3A_351 = tpu.unpack_subelements %parallel_loop3A_349, 1 {pack_format = #tpu.pack_format<interleaved>} : vector<32xbf16> -> vector<16xf32>
        %parallel_loop3A_352 = arith.index_cast %parallel_loop3A_339 : i32 to index
        %parallel_loop3A_353 = arith.constant 0 : index
        %parallel_loop3A_354 = tpu.vector_load %arg19[%parallel_loop3A_352, %parallel_loop3A_353] {strides = array<i32>} : memref<128x64xf32, #tpu.memory_space<vmem>>, vector<16xf32>,
        tpu.vector_store %arg19[%parallel_loop3A_352, %parallel_loop3A_353], %parallel_loop3A_350 {strides = array<i32>} : memref<128x64xf32, #tpu.memory_space<vmem>>, vector<16xf32>,
        %parallel_loop3A_355 = arith.index_cast %parallel_loop3A_339 : i32 to index
        %parallel_loop3A_356 = arith.constant 16 : index
        %parallel_loop3A_357 = tpu.vector_load %arg19[%parallel_loop3A_355, %parallel_loop3A_356] {strides = array<i32>} : memref<128x64xf32, #tpu.memory_space<vmem>>, vector<16xf32>,
        tpu.vector_store %arg19[%parallel_loop3A_355, %parallel_loop3A_356], %parallel_loop3A_351 {strides = array<i32>} : memref<128x64xf32, #tpu.memory_space<vmem>>, vector<16xf32>,
        %parallel_loop3A_358 = arith.index_cast %parallel_loop3A_339 : i32 to index
        %parallel_loop3A_359 = arith.constant 32 : index
        %parallel_loop3A_360 = tpu.vector_load %arg17[%parallel_loop3A_358, %parallel_loop3A_359] {strides = array<i32>} : memref<128x64xbf16, #tpu.memory_space<vmem>>, vector<32xbf16>,
        %parallel_loop3A_361 = arith.index_cast %parallel_loop3A_339 : i32 to index
        %parallel_loop3A_362 = arith.constant 32 : index
        %parallel_loop3A_363 = tpu.vector_load %arg18[%parallel_loop3A_361, %parallel_loop3A_362] {strides = array<i32>} : memref<128x64xbf16, #tpu.memory_space<vmem>>, vector<32xbf16>,
        %parallel_loop3A_364 = arith.addf %parallel_loop3A_360, %parallel_loop3A_363 : vector<32xbf16>
        %parallel_loop3A_365 = arith.constant 0.000000e+00 : bf16
        %parallel_loop3A_366 = vector.broadcast %parallel_loop3A_365 : bf16 to vector<32xbf16>
        %parallel_loop3A_367 = arith.maximumf %parallel_loop3A_364, %parallel_loop3A_366 : vector<32xbf16>
        %parallel_loop3A_368 = tpu.unpack_subelements %parallel_loop3A_367, 0 {pack_format = #tpu.pack_format<interleaved>} : vector<32xbf16> -> vector<16xf32>
        %parallel_loop3A_369 = tpu.unpack_subelements %parallel_loop3A_367, 1 {pack_format = #tpu.pack_format<interleaved>} : vector<32xbf16> -> vector<16xf32>
        %parallel_loop3A_370 = arith.index_cast %parallel_loop3A_339 : i32 to index
        %parallel_loop3A_371 = arith.constant 32 : index
        %parallel_loop3A_372 = tpu.vector_load %arg19[%parallel_loop3A_370, %parallel_loop3A_371] {strides = array<i32>} : memref<128x64xf32, #tpu.memory_space<vmem>>, vector<16xf32>,
        tpu.vector_store %arg19[%parallel_loop3A_370, %parallel_loop3A_371], %parallel_loop3A_368 {strides = array<i32>} : memref<128x64xf32, #tpu.memory_space<vmem>>, vector<16xf32>,
        %parallel_loop3A_373 = arith.index_cast %parallel_loop3A_339 : i32 to index
        %parallel_loop3A_374 = arith.constant 48 : index
        %parallel_loop3A_375 = tpu.vector_load %arg19[%parallel_loop3A_373, %parallel_loop3A_374] {strides = array<i32>} : memref<128x64xf32, #tpu.memory_space<vmem>>, vector<16xf32>,
        tpu.vector_store %arg19[%parallel_loop3A_373, %parallel_loop3A_374], %parallel_loop3A_369 {strides = array<i32>} : memref<128x64xf32, #tpu.memory_space<vmem>>, vector<16xf32>,
      } {sc.loop_unroll_factor = 8 : i64, sc.parallel_access}
      %dma_start3A_325 = arith.constant 0 : i32
      %dma_start3A_326 = arith.constant 0 : i32
      %dma_start3A_327 = tpu.memref_slice %arg22[%dma_start3A_325, %dma_start3A_326] : memref<10240x64xf32, #tpu.memory_space<vmem_shared>> -> memref<10240x64xf32, #tpu.memory_space<vmem_shared>>
      tpu.enqueue_indirect_dma source(%arg19 : memref<128x64xf32, #tpu.memory_space<vmem>>) target(%dma_start3A_327 : memref<10240x64xf32, #tpu.memory_space<vmem_shared>>) offsets(%arg16 : memref<128xi32, #tpu.memory_space<vmem>>) semaphore(%arg27 : memref<!tpu.dma_semaphore, #tpu.memory_space<semaphore_mem>>) {add = true}
      %dma_wait3A_328 = tpu.memref_slice %arg4[%add3A_317] : memref<327680xi32, #tpu.memory_space<hbm>> -> memref<128xi32, #tpu.memory_space<hbm>>
      %dma_wait3A_329 = tpu.memref_slice %arg4[%add3A_317] : memref<327680xi32, #tpu.memory_space<hbm>> -> memref<128xi32, #tpu.memory_space<hbm>>
      tpu.wait_dma2 semaphore(%arg29 : memref<!tpu.dma_semaphore, #tpu.memory_space<semaphore_mem>>) src(%dma_wait3A_329 : memref<128xi32, #tpu.memory_space<hbm>>) dst(%arg14 : memref<128xi32, #tpu.memory_space<vmem>>)
      %dma_wait3A_330 = tpu.memref_slice %arg5[%add3A_317] : memref<327680xi32, #tpu.memory_space<hbm>> -> memref<128xi32, #tpu.memory_space<hbm>>
      %dma_wait3A_331 = tpu.memref_slice %arg5[%add3A_317] : memref<327680xi32, #tpu.memory_space<hbm>> -> memref<128xi32, #tpu.memory_space<hbm>>
      tpu.wait_dma2 semaphore(%arg29 : memref<!tpu.dma_semaphore, #tpu.memory_space<semaphore_mem>>) src(%dma_wait3A_331 : memref<128xi32, #tpu.memory_space<hbm>>) dst(%arg15 : memref<128xi32, #tpu.memory_space<vmem>>)
      %dma_start3A_332 = arith.constant 0 : i32
      %dma_start3A_333 = arith.constant 0 : i32
      %dma_start3A_334 = tpu.memref_slice %arg2[%dma_start3A_332, %dma_start3A_333] : memref<10000x64xbf16, #tpu.memory_space<hbm>> -> memref<10000x64xbf16, #tpu.memory_space<hbm>>
      tpu.enqueue_indirect_dma source(%dma_start3A_334 : memref<10000x64xbf16, #tpu.memory_space<hbm>>) target(%arg17 : memref<128x64xbf16, #tpu.memory_space<vmem>>) offsets(%arg14 : memref<128xi32, #tpu.memory_space<vmem>>) semaphore(%arg25 : memref<!tpu.dma_semaphore, #tpu.memory_space<semaphore_mem>>)
      %dma_start3A_335 = arith.constant 0 : i32
      %dma_start3A_336 = arith.constant 0 : i32
      %dma_start3A_337 = tpu.memref_slice %arg3[%dma_start3A_335, %dma_start3A_336] : memref<10016x64xbf16, #tpu.memory_space<hbm>> -> memref<10016x64xbf16, #tpu.memory_space<hbm>>
      tpu.enqueue_indirect_dma source(%dma_start3A_337 : memref<10016x64xbf16, #tpu.memory_space<hbm>>) target(%arg18 : memref<128x64xbf16, #tpu.memory_space<vmem>>) offsets(%arg15 : memref<128xi32, #tpu.memory_space<vmem>>) semaphore(%arg25 : memref<!tpu.dma_semaphore, #tpu.memory_space<semaphore_mem>>)
      %while3A_338 = arith.constant 0 : i32
      scf.yield %while3A_338 : i32
    }
    %dma_wait3A = arith.constant 0 : i32
    %dma_wait3A_125 = arith.constant 0 : i32
    %dma_wait3A_126 = tpu.memref_slice %arg2[%dma_wait3A, %dma_wait3A_125] : memref<10000x64xbf16, #tpu.memory_space<hbm>> -> memref<10000x64xbf16, #tpu.memory_space<hbm>>
    tpu.wait_indirect_dma semaphore(%arg24 : memref<!tpu.dma_semaphore, #tpu.memory_space<semaphore_mem>>) src(%dma_wait3A_126 : memref<10000x64xbf16, #tpu.memory_space<hbm>>) dst(%arg11 : memref<128x64xbf16, #tpu.memory_space<vmem>>)
    %dma_wait3A_127 = arith.constant 0 : i32
    %dma_wait3A_128 = arith.constant 0 : i32
    %dma_wait3A_129 = tpu.memref_slice %arg3[%dma_wait3A_127, %dma_wait3A_128] : memref<10016x64xbf16, #tpu.memory_space<hbm>> -> memref<10016x64xbf16, #tpu.memory_space<hbm>>
    tpu.wait_indirect_dma semaphore(%arg24 : memref<!tpu.dma_semaphore, #tpu.memory_space<semaphore_mem>>) src(%dma_wait3A_129 : memref<10016x64xbf16, #tpu.memory_space<hbm>>) dst(%arg12 : memref<128x64xbf16, #tpu.memory_space<vmem>>)
    %dma_wait3A_130 = arith.constant 0 : i32
    %dma_wait3A_131 = arith.constant 0 : i32
    %dma_wait3A_132 = tpu.memref_slice %arg22[%dma_wait3A_130, %dma_wait3A_131] : memref<10240x64xf32, #tpu.memory_space<vmem_shared>> -> memref<10240x64xf32, #tpu.memory_space<vmem_shared>>
    tpu.wait_indirect_dma semaphore(%arg26 : memref<!tpu.dma_semaphore, #tpu.memory_space<semaphore_mem>>) src(%arg13 : memref<128x64xf32, #tpu.memory_space<vmem>>) dst(%dma_wait3A_132 : memref<10240x64xf32, #tpu.memory_space<vmem_shared>>)
    %dma_wait3A_133 = arith.constant 0 : i32
    %dma_wait3A_134 = arith.constant 0 : i32
    %dma_wait3A_135 = tpu.memref_slice %arg2[%dma_wait3A_133, %dma_wait3A_134] : memref<10000x64xbf16, #tpu.memory_space<hbm>> -> memref<10000x64xbf16, #tpu.memory_space<hbm>>
    tpu.wait_indirect_dma semaphore(%arg25 : memref<!tpu.dma_semaphore, #tpu.memory_space<semaphore_mem>>) src(%dma_wait3A_135 : memref<10000x64xbf16, #tpu.memory_space<hbm>>) dst(%arg17 : memref<128x64xbf16, #tpu.memory_space<vmem>>)
    %dma_wait3A_136 = arith.constant 0 : i32
    %dma_wait3A_137 = arith.constant 0 : i32
    %dma_wait3A_138 = tpu.memref_slice %arg3[%dma_wait3A_136, %dma_wait3A_137] : memref<10016x64xbf16, #tpu.memory_space<hbm>> -> memref<10016x64xbf16, #tpu.memory_space<hbm>>
    tpu.wait_indirect_dma semaphore(%arg25 : memref<!tpu.dma_semaphore, #tpu.memory_space<semaphore_mem>>) src(%dma_wait3A_138 : memref<10016x64xbf16, #tpu.memory_space<hbm>>) dst(%arg18 : memref<128x64xbf16, #tpu.memory_space<vmem>>)
    %dma_wait3A_139 = arith.constant 0 : i32
    %dma_wait3A_140 = arith.constant 0 : i32
    %dma_wait3A_141 = tpu.memref_slice %arg22[%dma_wait3A_139, %dma_wait3A_140] : memref<10240x64xf32, #tpu.memory_space<vmem_shared>> -> memref<10240x64xf32, #tpu.memory_space<vmem_shared>>
    tpu.wait_indirect_dma semaphore(%arg27 : memref<!tpu.dma_semaphore, #tpu.memory_space<semaphore_mem>>) src(%arg19 : memref<128x64xf32, #tpu.memory_space<vmem>>) dst(%dma_wait3A_141 : memref<10240x64xf32, #tpu.memory_space<vmem_shared>>)
    %barrier3A_142 = arith.constant 0 : index
    tpu.barrier barrier_id(%barrier3A_142)
    %mul3A_143 = arith.constant 640 : i32
    %mul3A_144 = arith.muli %arg1, %mul3A_143 : i32
    %add3A_145 = arith.constant 0 : i32
    %add3A_146 = arith.addi %mul3A_144, %add3A_145 : i32
    "tpu.region"() ({
      %run_scoped3A = tpu.sem_alloc : memref<!tpu.dma_semaphore, #tpu.memory_space<semaphore_mem>>
      %dma_start3A_187 = arith.constant 0 : i32
      %dma_start3A_188 = tpu.memref_slice %arg22[%add3A_146, %dma_start3A_187] : memref<10240x64xf32, #tpu.memory_space<vmem_shared>> -> memref<128x64xf32, #tpu.memory_space<vmem_shared>>
      %dma_start3A_189 = arith.constant 0 : i32
      %dma_start3A_190 = tpu.memref_slice %arg22[%add3A_146, %dma_start3A_189] : memref<10240x64xf32, #tpu.memory_space<vmem_shared>> -> memref<128x64xf32, #tpu.memory_space<vmem_shared>>
      tpu.enqueue_dma source(%dma_start3A_190 : memref<128x64xf32, #tpu.memory_space<vmem_shared>>) target(%arg13 : memref<128x64xf32, #tpu.memory_space<vmem>>) target_semaphore(%run_scoped3A : memref<!tpu.dma_semaphore, #tpu.memory_space<semaphore_mem>>)
      %dma_wait3A_191 = arith.constant 0 : i32
      %dma_wait3A_192 = tpu.memref_slice %arg22[%add3A_146, %dma_wait3A_191] : memref<10240x64xf32, #tpu.memory_space<vmem_shared>> -> memref<128x64xf32, #tpu.memory_space<vmem_shared>>
      %dma_wait3A_193 = arith.constant 0 : i32
      %dma_wait3A_194 = tpu.memref_slice %arg22[%add3A_146, %dma_wait3A_193] : memref<10240x64xf32, #tpu.memory_space<vmem_shared>> -> memref<128x64xf32, #tpu.memory_space<vmem_shared>>
      tpu.wait_dma2 semaphore(%run_scoped3A : memref<!tpu.dma_semaphore, #tpu.memory_space<semaphore_mem>>) src(%dma_wait3A_194 : memref<128x64xf32, #tpu.memory_space<vmem_shared>>) dst(%arg13 : memref<128x64xf32, #tpu.memory_space<vmem>>)
      tpu.yield
    }) : () -> ()
    %mul3A_147 = arith.constant 640 : i32
    %mul3A_148 = arith.muli %arg1, %mul3A_147 : i32
    %add3A_149 = arith.constant 0 : i32
    %add3A_150 = arith.addi %mul3A_148, %add3A_149 : i32
    "tpu.region"() ({
      %run_scoped3A = tpu.sem_alloc : memref<!tpu.dma_semaphore, #tpu.memory_space<semaphore_mem>>
      %dma_start3A_187 = arith.constant 0 : i32
      %dma_start3A_188 = tpu.memref_slice %arg6[%arg0, %add3A_150, %dma_start3A_187] : memref<2x10240x64xf32, #tpu.memory_space<hbm>> -> memref<1x128x64xf32, #tpu.memory_space<hbm>>
      %dma_start3A_189 = tpu.memref_squeeze %dma_start3A_188 : memref<1x128x64xf32, #tpu.memory_space<hbm>> -> memref<128x64xf32, #tpu.memory_space<hbm>>
      %dma_start3A_190 = arith.constant 0 : i32
      %dma_start3A_191 = tpu.memref_slice %arg6[%arg0, %add3A_150, %dma_start3A_190] : memref<2x10240x64xf32, #tpu.memory_space<hbm>> -> memref<1x128x64xf32, #tpu.memory_space<hbm>>
      %dma_start3A_192 = tpu.memref_squeeze %dma_start3A_191 : memref<1x128x64xf32, #tpu.memory_space<hbm>> -> memref<128x64xf32, #tpu.memory_space<hbm>>
      tpu.enqueue_dma source(%arg13 : memref<128x64xf32, #tpu.memory_space<vmem>>) target(%dma_start3A_192 : memref<128x64xf32, #tpu.memory_space<hbm>>) target_semaphore(%run_scoped3A : memref<!tpu.dma_semaphore, #tpu.memory_space<semaphore_mem>>)
      %dma_wait3A_193 = arith.constant 0 : i32
      %dma_wait3A_194 = tpu.memref_slice %arg6[%arg0, %add3A_150, %dma_wait3A_193] : memref<2x10240x64xf32, #tpu.memory_space<hbm>> -> memref<1x128x64xf32, #tpu.memory_space<hbm>>
      %dma_wait3A_195 = tpu.memref_squeeze %dma_wait3A_194 : memref<1x128x64xf32, #tpu.memory_space<hbm>> -> memref<128x64xf32, #tpu.memory_space<hbm>>
      %dma_wait3A_196 = arith.constant 0 : i32
      %dma_wait3A_197 = tpu.memref_slice %arg6[%arg0, %add3A_150, %dma_wait3A_196] : memref<2x10240x64xf32, #tpu.memory_space<hbm>> -> memref<1x128x64xf32, #tpu.memory_space<hbm>>
      %dma_wait3A_198 = tpu.memref_squeeze %dma_wait3A_197 : memref<1x128x64xf32, #tpu.memory_space<hbm>> -> memref<128x64xf32, #tpu.memory_space<hbm>>
      tpu.wait_dma2 semaphore(%run_scoped3A : memref<!tpu.dma_semaphore, #tpu.memory_space<semaphore_mem>>) src(%arg13 : memref<128x64xf32, #tpu.memory_space<vmem>>) dst(%dma_wait3A_198 : memref<128x64xf32, #tpu.memory_space<hbm>>)
      tpu.yield
    }) : () -> ()
    %mul3A_151 = arith.constant 640 : i32
    %mul3A_152 = arith.muli %arg1, %mul3A_151 : i32
    %add3A_153 = arith.constant 128 : i32
    %add3A_154 = arith.addi %mul3A_152, %add3A_153 : i32
    "tpu.region"() ({
      %run_scoped3A = tpu.sem_alloc : memref<!tpu.dma_semaphore, #tpu.memory_space<semaphore_mem>>
      %dma_start3A_187 = arith.constant 0 : i32
      %dma_start3A_188 = tpu.memref_slice %arg22[%add3A_154, %dma_start3A_187] : memref<10240x64xf32, #tpu.memory_space<vmem_shared>> -> memref<128x64xf32, #tpu.memory_space<vmem_shared>>
      %dma_start3A_189 = arith.constant 0 : i32
      %dma_start3A_190 = tpu.memref_slice %arg22[%add3A_154, %dma_start3A_189] : memref<10240x64xf32, #tpu.memory_space<vmem_shared>> -> memref<128x64xf32, #tpu.memory_space<vmem_shared>>
      tpu.enqueue_dma source(%dma_start3A_190 : memref<128x64xf32, #tpu.memory_space<vmem_shared>>) target(%arg13 : memref<128x64xf32, #tpu.memory_space<vmem>>) target_semaphore(%run_scoped3A : memref<!tpu.dma_semaphore, #tpu.memory_space<semaphore_mem>>)
      %dma_wait3A_191 = arith.constant 0 : i32
      %dma_wait3A_192 = tpu.memref_slice %arg22[%add3A_154, %dma_wait3A_191] : memref<10240x64xf32, #tpu.memory_space<vmem_shared>> -> memref<128x64xf32, #tpu.memory_space<vmem_shared>>
      %dma_wait3A_193 = arith.constant 0 : i32
      %dma_wait3A_194 = tpu.memref_slice %arg22[%add3A_154, %dma_wait3A_193] : memref<10240x64xf32, #tpu.memory_space<vmem_shared>> -> memref<128x64xf32, #tpu.memory_space<vmem_shared>>
      tpu.wait_dma2 semaphore(%run_scoped3A : memref<!tpu.dma_semaphore, #tpu.memory_space<semaphore_mem>>) src(%dma_wait3A_194 : memref<128x64xf32, #tpu.memory_space<vmem_shared>>) dst(%arg13 : memref<128x64xf32, #tpu.memory_space<vmem>>)
      tpu.yield
    }) : () -> ()
    %mul3A_155 = arith.constant 640 : i32
    %mul3A_156 = arith.muli %arg1, %mul3A_155 : i32
    %add3A_157 = arith.constant 128 : i32
    %add3A_158 = arith.addi %mul3A_156, %add3A_157 : i32
    "tpu.region"() ({
      %run_scoped3A = tpu.sem_alloc : memref<!tpu.dma_semaphore, #tpu.memory_space<semaphore_mem>>
      %dma_start3A_187 = arith.constant 0 : i32
      %dma_start3A_188 = tpu.memref_slice %arg6[%arg0, %add3A_158, %dma_start3A_187] : memref<2x10240x64xf32, #tpu.memory_space<hbm>> -> memref<1x128x64xf32, #tpu.memory_space<hbm>>
      %dma_start3A_189 = tpu.memref_squeeze %dma_start3A_188 : memref<1x128x64xf32, #tpu.memory_space<hbm>> -> memref<128x64xf32, #tpu.memory_space<hbm>>
      %dma_start3A_190 = arith.constant 0 : i32
      %dma_start3A_191 = tpu.memref_slice %arg6[%arg0, %add3A_158, %dma_start3A_190] : memref<2x10240x64xf32, #tpu.memory_space<hbm>> -> memref<1x128x64xf32, #tpu.memory_space<hbm>>
      %dma_start3A_192 = tpu.memref_squeeze %dma_start3A_191 : memref<1x128x64xf32, #tpu.memory_space<hbm>> -> memref<128x64xf32, #tpu.memory_space<hbm>>
      tpu.enqueue_dma source(%arg13 : memref<128x64xf32, #tpu.memory_space<vmem>>) target(%dma_start3A_192 : memref<128x64xf32, #tpu.memory_space<hbm>>) target_semaphore(%run_scoped3A : memref<!tpu.dma_semaphore, #tpu.memory_space<semaphore_mem>>)
      %dma_wait3A_193 = arith.constant 0 : i32
      %dma_wait3A_194 = tpu.memref_slice %arg6[%arg0, %add3A_158, %dma_wait3A_193] : memref<2x10240x64xf32, #tpu.memory_space<hbm>> -> memref<1x128x64xf32, #tpu.memory_space<hbm>>
      %dma_wait3A_195 = tpu.memref_squeeze %dma_wait3A_194 : memref<1x128x64xf32, #tpu.memory_space<hbm>> -> memref<128x64xf32, #tpu.memory_space<hbm>>
      %dma_wait3A_196 = arith.constant 0 : i32
      %dma_wait3A_197 = tpu.memref_slice %arg6[%arg0, %add3A_158, %dma_wait3A_196] : memref<2x10240x64xf32, #tpu.memory_space<hbm>> -> memref<1x128x64xf32, #tpu.memory_space<hbm>>
      %dma_wait3A_198 = tpu.memref_squeeze %dma_wait3A_197 : memref<1x128x64xf32, #tpu.memory_space<hbm>> -> memref<128x64xf32, #tpu.memory_space<hbm>>
      tpu.wait_dma2 semaphore(%run_scoped3A : memref<!tpu.dma_semaphore, #tpu.memory_space<semaphore_mem>>) src(%arg13 : memref<128x64xf32, #tpu.memory_space<vmem>>) dst(%dma_wait3A_198 : memref<128x64xf32, #tpu.memory_space<hbm>>)
      tpu.yield
    }) : () -> ()
    %mul3A_159 = arith.constant 640 : i32
    %mul3A_160 = arith.muli %arg1, %mul3A_159 : i32
    %add3A_161 = arith.constant 256 : i32
    %add3A_162 = arith.addi %mul3A_160, %add3A_161 : i32
    "tpu.region"() ({
      %run_scoped3A = tpu.sem_alloc : memref<!tpu.dma_semaphore, #tpu.memory_space<semaphore_mem>>
      %dma_start3A_187 = arith.constant 0 : i32
      %dma_start3A_188 = tpu.memref_slice %arg22[%add3A_162, %dma_start3A_187] : memref<10240x64xf32, #tpu.memory_space<vmem_shared>> -> memref<128x64xf32, #tpu.memory_space<vmem_shared>>
      %dma_start3A_189 = arith.constant 0 : i32
      %dma_start3A_190 = tpu.memref_slice %arg22[%add3A_162, %dma_start3A_189] : memref<10240x64xf32, #tpu.memory_space<vmem_shared>> -> memref<128x64xf32, #tpu.memory_space<vmem_shared>>
      tpu.enqueue_dma source(%dma_start3A_190 : memref<128x64xf32, #tpu.memory_space<vmem_shared>>) target(%arg13 : memref<128x64xf32, #tpu.memory_space<vmem>>) target_semaphore(%run_scoped3A : memref<!tpu.dma_semaphore, #tpu.memory_space<semaphore_mem>>)
      %dma_wait3A_191 = arith.constant 0 : i32
      %dma_wait3A_192 = tpu.memref_slice %arg22[%add3A_162, %dma_wait3A_191] : memref<10240x64xf32, #tpu.memory_space<vmem_shared>> -> memref<128x64xf32, #tpu.memory_space<vmem_shared>>
      %dma_wait3A_193 = arith.constant 0 : i32
      %dma_wait3A_194 = tpu.memref_slice %arg22[%add3A_162, %dma_wait3A_193] : memref<10240x64xf32, #tpu.memory_space<vmem_shared>> -> memref<128x64xf32, #tpu.memory_space<vmem_shared>>
      tpu.wait_dma2 semaphore(%run_scoped3A : memref<!tpu.dma_semaphore, #tpu.memory_space<semaphore_mem>>) src(%dma_wait3A_194 : memref<128x64xf32, #tpu.memory_space<vmem_shared>>) dst(%arg13 : memref<128x64xf32, #tpu.memory_space<vmem>>)
      tpu.yield
    }) : () -> ()
    %mul3A_163 = arith.constant 640 : i32
    %mul3A_164 = arith.muli %arg1, %mul3A_163 : i32
    %add3A_165 = arith.constant 256 : i32
    %add3A_166 = arith.addi %mul3A_164, %add3A_165 : i32
    "tpu.region"() ({
      %run_scoped3A = tpu.sem_alloc : memref<!tpu.dma_semaphore, #tpu.memory_space<semaphore_mem>>
      %dma_start3A_187 = arith.constant 0 : i32
      %dma_start3A_188 = tpu.memref_slice %arg6[%arg0, %add3A_166, %dma_start3A_187] : memref<2x10240x64xf32, #tpu.memory_space<hbm>> -> memref<1x128x64xf32, #tpu.memory_space<hbm>>
      %dma_start3A_189 = tpu.memref_squeeze %dma_start3A_188 : memref<1x128x64xf32, #tpu.memory_space<hbm>> -> memref<128x64xf32, #tpu.memory_space<hbm>>
      %dma_start3A_190 = arith.constant 0 : i32
      %dma_start3A_191 = tpu.memref_slice %arg6[%arg0, %add3A_166, %dma_start3A_190] : memref<2x10240x64xf32, #tpu.memory_space<hbm>> -> memref<1x128x64xf32, #tpu.memory_space<hbm>>
      %dma_start3A_192 = tpu.memref_squeeze %dma_start3A_191 : memref<1x128x64xf32, #tpu.memory_space<hbm>> -> memref<128x64xf32, #tpu.memory_space<hbm>>
      tpu.enqueue_dma source(%arg13 : memref<128x64xf32, #tpu.memory_space<vmem>>) target(%dma_start3A_192 : memref<128x64xf32, #tpu.memory_space<hbm>>) target_semaphore(%run_scoped3A : memref<!tpu.dma_semaphore, #tpu.memory_space<semaphore_mem>>)
      %dma_wait3A_193 = arith.constant 0 : i32
      %dma_wait3A_194 = tpu.memref_slice %arg6[%arg0, %add3A_166, %dma_wait3A_193] : memref<2x10240x64xf32, #tpu.memory_space<hbm>> -> memref<1x128x64xf32, #tpu.memory_space<hbm>>
      %dma_wait3A_195 = tpu.memref_squeeze %dma_wait3A_194 : memref<1x128x64xf32, #tpu.memory_space<hbm>> -> memref<128x64xf32, #tpu.memory_space<hbm>>
      %dma_wait3A_196 = arith.constant 0 : i32
      %dma_wait3A_197 = tpu.memref_slice %arg6[%arg0, %add3A_166, %dma_wait3A_196] : memref<2x10240x64xf32, #tpu.memory_space<hbm>> -> memref<1x128x64xf32, #tpu.memory_space<hbm>>
      %dma_wait3A_198 = tpu.memref_squeeze %dma_wait3A_197 : memref<1x128x64xf32, #tpu.memory_space<hbm>> -> memref<128x64xf32, #tpu.memory_space<hbm>>
      tpu.wait_dma2 semaphore(%run_scoped3A : memref<!tpu.dma_semaphore, #tpu.memory_space<semaphore_mem>>) src(%arg13 : memref<128x64xf32, #tpu.memory_space<vmem>>) dst(%dma_wait3A_198 : memref<128x64xf32, #tpu.memory_space<hbm>>)
      tpu.yield
    }) : () -> ()
    %mul3A_167 = arith.constant 640 : i32
    %mul3A_168 = arith.muli %arg1, %mul3A_167 : i32
    %add3A_169 = arith.constant 384 : i32
    %add3A_170 = arith.addi %mul3A_168, %add3A_169 : i32
    "tpu.region"() ({
      %run_scoped3A = tpu.sem_alloc : memref<!tpu.dma_semaphore, #tpu.memory_space<semaphore_mem>>
      %dma_start3A_187 = arith.constant 0 : i32
      %dma_start3A_188 = tpu.memref_slice %arg22[%add3A_170, %dma_start3A_187] : memref<10240x64xf32, #tpu.memory_space<vmem_shared>> -> memref<128x64xf32, #tpu.memory_space<vmem_shared>>
      %dma_start3A_189 = arith.constant 0 : i32
      %dma_start3A_190 = tpu.memref_slice %arg22[%add3A_170, %dma_start3A_189] : memref<10240x64xf32, #tpu.memory_space<vmem_shared>> -> memref<128x64xf32, #tpu.memory_space<vmem_shared>>
      tpu.enqueue_dma source(%dma_start3A_190 : memref<128x64xf32, #tpu.memory_space<vmem_shared>>) target(%arg13 : memref<128x64xf32, #tpu.memory_space<vmem>>) target_semaphore(%run_scoped3A : memref<!tpu.dma_semaphore, #tpu.memory_space<semaphore_mem>>)
      %dma_wait3A_191 = arith.constant 0 : i32
      %dma_wait3A_192 = tpu.memref_slice %arg22[%add3A_170, %dma_wait3A_191] : memref<10240x64xf32, #tpu.memory_space<vmem_shared>> -> memref<128x64xf32, #tpu.memory_space<vmem_shared>>
      %dma_wait3A_193 = arith.constant 0 : i32
      %dma_wait3A_194 = tpu.memref_slice %arg22[%add3A_170, %dma_wait3A_193] : memref<10240x64xf32, #tpu.memory_space<vmem_shared>> -> memref<128x64xf32, #tpu.memory_space<vmem_shared>>
      tpu.wait_dma2 semaphore(%run_scoped3A : memref<!tpu.dma_semaphore, #tpu.memory_space<semaphore_mem>>) src(%dma_wait3A_194 : memref<128x64xf32, #tpu.memory_space<vmem_shared>>) dst(%arg13 : memref<128x64xf32, #tpu.memory_space<vmem>>)
      tpu.yield
    }) : () -> ()
    %mul3A_171 = arith.constant 640 : i32
    %mul3A_172 = arith.muli %arg1, %mul3A_171 : i32
    %add3A_173 = arith.constant 384 : i32
    %add3A_174 = arith.addi %mul3A_172, %add3A_173 : i32
    "tpu.region"() ({
      %run_scoped3A = tpu.sem_alloc : memref<!tpu.dma_semaphore, #tpu.memory_space<semaphore_mem>>
      %dma_start3A_187 = arith.constant 0 : i32
      %dma_start3A_188 = tpu.memref_slice %arg6[%arg0, %add3A_174, %dma_start3A_187] : memref<2x10240x64xf32, #tpu.memory_space<hbm>> -> memref<1x128x64xf32, #tpu.memory_space<hbm>>
      %dma_start3A_189 = tpu.memref_squeeze %dma_start3A_188 : memref<1x128x64xf32, #tpu.memory_space<hbm>> -> memref<128x64xf32, #tpu.memory_space<hbm>>
      %dma_start3A_190 = arith.constant 0 : i32
      %dma_start3A_191 = tpu.memref_slice %arg6[%arg0, %add3A_174, %dma_start3A_190] : memref<2x10240x64xf32, #tpu.memory_space<hbm>> -> memref<1x128x64xf32, #tpu.memory_space<hbm>>
      %dma_start3A_192 = tpu.memref_squeeze %dma_start3A_191 : memref<1x128x64xf32, #tpu.memory_space<hbm>> -> memref<128x64xf32, #tpu.memory_space<hbm>>
      tpu.enqueue_dma source(%arg13 : memref<128x64xf32, #tpu.memory_space<vmem>>) target(%dma_start3A_192 : memref<128x64xf32, #tpu.memory_space<hbm>>) target_semaphore(%run_scoped3A : memref<!tpu.dma_semaphore, #tpu.memory_space<semaphore_mem>>)
      %dma_wait3A_193 = arith.constant 0 : i32
      %dma_wait3A_194 = tpu.memref_slice %arg6[%arg0, %add3A_174, %dma_wait3A_193] : memref<2x10240x64xf32, #tpu.memory_space<hbm>> -> memref<1x128x64xf32, #tpu.memory_space<hbm>>
      %dma_wait3A_195 = tpu.memref_squeeze %dma_wait3A_194 : memref<1x128x64xf32, #tpu.memory_space<hbm>> -> memref<128x64xf32, #tpu.memory_space<hbm>>
      %dma_wait3A_196 = arith.constant 0 : i32
      %dma_wait3A_197 = tpu.memref_slice %arg6[%arg0, %add3A_174, %dma_wait3A_196] : memref<2x10240x64xf32, #tpu.memory_space<hbm>> -> memref<1x128x64xf32, #tpu.memory_space<hbm>>
      %dma_wait3A_198 = tpu.memref_squeeze %dma_wait3A_197 : memref<1x128x64xf32, #tpu.memory_space<hbm>> -> memref<128x64xf32, #tpu.memory_space<hbm>>
      tpu.wait_dma2 semaphore(%run_scoped3A : memref<!tpu.dma_semaphore, #tpu.memory_space<semaphore_mem>>) src(%arg13 : memref<128x64xf32, #tpu.memory_space<vmem>>) dst(%dma_wait3A_198 : memref<128x64xf32, #tpu.memory_space<hbm>>)
      tpu.yield
    }) : () -> ()
    %mul3A_175 = arith.constant 640 : i32
    %mul3A_176 = arith.muli %arg1, %mul3A_175 : i32
    %add3A_177 = arith.constant 512 : i32
    %add3A_178 = arith.addi %mul3A_176, %add3A_177 : i32
    "tpu.region"() ({
      %run_scoped3A = tpu.sem_alloc : memref<!tpu.dma_semaphore, #tpu.memory_space<semaphore_mem>>
      %dma_start3A_187 = arith.constant 0 : i32
      %dma_start3A_188 = tpu.memref_slice %arg22[%add3A_178, %dma_start3A_187] : memref<10240x64xf32, #tpu.memory_space<vmem_shared>> -> memref<128x64xf32, #tpu.memory_space<vmem_shared>>
      %dma_start3A_189 = arith.constant 0 : i32
      %dma_start3A_190 = tpu.memref_slice %arg22[%add3A_178, %dma_start3A_189] : memref<10240x64xf32, #tpu.memory_space<vmem_shared>> -> memref<128x64xf32, #tpu.memory_space<vmem_shared>>
      tpu.enqueue_dma source(%dma_start3A_190 : memref<128x64xf32, #tpu.memory_space<vmem_shared>>) target(%arg13 : memref<128x64xf32, #tpu.memory_space<vmem>>) target_semaphore(%run_scoped3A : memref<!tpu.dma_semaphore, #tpu.memory_space<semaphore_mem>>)
      %dma_wait3A_191 = arith.constant 0 : i32
      %dma_wait3A_192 = tpu.memref_slice %arg22[%add3A_178, %dma_wait3A_191] : memref<10240x64xf32, #tpu.memory_space<vmem_shared>> -> memref<128x64xf32, #tpu.memory_space<vmem_shared>>
      %dma_wait3A_193 = arith.constant 0 : i32
      %dma_wait3A_194 = tpu.memref_slice %arg22[%add3A_178, %dma_wait3A_193] : memref<10240x64xf32, #tpu.memory_space<vmem_shared>> -> memref<128x64xf32, #tpu.memory_space<vmem_shared>>
      tpu.wait_dma2 semaphore(%run_scoped3A : memref<!tpu.dma_semaphore, #tpu.memory_space<semaphore_mem>>) src(%dma_wait3A_194 : memref<128x64xf32, #tpu.memory_space<vmem_shared>>) dst(%arg13 : memref<128x64xf32, #tpu.memory_space<vmem>>)
      tpu.yield
    }) : () -> ()
    %mul3A_179 = arith.constant 640 : i32
    %mul3A_180 = arith.muli %arg1, %mul3A_179 : i32
    %add3A_181 = arith.constant 512 : i32
    %add3A_182 = arith.addi %mul3A_180, %add3A_181 : i32
    "tpu.region"() ({
      %run_scoped3A = tpu.sem_alloc : memref<!tpu.dma_semaphore, #tpu.memory_space<semaphore_mem>>
      %dma_start3A_187 = arith.constant 0 : i32
      %dma_start3A_188 = tpu.memref_slice %arg6[%arg0, %add3A_182, %dma_start3A_187] : memref<2x10240x64xf32, #tpu.memory_space<hbm>> -> memref<1x128x64xf32, #tpu.memory_space<hbm>>
      %dma_start3A_189 = tpu.memref_squeeze %dma_start3A_188 : memref<1x128x64xf32, #tpu.memory_space<hbm>> -> memref<128x64xf32, #tpu.memory_space<hbm>>
      %dma_start3A_190 = arith.constant 0 : i32
      %dma_start3A_191 = tpu.memref_slice %arg6[%arg0, %add3A_182, %dma_start3A_190] : memref<2x10240x64xf32, #tpu.memory_space<hbm>> -> memref<1x128x64xf32, #tpu.memory_space<hbm>>
      %dma_start3A_192 = tpu.memref_squeeze %dma_start3A_191 : memref<1x128x64xf32, #tpu.memory_space<hbm>> -> memref<128x64xf32, #tpu.memory_space<hbm>>
      tpu.enqueue_dma source(%arg13 : memref<128x64xf32, #tpu.memory_space<vmem>>) target(%dma_start3A_192 : memref<128x64xf32, #tpu.memory_space<hbm>>) target_semaphore(%run_scoped3A : memref<!tpu.dma_semaphore, #tpu.memory_space<semaphore_mem>>)
      %dma_wait3A_193 = arith.constant 0 : i32
      %dma_wait3A_194 = tpu.memref_slice %arg6[%arg0, %add3A_182, %dma_wait3A_193] : memref<2x10240x64xf32, #tpu.memory_space<hbm>> -> memref<1x128x64xf32, #tpu.memory_space<hbm>>
      %dma_wait3A_195 = tpu.memref_squeeze %dma_wait3A_194 : memref<1x128x64xf32, #tpu.memory_space<hbm>> -> memref<128x64xf32, #tpu.memory_space<hbm>>
      %dma_wait3A_196 = arith.constant 0 : i32
      %dma_wait3A_197 = tpu.memref_slice %arg6[%arg0, %add3A_182, %dma_wait3A_196] : memref<2x10240x64xf32, #tpu.memory_space<hbm>> -> memref<1x128x64xf32, #tpu.memory_space<hbm>>
      %dma_wait3A_198 = tpu.memref_squeeze %dma_wait3A_197 : memref<1x128x64xf32, #tpu.memory_space<hbm>> -> memref<128x64xf32, #tpu.memory_space<hbm>>
      tpu.wait_dma2 semaphore(%run_scoped3A : memref<!tpu.dma_semaphore, #tpu.memory_space<semaphore_mem>>) src(%arg13 : memref<128x64xf32, #tpu.memory_space<vmem>>) dst(%dma_wait3A_198 : memref<128x64xf32, #tpu.memory_space<hbm>>)
      tpu.yield
    }) : () -> ()
    %mul3A_183 = arith.constant 640 : i32
    %mul3A_184 = arith.muli %arg1, %mul3A_183 : i32
    "tpu.region"() ({
      %run_scoped3A = tpu.sem_alloc : memref<!tpu.dma_semaphore, #tpu.memory_space<semaphore_mem>>
      %dma_start3A_187 = tpu.memref_slice %arg23[%mul3A_184] : memref<10240xf32, #tpu.memory_space<vmem_shared>> -> memref<640xf32, #tpu.memory_space<vmem_shared>>
      %dma_start3A_188 = tpu.memref_slice %arg23[%mul3A_184] : memref<10240xf32, #tpu.memory_space<vmem_shared>> -> memref<640xf32, #tpu.memory_space<vmem_shared>>
      tpu.enqueue_dma source(%dma_start3A_188 : memref<640xf32, #tpu.memory_space<vmem_shared>>) target(%arg21 : memref<640xf32, #tpu.memory_space<vmem>>) target_semaphore(%run_scoped3A : memref<!tpu.dma_semaphore, #tpu.memory_space<semaphore_mem>>)
      %dma_wait3A_189 = tpu.memref_slice %arg23[%mul3A_184] : memref<10240xf32, #tpu.memory_space<vmem_shared>> -> memref<640xf32, #tpu.memory_space<vmem_shared>>
      %dma_wait3A_190 = tpu.memref_slice %arg23[%mul3A_184] : memref<10240xf32, #tpu.memory_space<vmem_shared>> -> memref<640xf32, #tpu.memory_space<vmem_shared>>
      tpu.wait_dma2 semaphore(%run_scoped3A : memref<!tpu.dma_semaphore, #tpu.memory_space<semaphore_mem>>) src(%dma_wait3A_190 : memref<640xf32, #tpu.memory_space<vmem_shared>>) dst(%arg21 : memref<640xf32, #tpu.memory_space<vmem>>)
      tpu.yield
    }) : () -> ()
    %mul3A_185 = arith.constant 640 : i32
    %mul3A_186 = arith.muli %arg1, %mul3A_185 : i32
    "tpu.region"() ({
      %run_scoped3A = tpu.sem_alloc : memref<!tpu.dma_semaphore, #tpu.memory_space<semaphore_mem>>
      %dma_start3A_187 = tpu.memref_slice %arg7[%arg0, %mul3A_186] : memref<2x10240xf32, #tpu.memory_space<hbm>> -> memref<1x640xf32, #tpu.memory_space<hbm>>
      %dma_start3A_188 = tpu.memref_squeeze %dma_start3A_187 : memref<1x640xf32, #tpu.memory_space<hbm>> -> memref<640xf32, #tpu.memory_space<hbm>>
      %dma_start3A_189 = tpu.memref_slice %arg7[%arg0, %mul3A_186] : memref<2x10240xf32, #tpu.memory_space<hbm>> -> memref<1x640xf32, #tpu.memory_space<hbm>>
      %dma_start3A_190 = tpu.memref_squeeze %dma_start3A_189 : memref<1x640xf32, #tpu.memory_space<hbm>> -> memref<640xf32, #tpu.memory_space<hbm>>
      tpu.enqueue_dma source(%arg21 : memref<640xf32, #tpu.memory_space<vmem>>) target(%dma_start3A_190 : memref<640xf32, #tpu.memory_space<hbm>>) target_semaphore(%run_scoped3A : memref<!tpu.dma_semaphore, #tpu.memory_space<semaphore_mem>>)
      %dma_wait3A_191 = tpu.memref_slice %arg7[%arg0, %mul3A_186] : memref<2x10240xf32, #tpu.memory_space<hbm>> -> memref<1x640xf32, #tpu.memory_space<hbm>>
      %dma_wait3A_192 = tpu.memref_squeeze %dma_wait3A_191 : memref<1x640xf32, #tpu.memory_space<hbm>> -> memref<640xf32, #tpu.memory_space<hbm>>
      %dma_wait3A_193 = tpu.memref_slice %arg7[%arg0, %mul3A_186] : memref<2x10240xf32, #tpu.memory_space<hbm>> -> memref<1x640xf32, #tpu.memory_space<hbm>>
      %dma_wait3A_194 = tpu.memref_squeeze %dma_wait3A_193 : memref<1x640xf32, #tpu.memory_space<hbm>> -> memref<640xf32, #tpu.memory_space<hbm>>
      tpu.wait_dma2 semaphore(%run_scoped3A : memref<!tpu.dma_semaphore, #tpu.memory_space<semaphore_mem>>) src(%arg21 : memref<640xf32, #tpu.memory_space<vmem>>) dst(%dma_wait3A_194 : memref<640xf32, #tpu.memory_space<hbm>>)
      tpu.yield
    }) : () -> ()
    return
  }
}

module attributes {stable_mosaic.version = 14 : i64} {
  func.func @_tc1_body(%arg0: i32, %arg1: memref<2000x10xf32, #tpu.memory_space<vmem>>, %arg2: memref<4x64xf32, #tpu.memory_space<vmem>>, %arg3: memref<1x64xf32, #tpu.memory_space<vmem>>, %arg4: memref<64x64xf32, #tpu.memory_space<vmem>>, %arg5: memref<1x64xf32, #tpu.memory_space<vmem>>, %arg6: memref<1x64xf32, #tpu.memory_space<vmem>>, %arg7: memref<1x64xf32, #tpu.memory_space<vmem>>, %arg8: memref<64x64xf32, #tpu.memory_space<vmem>>, %arg9: memref<64x64xf32, #tpu.memory_space<vmem>>, %arg10: memref<6x64xf32, #tpu.memory_space<vmem>>, %arg11: memref<1x64xf32, #tpu.memory_space<vmem>>, %arg12: memref<6x64xf32, #tpu.memory_space<vmem>>, %arg13: memref<2000x64xf32, #tpu.memory_space<vmem>>, %arg14: memref<2000x64xbf16, #tpu.memory_space<vmem>>, %arg15: memref<2000x64xbf16, #tpu.memory_space<vmem>>, %arg16: memref<2000x64xf32, #tpu.memory_space<vmem>>) attributes {dimension_semantics = [#tpu.dimension_semantics<arbitrary>], iteration_bounds = array<i64: 5>, scalar_prefetch = 0 : i64, scratch_operands = 0 : i64, tpu.core_type = #tpu.core_type<tc>, window_params = [{transform_indices = @transform_0, window_bounds = array<i64: 2000, 10>}, {pipeline_mode = #tpu.pipeline_mode<synchronous>, transform_indices = @transform_1, window_bounds = array<i64: 4, 64>}, {pipeline_mode = #tpu.pipeline_mode<synchronous>, transform_indices = @transform_2, window_bounds = array<i64: 1, 64>}, {pipeline_mode = #tpu.pipeline_mode<synchronous>, transform_indices = @transform_3, window_bounds = array<i64: 64, 64>}, {pipeline_mode = #tpu.pipeline_mode<synchronous>, transform_indices = @transform_4, window_bounds = array<i64: 1, 64>}, {pipeline_mode = #tpu.pipeline_mode<synchronous>, transform_indices = @transform_5, window_bounds = array<i64: 1, 64>}, {pipeline_mode = #tpu.pipeline_mode<synchronous>, transform_indices = @transform_6, window_bounds = array<i64: 1, 64>}, {pipeline_mode = #tpu.pipeline_mode<synchronous>, transform_indices = @transform_7, window_bounds = array<i64: 64, 64>}, {pipeline_mode = #tpu.pipeline_mode<synchronous>, transform_indices = @transform_8, window_bounds = array<i64: 64, 64>}, {pipeline_mode = #tpu.pipeline_mode<synchronous>, transform_indices = @transform_9, window_bounds = array<i64: 6, 64>}, {pipeline_mode = #tpu.pipeline_mode<synchronous>, transform_indices = @transform_10, window_bounds = array<i64: 1, 64>}, {pipeline_mode = #tpu.pipeline_mode<synchronous>, transform_indices = @transform_11, window_bounds = array<i64: 6, 64>}, {transform_indices = @transform_12, window_bounds = array<i64: 2000, 64>}, {transform_indices = @transform_13, window_bounds = array<i64: 2000, 64>}, {transform_indices = @transform_14, window_bounds = array<i64: 2000, 64>}, {transform_indices = @transform_15, window_bounds = array<i64: 2000, 64>}]} {
    %get3A = arith.constant 0 : index
    %get3A_0 = arith.constant 0 : index
    %get3A_1 = vector.load %arg1[%get3A, %get3A_0] : memref<2000x10xf32, #tpu.memory_space<vmem>>, vector<2000x10xf32>
    %slice3A = vector.extract_strided_slice %get3A_1 {offsets = [0, 6], sizes = [2000, 4], strides = [1, 1]} : vector<2000x10xf32> to vector<2000x4xf32>
    %get3A_2 = arith.constant 0 : index
    %get3A_3 = arith.constant 0 : index
    %get3A_4 = vector.load %arg2[%get3A_2, %get3A_3] : memref<4x64xf32, #tpu.memory_space<vmem>>, vector<4x64xf32>
    %dot_general3A = arith.constant dense<0.000000e+00> : vector<2000x64xf32>
    %dot_general3A_5 = tpu.matmul %slice3A, %get3A_4, %dot_general3A {dimension_numbers = #tpu.dot_dimension_numbers<[1], [0], [0], [1], [0, 0, 1, 1], [], []>, transpose_lhs_hint = false} : vector<2000x4xf32>, vector<4x64xf32>, vector<2000x64xf32> -> vector<2000x64xf32>
    %get3A_6 = arith.constant 0 : index
    %get3A_7 = arith.constant 0 : index
    %get3A_8 = vector.load %arg3[%get3A_6, %get3A_7] : memref<1x64xf32, #tpu.memory_space<vmem>>, vector<1x64xf32>
    %add3A = vector.broadcast %get3A_8 : vector<1x64xf32> to vector<2000x64xf32>
    %add3A_9 = arith.addf %dot_general3A_5, %add3A : vector<2000x64xf32>
    %max3A = arith.constant 0.000000e+00 : f32
    %max3A_10 = vector.broadcast %max3A : f32 to vector<2000x64xf32>
    %max3A_11 = arith.maximumf %add3A_9, %max3A_10 : vector<2000x64xf32>
    %get3A_12 = arith.constant 0 : index
    %get3A_13 = arith.constant 0 : index
    %get3A_14 = vector.load %arg4[%get3A_12, %get3A_13] : memref<64x64xf32, #tpu.memory_space<vmem>>, vector<64x64xf32>
    %dot_general3A_15 = arith.constant dense<0.000000e+00> : vector<2000x64xf32>
    %dot_general3A_16 = tpu.matmul %max3A_11, %get3A_14, %dot_general3A_15 {dimension_numbers = #tpu.dot_dimension_numbers<[1], [0], [0], [1], [0, 0, 1, 1], [], []>, transpose_lhs_hint = false} : vector<2000x64xf32>, vector<64x64xf32>, vector<2000x64xf32> -> vector<2000x64xf32>
    %get3A_17 = arith.constant 0 : index
    %get3A_18 = arith.constant 0 : index
    %get3A_19 = vector.load %arg5[%get3A_17, %get3A_18] : memref<1x64xf32, #tpu.memory_space<vmem>>, vector<1x64xf32>
    %add3A_20 = vector.broadcast %get3A_19 : vector<1x64xf32> to vector<2000x64xf32>
    %add3A_21 = arith.addf %dot_general3A_16, %add3A_20 : vector<2000x64xf32>
    %get3A_22 = arith.constant 0 : index
    %get3A_23 = arith.constant 0 : index
    %get3A_24 = vector.load %arg6[%get3A_22, %get3A_23] : memref<1x64xf32, #tpu.memory_space<vmem>>, vector<1x64xf32>
    %get3A_25 = arith.constant 0 : index
    %get3A_26 = arith.constant 0 : index
    %get3A_27 = vector.load %arg7[%get3A_25, %get3A_26] : memref<1x64xf32, #tpu.memory_space<vmem>>, vector<1x64xf32>
    %reduce_sum3A = arith.constant dense<0.000000e+00> : vector<2000xf32>
    %reduce_sum3A_28 = vector.multi_reduction <add>, %add3A_21, %reduce_sum3A [1] : vector<2000x64xf32> to vector<2000xf32>
    %broadcast_in_dim3A = vector.shape_cast %reduce_sum3A_28 : vector<2000xf32> to vector<2000x1xf32>
    %div3A = arith.constant 6.400000e+01 : f32
    %div3A_29 = vector.broadcast %div3A : f32 to vector<2000x1xf32>
    %div3A_30 = arith.divf %broadcast_in_dim3A, %div3A_29 : vector<2000x1xf32>
    %sub3A = vector.broadcast %div3A_30 : vector<2000x1xf32> to vector<2000x64xf32>
    %sub3A_31 = arith.subf %add3A_21, %sub3A : vector<2000x64xf32>
    %integer_pow3A = arith.mulf %sub3A_31, %sub3A_31 : vector<2000x64xf32>
    %reduce_sum3A_32 = arith.constant dense<0.000000e+00> : vector<2000xf32>
    %reduce_sum3A_33 = vector.multi_reduction <add>, %integer_pow3A, %reduce_sum3A_32 [1] : vector<2000x64xf32> to vector<2000xf32>
    %broadcast_in_dim3A_34 = vector.shape_cast %reduce_sum3A_33 : vector<2000xf32> to vector<2000x1xf32>
    %div3A_35 = arith.constant 6.400000e+01 : f32
    %div3A_36 = vector.broadcast %div3A_35 : f32 to vector<2000x1xf32>
    %div3A_37 = arith.divf %broadcast_in_dim3A_34, %div3A_36 : vector<2000x1xf32>
    %sub3A_38 = vector.broadcast %div3A_30 : vector<2000x1xf32> to vector<2000x64xf32>
    %sub3A_39 = arith.subf %add3A_21, %sub3A_38 : vector<2000x64xf32>
    %add3A_40 = arith.constant 9.99999974E-6 : f32
    %add3A_41 = vector.broadcast %add3A_40 : f32 to vector<2000x1xf32>
    %add3A_42 = arith.addf %div3A_37, %add3A_41 : vector<2000x1xf32>
    %rsqrt3A = math.rsqrt %add3A_42 : vector<2000x1xf32>
    %mul3A = vector.broadcast %rsqrt3A : vector<2000x1xf32> to vector<2000x64xf32>
    %mul3A_43 = arith.mulf %sub3A_39, %mul3A : vector<2000x64xf32>
    %mul3A_44 = vector.broadcast %get3A_24 : vector<1x64xf32> to vector<2000x64xf32>
    %mul3A_45 = arith.mulf %mul3A_43, %mul3A_44 : vector<2000x64xf32>
    %add3A_46 = vector.broadcast %get3A_27 : vector<1x64xf32> to vector<2000x64xf32>
    %add3A_47 = arith.addf %mul3A_45, %add3A_46 : vector<2000x64xf32>
    %get3A_48 = arith.constant 0 : index
    %get3A_49 = arith.constant 0 : index
    %get3A_50 = vector.load %arg10[%get3A_48, %get3A_49] : memref<6x64xf32, #tpu.memory_space<vmem>>, vector<6x64xf32>
    %get3A_51 = arith.constant 0 : index
    %get3A_52 = arith.constant 0 : index
    %get3A_53 = vector.load %arg12[%get3A_51, %get3A_52] : memref<6x64xf32, #tpu.memory_space<vmem>>, vector<6x64xf32>
    %slice3A_54 = vector.extract_strided_slice %get3A_1 {offsets = [0, 3], sizes = [2000, 3], strides = [1, 1]} : vector<2000x10xf32> to vector<2000x3xf32>
    %slice3A_55 = vector.extract_strided_slice %get3A_50 {offsets = [0, 0], sizes = [3, 64], strides = [1, 1]} : vector<6x64xf32> to vector<3x64xf32>
    %dot_general3A_56 = arith.constant dense<0.000000e+00> : vector<2000x64xf32>
    %dot_general3A_57 = tpu.matmul %slice3A_54, %slice3A_55, %dot_general3A_56 {dimension_numbers = #tpu.dot_dimension_numbers<[1], [0], [0], [1], [0, 0, 1, 1], [], []>, transpose_lhs_hint = false} : vector<2000x3xf32>, vector<3x64xf32>, vector<2000x64xf32> -> vector<2000x64xf32>
    %slice3A_58 = vector.extract_strided_slice %get3A_1 {offsets = [0, 0], sizes = [2000, 3], strides = [1, 1]} : vector<2000x10xf32> to vector<2000x3xf32>
    %slice3A_59 = vector.extract_strided_slice %get3A_50 {offsets = [3, 0], sizes = [3, 64], strides = [1, 1]} : vector<6x64xf32> to vector<3x64xf32>
    %dot_general3A_60 = arith.constant dense<0.000000e+00> : vector<2000x64xf32>
    %dot_general3A_61 = tpu.matmul %slice3A_58, %slice3A_59, %dot_general3A_60 {dimension_numbers = #tpu.dot_dimension_numbers<[1], [0], [0], [1], [0, 0, 1, 1], [], []>, transpose_lhs_hint = false} : vector<2000x3xf32>, vector<3x64xf32>, vector<2000x64xf32> -> vector<2000x64xf32>
    %add3A_62 = arith.addf %dot_general3A_57, %dot_general3A_61 : vector<2000x64xf32>
    %slice3A_63 = vector.extract_strided_slice %get3A_1 {offsets = [0, 3], sizes = [2000, 3], strides = [1, 1]} : vector<2000x10xf32> to vector<2000x3xf32>
    %slice3A_64 = vector.extract_strided_slice %get3A_53 {offsets = [0, 0], sizes = [3, 64], strides = [1, 1]} : vector<6x64xf32> to vector<3x64xf32>
    %dot_general3A_65 = arith.constant dense<0.000000e+00> : vector<2000x64xf32>
    %dot_general3A_66 = tpu.matmul %slice3A_63, %slice3A_64, %dot_general3A_65 {dimension_numbers = #tpu.dot_dimension_numbers<[1], [0], [0], [1], [0, 0, 1, 1], [], []>, transpose_lhs_hint = false} : vector<2000x3xf32>, vector<3x64xf32>, vector<2000x64xf32> -> vector<2000x64xf32>
    %slice3A_67 = vector.extract_strided_slice %get3A_1 {offsets = [0, 0], sizes = [2000, 3], strides = [1, 1]} : vector<2000x10xf32> to vector<2000x3xf32>
    %slice3A_68 = vector.extract_strided_slice %get3A_53 {offsets = [3, 0], sizes = [3, 64], strides = [1, 1]} : vector<6x64xf32> to vector<3x64xf32>
    %dot_general3A_69 = arith.constant dense<0.000000e+00> : vector<2000x64xf32>
    %dot_general3A_70 = tpu.matmul %slice3A_67, %slice3A_68, %dot_general3A_69 {dimension_numbers = #tpu.dot_dimension_numbers<[1], [0], [0], [1], [0, 0, 1, 1], [], []>, transpose_lhs_hint = false} : vector<2000x3xf32>, vector<3x64xf32>, vector<2000x64xf32> -> vector<2000x64xf32>
    %add3A_71 = arith.addf %dot_general3A_66, %dot_general3A_70 : vector<2000x64xf32>
    %swap3A = arith.constant 0 : index
    %swap3A_72 = arith.constant 0 : index
    %swap3A_73 = vector.load %arg13[%swap3A, %swap3A_72] : memref<2000x64xf32, #tpu.memory_space<vmem>>, vector<2000x64xf32>
    tpu.vector_store %arg13[%swap3A, %swap3A_72], %add3A_47 {strides = array<i32>} : memref<2000x64xf32, #tpu.memory_space<vmem>>, vector<2000x64xf32>,
    %get3A_74 = arith.constant 0 : index
    %get3A_75 = arith.constant 0 : index
    %get3A_76 = vector.load %arg8[%get3A_74, %get3A_75] : memref<64x64xf32, #tpu.memory_space<vmem>>, vector<64x64xf32>
    %dot_general3A_77 = arith.constant dense<0.000000e+00> : vector<2000x64xf32>
    %dot_general3A_78 = tpu.matmul %add3A_47, %get3A_76, %dot_general3A_77 {dimension_numbers = #tpu.dot_dimension_numbers<[1], [0], [0], [1], [0, 0, 1, 1], [], []>, transpose_lhs_hint = false} : vector<2000x64xf32>, vector<64x64xf32>, vector<2000x64xf32> -> vector<2000x64xf32>
    %sub3A_79 = arith.subf %dot_general3A_78, %add3A_62 : vector<2000x64xf32>
    %convert_element_type3A = arith.truncf %sub3A_79 : vector<2000x64xf32> to vector<2000x64xbf16>
    %swap3A_80 = arith.constant 0 : index
    %swap3A_81 = arith.constant 0 : index
    %swap3A_82 = vector.load %arg14[%swap3A_80, %swap3A_81] : memref<2000x64xbf16, #tpu.memory_space<vmem>>, vector<2000x64xbf16>
    tpu.vector_store %arg14[%swap3A_80, %swap3A_81], %convert_element_type3A {strides = array<i32>} : memref<2000x64xbf16, #tpu.memory_space<vmem>>, vector<2000x64xbf16>,
    %get3A_83 = arith.constant 0 : index
    %get3A_84 = arith.constant 0 : index
    %get3A_85 = vector.load %arg9[%get3A_83, %get3A_84] : memref<64x64xf32, #tpu.memory_space<vmem>>, vector<64x64xf32>
    %dot_general3A_86 = arith.constant dense<0.000000e+00> : vector<2000x64xf32>
    %dot_general3A_87 = tpu.matmul %add3A_47, %get3A_85, %dot_general3A_86 {dimension_numbers = #tpu.dot_dimension_numbers<[1], [0], [0], [1], [0, 0, 1, 1], [], []>, transpose_lhs_hint = false} : vector<2000x64xf32>, vector<64x64xf32>, vector<2000x64xf32> -> vector<2000x64xf32>
    %add3A_88 = arith.addf %dot_general3A_87, %add3A_62 : vector<2000x64xf32>
    %get3A_89 = arith.constant 0 : index
    %get3A_90 = arith.constant 0 : index
    %get3A_91 = vector.load %arg11[%get3A_89, %get3A_90] : memref<1x64xf32, #tpu.memory_space<vmem>>, vector<1x64xf32>
    %add3A_92 = vector.broadcast %get3A_91 : vector<1x64xf32> to vector<2000x64xf32>
    %add3A_93 = arith.addf %add3A_88, %add3A_92 : vector<2000x64xf32>
    %convert_element_type3A_94 = arith.truncf %add3A_93 : vector<2000x64xf32> to vector<2000x64xbf16>
    %swap3A_95 = arith.constant 0 : index
    %swap3A_96 = arith.constant 0 : index
    %swap3A_97 = vector.load %arg15[%swap3A_95, %swap3A_96] : memref<2000x64xbf16, #tpu.memory_space<vmem>>, vector<2000x64xbf16>
    tpu.vector_store %arg15[%swap3A_95, %swap3A_96], %convert_element_type3A_94 {strides = array<i32>} : memref<2000x64xbf16, #tpu.memory_space<vmem>>, vector<2000x64xbf16>,
    %swap3A_98 = arith.constant 0 : index
    %swap3A_99 = arith.constant 0 : index
    %swap3A_100 = vector.load %arg16[%swap3A_98, %swap3A_99] : memref<2000x64xf32, #tpu.memory_space<vmem>>, vector<2000x64xf32>
    tpu.vector_store %arg16[%swap3A_98, %swap3A_99], %add3A_71 {strides = array<i32>} : memref<2000x64xf32, #tpu.memory_space<vmem>>, vector<2000x64xf32>,
    return
  }
  func.func @transform_0(%arg0: i32) -> (i32, i32) {
    %c0_i32 = arith.constant 0 : i32
    %c0_i32_0 = arith.constant 0 : i32
    return %arg0, %c0_i32 : i32, i32
  }
  func.func @transform_1(%arg0: i32) -> (i32, i32) {
    %c0_i32 = arith.constant 0 : i32
    %c0_i32_0 = arith.constant 0 : i32
    %c0_i32_1 = arith.constant 0 : i32
    return %c0_i32, %c0_i32_0 : i32, i32
  }
  func.func @transform_2(%arg0: i32) -> (i32, i32) {
    %c0_i32 = arith.constant 0 : i32
    %c0_i32_0 = arith.constant 0 : i32
    %c0_i32_1 = arith.constant 0 : i32
    return %c0_i32, %c0_i32_0 : i32, i32
  }
  func.func @transform_3(%arg0: i32) -> (i32, i32) {
    %c0_i32 = arith.constant 0 : i32
    %c0_i32_0 = arith.constant 0 : i32
    %c0_i32_1 = arith.constant 0 : i32
    return %c0_i32, %c0_i32_0 : i32, i32
  }
  func.func @transform_4(%arg0: i32) -> (i32, i32) {
    %c0_i32 = arith.constant 0 : i32
    %c0_i32_0 = arith.constant 0 : i32
    %c0_i32_1 = arith.constant 0 : i32
    return %c0_i32, %c0_i32_0 : i32, i32
  }
  func.func @transform_5(%arg0: i32) -> (i32, i32) {
    %c0_i32 = arith.constant 0 : i32
    %c0_i32_0 = arith.constant 0 : i32
    %c0_i32_1 = arith.constant 0 : i32
    return %c0_i32, %c0_i32_0 : i32, i32
  }
  func.func @transform_6(%arg0: i32) -> (i32, i32) {
    %c0_i32 = arith.constant 0 : i32
    %c0_i32_0 = arith.constant 0 : i32
    %c0_i32_1 = arith.constant 0 : i32
    return %c0_i32, %c0_i32_0 : i32, i32
  }
  func.func @transform_7(%arg0: i32) -> (i32, i32) {
    %c0_i32 = arith.constant 0 : i32
    %c0_i32_0 = arith.constant 0 : i32
    %c0_i32_1 = arith.constant 0 : i32
    return %c0_i32, %c0_i32_0 : i32, i32
  }
  func.func @transform_8(%arg0: i32) -> (i32, i32) {
    %c0_i32 = arith.constant 0 : i32
    %c0_i32_0 = arith.constant 0 : i32
    %c0_i32_1 = arith.constant 0 : i32
    return %c0_i32, %c0_i32_0 : i32, i32
  }
  func.func @transform_9(%arg0: i32) -> (i32, i32) {
    %c0_i32 = arith.constant 0 : i32
    %c0_i32_0 = arith.constant 0 : i32
    %c0_i32_1 = arith.constant 0 : i32
    return %c0_i32, %c0_i32_0 : i32, i32
  }
  func.func @transform_10(%arg0: i32) -> (i32, i32) {
    %c0_i32 = arith.constant 0 : i32
    %c0_i32_0 = arith.constant 0 : i32
    %c0_i32_1 = arith.constant 0 : i32
    return %c0_i32, %c0_i32_0 : i32, i32
  }
  func.func @transform_11(%arg0: i32) -> (i32, i32) {
    %c0_i32 = arith.constant 0 : i32
    %c0_i32_0 = arith.constant 0 : i32
    %c0_i32_1 = arith.constant 0 : i32
    return %c0_i32, %c0_i32_0 : i32, i32
  }
  func.func @transform_12(%arg0: i32) -> (i32, i32) {
    %c0_i32 = arith.constant 0 : i32
    %c0_i32_0 = arith.constant 0 : i32
    return %arg0, %c0_i32 : i32, i32
  }
  func.func @transform_13(%arg0: i32) -> (i32, i32) {
    %c0_i32 = arith.constant 0 : i32
    %c0_i32_0 = arith.constant 0 : i32
    return %arg0, %c0_i32 : i32, i32
  }
  func.func @transform_14(%arg0: i32) -> (i32, i32) {
    %c0_i32 = arith.constant 0 : i32
    %c0_i32_0 = arith.constant 0 : i32
    return %arg0, %c0_i32 : i32, i32
  }
  func.func @transform_15(%arg0: i32) -> (i32, i32) {
    %c0_i32 = arith.constant 0 : i32
    %c0_i32_0 = arith.constant 0 : i32
    return %arg0, %c0_i32 : i32, i32
  }
}

module attributes {stable_mosaic.version = 14 : i64} {
  func.func @_tc2_body(%arg0: i32, %arg1: memref<2000x64xf32, #tpu.memory_space<vmem>>, %arg2: memref<2x2000x64xf32, #tpu.memory_space<vmem>>, %arg3: memref<2000x2xf32, #tpu.memory_space<vmem>>, %arg4: memref<64x64xf32, #tpu.memory_space<vmem>>, %arg5: memref<1x64xf32, #tpu.memory_space<vmem>>, %arg6: memref<64x64xf32, #tpu.memory_space<vmem>>, %arg7: memref<64x64xf32, #tpu.memory_space<vmem>>, %arg8: memref<1x64xf32, #tpu.memory_space<vmem>>, %arg9: memref<64x64xf32, #tpu.memory_space<vmem>>, %arg10: memref<1x64xf32, #tpu.memory_space<vmem>>, %arg11: memref<1x64xf32, #tpu.memory_space<vmem>>, %arg12: memref<1x64xf32, #tpu.memory_space<vmem>>, %arg13: memref<64x64xf32, #tpu.memory_space<vmem>>, %arg14: memref<64x64xf32, #tpu.memory_space<vmem>>, %arg15: memref<1x64xf32, #tpu.memory_space<vmem>>, %arg16: memref<2000x64xf32, #tpu.memory_space<vmem>>, %arg17: memref<2000x64xf32, #tpu.memory_space<vmem>>, %arg18: memref<2000x64xbf16, #tpu.memory_space<vmem>>, %arg19: memref<2000x64xbf16, #tpu.memory_space<vmem>>) attributes {dimension_semantics = [#tpu.dimension_semantics<arbitrary>], iteration_bounds = array<i64: 5>, scalar_prefetch = 0 : i64, scratch_operands = 0 : i64, tpu.core_type = #tpu.core_type<tc>, window_params = [{transform_indices = @transform_0, window_bounds = array<i64: 2000, 64>}, {transform_indices = @transform_1, window_bounds = array<i64: 2, 2000, 64>}, {transform_indices = @transform_2, window_bounds = array<i64: 2000, 2>}, {pipeline_mode = #tpu.pipeline_mode<synchronous>, transform_indices = @transform_3, window_bounds = array<i64: 64, 64>}, {pipeline_mode = #tpu.pipeline_mode<synchronous>, transform_indices = @transform_4, window_bounds = array<i64: 1, 64>}, {pipeline_mode = #tpu.pipeline_mode<synchronous>, transform_indices = @transform_5, window_bounds = array<i64: 64, 64>}, {pipeline_mode = #tpu.pipeline_mode<synchronous>, transform_indices = @transform_6, window_bounds = array<i64: 64, 64>}, {pipeline_mode = #tpu.pipeline_mode<synchronous>, transform_indices = @transform_7, window_bounds = array<i64: 1, 64>}, {pipeline_mode = #tpu.pipeline_mode<synchronous>, transform_indices = @transform_8, window_bounds = array<i64: 64, 64>}, {pipeline_mode = #tpu.pipeline_mode<synchronous>, transform_indices = @transform_9, window_bounds = array<i64: 1, 64>}, {pipeline_mode = #tpu.pipeline_mode<synchronous>, transform_indices = @transform_10, window_bounds = array<i64: 1, 64>}, {pipeline_mode = #tpu.pipeline_mode<synchronous>, transform_indices = @transform_11, window_bounds = array<i64: 1, 64>}, {pipeline_mode = #tpu.pipeline_mode<synchronous>, transform_indices = @transform_12, window_bounds = array<i64: 64, 64>}, {pipeline_mode = #tpu.pipeline_mode<synchronous>, transform_indices = @transform_13, window_bounds = array<i64: 64, 64>}, {pipeline_mode = #tpu.pipeline_mode<synchronous>, transform_indices = @transform_14, window_bounds = array<i64: 1, 64>}, {transform_indices = @transform_15, window_bounds = array<i64: 2000, 64>}, {transform_indices = @transform_16, window_bounds = array<i64: 2000, 64>}, {transform_indices = @transform_17, window_bounds = array<i64: 2000, 64>}, {transform_indices = @transform_18, window_bounds = array<i64: 2000, 64>}]} {
    %get3A = arith.constant 0 : index
    %get3A_0 = arith.constant 0 : index
    %get3A_1 = vector.load %arg1[%get3A, %get3A_0] : memref<2000x64xf32, #tpu.memory_space<vmem>>, vector<2000x64xf32>
    %get3A_2 = arith.constant 0 : index
    %get3A_3 = arith.constant 0 : index
    %get3A_4 = arith.constant 0 : index
    %get3A_5 = vector.load %arg2[%get3A_2, %get3A_3, %get3A_4] : memref<2x2000x64xf32, #tpu.memory_space<vmem>>, vector<2x2000x64xf32>
    %get3A_6 = arith.constant 0 : index
    %get3A_7 = arith.constant 0 : index
    %get3A_8 = vector.load %arg3[%get3A_6, %get3A_7] : memref<2000x2xf32, #tpu.memory_space<vmem>>, vector<2000x2xf32>
    %get3A_9 = arith.constant 0 : index
    %get3A_10 = arith.constant 0 : index
    %get3A_11 = vector.load %arg4[%get3A_9, %get3A_10] : memref<64x64xf32, #tpu.memory_space<vmem>>, vector<64x64xf32>
    %get3A_12 = arith.constant 0 : index
    %get3A_13 = arith.constant 0 : index
    %get3A_14 = vector.load %arg5[%get3A_12, %get3A_13] : memref<1x64xf32, #tpu.memory_space<vmem>>, vector<1x64xf32>
    %get3A_15 = arith.constant 0 : index
    %get3A_16 = arith.constant 0 : index
    %get3A_17 = vector.load %arg6[%get3A_15, %get3A_16] : memref<64x64xf32, #tpu.memory_space<vmem>>, vector<64x64xf32>
    %get3A_18 = arith.constant 0 : index
    %get3A_19 = arith.constant 0 : index
    %get3A_20 = vector.load %arg7[%get3A_18, %get3A_19] : memref<64x64xf32, #tpu.memory_space<vmem>>, vector<64x64xf32>
    %get3A_21 = arith.constant 0 : index
    %get3A_22 = arith.constant 0 : index
    %get3A_23 = vector.load %arg8[%get3A_21, %get3A_22] : memref<1x64xf32, #tpu.memory_space<vmem>>, vector<1x64xf32>
    %get3A_24 = arith.constant 0 : index
    %get3A_25 = arith.constant 0 : index
    %get3A_26 = vector.load %arg9[%get3A_24, %get3A_25] : memref<64x64xf32, #tpu.memory_space<vmem>>, vector<64x64xf32>
    %get3A_27 = arith.constant 0 : index
    %get3A_28 = arith.constant 0 : index
    %get3A_29 = vector.load %arg10[%get3A_27, %get3A_28] : memref<1x64xf32, #tpu.memory_space<vmem>>, vector<1x64xf32>
    %get3A_30 = arith.constant 0 : index
    %get3A_31 = arith.constant 0 : index
    %get3A_32 = vector.load %arg11[%get3A_30, %get3A_31] : memref<1x64xf32, #tpu.memory_space<vmem>>, vector<1x64xf32>
    %get3A_33 = arith.constant 0 : index
    %get3A_34 = arith.constant 0 : index
    %get3A_35 = vector.load %arg12[%get3A_33, %get3A_34] : memref<1x64xf32, #tpu.memory_space<vmem>>, vector<1x64xf32>
    %slice3A = vector.extract_strided_slice %get3A_5 {offsets = [0, 0, 0], sizes = [1, 2000, 64], strides = [1, 1, 1]} : vector<2x2000x64xf32> to vector<1x2000x64xf32>
    %squeeze3A = vector.shape_cast %slice3A : vector<1x2000x64xf32> to vector<2000x64xf32>
    %slice3A_36 = vector.extract_strided_slice %get3A_5 {offsets = [1, 0, 0], sizes = [1, 2000, 64], strides = [1, 1, 1]} : vector<2x2000x64xf32> to vector<1x2000x64xf32>
    %squeeze3A_37 = vector.shape_cast %slice3A_36 : vector<1x2000x64xf32> to vector<2000x64xf32>
    %add3A = arith.addf %squeeze3A, %squeeze3A_37 : vector<2000x64xf32>
    %slice3A_38 = vector.extract_strided_slice %get3A_8 {offsets = [0, 0], sizes = [2000, 1], strides = [1, 1]} : vector<2000x2xf32> to vector<2000x1xf32>
    %slice3A_39 = vector.extract_strided_slice %get3A_8 {offsets = [0, 1], sizes = [2000, 1], strides = [1, 1]} : vector<2000x2xf32> to vector<2000x1xf32>
    %add3A_40 = arith.addf %slice3A_38, %slice3A_39 : vector<2000x1xf32>
    %dot_general3A = arith.constant dense<0.000000e+00> : vector<2000x64xf32>
    %dot_general3A_41 = tpu.matmul %add3A, %get3A_11, %dot_general3A {dimension_numbers = #tpu.dot_dimension_numbers<[1], [0], [0], [1], [0, 0, 1, 1], [], []>, transpose_lhs_hint = false} : vector<2000x64xf32>, vector<64x64xf32>, vector<2000x64xf32> -> vector<2000x64xf32>
    %mul3A = vector.broadcast %add3A_40 : vector<2000x1xf32> to vector<2000x64xf32>
    %mul3A_42 = vector.broadcast %get3A_14 : vector<1x64xf32> to vector<2000x64xf32>
    %mul3A_43 = arith.mulf %mul3A, %mul3A_42 : vector<2000x64xf32>
    %add3A_44 = arith.addf %dot_general3A_41, %mul3A_43 : vector<2000x64xf32>
    %dot_general3A_45 = arith.constant dense<0.000000e+00> : vector<2000x64xf32>
    %dot_general3A_46 = tpu.matmul %get3A_1, %get3A_17, %dot_general3A_45 {dimension_numbers = #tpu.dot_dimension_numbers<[1], [0], [0], [1], [0, 0, 1, 1], [], []>, transpose_lhs_hint = false} : vector<2000x64xf32>, vector<64x64xf32>, vector<2000x64xf32> -> vector<2000x64xf32>
    %dot_general3A_47 = arith.constant dense<0.000000e+00> : vector<2000x64xf32>
    %dot_general3A_48 = tpu.matmul %add3A_44, %get3A_20, %dot_general3A_47 {dimension_numbers = #tpu.dot_dimension_numbers<[1], [0], [0], [1], [0, 0, 1, 1], [], []>, transpose_lhs_hint = false} : vector<2000x64xf32>, vector<64x64xf32>, vector<2000x64xf32> -> vector<2000x64xf32>
    %add3A_49 = arith.addf %dot_general3A_46, %dot_general3A_48 : vector<2000x64xf32>
    %add3A_50 = vector.broadcast %get3A_23 : vector<1x64xf32> to vector<2000x64xf32>
    %add3A_51 = arith.addf %add3A_49, %add3A_50 : vector<2000x64xf32>
    %max3A = arith.constant 0.000000e+00 : f32
    %max3A_52 = vector.broadcast %max3A : f32 to vector<2000x64xf32>
    %max3A_53 = arith.maximumf %add3A_51, %max3A_52 : vector<2000x64xf32>
    %dot_general3A_54 = arith.constant dense<0.000000e+00> : vector<2000x64xf32>
    %dot_general3A_55 = tpu.matmul %max3A_53, %get3A_26, %dot_general3A_54 {dimension_numbers = #tpu.dot_dimension_numbers<[1], [0], [0], [1], [0, 0, 1, 1], [], []>, transpose_lhs_hint = false} : vector<2000x64xf32>, vector<64x64xf32>, vector<2000x64xf32> -> vector<2000x64xf32>
    %add3A_56 = vector.broadcast %get3A_29 : vector<1x64xf32> to vector<2000x64xf32>
    %add3A_57 = arith.addf %dot_general3A_55, %add3A_56 : vector<2000x64xf32>
    %reduce_sum3A = arith.constant dense<0.000000e+00> : vector<2000xf32>
    %reduce_sum3A_58 = vector.multi_reduction <add>, %add3A_57, %reduce_sum3A [1] : vector<2000x64xf32> to vector<2000xf32>
    %broadcast_in_dim3A = vector.shape_cast %reduce_sum3A_58 : vector<2000xf32> to vector<2000x1xf32>
    %div3A = arith.constant 6.400000e+01 : f32
    %div3A_59 = vector.broadcast %div3A : f32 to vector<2000x1xf32>
    %div3A_60 = arith.divf %broadcast_in_dim3A, %div3A_59 : vector<2000x1xf32>
    %sub3A = vector.broadcast %div3A_60 : vector<2000x1xf32> to vector<2000x64xf32>
    %sub3A_61 = arith.subf %add3A_57, %sub3A : vector<2000x64xf32>
    %integer_pow3A = arith.mulf %sub3A_61, %sub3A_61 : vector<2000x64xf32>
    %reduce_sum3A_62 = arith.constant dense<0.000000e+00> : vector<2000xf32>
    %reduce_sum3A_63 = vector.multi_reduction <add>, %integer_pow3A, %reduce_sum3A_62 [1] : vector<2000x64xf32> to vector<2000xf32>
    %broadcast_in_dim3A_64 = vector.shape_cast %reduce_sum3A_63 : vector<2000xf32> to vector<2000x1xf32>
    %div3A_65 = arith.constant 6.400000e+01 : f32
    %div3A_66 = vector.broadcast %div3A_65 : f32 to vector<2000x1xf32>
    %div3A_67 = arith.divf %broadcast_in_dim3A_64, %div3A_66 : vector<2000x1xf32>
    %sub3A_68 = vector.broadcast %div3A_60 : vector<2000x1xf32> to vector<2000x64xf32>
    %sub3A_69 = arith.subf %add3A_57, %sub3A_68 : vector<2000x64xf32>
    %add3A_70 = arith.constant 9.99999974E-6 : f32
    %add3A_71 = vector.broadcast %add3A_70 : f32 to vector<2000x1xf32>
    %add3A_72 = arith.addf %div3A_67, %add3A_71 : vector<2000x1xf32>
    %rsqrt3A = math.rsqrt %add3A_72 : vector<2000x1xf32>
    %mul3A_73 = vector.broadcast %rsqrt3A : vector<2000x1xf32> to vector<2000x64xf32>
    %mul3A_74 = arith.mulf %sub3A_69, %mul3A_73 : vector<2000x64xf32>
    %mul3A_75 = vector.broadcast %get3A_32 : vector<1x64xf32> to vector<2000x64xf32>
    %mul3A_76 = arith.mulf %mul3A_74, %mul3A_75 : vector<2000x64xf32>
    %add3A_77 = vector.broadcast %get3A_35 : vector<1x64xf32> to vector<2000x64xf32>
    %add3A_78 = arith.addf %mul3A_76, %add3A_77 : vector<2000x64xf32>
    %add3A_79 = arith.addf %get3A_1, %add3A_78 : vector<2000x64xf32>
    %get3A_80 = arith.constant 0 : index
    %get3A_81 = arith.constant 0 : index
    %get3A_82 = vector.load %arg16[%get3A_80, %get3A_81] : memref<2000x64xf32, #tpu.memory_space<vmem>>, vector<2000x64xf32>
    %swap3A = arith.constant 0 : index
    %swap3A_83 = arith.constant 0 : index
    %swap3A_84 = vector.load %arg17[%swap3A, %swap3A_83] : memref<2000x64xf32, #tpu.memory_space<vmem>>, vector<2000x64xf32>
    tpu.vector_store %arg17[%swap3A, %swap3A_83], %add3A_79 {strides = array<i32>} : memref<2000x64xf32, #tpu.memory_space<vmem>>, vector<2000x64xf32>,
    %get3A_85 = arith.constant 0 : index
    %get3A_86 = arith.constant 0 : index
    %get3A_87 = vector.load %arg13[%get3A_85, %get3A_86] : memref<64x64xf32, #tpu.memory_space<vmem>>, vector<64x64xf32>
    %dot_general3A_88 = arith.constant dense<0.000000e+00> : vector<2000x64xf32>
    %dot_general3A_89 = tpu.matmul %add3A_79, %get3A_87, %dot_general3A_88 {dimension_numbers = #tpu.dot_dimension_numbers<[1], [0], [0], [1], [0, 0, 1, 1], [], []>, transpose_lhs_hint = false} : vector<2000x64xf32>, vector<64x64xf32>, vector<2000x64xf32> -> vector<2000x64xf32>
    %sub3A_90 = arith.subf %dot_general3A_89, %get3A_82 : vector<2000x64xf32>
    %convert_element_type3A = arith.truncf %sub3A_90 : vector<2000x64xf32> to vector<2000x64xbf16>
    %swap3A_91 = arith.constant 0 : index
    %swap3A_92 = arith.constant 0 : index
    %swap3A_93 = vector.load %arg18[%swap3A_91, %swap3A_92] : memref<2000x64xbf16, #tpu.memory_space<vmem>>, vector<2000x64xbf16>
    tpu.vector_store %arg18[%swap3A_91, %swap3A_92], %convert_element_type3A {strides = array<i32>} : memref<2000x64xbf16, #tpu.memory_space<vmem>>, vector<2000x64xbf16>,
    %get3A_94 = arith.constant 0 : index
    %get3A_95 = arith.constant 0 : index
    %get3A_96 = vector.load %arg14[%get3A_94, %get3A_95] : memref<64x64xf32, #tpu.memory_space<vmem>>, vector<64x64xf32>
    %dot_general3A_97 = arith.constant dense<0.000000e+00> : vector<2000x64xf32>
    %dot_general3A_98 = tpu.matmul %add3A_79, %get3A_96, %dot_general3A_97 {dimension_numbers = #tpu.dot_dimension_numbers<[1], [0], [0], [1], [0, 0, 1, 1], [], []>, transpose_lhs_hint = false} : vector<2000x64xf32>, vector<64x64xf32>, vector<2000x64xf32> -> vector<2000x64xf32>
    %add3A_99 = arith.addf %dot_general3A_98, %get3A_82 : vector<2000x64xf32>
    %get3A_100 = arith.constant 0 : index
    %get3A_101 = arith.constant 0 : index
    %get3A_102 = vector.load %arg15[%get3A_100, %get3A_101] : memref<1x64xf32, #tpu.memory_space<vmem>>, vector<1x64xf32>
    %add3A_103 = vector.broadcast %get3A_102 : vector<1x64xf32> to vector<2000x64xf32>
    %add3A_104 = arith.addf %add3A_99, %add3A_103 : vector<2000x64xf32>
    %convert_element_type3A_105 = arith.truncf %add3A_104 : vector<2000x64xf32> to vector<2000x64xbf16>
    %swap3A_106 = arith.constant 0 : index
    %swap3A_107 = arith.constant 0 : index
    %swap3A_108 = vector.load %arg19[%swap3A_106, %swap3A_107] : memref<2000x64xbf16, #tpu.memory_space<vmem>>, vector<2000x64xbf16>
    tpu.vector_store %arg19[%swap3A_106, %swap3A_107], %convert_element_type3A_105 {strides = array<i32>} : memref<2000x64xbf16, #tpu.memory_space<vmem>>, vector<2000x64xbf16>,
    return
  }
  func.func @transform_0(%arg0: i32) -> (i32, i32) {
    %c0_i32 = arith.constant 0 : i32
    %c0_i32_0 = arith.constant 0 : i32
    return %arg0, %c0_i32 : i32, i32
  }
  func.func @transform_1(%arg0: i32) -> (i32, i32, i32) {
    %c0_i32 = arith.constant 0 : i32
    %c0_i32_0 = arith.constant 0 : i32
    %c0_i32_1 = arith.constant 0 : i32
    return %c0_i32, %arg0, %c0_i32_0 : i32, i32, i32
  }
  func.func @transform_2(%arg0: i32) -> (i32, i32) {
    %c0_i32 = arith.constant 0 : i32
    %c0_i32_0 = arith.constant 0 : i32
    return %arg0, %c0_i32 : i32, i32
  }
  func.func @transform_3(%arg0: i32) -> (i32, i32) {
    %c0_i32 = arith.constant 0 : i32
    %c0_i32_0 = arith.constant 0 : i32
    %c0_i32_1 = arith.constant 0 : i32
    return %c0_i32, %c0_i32_0 : i32, i32
  }
  func.func @transform_4(%arg0: i32) -> (i32, i32) {
    %c0_i32 = arith.constant 0 : i32
    %c0_i32_0 = arith.constant 0 : i32
    %c0_i32_1 = arith.constant 0 : i32
    return %c0_i32, %c0_i32_0 : i32, i32
  }
  func.func @transform_5(%arg0: i32) -> (i32, i32) {
    %c0_i32 = arith.constant 0 : i32
    %c0_i32_0 = arith.constant 0 : i32
    %c0_i32_1 = arith.constant 0 : i32
    return %c0_i32, %c0_i32_0 : i32, i32
  }
  func.func @transform_6(%arg0: i32) -> (i32, i32) {
    %c0_i32 = arith.constant 0 : i32
    %c0_i32_0 = arith.constant 0 : i32
    %c0_i32_1 = arith.constant 0 : i32
    return %c0_i32, %c0_i32_0 : i32, i32
  }
  func.func @transform_7(%arg0: i32) -> (i32, i32) {
    %c0_i32 = arith.constant 0 : i32
    %c0_i32_0 = arith.constant 0 : i32
    %c0_i32_1 = arith.constant 0 : i32
    return %c0_i32, %c0_i32_0 : i32, i32
  }
  func.func @transform_8(%arg0: i32) -> (i32, i32) {
    %c0_i32 = arith.constant 0 : i32
    %c0_i32_0 = arith.constant 0 : i32
    %c0_i32_1 = arith.constant 0 : i32
    return %c0_i32, %c0_i32_0 : i32, i32
  }
  func.func @transform_9(%arg0: i32) -> (i32, i32) {
    %c0_i32 = arith.constant 0 : i32
    %c0_i32_0 = arith.constant 0 : i32
    %c0_i32_1 = arith.constant 0 : i32
    return %c0_i32, %c0_i32_0 : i32, i32
  }
  func.func @transform_10(%arg0: i32) -> (i32, i32) {
    %c0_i32 = arith.constant 0 : i32
    %c0_i32_0 = arith.constant 0 : i32
    %c0_i32_1 = arith.constant 0 : i32
    return %c0_i32, %c0_i32_0 : i32, i32
  }
  func.func @transform_11(%arg0: i32) -> (i32, i32) {
    %c0_i32 = arith.constant 0 : i32
    %c0_i32_0 = arith.constant 0 : i32
    %c0_i32_1 = arith.constant 0 : i32
    return %c0_i32, %c0_i32_0 : i32, i32
  }
  func.func @transform_12(%arg0: i32) -> (i32, i32) {
    %c0_i32 = arith.constant 0 : i32
    %c0_i32_0 = arith.constant 0 : i32
    %c0_i32_1 = arith.constant 0 : i32
    return %c0_i32, %c0_i32_0 : i32, i32
  }
  func.func @transform_13(%arg0: i32) -> (i32, i32) {
    %c0_i32 = arith.constant 0 : i32
    %c0_i32_0 = arith.constant 0 : i32
    %c0_i32_1 = arith.constant 0 : i32
    return %c0_i32, %c0_i32_0 : i32, i32
  }
  func.func @transform_14(%arg0: i32) -> (i32, i32) {
    %c0_i32 = arith.constant 0 : i32
    %c0_i32_0 = arith.constant 0 : i32
    %c0_i32_1 = arith.constant 0 : i32
    return %c0_i32, %c0_i32_0 : i32, i32
  }
  func.func @transform_15(%arg0: i32) -> (i32, i32) {
    %c0_i32 = arith.constant 0 : i32
    %c0_i32_0 = arith.constant 0 : i32
    return %arg0, %c0_i32 : i32, i32
  }
  func.func @transform_16(%arg0: i32) -> (i32, i32) {
    %c0_i32 = arith.constant 0 : i32
    %c0_i32_0 = arith.constant 0 : i32
    return %arg0, %c0_i32 : i32, i32
  }
  func.func @transform_17(%arg0: i32) -> (i32, i32) {
    %c0_i32 = arith.constant 0 : i32
    %c0_i32_0 = arith.constant 0 : i32
    return %arg0, %c0_i32 : i32, i32
  }
  func.func @transform_18(%arg0: i32) -> (i32, i32) {
    %c0_i32 = arith.constant 0 : i32
    %c0_i32_0 = arith.constant 0 : i32
    return %arg0, %c0_i32 : i32, i32
  }
}

module attributes {stable_mosaic.version = 14 : i64} {
  func.func @_tc3_body(%arg0: i32, %arg1: memref<2000x64xf32, #tpu.memory_space<vmem>>, %arg2: memref<2x2000x64xf32, #tpu.memory_space<vmem>>, %arg3: memref<2000x2xf32, #tpu.memory_space<vmem>>, %arg4: memref<64x64xf32, #tpu.memory_space<vmem>>, %arg5: memref<1x64xf32, #tpu.memory_space<vmem>>, %arg6: memref<64x64xf32, #tpu.memory_space<vmem>>, %arg7: memref<64x64xf32, #tpu.memory_space<vmem>>, %arg8: memref<1x64xf32, #tpu.memory_space<vmem>>, %arg9: memref<64x64xf32, #tpu.memory_space<vmem>>, %arg10: memref<1x64xf32, #tpu.memory_space<vmem>>, %arg11: memref<1x64xf32, #tpu.memory_space<vmem>>, %arg12: memref<1x64xf32, #tpu.memory_space<vmem>>, %arg13: memref<64x64xf32, #tpu.memory_space<vmem>>, %arg14: memref<1x64xf32, #tpu.memory_space<vmem>>, %arg15: memref<64x8xf32, #tpu.memory_space<vmem>>, %arg16: memref<1x8xf32, #tpu.memory_space<vmem>>, %arg17: memref<2000x8xf32, #tpu.memory_space<vmem>>, %arg18: memref<2000x8xf32, #tpu.memory_space<vmem>>, %arg19: memref<2000x8xf32, #tpu.memory_space<vmem>>, %arg20: memref<2000x1xf32, #tpu.memory_space<vmem>>, %arg21: memref<2000x8xf32, #tpu.memory_space<vmem>>, %arg22: memref<1x1xf32, #tpu.memory_space<vmem>>, %arg23: memref<1x1xf32, #tpu.memory_space<vmem>>) attributes {dimension_semantics = [#tpu.dimension_semantics<arbitrary>], iteration_bounds = array<i64: 5>, scalar_prefetch = 0 : i64, scratch_operands = 0 : i64, tpu.core_type = #tpu.core_type<tc>, window_params = [{transform_indices = @transform_0, window_bounds = array<i64: 2000, 64>}, {transform_indices = @transform_1, window_bounds = array<i64: 2, 2000, 64>}, {transform_indices = @transform_2, window_bounds = array<i64: 2000, 2>}, {pipeline_mode = #tpu.pipeline_mode<synchronous>, transform_indices = @transform_3, window_bounds = array<i64: 64, 64>}, {pipeline_mode = #tpu.pipeline_mode<synchronous>, transform_indices = @transform_4, window_bounds = array<i64: 1, 64>}, {pipeline_mode = #tpu.pipeline_mode<synchronous>, transform_indices = @transform_5, window_bounds = array<i64: 64, 64>}, {pipeline_mode = #tpu.pipeline_mode<synchronous>, transform_indices = @transform_6, window_bounds = array<i64: 64, 64>}, {pipeline_mode = #tpu.pipeline_mode<synchronous>, transform_indices = @transform_7, window_bounds = array<i64: 1, 64>}, {pipeline_mode = #tpu.pipeline_mode<synchronous>, transform_indices = @transform_8, window_bounds = array<i64: 64, 64>}, {pipeline_mode = #tpu.pipeline_mode<synchronous>, transform_indices = @transform_9, window_bounds = array<i64: 1, 64>}, {pipeline_mode = #tpu.pipeline_mode<synchronous>, transform_indices = @transform_10, window_bounds = array<i64: 1, 64>}, {pipeline_mode = #tpu.pipeline_mode<synchronous>, transform_indices = @transform_11, window_bounds = array<i64: 1, 64>}, {pipeline_mode = #tpu.pipeline_mode<synchronous>, transform_indices = @transform_12, window_bounds = array<i64: 64, 64>}, {pipeline_mode = #tpu.pipeline_mode<synchronous>, transform_indices = @transform_13, window_bounds = array<i64: 1, 64>}, {pipeline_mode = #tpu.pipeline_mode<synchronous>, transform_indices = @transform_14, window_bounds = array<i64: 64, 8>}, {pipeline_mode = #tpu.pipeline_mode<synchronous>, transform_indices = @transform_15, window_bounds = array<i64: 1, 8>}, {transform_indices = @transform_16, window_bounds = array<i64: 2000, 8>}, {transform_indices = @transform_17, window_bounds = array<i64: 2000, 8>}, {transform_indices = @transform_18, window_bounds = array<i64: 2000, 8>}, {transform_indices = @transform_19, window_bounds = array<i64: 2000, 1>}, {transform_indices = @transform_20, window_bounds = array<i64: 2000, 8>}, {pipeline_mode = #tpu.pipeline_mode<synchronous>, transform_indices = @transform_21, window_bounds = array<i64: 1, 1>}, {pipeline_mode = #tpu.pipeline_mode<synchronous>, transform_indices = @transform_22, window_bounds = array<i64: 1, 1>}]} {
    %get3A = arith.constant 0 : index
    %get3A_0 = arith.constant 0 : index
    %get3A_1 = vector.load %arg1[%get3A, %get3A_0] : memref<2000x64xf32, #tpu.memory_space<vmem>>, vector<2000x64xf32>
    %get3A_2 = arith.constant 0 : index
    %get3A_3 = arith.constant 0 : index
    %get3A_4 = arith.constant 0 : index
    %get3A_5 = vector.load %arg2[%get3A_2, %get3A_3, %get3A_4] : memref<2x2000x64xf32, #tpu.memory_space<vmem>>, vector<2x2000x64xf32>
    %get3A_6 = arith.constant 0 : index
    %get3A_7 = arith.constant 0 : index
    %get3A_8 = vector.load %arg3[%get3A_6, %get3A_7] : memref<2000x2xf32, #tpu.memory_space<vmem>>, vector<2000x2xf32>
    %get3A_9 = arith.constant 0 : index
    %get3A_10 = arith.constant 0 : index
    %get3A_11 = vector.load %arg4[%get3A_9, %get3A_10] : memref<64x64xf32, #tpu.memory_space<vmem>>, vector<64x64xf32>
    %get3A_12 = arith.constant 0 : index
    %get3A_13 = arith.constant 0 : index
    %get3A_14 = vector.load %arg5[%get3A_12, %get3A_13] : memref<1x64xf32, #tpu.memory_space<vmem>>, vector<1x64xf32>
    %get3A_15 = arith.constant 0 : index
    %get3A_16 = arith.constant 0 : index
    %get3A_17 = vector.load %arg6[%get3A_15, %get3A_16] : memref<64x64xf32, #tpu.memory_space<vmem>>, vector<64x64xf32>
    %get3A_18 = arith.constant 0 : index
    %get3A_19 = arith.constant 0 : index
    %get3A_20 = vector.load %arg7[%get3A_18, %get3A_19] : memref<64x64xf32, #tpu.memory_space<vmem>>, vector<64x64xf32>
    %get3A_21 = arith.constant 0 : index
    %get3A_22 = arith.constant 0 : index
    %get3A_23 = vector.load %arg8[%get3A_21, %get3A_22] : memref<1x64xf32, #tpu.memory_space<vmem>>, vector<1x64xf32>
    %get3A_24 = arith.constant 0 : index
    %get3A_25 = arith.constant 0 : index
    %get3A_26 = vector.load %arg9[%get3A_24, %get3A_25] : memref<64x64xf32, #tpu.memory_space<vmem>>, vector<64x64xf32>
    %get3A_27 = arith.constant 0 : index
    %get3A_28 = arith.constant 0 : index
    %get3A_29 = vector.load %arg10[%get3A_27, %get3A_28] : memref<1x64xf32, #tpu.memory_space<vmem>>, vector<1x64xf32>
    %get3A_30 = arith.constant 0 : index
    %get3A_31 = arith.constant 0 : index
    %get3A_32 = vector.load %arg11[%get3A_30, %get3A_31] : memref<1x64xf32, #tpu.memory_space<vmem>>, vector<1x64xf32>
    %get3A_33 = arith.constant 0 : index
    %get3A_34 = arith.constant 0 : index
    %get3A_35 = vector.load %arg12[%get3A_33, %get3A_34] : memref<1x64xf32, #tpu.memory_space<vmem>>, vector<1x64xf32>
    %slice3A = vector.extract_strided_slice %get3A_5 {offsets = [0, 0, 0], sizes = [1, 2000, 64], strides = [1, 1, 1]} : vector<2x2000x64xf32> to vector<1x2000x64xf32>
    %squeeze3A = vector.shape_cast %slice3A : vector<1x2000x64xf32> to vector<2000x64xf32>
    %slice3A_36 = vector.extract_strided_slice %get3A_5 {offsets = [1, 0, 0], sizes = [1, 2000, 64], strides = [1, 1, 1]} : vector<2x2000x64xf32> to vector<1x2000x64xf32>
    %squeeze3A_37 = vector.shape_cast %slice3A_36 : vector<1x2000x64xf32> to vector<2000x64xf32>
    %add3A = arith.addf %squeeze3A, %squeeze3A_37 : vector<2000x64xf32>
    %slice3A_38 = vector.extract_strided_slice %get3A_8 {offsets = [0, 0], sizes = [2000, 1], strides = [1, 1]} : vector<2000x2xf32> to vector<2000x1xf32>
    %slice3A_39 = vector.extract_strided_slice %get3A_8 {offsets = [0, 1], sizes = [2000, 1], strides = [1, 1]} : vector<2000x2xf32> to vector<2000x1xf32>
    %add3A_40 = arith.addf %slice3A_38, %slice3A_39 : vector<2000x1xf32>
    %dot_general3A = arith.constant dense<0.000000e+00> : vector<2000x64xf32>
    %dot_general3A_41 = tpu.matmul %add3A, %get3A_11, %dot_general3A {dimension_numbers = #tpu.dot_dimension_numbers<[1], [0], [0], [1], [0, 0, 1, 1], [], []>, transpose_lhs_hint = false} : vector<2000x64xf32>, vector<64x64xf32>, vector<2000x64xf32> -> vector<2000x64xf32>
    %mul3A = vector.broadcast %add3A_40 : vector<2000x1xf32> to vector<2000x64xf32>
    %mul3A_42 = vector.broadcast %get3A_14 : vector<1x64xf32> to vector<2000x64xf32>
    %mul3A_43 = arith.mulf %mul3A, %mul3A_42 : vector<2000x64xf32>
    %add3A_44 = arith.addf %dot_general3A_41, %mul3A_43 : vector<2000x64xf32>
    %dot_general3A_45 = arith.constant dense<0.000000e+00> : vector<2000x64xf32>
    %dot_general3A_46 = tpu.matmul %get3A_1, %get3A_17, %dot_general3A_45 {dimension_numbers = #tpu.dot_dimension_numbers<[1], [0], [0], [1], [0, 0, 1, 1], [], []>, transpose_lhs_hint = false} : vector<2000x64xf32>, vector<64x64xf32>, vector<2000x64xf32> -> vector<2000x64xf32>
    %dot_general3A_47 = arith.constant dense<0.000000e+00> : vector<2000x64xf32>
    %dot_general3A_48 = tpu.matmul %add3A_44, %get3A_20, %dot_general3A_47 {dimension_numbers = #tpu.dot_dimension_numbers<[1], [0], [0], [1], [0, 0, 1, 1], [], []>, transpose_lhs_hint = false} : vector<2000x64xf32>, vector<64x64xf32>, vector<2000x64xf32> -> vector<2000x64xf32>
    %add3A_49 = arith.addf %dot_general3A_46, %dot_general3A_48 : vector<2000x64xf32>
    %add3A_50 = vector.broadcast %get3A_23 : vector<1x64xf32> to vector<2000x64xf32>
    %add3A_51 = arith.addf %add3A_49, %add3A_50 : vector<2000x64xf32>
    %max3A = arith.constant 0.000000e+00 : f32
    %max3A_52 = vector.broadcast %max3A : f32 to vector<2000x64xf32>
    %max3A_53 = arith.maximumf %add3A_51, %max3A_52 : vector<2000x64xf32>
    %dot_general3A_54 = arith.constant dense<0.000000e+00> : vector<2000x64xf32>
    %dot_general3A_55 = tpu.matmul %max3A_53, %get3A_26, %dot_general3A_54 {dimension_numbers = #tpu.dot_dimension_numbers<[1], [0], [0], [1], [0, 0, 1, 1], [], []>, transpose_lhs_hint = false} : vector<2000x64xf32>, vector<64x64xf32>, vector<2000x64xf32> -> vector<2000x64xf32>
    %add3A_56 = vector.broadcast %get3A_29 : vector<1x64xf32> to vector<2000x64xf32>
    %add3A_57 = arith.addf %dot_general3A_55, %add3A_56 : vector<2000x64xf32>
    %reduce_sum3A = arith.constant dense<0.000000e+00> : vector<2000xf32>
    %reduce_sum3A_58 = vector.multi_reduction <add>, %add3A_57, %reduce_sum3A [1] : vector<2000x64xf32> to vector<2000xf32>
    %broadcast_in_dim3A = vector.shape_cast %reduce_sum3A_58 : vector<2000xf32> to vector<2000x1xf32>
    %div3A = arith.constant 6.400000e+01 : f32
    %div3A_59 = vector.broadcast %div3A : f32 to vector<2000x1xf32>
    %div3A_60 = arith.divf %broadcast_in_dim3A, %div3A_59 : vector<2000x1xf32>
    %sub3A = vector.broadcast %div3A_60 : vector<2000x1xf32> to vector<2000x64xf32>
    %sub3A_61 = arith.subf %add3A_57, %sub3A : vector<2000x64xf32>
    %integer_pow3A = arith.mulf %sub3A_61, %sub3A_61 : vector<2000x64xf32>
    %reduce_sum3A_62 = arith.constant dense<0.000000e+00> : vector<2000xf32>
    %reduce_sum3A_63 = vector.multi_reduction <add>, %integer_pow3A, %reduce_sum3A_62 [1] : vector<2000x64xf32> to vector<2000xf32>
    %broadcast_in_dim3A_64 = vector.shape_cast %reduce_sum3A_63 : vector<2000xf32> to vector<2000x1xf32>
    %div3A_65 = arith.constant 6.400000e+01 : f32
    %div3A_66 = vector.broadcast %div3A_65 : f32 to vector<2000x1xf32>
    %div3A_67 = arith.divf %broadcast_in_dim3A_64, %div3A_66 : vector<2000x1xf32>
    %sub3A_68 = vector.broadcast %div3A_60 : vector<2000x1xf32> to vector<2000x64xf32>
    %sub3A_69 = arith.subf %add3A_57, %sub3A_68 : vector<2000x64xf32>
    %add3A_70 = arith.constant 9.99999974E-6 : f32
    %add3A_71 = vector.broadcast %add3A_70 : f32 to vector<2000x1xf32>
    %add3A_72 = arith.addf %div3A_67, %add3A_71 : vector<2000x1xf32>
    %rsqrt3A = math.rsqrt %add3A_72 : vector<2000x1xf32>
    %mul3A_73 = vector.broadcast %rsqrt3A : vector<2000x1xf32> to vector<2000x64xf32>
    %mul3A_74 = arith.mulf %sub3A_69, %mul3A_73 : vector<2000x64xf32>
    %mul3A_75 = vector.broadcast %get3A_32 : vector<1x64xf32> to vector<2000x64xf32>
    %mul3A_76 = arith.mulf %mul3A_74, %mul3A_75 : vector<2000x64xf32>
    %add3A_77 = vector.broadcast %get3A_35 : vector<1x64xf32> to vector<2000x64xf32>
    %add3A_78 = arith.addf %mul3A_76, %add3A_77 : vector<2000x64xf32>
    %add3A_79 = arith.addf %get3A_1, %add3A_78 : vector<2000x64xf32>
    %get3A_80 = arith.constant 0 : index
    %get3A_81 = arith.constant 0 : index
    %get3A_82 = vector.load %arg13[%get3A_80, %get3A_81] : memref<64x64xf32, #tpu.memory_space<vmem>>, vector<64x64xf32>
    %dot_general3A_83 = arith.constant dense<0.000000e+00> : vector<2000x64xf32>
    %dot_general3A_84 = tpu.matmul %add3A_79, %get3A_82, %dot_general3A_83 {dimension_numbers = #tpu.dot_dimension_numbers<[1], [0], [0], [1], [0, 0, 1, 1], [], []>, transpose_lhs_hint = false} : vector<2000x64xf32>, vector<64x64xf32>, vector<2000x64xf32> -> vector<2000x64xf32>
    %get3A_85 = arith.constant 0 : index
    %get3A_86 = arith.constant 0 : index
    %get3A_87 = vector.load %arg14[%get3A_85, %get3A_86] : memref<1x64xf32, #tpu.memory_space<vmem>>, vector<1x64xf32>
    %add3A_88 = vector.broadcast %get3A_87 : vector<1x64xf32> to vector<2000x64xf32>
    %add3A_89 = arith.addf %dot_general3A_84, %add3A_88 : vector<2000x64xf32>
    %max3A_90 = arith.constant 0.000000e+00 : f32
    %max3A_91 = vector.broadcast %max3A_90 : f32 to vector<2000x64xf32>
    %max3A_92 = arith.maximumf %add3A_89, %max3A_91 : vector<2000x64xf32>
    %get3A_93 = arith.constant 0 : index
    %get3A_94 = arith.constant 0 : index
    %get3A_95 = vector.load %arg15[%get3A_93, %get3A_94] : memref<64x8xf32, #tpu.memory_space<vmem>>, vector<64x8xf32>
    %dot_general3A_96 = arith.constant dense<0.000000e+00> : vector<2000x8xf32>
    %dot_general3A_97 = tpu.matmul %max3A_92, %get3A_95, %dot_general3A_96 {dimension_numbers = #tpu.dot_dimension_numbers<[1], [0], [0], [1], [0, 0, 1, 1], [], []>, transpose_lhs_hint = false} : vector<2000x64xf32>, vector<64x8xf32>, vector<2000x8xf32> -> vector<2000x8xf32>
    %get3A_98 = arith.constant 0 : index
    %get3A_99 = arith.constant 0 : index
    %get3A_100 = vector.load %arg16[%get3A_98, %get3A_99] : memref<1x8xf32, #tpu.memory_space<vmem>>, vector<1x8xf32>
    %add3A_101 = vector.broadcast %get3A_100 : vector<1x8xf32> to vector<2000x8xf32>
    %add3A_102 = arith.addf %dot_general3A_97, %add3A_101 : vector<2000x8xf32>
    %get3A_103 = arith.constant 0 : index
    %get3A_104 = arith.constant 0 : index
    %get3A_105 = vector.load %arg19[%get3A_103, %get3A_104] : memref<2000x8xf32, #tpu.memory_space<vmem>>, vector<2000x8xf32>
    %get3A_106 = arith.constant 0 : index
    %get3A_107 = arith.constant 0 : index
    %get3A_108 = vector.load %arg20[%get3A_106, %get3A_107] : memref<2000x1xf32, #tpu.memory_space<vmem>>, vector<2000x1xf32>
    %eq3A = arith.constant 3.000000e+00 : f32
    %eq3A_109 = vector.broadcast %eq3A : f32 to vector<2000x1xf32>
    %eq3A_110 = arith.cmpf oeq, %get3A_108, %eq3A_109 : vector<2000x1xf32>
    %get3A_111 = arith.constant 0 : index
    %get3A_112 = arith.constant 0 : index
    %get3A_113 = vector.load %arg17[%get3A_111, %get3A_112] : memref<2000x8xf32, #tpu.memory_space<vmem>>, vector<2000x8xf32>
    %broadcast_in_dim3A_114 = vector.shape_cast %eq3A_110 : vector<2000x1xi1> to vector<2000x1xi1>
    %broadcast_in_dim3A_115 = vector.broadcast %broadcast_in_dim3A_114 : vector<2000x1xi1> to vector<2000x8xi1>
    %select_n3A = arith.select %broadcast_in_dim3A_115, %get3A_105, %get3A_113 : vector<2000x8xi1>, vector<2000x8xf32>
    %add3A_116 = arith.addf %add3A_102, %select_n3A : vector<2000x8xf32>
    %get3A_117 = arith.constant 0 : index
    %get3A_118 = arith.constant 0 : index
    %get3A_119 = vector.load %arg18[%get3A_117, %get3A_118] : memref<2000x8xf32, #tpu.memory_space<vmem>>, vector<2000x8xf32>
    %add3A_120 = arith.addf %add3A_116, %get3A_119 : vector<2000x8xf32>
    %get3A_121 = arith.constant 0 : index
    %get3A_122 = arith.constant 0 : index
    %get3A_123 = vector.load %arg20[%get3A_121, %get3A_122] : memref<2000x1xf32, #tpu.memory_space<vmem>>, vector<2000x1xf32>
    %eq3A_124 = arith.constant 0.000000e+00 : f32
    %eq3A_125 = vector.broadcast %eq3A_124 : f32 to vector<2000x1xf32>
    %eq3A_126 = arith.cmpf oeq, %get3A_123, %eq3A_125 : vector<2000x1xf32>
    %broadcast_in_dim3A_127 = vector.shape_cast %eq3A_126 : vector<2000x1xi1> to vector<2000x1xi1>
    %broadcast_in_dim3A_128 = vector.broadcast %broadcast_in_dim3A_127 : vector<2000x1xi1> to vector<2000x8xi1>
    %select_n3A_129 = arith.select %broadcast_in_dim3A_128, %add3A_120, %get3A_105 : vector<2000x8xi1>, vector<2000x8xf32>
    %swap3A = arith.constant 0 : index
    %swap3A_130 = arith.constant 0 : index
    %swap3A_131 = vector.load %arg21[%swap3A, %swap3A_130] : memref<2000x8xf32, #tpu.memory_space<vmem>>, vector<2000x8xf32>
    tpu.vector_store %arg21[%swap3A, %swap3A_130], %select_n3A_129 {strides = array<i32>} : memref<2000x8xf32, #tpu.memory_space<vmem>>, vector<2000x8xf32>,
    %sub3A_132 = arith.subf %add3A_120, %get3A_105 : vector<2000x8xf32>
    %jit3A = arith.constant 0.000000e+00 : f32
    %broadcast_in_dim3A_133 = vector.shape_cast %eq3A_126 : vector<2000x1xi1> to vector<2000x1xi1>
    %broadcast_in_dim3A_134 = vector.broadcast %broadcast_in_dim3A_133 : vector<2000x1xi1> to vector<2000x8xi1>
    %broadcast_in_dim3A_135 = vector.broadcast %jit3A : f32 to vector<2000x8xf32>
    %select_n3A_136 = arith.select %broadcast_in_dim3A_134, %sub3A_132, %broadcast_in_dim3A_135 : vector<2000x8xi1>, vector<2000x8xf32>
    %mul3A_137 = arith.mulf %select_n3A_136, %select_n3A_136 : vector<2000x8xf32>
    %reduce_sum3A_138 = vector.shape_cast %mul3A_137 : vector<2000x8xf32> to vector<1x2000x8xf32>
    %reduce_sum3A_139 = arith.constant dense<0.000000e+00> : vector<1xf32>
    %reduce_sum3A_140 = vector.multi_reduction <add>, %reduce_sum3A_138, %reduce_sum3A_139 [1, 2] : vector<1x2000x8xf32> to vector<1xf32>
    %reduce_sum3A_141 = vector.shape_cast %reduce_sum3A_140 : vector<1xf32> to vector<1x1x1xf32>
    %reduce_sum3A_142 = vector.extract %reduce_sum3A_141[0, 0, 0] : f32 from vector<1x1x1xf32>
    %jit3A_143 = arith.constant 1.000000e+00 : f32
    %jit3A_144 = arith.constant 0.000000e+00 : f32
    %broadcast_in_dim3A_145 = vector.broadcast %jit3A_143 : f32 to vector<2000x1xf32>
    %broadcast_in_dim3A_146 = vector.broadcast %jit3A_144 : f32 to vector<2000x1xf32>
    %select_n3A_147 = arith.select %eq3A_126, %broadcast_in_dim3A_145, %broadcast_in_dim3A_146 : vector<2000x1xi1>, vector<2000x1xf32>
    %reduce_sum3A_148 = vector.shape_cast %select_n3A_147 : vector<2000x1xf32> to vector<1x2000x1xf32>
    %reduce_sum3A_149 = arith.constant dense<0.000000e+00> : vector<1xf32>
    %reduce_sum3A_150 = vector.multi_reduction <add>, %reduce_sum3A_148, %reduce_sum3A_149 [1, 2] : vector<1x2000x1xf32> to vector<1xf32>
    %reduce_sum3A_151 = vector.shape_cast %reduce_sum3A_150 : vector<1xf32> to vector<1x1x1xf32>
    %reduce_sum3A_152 = vector.extract %reduce_sum3A_151[0, 0, 0] : f32 from vector<1x1x1xf32>
    %mul3A_153 = arith.constant 3.000000e+00 : f32
    %mul3A_154 = arith.mulf %mul3A_153, %reduce_sum3A_152 : f32
    %eq3A_155 = arith.constant 0 : i32
    %eq3A_156 = arith.cmpi eq, %arg0, %eq3A_155 : i32
    %convert_element_type3A = arith.extui %eq3A_156 : i1 to i32
    %cond3A = arith.constant 0 : i32
    %cond3A_157 = arith.cmpi ne, %convert_element_type3A, %cond3A : i32
    scf.if %cond3A_157 {
      %reshape3A = vector.broadcast %reduce_sum3A_142 : f32 to vector<1x1xf32>
      %swap3A_162 = arith.constant 0 : index
      %swap3A_163 = arith.constant 0 : index
      %swap3A_164 = vector.load %arg22[%swap3A_162, %swap3A_163] : memref<1x1xf32, #tpu.memory_space<vmem>>, vector<1x1xf32>
      tpu.vector_store %arg22[%swap3A_162, %swap3A_163], %reshape3A {strides = array<i32>} : memref<1x1xf32, #tpu.memory_space<vmem>>, vector<1x1xf32>,
      %reshape3A_165 = vector.broadcast %mul3A_154 : f32 to vector<1x1xf32>
      %swap3A_166 = arith.constant 0 : index
      %swap3A_167 = arith.constant 0 : index
      %swap3A_168 = vector.load %arg23[%swap3A_166, %swap3A_167] : memref<1x1xf32, #tpu.memory_space<vmem>>, vector<1x1xf32>
      tpu.vector_store %arg23[%swap3A_166, %swap3A_167], %reshape3A_165 {strides = array<i32>} : memref<1x1xf32, #tpu.memory_space<vmem>>, vector<1x1xf32>,
    } else {
    }
    %ne3A = arith.constant 0 : i32
    %ne3A_158 = arith.cmpi ne, %arg0, %ne3A : i32
    %convert_element_type3A_159 = arith.extui %ne3A_158 : i1 to i32
    %cond3A_160 = arith.constant 0 : i32
    %cond3A_161 = arith.cmpi ne, %convert_element_type3A_159, %cond3A_160 : i32
    scf.if %cond3A_161 {
      %get3A_162 = arith.constant 0 : index
      %get3A_163 = arith.constant 0 : index
      %get3A_164 = vector.load %arg22[%get3A_162, %get3A_163] : memref<1x1xf32, #tpu.memory_space<vmem>>, vector<1x1xf32>
      %reshape3A = vector.broadcast %reduce_sum3A_142 : f32 to vector<1x1xf32>
      %add3A_165 = arith.addf %get3A_164, %reshape3A : vector<1x1xf32>
      %swap3A_166 = arith.constant 0 : index
      %swap3A_167 = arith.constant 0 : index
      %swap3A_168 = vector.load %arg22[%swap3A_166, %swap3A_167] : memref<1x1xf32, #tpu.memory_space<vmem>>, vector<1x1xf32>
      tpu.vector_store %arg22[%swap3A_166, %swap3A_167], %add3A_165 {strides = array<i32>} : memref<1x1xf32, #tpu.memory_space<vmem>>, vector<1x1xf32>,
      %get3A_169 = arith.constant 0 : index
      %get3A_170 = arith.constant 0 : index
      %get3A_171 = vector.load %arg23[%get3A_169, %get3A_170] : memref<1x1xf32, #tpu.memory_space<vmem>>, vector<1x1xf32>
      %reshape3A_172 = vector.broadcast %mul3A_154 : f32 to vector<1x1xf32>
      %add3A_173 = arith.addf %get3A_171, %reshape3A_172 : vector<1x1xf32>
      %swap3A_174 = arith.constant 0 : index
      %swap3A_175 = arith.constant 0 : index
      %swap3A_176 = vector.load %arg23[%swap3A_174, %swap3A_175] : memref<1x1xf32, #tpu.memory_space<vmem>>, vector<1x1xf32>
      tpu.vector_store %arg23[%swap3A_174, %swap3A_175], %add3A_173 {strides = array<i32>} : memref<1x1xf32, #tpu.memory_space<vmem>>, vector<1x1xf32>,
    } else {
    }
    return
  }
  func.func @transform_0(%arg0: i32) -> (i32, i32) {
    %c0_i32 = arith.constant 0 : i32
    %c0_i32_0 = arith.constant 0 : i32
    return %arg0, %c0_i32 : i32, i32
  }
  func.func @transform_1(%arg0: i32) -> (i32, i32, i32) {
    %c0_i32 = arith.constant 0 : i32
    %c0_i32_0 = arith.constant 0 : i32
    %c0_i32_1 = arith.constant 0 : i32
    return %c0_i32, %arg0, %c0_i32_0 : i32, i32, i32
  }
  func.func @transform_2(%arg0: i32) -> (i32, i32) {
    %c0_i32 = arith.constant 0 : i32
    %c0_i32_0 = arith.constant 0 : i32
    return %arg0, %c0_i32 : i32, i32
  }
  func.func @transform_3(%arg0: i32) -> (i32, i32) {
    %c0_i32 = arith.constant 0 : i32
    %c0_i32_0 = arith.constant 0 : i32
    %c0_i32_1 = arith.constant 0 : i32
    return %c0_i32, %c0_i32_0 : i32, i32
  }
  func.func @transform_4(%arg0: i32) -> (i32, i32) {
    %c0_i32 = arith.constant 0 : i32
    %c0_i32_0 = arith.constant 0 : i32
    %c0_i32_1 = arith.constant 0 : i32
    return %c0_i32, %c0_i32_0 : i32, i32
  }
  func.func @transform_5(%arg0: i32) -> (i32, i32) {
    %c0_i32 = arith.constant 0 : i32
    %c0_i32_0 = arith.constant 0 : i32
    %c0_i32_1 = arith.constant 0 : i32
    return %c0_i32, %c0_i32_0 : i32, i32
  }
  func.func @transform_6(%arg0: i32) -> (i32, i32) {
    %c0_i32 = arith.constant 0 : i32
    %c0_i32_0 = arith.constant 0 : i32
    %c0_i32_1 = arith.constant 0 : i32
    return %c0_i32, %c0_i32_0 : i32, i32
  }
  func.func @transform_7(%arg0: i32) -> (i32, i32) {
    %c0_i32 = arith.constant 0 : i32
    %c0_i32_0 = arith.constant 0 : i32
    %c0_i32_1 = arith.constant 0 : i32
    return %c0_i32, %c0_i32_0 : i32, i32
  }
  func.func @transform_8(%arg0: i32) -> (i32, i32) {
    %c0_i32 = arith.constant 0 : i32
    %c0_i32_0 = arith.constant 0 : i32
    %c0_i32_1 = arith.constant 0 : i32
    return %c0_i32, %c0_i32_0 : i32, i32
  }
  func.func @transform_9(%arg0: i32) -> (i32, i32) {
    %c0_i32 = arith.constant 0 : i32
    %c0_i32_0 = arith.constant 0 : i32
    %c0_i32_1 = arith.constant 0 : i32
    return %c0_i32, %c0_i32_0 : i32, i32
  }
  func.func @transform_10(%arg0: i32) -> (i32, i32) {
    %c0_i32 = arith.constant 0 : i32
    %c0_i32_0 = arith.constant 0 : i32
    %c0_i32_1 = arith.constant 0 : i32
    return %c0_i32, %c0_i32_0 : i32, i32
  }
  func.func @transform_11(%arg0: i32) -> (i32, i32) {
    %c0_i32 = arith.constant 0 : i32
    %c0_i32_0 = arith.constant 0 : i32
    %c0_i32_1 = arith.constant 0 : i32
    return %c0_i32, %c0_i32_0 : i32, i32
  }
  func.func @transform_12(%arg0: i32) -> (i32, i32) {
    %c0_i32 = arith.constant 0 : i32
    %c0_i32_0 = arith.constant 0 : i32
    %c0_i32_1 = arith.constant 0 : i32
    return %c0_i32, %c0_i32_0 : i32, i32
  }
  func.func @transform_13(%arg0: i32) -> (i32, i32) {
    %c0_i32 = arith.constant 0 : i32
    %c0_i32_0 = arith.constant 0 : i32
    %c0_i32_1 = arith.constant 0 : i32
    return %c0_i32, %c0_i32_0 : i32, i32
  }
  func.func @transform_14(%arg0: i32) -> (i32, i32) {
    %c0_i32 = arith.constant 0 : i32
    %c0_i32_0 = arith.constant 0 : i32
    %c0_i32_1 = arith.constant 0 : i32
    return %c0_i32, %c0_i32_0 : i32, i32
  }
  func.func @transform_15(%arg0: i32) -> (i32, i32) {
    %c0_i32 = arith.constant 0 : i32
    %c0_i32_0 = arith.constant 0 : i32
    %c0_i32_1 = arith.constant 0 : i32
    return %c0_i32, %c0_i32_0 : i32, i32
  }
  func.func @transform_16(%arg0: i32) -> (i32, i32) {
    %c0_i32 = arith.constant 0 : i32
    %c0_i32_0 = arith.constant 0 : i32
    return %arg0, %c0_i32 : i32, i32
  }
  func.func @transform_17(%arg0: i32) -> (i32, i32) {
    %c0_i32 = arith.constant 0 : i32
    %c0_i32_0 = arith.constant 0 : i32
    return %arg0, %c0_i32 : i32, i32
  }
  func.func @transform_18(%arg0: i32) -> (i32, i32) {
    %c0_i32 = arith.constant 0 : i32
    %c0_i32_0 = arith.constant 0 : i32
    return %arg0, %c0_i32 : i32, i32
  }
  func.func @transform_19(%arg0: i32) -> (i32, i32) {
    %c0_i32 = arith.constant 0 : i32
    %c0_i32_0 = arith.constant 0 : i32
    return %arg0, %c0_i32 : i32, i32
  }
  func.func @transform_20(%arg0: i32) -> (i32, i32) {
    %c0_i32 = arith.constant 0 : i32
    %c0_i32_0 = arith.constant 0 : i32
    return %arg0, %c0_i32 : i32, i32
  }
  func.func @transform_21(%arg0: i32) -> (i32, i32) {
    %c0_i32 = arith.constant 0 : i32
    %c0_i32_0 = arith.constant 0 : i32
    %c0_i32_1 = arith.constant 0 : i32
    return %c0_i32, %c0_i32_0 : i32, i32
  }
  func.func @transform_22(%arg0: i32) -> (i32, i32) {
    %c0_i32 = arith.constant 0 : i32
    %c0_i32_0 = arith.constant 0 : i32
    %c0_i32_1 = arith.constant 0 : i32
    return %c0_i32, %c0_i32_0 : i32, i32
  }
}

</mosaic_0001>

<sc_bundles>
// kernel: kernel.10.cloned.1.call-start
scs
__scs_entry_jumppad:
0x0: {  	(pc) =	sbr.rel $0x88, $3  }
0x1: {  	(tag) =	ssettag $0x0;
	lr =	simm.s32 $0x1  }
0x2: {  	[smem:$0x3F8A] =	sst lr;
	_ =	strace $0xD0000000  }
0x3: {  	_ = 	snop  }
0x4: {  	_ = 	snop  }
0x5: {  	_ = 	snop  }
0x6: {  	_ = 	snop  }
0x7: {  	_ = 	snop  }
__scs_overlays_trampoline_lowered:
0x8: {  	[smem:$0x3F99] =	sst s0  }
0x9: {  	[smem:$0x3F9A] =	sst s1  }
0xa: {  	[smem:$0x3F9B] =	sst s2  }
0xb: {  	[smem:$0x3F9C] =	sst s3  }
0xc: {  	[smem:$0x3F9D] =	sst s4  }
0xd: {  	[smem:$0x3F9E] =	sst s5  }
0xe: {  	[smem:$0x3F9F] =	sst s6  }
0xf: {  	[smem:$0x3FA0] =	sst s7  }
0x10: {  	[smem:$0x3FA1] =	sst s8  }
0x11: {  	[smem:$0x3FA2] =	sst s9;
	s0 =	simm.s32 @!p0 $0x0  }
0x12: {  	s1 =	sld [smem:$0x3F88];
	s0 =	simm.s32 @p0 $0x1  }
0x13: {  	[smem:$0x3FA3] =	sst s0;
	s0 =	simm.s32 @!p1 $0x0  }
0x14: {  	s2 =	sld [smem:$0x3F87];
	s0 =	simm.s32 @p1 $0x1  }
0x15: {  	[smem:$0x3FA4] =	sst s0;
	s0 =	simm.s32 @!p2 $0x0  }
0x16: {  	s3 =	sld [smem:$0x3FDB];
	s0 =	simm.s32 @p2 $0x1  }
0x17: {  	s4 =	simm.s32 $0x1BF5;
	[smem:$0x3FA6] =	sst s0  }
0x18: {  	s0 =	sld [smem:$0x3F89];
	_ =	swait.ge [sflag:s4], $0x0  }
0x19: {  	s7 =	sld [smem:$0x3F8A]  }
0x1a: {  	s8 =	sadd.s32 $0xFFFFE003, lr  }
0x1b: {  	s9 =	sadd.s32 $0xFFFFFEF7, lr;
	s5 =	simm.s32 $0xFFFFFFFF;
	p2 =	slt.u32 s8, $0xFFFFF086  }
0x1c: {  	p1 =	slt.u32 s9, $0xF7A;
	s5 =	simm.s32 @!p2 $0x0  }
0x1d: {  	s5 =	simm.s32 @p1 $0x1;
	p0 =	seq.s32 s7, s2  }
0x1e: {  	s7 =	smul.u32 @!p0 $0xF7A, s2;
	p2 =	seq.s32 @!p0 s5, $0x0  }
0x1f: {  	s9 =	smul.u32 $0xF7A, s1;
	s8 =	simm.s32 @!p0 $0x1BF5;
	p2 =	por !p2, p0  }
0x20: {  	[sflag:s8] =	ssyncset.s32 @!p0 $0xFFFFF086;
	s6 =	sadd.s32 @!p0 s3, s7;
	s7 =	simm.s32 @!p0 $0x108  }
0x21: {  	s3 =	sadd.s32 s3, s9;
	s6 =	sadd.s32 @!p0 $0x88, s6;
	s7 =	simm.s32 @p2 $0x1082  }
0x22: {  	[simem:s7], [sflag:s8] =	dma.local @!p0 [hbm:s6], $0xF7A  }
0x23: {  	s9 =	sor.u32 $0xD0000000, s2;
	s6 =	simm.s32 $0x108;
	_ =	swait.ge @!p0 [sflag:s8], $0x0  }
0x24: {  	s3 =	sadd.s32 $0x88, s3;
	s6 =	simm.s32 @!p1 $0x1082;
	[sflag:s4] =	ssyncset.s32 $0xFFFFF086  }
0x25: {  	[simem:s6], [sflag:s4] =	dma.local [hbm:s3], $0xF7A  }
0x26: {  	[smem:$0x3F8A] =	sst s1;
	(tag) =	ssettag s2;
	_ =	strace s9  }
0x27: {  	s1 =	sld [smem:$0x3F9A]  }
0x28: {  	s2 =	sld [smem:$0x3F9B]  }
0x29: {  	s4 =	sld [smem:$0x3F9D]  }
0x2a: {  	p0 =	seq.s32 s5, $0x0;
	s5 =	sld [smem:$0x3F9E]  }
0x2b: {  	s6 =	sld [smem:$0x3F9F]  }
0x2c: {  	s7 =	sld [smem:$0x3FA0]  }
0x2d: {  	s3 =	simm.s32 $0x108;
	s8 =	sld [smem:$0x3FA1]  }
0x2e: {  	s3 =	simm.s32 @!p0 $0x1082;
	s9 =	sld [smem:$0x3FA2]  }
0x2f: {  	lr =	sadd.s32 s0, s3;
	s0 =	sld [smem:$0x3F99]  }
0x30: {  	s3 =	sld [smem:$0x3F9C]  }
0x31: {  	[smem:$0x3FA5] =	sst s10  }
0x32: {  	s10 =	sld [smem:$0x3FA3];
	_ =	sdelay $0x3  }
0x33: {  	p0 =	seq.s32 s10, $0x1;
	s10 =	sld [smem:$0x3FA5];
	_ =	sdelay $0x3  }
0x34: {  	[smem:$0x3FA5] =	sst s10  }
0x35: {  	s10 =	sld [smem:$0x3FA4];
	_ =	sdelay $0x3  }
0x36: {  	p1 =	seq.s32 s10, $0x1;
	s10 =	sld [smem:$0x3FA5];
	_ =	sdelay $0x3  }
0x37: {  	[smem:$0x3FA5] =	sst s10  }
0x38: {  	s10 =	sld [smem:$0x3FA6]  }
0x39: {  	_ = 	snop;
	(pc) =	sbr.ind lr, $3  }
0x3a: {  	_ = 	snop  }
0x3b: {  	_ = 	snop  }
0x3c: {  	p2 =	seq.s32 s10, $0x1;
	s10 =	sld [smem:$0x3FA5]  }
0x3d: {  	_ =	shalt  }
0x3e: {  	_ =	shalt  }
0x3f: {  	_ =	shalt  }
0x40: {  	_ =	shalt  }
0x41: {  	_ =	shalt  }
0x42: {  	_ =	shalt  }
0x43: {  	_ =	shalt  }
0x44: {  	_ =	shalt  }
0x45: {  	_ =	shalt  }
0x46: {  	_ =	shalt  }
0x47: {  	_ =	shalt  }
0x48: {  	_ =	shalt  }
0x49: {  	_ =	shalt  }
0x4a: {  	_ =	shalt  }
0x4b: {  	_ =	shalt  }
0x4c: {  	_ =	shalt  }
0x4d: {  	_ =	shalt  }
0x4e: {  	_ =	shalt  }
0x4f: {  	_ =	shalt  }
0x50: {  	_ =	shalt  }
0x51: {  	_ =	shalt  }
0x52: {  	_ =	shalt  }
0x53: {  	_ =	shalt  }
0x54: {  	_ =	shalt  }
0x55: {  	_ =	shalt  }
0x56: {  	_ =	shalt  }
0x57: {  	_ =	shalt  }
0x58: {  	_ =	shalt  }
0x59: {  	_ =	shalt  }
0x5a: {  	_ =	shalt  }
0x5b: {  	_ =	shalt  }
0x5c: {  	_ =	shalt  }
0x5d: {  	_ =	shalt  }
0x5e: {  	_ =	shalt  }
0x5f: {  	_ =	shalt  }
0x60: {  	_ =	shalt  }
0x61: {  	_ =	shalt  }
0x62: {  	_ =	shalt  }
0x63: {  	_ =	shalt  }
0x64: {  	_ =	shalt  }
0x65: {  	_ =	shalt  }
0x66: {  	_ =	shalt  }
0x67: {  	_ =	shalt  }
0x68: {  	_ =	shalt  }
0x69: {  	_ =	shalt  }
0x6a: {  	_ =	shalt  }
0x6b: {  	_ =	shalt  }
0x6c: {  	_ =	shalt  }
0x6d: {  	_ =	shalt  }
0x6e: {  	_ =	shalt  }
0x6f: {  	_ =	shalt  }
0x70: {  	_ =	shalt  }
0x71: {  	_ =	shalt  }
0x72: {  	_ =	shalt  }
0x73: {  	_ =	shalt  }
0x74: {  	_ =	shalt  }
0x75: {  	_ =	shalt  }
0x76: {  	_ =	shalt  }
0x77: {  	_ =	shalt  }
0x78: {  	_ =	shalt  }
0x79: {  	_ =	shalt  }
0x7a: {  	_ =	shalt  }
0x7b: {  	_ =	shalt  }
0x7c: {  	_ =	shalt  }
0x7d: {  	_ =	shalt  }
0x7e: {  	_ =	shalt  }
0x7f: {  	_ =	shalt  }
0x80: {  	_ =	shalt  }
0x81: {  	_ =	shalt  }
0x82: {  	_ =	shalt  }
0x83: {  	_ =	shalt  }
0x84: {  	_ =	shalt  }
0x85: {  	_ =	shalt  }
0x86: {  	_ =	shalt  }
0x87: {  	_ =	shalt  }
.Lfunc_end0:
.L_simem_size_0:
called_computation.1_lowered:
.L_overlay_start_0:
0x88: {  	s2 =	sld [smem:$0x3FD9]  }
0x89: {  	s3 =	sld [smem:$0x3FFE];
	_ =	sdelay $0x1  }
0x8a: {  	s1 =	srdreg.scid  }
0x8b: {  	s0 =	sand.u32 $0x1, s1  }
0x8c: {  	s14 =	sshll.u32 s0, $0xA;
	s2 =	sadd.s32 s3, s2  }
0x8d: {  	s2 =	sadd.s32 s2, s14  }
0x8e: {  	[smem:$0x3FB1] =	sst s2  }
0x8f: {  	_ = 	snop  }
0x90: {  	s2 =	sld [smem:$0x3FD0];
	_ =	sdelay $0x2  }
0x91: {  	s15 =	simm.s32 $0xA;
	s4 =	simm.s32 $0x10  }
0x92: {  	[smem:s4], [sflag:s15] =	dma.local [hbm:s2], $0x1  }
0x93: {  	_ =	swait.eq [sflag:s15], $0x1  }
0x94: {  	[sflag:s15] =	ssyncset.done $0x0  }
0x95: {  	[sflag:s15] =	ssyncadd.s32 $0xFFFFFFFF  }
0x96: {  	s16 =	sld [smem:$0x11];
	(tm) =	ssettm $0x1  }
0x97: {  	s17 =	sld [smem:$0x3FFB];
	_ =	sdelay $0x3  }
0x98: {  	_ =	strace s17  }
0x99: {  	s3 =	sld [smem:$0x3FFC];
	_ =	sdelay $0x3  }
0x9a: {  	_ =	strace s3  }
0x9b: {  	s3 =	sld [smem:$0x3FFD];
	_ =	sdelay $0x3  }
0x9c: {  	_ =	strace s3  }
0x9d: {  	_ =	strace $0x8FFFFFFF  }
0x9e: {  	s18 =	sld [smem:$0x3FDB];
	_ =	sdelay $0x1  }
0x9f: {  	s19 =	simm.s32 $_scs_section_size  }
0xa0: {  	s5 =	simm.s32 $_size__tile_overlayer_lowered;
	s6 =	simm.s32 $_tile_overlayer_lowered  }
0xa1: {  	s22 =	simm.s32 $0x1BFF;
	s21 =	sshll.u32 s6, $0x1;
	s3 =	sadd.s32 s19, s18  }
0xa2: {  	s7 =	simm.s32 $0x0;
	s20 =	sshll.u32 s5, $0x1;
	s5 =	sadd.s32 s21, s3  }
0xa3: {  	[timem:s7], [sflag:s22] =	dma.local [hbm:s5], s20  }
0xa4: {  	_ =	swait.ge [sflag:s22], s20  }
0xa5: {  	s4 =	ssub.s32 $0x0, s20;
	[sflag:s22] =	ssyncset.done $0x0  }
0xa6: {  	[sflag:s22] =	ssyncadd.s32 s4;
	_ =	sdelay $0x1  }
0xa7: {  	s23 =	simm.s32 $0x1B8B  }
0xa8: {  	_ =	swait.ge [sflag:s23], $0x1  }
0xa9: {  	[sflag:s23] =	ssyncset.done $0x0  }
0xaa: {  	s25 =	simm.s32 $0x1B8E;
	s24 =	sld [smem:$0x3FFE];
	[sflag:s23] =	ssyncadd.s32 $0xFFFFFFFF  }
0xab: {  	s26 =	simm.s32 $execute0_lowered;
	[smem:$0x3FD2] =	sst s25  }
0xac: {  	s5 =	sshll.u32 s26, $0x1;
	_ =	strace $0x80000049;
	[dreg:$0x1] =	wrdreg $0xFFFFFFFF  }
0xad: {  	s28 =	simm.s32 $_size_execute0_lowered;
	s3 =	sadd.s32 s3, s5;
	[dreg:$0x0] =	wrdreg $0x0  }
0xae: {  	s5 =	sshll.u32 s28, $0x1;
	[dreg:$0x2] =	wrdreg s3  }
0xaf: {  	[dreg:$0x3] =	wrdreg s5  }
0xb0: {  	[dreg:$0x4] =	wrdreg $0xC0  }
0xb1: {  	_ =	task [dreg:s7], $0x5FFFF  }
0xb2: {  	[dreg:$0x1] =	wrdreg $0xFFFFFFFF  }
0xb3: {  	[dreg:$0x0] =	wrdreg $0x60  }
0xb4: {  	[dreg:$0x2] =	wrdreg s24  }
0xb5: {  	[dreg:$0x3] =	wrdreg s16  }
0xb6: {  	[dreg:$0x4] =	wrdreg $0x86000  }
0xb7: {  	[dreg:$0x5] =	wrdreg $0x126000  }
0xb8: {  	[dreg:$0x6] =	wrdreg $0x9  }
0xb9: {  	_ =	task.clear_ibuf [dreg:s7], $0x7FFFF;
	_ =	strace $0x90000049  }
0xba: {  	s29 =	simm.s32 $0x9;
	_ =	strace $0x8000004B  }
0xbb: {  	_ =	swait.ge [sflag:s29], $0x1  }
0xbc: {  	[sflag:s29] =	ssyncadd.s32 $0xFFFFFFFF  }
0xbd: {  	_ =	strace $0x9000004B  }
0xbe: {  	_ =	sfence  }
0xbf: {  	s30 =	sld [smem:$0x0];
	_ =	sdelay $0x2  }
0xc0: {  	s31 =	sshll.u32 s1, $0xD;
	s1 =	sshrl.u32 s1, $0x2  }
0xc1: {  	s3 =	sand.u32 $0x4000, s31;
	s1 =	sadd.s32 s1, s30  }
0xc2: {  	s0 =	sor.u32 s3, s0;
	s1 =	sshll.u32 s1, $0x11  }
0xc3: {  	s0 =	sor.u32 s1, s0  }
0xc4: {  	s0 =	sadd.s32 $0x8F2B, s0  }
0xc5: {  	[sflag:s0] =	ssyncadd.remote.s32 $0x1  }
0xc6: {  	_ =	sfence.sel $0xFFFF  }
0xc7: {  	[dreg:$0x0] =	wrdreg $0xFFFFFFFF;
	(pc) =	sbr.abs _section_cstart, $3  }
0xc8: {  	[dreg:$0x1] =	wrdreg $0xFFFFFFFF  }
0xc9: {  	_ =	task.clear_ibuf [dreg:s7], $0x2FFFF;
	_ =	strace $0x9FFFFFFF  }
0xca: {  	(tm) =	ssettm $0x7FFFFFFF  }
0xcb: {  	_ =	shalt  }
tec
execute0_lowered:
.L_overlay_start_1:
0x0: {  	(tag) =	ssettag $0x1  }
0x1: {  	s0 =	rddreg [dreg:$0x0]  }
0x2: {  	s4 =	rddreg [dreg:$0x1]  }
0x3: {  	s1 =	rddreg [dreg:$0x2]  }
0x4: {  	s8 =	rddreg [dreg:$0x3]  }
0x5: {  	s2 =	simm.s32 $0x0;
	s7 =	srdreg.scid;
	s12 =	stileid.u32  }
0x6: {  	s30 =	simm.s32 $0x2180;
	s31 =	simm.s32 $0x7;
	[smem:$0x7FF] =	sst s2  }
0x7: {  	s3 =	sadd.s32 $0xF600, s0;
	s5 =	sadd.s32 $0x5800, s0;
	s13 =	smul.u32 $0xA000, s12  }
0x8: {  	s6 =	sadd.s32 $0x23400, s0;
	s9 =	sand.u32 $0x1, s7;
	s14 =	smul.u32 $0x280, s12  }
0x9: {  	s7 =	sadd.s32 $0x19400, s0;
	s0 =	sadd.s32 $0x7D400, s0;
	s21 =	smul.u32 $0x33000, s9  }
0xa: {  	_ =	strace $0x8000004A;
	s10 =	ssub.s32 $0x2, s9;
	s19 =	smul.u32 $0xA0000, s9  }
0xb: {  	p0 =	seq.s32 s9, $0x0;
	s9 =	smul.u32 $0x2800, s9;
	s11 =	sshrl.u32 s10, $0x1  }
0xc: {  	s22 =	sadd.s32 s13, s1;
	s15 =	sadd.s32 $0x2000, s13;
	s16 =	sadd.s32 $0x4000, s13  }
0xd: {  	s18 =	sadd.s32 $0x6000, s13;
	s23 =	sadd.s32 $0x8000, s13;
	s8 =	sadd.s32 s14, s8  }
0xe: {  	s10 =	ssub.s32 s10, s11;
	s11 =	simm.s32 $0x66;
	s29 =	sadd.s32 s15, s1  }
0xf: {  	s17 =	sadd.s32 s16, s1;
	s20 =	sadd.s32 s18, s1;
	s13 =	sadd.s32 s13, s19  }
0x10: {  	s15 =	sadd.s32 s19, s15;
	s16 =	sadd.s32 s19, s16;
	[dreg:$0xa] =	wrdreg s8  }
0x11: {  	s18 =	sadd.s32 s19, s18;
	s19 =	sadd.s32 s19, s23;
	[dreg:$0x5] =	wrdreg s22  }
0x12: {  	s24 =	sadd.s32 s14, s9;
	s8 =	simm.s32 $0x6;
	[dreg:$0x7] =	wrdreg s17  }
0x13: {  	s11 =	simm.s32 @!p0 $0x3A;
	[dreg:$0x8] =	wrdreg s20;
	s17 =	sadd.s32 s23, s1  }
0x14: {  	s13 =	sshrl.u32 s13, $0x3;
	s26 =	sshrl.u32 s15, $0x3;
	s15 =	sshrl.u32 s16, $0x3  }
0x15: {  	s16 =	sshrl.u32 s18, $0x3;
	s18 =	sshrl.u32 s24, $0x3;
	s24 =	smax.u32 s10, $0x1  }
0x16: {  	s10 =	simm.s32 $0x0;
	[dreg:$0x6] =	wrdreg s29;
	s12 =	smul.u32 s11, s12  }
0x17: {  	[dreg:$0x9] =	wrdreg s17;
	s13 =	sadd.s32 s0, s13;
	s14 =	sadd.s32 s0, s26  }
0x18: {  	s17 =	sshrl.u32 s19, $0x3;
	s26 =	sadd.s32 $0xFFFFFFFE, s11;
	[dreg:$0x15] =	wrdreg s24  }
0x19: {  	s28 =	sadd.s32 $0xFFFFFFFF, s11;
	s24 =	simm.s32 $0x2;
	[dreg:$0xb] =	wrdreg s13  }
0x1a: {  	[dreg:$0xc] =	wrdreg s14;
	s13 =	sadd.s32 s0, s15;
	s15 =	simm.s32 $0x180  }
0x1b: {  	s12 =	sshll.u32 s12, $0x7;
	[dreg:$0xd] =	wrdreg s13;
	s13 =	sadd.s32 s0, s16  }
0x1c: {  	s0 =	sadd.s32 s0, s17;
	s16 =	simm.s32 $0x1180;
	[dreg:$0xe] =	wrdreg s13  }
0x1d: {  	s17 =	simm.s32 $0x4180;
	s12 =	sadd.s32 s21, s12;
	[dreg:$0xf] =	wrdreg s0  }
0x1e: {  	s0 =	sadd.s32 s4, s18;
	s13 =	simm.s32 $0x8380;
	s25 =	sshrl.u32 s12, $0x3  }
0x1f: {  	s4 =	simm.s32 $0x80;
	[dreg:$0x11] =	wrdreg s0;
	s19 =	sadd.s32 s6, s25  }
0x20: {  	s18 =	simm.s32 $0x4200;
	s21 =	sadd.s32 s7, s25;
	[dreg:$0x10] =	wrdreg s19  }
0x21: {  	s20 =	sor.u32 $0x10, s25;
	s25 =	sshrl.u32 s11, $0x1;
	[dreg:$0x12] =	wrdreg s21  }
0x22: {  	s23 =	sadd.s32 s6, s20;
	s0 =	sadd.s32 s7, s20;
	s19 =	simm.s32 $0x4300  }
0x23: {  	s20 =	simm.s32 $0x5300;
	s21 =	simm.s32 $0x1;
	[dreg:$0x13] =	wrdreg s23  }
0x24: {  	v0 =	vimm.f32 $0.0e+00;
	v1 =	vimm.f32 $1.000000000e+00;
	v2 =	vimm.bf16 $0.0e+00;
	[dreg:$0x14] =	wrdreg s0;
	s23 =	simm.s32 $0x5;
	s0 =	simm.s32 $0x6300  }
.LBB2_1:
0x25: {  	[dreg:$0x16] =	wrdreg s10;
	s10 =	simm.s32 $0x100;
	s9 =	simm.s32 $0x0  }
.LBB2_2:
0x26: {  	p0 =	sne.s32 s10, $0x7F00;
	[tilespmem:s9+$0x21B0] =	vst v0;
	s11 =	smov.u32 s10;
	s10 =	sadd.s32 $0x100, s10  }
.Ltmp0:
0x27: {  	[tilespmem:s9+$0x21A0] =	vst v0;
	(pc) =	sbr.rel @p0 .LBB2_2-.Ltmp0, $3  }
0x28: {  	[tilespmem:s9+$0x2180] =	vst v0  }
0x29: {  	[tilespmem:s9+$0x2190] =	vst v0;
	_ =	sdelay $0x1  }
0x2a: {  	s9 =	sshra.s32 s11, $0x2  }
0x2b: {  	[tilespmem:s9+$0x21B0] =	vst v0  }
0x2c: {  	[tilespmem:s9+$0x21A0] =	vst v0  }
0x2d: {  	[tilespmem:s9+$0x2180] =	vst v0  }
0x2e: {  	[tilespmem:s9+$0x2190] =	vst v0  }
0x2f: {  	[tilespmem:$0x8380] =	vst v0  }
0x30: {  	[tilespmem:$0x8390] =	vst v0  }
0x31: {  	[tilespmem:$0x83A0] =	vst v0  }
0x32: {  	[tilespmem:$0x83B0] =	vst v0  }
0x33: {  	[tilespmem:$0x83C0] =	vst v0  }
0x34: {  	[tilespmem:$0x83D0] =	vst v0  }
0x35: {  	[tilespmem:$0x83E0] =	vst v0  }
0x36: {  	[tilespmem:$0x83F0] =	vst v0  }
0x37: {  	[tilespmem:$0x8400] =	vst v0  }
0x38: {  	[tilespmem:$0x8410] =	vst v0  }
0x39: {  	[tilespmem:$0x8420] =	vst v0  }
0x3a: {  	[tilespmem:$0x8430] =	vst v0  }
0x3b: {  	[tilespmem:$0x8440] =	vst v0  }
0x3c: {  	[tilespmem:$0x8450] =	vst v0  }
0x3d: {  	[tilespmem:$0x8460] =	vst v0  }
0x3e: {  	[tilespmem:$0x8470] =	vst v0  }
0x3f: {  	[tilespmem:$0x8480] =	vst v0  }
0x40: {  	[tilespmem:$0x8490] =	vst v0  }
0x41: {  	[tilespmem:$0x84A0] =	vst v0  }
0x42: {  	[tilespmem:$0x84B0] =	vst v0  }
0x43: {  	[tilespmem:$0x84C0] =	vst v0  }
0x44: {  	[tilespmem:$0x84D0] =	vst v0  }
0x45: {  	[tilespmem:$0x84E0] =	vst v0  }
0x46: {  	[tilespmem:$0x84F0] =	vst v0  }
0x47: {  	[tilespmem:$0x8500] =	vst v0  }
0x48: {  	[tilespmem:$0x8510] =	vst v0  }
0x49: {  	[tilespmem:$0x8520] =	vst v0  }
0x4a: {  	[tilespmem:$0x8530] =	vst v0  }
0x4b: {  	[tilespmem:$0x8540] =	vst v0  }
0x4c: {  	[tilespmem:$0x8550] =	vst v0  }
0x4d: {  	[tilespmem:$0x8560] =	vst v0  }
0x4e: {  	[tilespmem:$0x8570] =	vst v0  }
0x4f: {  	[tilespmem:$0x8580] =	vst v0  }
0x50: {  	[tilespmem:$0x8590] =	vst v0  }
0x51: {  	[tilespmem:$0x85A0] =	vst v0  }
0x52: {  	[tilespmem:$0x85B0] =	vst v0  }
0x53: {  	[tilespmem:$0x85C0] =	vst v0  }
0x54: {  	[tilespmem:$0x85D0] =	vst v0  }
0x55: {  	[tilespmem:$0x85E0] =	vst v0  }
0x56: {  	[tilespmem:$0x85F0] =	vst v0  }
0x57: {  	[tilespmem:$0x8300] =	vst v1  }
0x58: {  	[tilespmem:$0x8310] =	vst v1  }
0x59: {  	[tilespmem:$0x8320] =	vst v1  }
0x5a: {  	[tilespmem:$0x8330] =	vst v1  }
0x5b: {  	[tilespmem:$0x8340] =	vst v1  }
0x5c: {  	[tilespmem:$0x8350] =	vst v1  }
0x5d: {  	[tilespmem:$0x8360] =	vst v1  }
0x5e: {  	[tilespmem:$0x8370] =	vst v1  }
0x5f: {  	[spmem:s22] =	stream.linear.scatter [tilespmem:s30], [sflag:$0x7], $0x2000, $0x38;
	[tilespmem:$0x12880] =	vst v63  }
0x60: {  	_ =	swait.ge [sflag:s31], $0x2000  }
0x61: {  	[sflag:s31] =	ssyncset.done $0x0  }
0x62: {  	[sflag:s31] =	ssyncadd.s32 $0xFFFFE000  }
0x63: {  	[spmem:s29] =	stream.linear.scatter [tilespmem:s30], [sflag:$0x7], $0x2000, $0x38;
	[tilespmem:$0x12880] =	vst v63  }
0x64: {  	_ =	swait.ge [sflag:s31], $0x2000  }
0x65: {  	[sflag:s31] =	ssyncset.done $0x0  }
0x66: {  	s22 =	rddreg [dreg:$0x7];
	[sflag:s31] =	ssyncadd.s32 $0xFFFFE000  }
0x67: {  	[spmem:s22] =	stream.linear.scatter [tilespmem:s30], [sflag:$0x7], $0x2000, $0x38;
	[tilespmem:$0x12880] =	vst v63  }
0x68: {  	_ =	swait.ge [sflag:s31], $0x2000  }
0x69: {  	[sflag:s31] =	ssyncset.done $0x0  }
0x6a: {  	s29 =	rddreg [dreg:$0x8];
	[sflag:s31] =	ssyncadd.s32 $0xFFFFE000  }
0x6b: {  	[spmem:s29] =	stream.linear.scatter [tilespmem:s30], [sflag:$0x7], $0x2000, $0x38;
	[tilespmem:$0x12880] =	vst v63  }
0x6c: {  	_ =	swait.ge [sflag:s31], $0x2000  }
0x6d: {  	[sflag:s31] =	ssyncset.done $0x0  }
0x6e: {  	s10 =	rddreg [dreg:$0x9];
	[sflag:s31] =	ssyncadd.s32 $0xFFFFE000  }
0x6f: {  	[spmem:s10] =	stream.linear.scatter [tilespmem:s30], [sflag:$0x7], $0x2000, $0x38;
	[tilespmem:$0x12880] =	vst v63  }
0x70: {  	_ =	swait.ge [sflag:s31], $0x2000  }
0x71: {  	[sflag:s31] =	ssyncset.done $0x0  }
0x72: {  	s11 =	rddreg [dreg:$0xa];
	[sflag:s31] =	ssyncadd.s32 $0xFFFFE000  }
0x73: {  	[spmem:s11] =	stream.linear.scatter [tilespmem:s13], [sflag:$0x7], $0x280, $0x38;
	[tilespmem:$0x12880] =	vst v63  }
0x74: {  	_ =	swait.ge [sflag:s31], $0x280  }
0x75: {  	[sflag:s31] =	ssyncset.done $0x0  }
0x76: {  	[sflag:s31] =	ssyncadd.s32 $0xFFFFFD80  }
0x77: {  	[bflag:$0x0] =	sbarrier.arrive $0xFFFF  }
0x78: {  	s10 =	simm.s32 $0x0;
	s13 =	rddreg [dreg:$0x10]  }
0x79: {  	[tilespmem:s10], [sflag:$0x7] =	stream.linear.gather [hbm4b:s13+s10], $0x80, $0x38;
	[tilespmem:$0x12880] =	vst v63  }
0x7a: {  	_ =	swait.ge [sflag:s31], $0x80  }
0x7b: {  	[sflag:s31] =	ssyncset.done $0x0  }
0x7c: {  	s14 =	rddreg [dreg:$0x12];
	[sflag:s31] =	ssyncadd.s32 $0xFFFFFF80  }
0x7d: {  	[tilespmem:s4], [sflag:$0x7] =	stream.linear.gather [hbm4b:s14+s10], $0x80, $0x38;
	[tilespmem:$0x12880] =	vst v63  }
0x7e: {  	_ =	swait.ge [sflag:s31], $0x80  }
0x7f: {  	[sflag:s31] =	ssyncset.done $0x0  }
0x80: {  	[sflag:s31] =	ssyncadd.s32 $0xFFFFFF80  }
0x81: {  	[tilespmem:s15], [sflag:$0x1] =	stream.indirect.gather [hbm4b:s3+s4], $0x20, s10, s4, $0xb8;
	[tilespmem:$0x12880] =	vst v63  }
0x82: {  	_ = 	snop  }
0x83: {  	[tilespmem:s16], [sflag:$0x1] =	stream.indirect.gather [hbm4b:s5+s4], $0x20, s4, s4, $0xb8;
	[tilespmem:$0x12880] =	vst v63  }
0x84: {  	s22 =	rddreg [dreg:$0x13]  }
0x85: {  	[tilespmem:s17], [sflag:$0x7] =	stream.linear.gather [hbm4b:s22+s10], $0x80, $0x38;
	[tilespmem:$0x12880] =	vst v63  }
0x86: {  	_ =	swait.ge [sflag:s31], $0x80  }
0x87: {  	[sflag:s31] =	ssyncset.done $0x0  }
0x88: {  	s29 =	rddreg [dreg:$0x14];
	[sflag:s31] =	ssyncadd.s32 $0xFFFFFF80  }
0x89: {  	[tilespmem:s18], [sflag:$0x7] =	stream.linear.gather [hbm4b:s29+s10], $0x80, $0x38;
	[tilespmem:$0x12880] =	vst v63  }
0x8a: {  	_ =	swait.ge [sflag:s31], $0x80  }
0x8b: {  	[sflag:s31] =	ssyncset.done $0x0  }
0x8c: {  	[sflag:s31] =	ssyncadd.s32 $0xFFFFFF80  }
0x8d: {  	[tilespmem:s19], [sflag:$0x2] =	stream.indirect.gather [hbm4b:s3+s4], $0x20, s17, s4, $0xb8;
	[tilespmem:$0x12880] =	vst v63  }
0x8e: {  	_ = 	snop  }
0x8f: {  	[tilespmem:s20], [sflag:$0x2] =	stream.indirect.gather [hbm4b:s5+s4], $0x20, s18, s4, $0xb8;
	[tilespmem:$0x12880] =	vst v63  }
.LBB2_4:
0x90: {  	_ =	swait.ge [sflag:s21], $0x1000  }
0x91: {  	[sflag:s21] =	ssyncset.done $0x0  }
0x92: {  	[sflag:s21] =	ssyncadd.s32 $0xFFFFF000  }
0x93: {  	_ =	swait.ge [sflag:s21], $0x1000  }
0x94: {  	p0 =	seq.s32 s10, $0x0;
	[sflag:s21] =	ssyncset.done $0x0  }
0x95: {  	s9 =	simm.s32 @!p0 $0x3;
	[sflag:s21] =	ssyncadd.s32 $0xFFFFF000  }
0x96: {  	_ =	swait.ge @!p0 [sflag:s9], $0x2000  }
0x97: {  	[sflag:s9] =	ssyncset.done @!p0 $0x0  }
0x98: {  	[sflag:s9] =	ssyncadd.s32 @!p0 $0xFFFFE000  }
0x99: {  	v3 =	vld [tilespmem:$0x80]  }
0x9a: {  	v4 =	vld [tilespmem:$0x90]  }
0x9b: {  	v5 =	vld [tilespmem:$0xA0]  }
0x9c: {  	v6 =	vld [tilespmem:$0xB0]  }
0x9d: {  	v7 =	vld [tilespmem:$0xC0]  }
0x9e: {  	s11 =	sshll.u32 s10, $0x1;
	[tilespmem:$0x100] =	vst v3;
	v3 =	vld [tilespmem:$0xD0]  }
0x9f: {  	s9 =	sadd.s32 $0x2, s11;
	[tilespmem:$0x110] =	vst v4;
	v4 =	vld [tilespmem:$0xE0]  }
0xa0: {  	s13 =	smov.u32 s26;
	p1 =	slt.s32 s9, s26;
	[tilespmem:$0x120] =	vst v5;
	v5 =	vld [tilespmem:$0xF0]  }
0xa1: {  	s13 =	smov.u32 @p1 s9;
	[tilespmem:$0x130] =	vst v6  }
0xa2: {  	s9 =	sshll.u32 s13, $0x7;
	[tilespmem:$0x140] =	vst v7  }
0xa3: {  	s9 =	sadd.s32 s12, s9;
	[tilespmem:$0x150] =	vst v3  }
0xa4: {  	s9 =	sshrl.u32 s9, $0x3;
	[tilespmem:$0x160] =	vst v4  }
0xa5: {  	s14 =	sadd.s32 s6, s9;
	[tilespmem:$0x170] =	vst v5  }
0xa6: {  	[tilespmem:s2], [sflag:$0x5] =	stream.linear.gather [hbm4b:s14+s2], $0x80, $0x38;
	[tilespmem:$0x12880] =	vst v63  }
0xa7: {  	s22 =	simm.s32 $0x200;
	s9 =	sadd.s32 s7, s9  }
0xa8: {  	[tilespmem:s4], [sflag:$0x5] =	stream.linear.gather [hbm4b:s9+s2], $0x80, $0x38;
	[tilespmem:$0x12880] =	vst v63  }
0xa9: {  	s14 =	simm.s32 $0x1200;
	v3 =	vld [tilespmem:s22+$0x60]  }
0xaa: {  	v4 =	vld [tilespmem:s14+$0x60]  }
0xab: {  	v5 =	vld [tilespmem:s14+$0xFFFFFF80]  }
0xac: {  	v6 =	vld [tilespmem:s22+$0xFFFFFFA0]  }
0xad: {  	v7 =	vld [tilespmem:s14+$0xFFFFFFA0]  }
0xae: {  	v8 =	vld [tilespmem:s22+$0xFFFFFFC0]  }
0xaf: {  	v9 =	vld [tilespmem:s14+$0xFFFFFFC0];
	v3 =	vadd.bf16 v4, v3  }
0xb0: {  	v10 =	vld [tilespmem:s14+$0xFFFFFFE0]  }
0xb1: {  	v11 =	vld [tilespmem:s22+$0x0];
	v3 =	vmax.bf16 v3, v2  }
0xb2: {  	s13 =	simm.s32 $0x2280;
	v4 =	vld [tilespmem:s22+$0xFFFFFFE0];
	v12 =	vunpack.i.l.bf16.f32 v3  }
0xb3: {  	v6 =	vadd.bf16 v7, v6;
	v7 =	vld [tilespmem:s14+$0x0];
	v3 =	vunpack.i.u.bf16.f32 v3;
	[tilespmem:s13+$0xC0] =	vst v12  }
0xb4: {  	v12 =	vld [tilespmem:s22+$0x20];
	[tilespmem:s13+$0xD0] =	vst v3  }
0xb5: {  	v3 =	vmax.bf16 v6, v2;
	v6 =	vadd.bf16 v9, v8;
	v8 =	vld [tilespmem:s22+$0x70]  }
0xb6: {  	v9 =	vunpack.i.l.bf16.f32 v3;
	v13 =	vld [tilespmem:s14+$0x70]  }
0xb7: {  	v3 =	vunpack.i.u.bf16.f32 v3;
	v4 =	vadd.bf16 v10, v4;
	[tilespmem:s13+$0xFFFFFF40] =	vst v9;
	v6 =	vmax.bf16 v6, v2;
	v9 =	vld [tilespmem:s14+$0x20]  }
0xb8: {  	v10 =	vld [tilespmem:s22+$0x40];
	[tilespmem:s13+$0xFFFFFF50] =	vst v3;
	v3 =	vunpack.i.l.bf16.f32 v6  }
0xb9: {  	v6 =	vunpack.i.u.bf16.f32 v6;
	[tilespmem:s13+$0xFFFFFF80] =	vst v3;
	v3 =	vmax.bf16 v4, v2;
	v4 =	vadd.bf16 v7, v11;
	v7 =	vld [tilespmem:s14+$0x40]  }
0xba: {  	[tilespmem:s13+$0xFFFFFF90] =	vst v6;
	v11 =	vld [tilespmem:s22+$0xFFFFFF80];
	v6 =	vunpack.i.l.bf16.f32 v3  }
0xbb: {  	v3 =	vunpack.i.u.bf16.f32 v3;
	[tilespmem:s13+$0xFFFFFFC0] =	vst v6;
	v4 =	vmax.bf16 v4, v2;
	v6 =	vld [tilespmem:s22+$0xFFFFFFB0];
	v8 =	vadd.bf16 v13, v8  }
0xbc: {  	[tilespmem:s13+$0xFFFFFFD0] =	vst v3;
	v13 =	vld [tilespmem:s14+$0xFFFFFFB0];
	v3 =	vunpack.i.l.bf16.f32 v4;
	v9 =	vadd.bf16 v9, v12  }
0xbd: {  	v4 =	vunpack.i.u.bf16.f32 v4;
	v12 =	vld [tilespmem:s14+$0xFFFFFFD0];
	[tilespmem:s13+$0x0] =	vst v3;
	v8 =	vmax.bf16 v8, v2  }
0xbe: {  	v3 =	vld [tilespmem:s22+$0xFFFFFFD0];
	[tilespmem:s13+$0x10] =	vst v4;
	v4 =	vmax.bf16 v9, v2;
	v7 =	vadd.bf16 v7, v10;
	v9 =	vunpack.i.u.bf16.f32 v8  }
0xbf: {  	v5 =	vadd.bf16 v5, v11;
	v10 =	vld [tilespmem:s22+$0xFFFFFFF0];
	v11 =	vunpack.i.l.bf16.f32 v4;
	[tilespmem:s13+$0xF0] =	vst v9  }
0xc0: {  	v4 =	vunpack.i.u.bf16.f32 v4;
	v9 =	vld [tilespmem:s14+$0xFFFFFFF0];
	[tilespmem:s13+$0x40] =	vst v11;
	v7 =	vmax.bf16 v7, v2  }
0xc1: {  	v14 =	vld [tilespmem:s22+$0x10];
	v5 =	vmax.bf16 v5, v2;
	[tilespmem:s13+$0x50] =	vst v4;
	v4 =	vunpack.i.l.bf16.f32 v7  }
0xc2: {  	v6 =	vadd.bf16 v13, v6;
	v13 =	vld [tilespmem:s14+$0x10];
	v11 =	vunpack.i.l.bf16.f32 v5;
	[tilespmem:s13+$0x80] =	vst v4  }
0xc3: {  	v5 =	vunpack.i.u.bf16.f32 v5;
	[tilespmem:s13+$0xFFFFFF00] =	vst v11;
	v4 =	vld [tilespmem:s22+$0x30];
	v12 =	vadd.bf16 v12, v3  }
0xc4: {  	v11 =	vunpack.i.u.bf16.f32 v7;
	[tilespmem:s13+$0xFFFFFF10] =	vst v5;
	v6 =	vmax.bf16 v6, v2;
	v7 =	vld [tilespmem:s14+$0x30]  }
0xc5: {  	v5 =	vld [tilespmem:s22+$0xFFFFFF90];
	v15 =	vunpack.i.u.bf16.f32 v6;
	[tilespmem:s13+$0x90] =	vst v11;
	v9 =	vadd.bf16 v9, v10;
	v10 =	vmax.bf16 v12, v2  }
0xc6: {  	v3 =	vunpack.i.l.bf16.f32 v8;
	v8 =	vld [tilespmem:s14+$0xFFFFFF90];
	v6 =	vunpack.i.l.bf16.f32 v6;
	[tilespmem:s13+$0xFFFFFF70] =	vst v15;
	v11 =	vunpack.i.u.bf16.f32 v10  }
0xc7: {  	[tilespmem:s13+$0xFFFFFF60] =	vst v6;
	v6 =	vld [tilespmem:s22+$0x50];
	v10 =	vunpack.i.l.bf16.f32 v10;
	v12 =	vadd.bf16 v13, v14;
	v9 =	vmax.bf16 v9, v2  }
0xc8: {  	s29 =	simm.s32 $0x300;
	s9 =	simm.s32 $0x2280;
	s22 =	simm.s32 $0x0;
	[tilespmem:s13+$0xFFFFFFA0] =	vst v10;
	v10 =	vunpack.i.u.bf16.f32 v9;
	v13 =	vunpack.i.l.bf16.f32 v9;
	v9 =	vld [tilespmem:s14+$0x50]  }
.LBB2_5:
0xc9: {  	v14 =	vld [tilespmem:s29+$0x60];
	[tilespmem:s13+$0xFFFFFFB0] =	vst v11;
	v11 =	vmax.bf16 v12, v2;
	v4 =	vadd.bf16 v7, v4;
	s14 =	sadd.s32 $0x100, s14  }
0xca: {  	v7 =	vld [tilespmem:s14+$0x60];
	[tilespmem:s13+$0xFFFFFFE0] =	vst v13;
	v12 =	vunpack.i.u.bf16.f32 v11;
	v11 =	vunpack.i.l.bf16.f32 v11  }
0xcb: {  	v13 =	vld [tilespmem:s14+$0xFFFFFF80];
	v5 =	vadd.bf16 v8, v5;
	[tilespmem:s13+$0xFFFFFFF0] =	vst v10;
	v4 =	vmax.bf16 v4, v2  }
0xcc: {  	s22 =	sadd.s32 $0x8, s22;
	v8 =	vld [tilespmem:s29+$0xFFFFFFA0];
	[tilespmem:s13+$0x20] =	vst v11;
	v10 =	vunpack.i.u.bf16.f32 v4;
	v4 =	vunpack.i.l.bf16.f32 v4  }
0xcd: {  	p1 =	slt.u32 s22, $0x78;
	v11 =	vld [tilespmem:s14+$0xFFFFFFA0];
	v5 =	vmax.bf16 v5, v2;
	[tilespmem:s13+$0x30] =	vst v12;
	v6 =	vadd.bf16 v9, v6  }
0xce: {  	v9 =	vld [tilespmem:s29+$0xFFFFFFC0];
	v12 =	vunpack.i.u.bf16.f32 v5;
	v5 =	vunpack.i.l.bf16.f32 v5;
	[tilespmem:s13+$0x60] =	vst v4  }
0xcf: {  	v4 =	vld [tilespmem:s14+$0xFFFFFFC0];
	v7 =	vadd.bf16 v7, v14;
	[tilespmem:s13+$0xFFFFFF20] =	vst v5;
	v5 =	vmax.bf16 v6, v2  }
0xd0: {  	v6 =	vld [tilespmem:s29+$0xFFFFFFE0];
	[tilespmem:s13+$0xFFFFFF30] =	vst v12;
	v12 =	vunpack.i.u.bf16.f32 v5;
	v5 =	vunpack.i.l.bf16.f32 v5  }
0xd1: {  	v14 =	vld [tilespmem:s14+$0xFFFFFFE0];
	v7 =	vmax.bf16 v7, v2;
	[tilespmem:s13+$0x70] =	vst v10  }
0xd2: {  	s13 =	sadd.s32 $0x200, s13;
	v8 =	vadd.bf16 v11, v8;
	v10 =	vld [tilespmem:s29+$0x0];
	v11 =	vunpack.i.l.bf16.f32 v7;
	[tilespmem:s9+$0xA0] =	vst v5  }
0xd3: {  	v7 =	vunpack.i.u.bf16.f32 v7;
	v5 =	vld [tilespmem:s14+$0x0];
	[tilespmem:s13+$0xC0] =	vst v11  }
0xd4: {  	v8 =	vmax.bf16 v8, v2;
	v4 =	vadd.bf16 v4, v9;
	v9 =	vld [tilespmem:s29+$0x20];
	[tilespmem:s13+$0xD0] =	vst v7  }
0xd5: {  	v7 =	vunpack.i.u.bf16.f32 v8;
	v8 =	vunpack.i.l.bf16.f32 v8;
	v11 =	vld [tilespmem:s29+$0x70];
	[tilespmem:s9+$0xB0] =	vst v12  }
0xd6: {  	[tilespmem:s13+$0xFFFFFF40] =	vst v8;
	v4 =	vmax.bf16 v4, v2;
	v6 =	vadd.bf16 v14, v6;
	v8 =	vld [tilespmem:s14+$0x70]  }
0xd7: {  	[tilespmem:s13+$0xFFFFFF50] =	vst v7;
	v7 =	vunpack.i.u.bf16.f32 v4;
	v4 =	vunpack.i.l.bf16.f32 v4;
	v12 =	vld [tilespmem:s14+$0x20]  }
0xd8: {  	[tilespmem:s13+$0xFFFFFF80] =	vst v4;
	v4 =	vmax.bf16 v6, v2;
	v5 =	vadd.bf16 v5, v10;
	v6 =	vld [tilespmem:s29+$0x40]  }
0xd9: {  	[tilespmem:s13+$0xFFFFFF90] =	vst v7;
	v7 =	vunpack.i.u.bf16.f32 v4;
	v4 =	vunpack.i.l.bf16.f32 v4;
	v10 =	vld [tilespmem:s14+$0x40]  }
0xda: {  	v14 =	vld [tilespmem:s29+$0xFFFFFF80];
	[tilespmem:s13+$0xFFFFFFC0] =	vst v4;
	v4 =	vmax.bf16 v5, v2  }
0xdb: {  	v5 =	vld [tilespmem:s29+$0xFFFFFFB0];
	[tilespmem:s13+$0xFFFFFFD0] =	vst v7;
	v7 =	vunpack.i.u.bf16.f32 v4;
	v4 =	vunpack.i.l.bf16.f32 v4;
	v8 =	vadd.bf16 v8, v11  }
0xdc: {  	v11 =	vld [tilespmem:s14+$0xFFFFFFB0];
	[tilespmem:s13+$0x0] =	vst v4;
	v4 =	vadd.bf16 v12, v9  }
0xdd: {  	v9 =	vld [tilespmem:s29+$0xFFFFFFD0];
	[tilespmem:s13+$0x10] =	vst v7;
	v7 =	vmax.bf16 v8, v2  }
0xde: {  	v8 =	vld [tilespmem:s14+$0xFFFFFFD0];
	v4 =	vmax.bf16 v4, v2;
	v6 =	vadd.bf16 v10, v6;
	v10 =	vunpack.i.u.bf16.f32 v7;
	[tilespmem:s9+$0xE0] =	vst v3;
	s9 =	smov.u32 s13  }
0xdf: {  	v12 =	vadd.bf16 v13, v14;
	v13 =	vld [tilespmem:s29+$0xFFFFFFF0];
	v14 =	vunpack.i.u.bf16.f32 v4;
	v3 =	vunpack.i.l.bf16.f32 v4;
	[tilespmem:s13+$0xF0] =	vst v10  }
0xe0: {  	v10 =	vld [tilespmem:s14+$0xFFFFFFF0];
	[tilespmem:s13+$0x40] =	vst v3;
	v4 =	vmax.bf16 v6, v2;
	v3 =	vunpack.i.l.bf16.f32 v7  }
0xe1: {  	v6 =	vmax.bf16 v12, v2;
	v12 =	vld [tilespmem:s29+$0x10];
	[tilespmem:s13+$0x50] =	vst v14;
	v14 =	vunpack.i.u.bf16.f32 v4;
	v4 =	vunpack.i.l.bf16.f32 v4  }
0xe2: {  	v5 =	vadd.bf16 v11, v5;
	v7 =	vunpack.i.u.bf16.f32 v6;
	v6 =	vunpack.i.l.bf16.f32 v6;
	v15 =	vld [tilespmem:s14+$0x10];
	[tilespmem:s13+$0x80] =	vst v4  }
0xe3: {  	[tilespmem:s13+$0xFFFFFF00] =	vst v6;
	v6 =	vadd.bf16 v8, v9;
	v4 =	vld [tilespmem:s29+$0x30]  }
.Ltmp1:
0xe4: {  	v9 =	vmax.bf16 v5, v2;
	[tilespmem:s13+$0xFFFFFF10] =	vst v7;
	v7 =	vld [tilespmem:s14+$0x30];
	(pc) =	sbr.rel @p1 .LBB2_5-.Ltmp1, $4  }
0xe5: {  	v11 =	vunpack.i.u.bf16.f32 v9;
	v5 =	vld [tilespmem:s29+$0xFFFFFF90];
	v6 =	vmax.bf16 v6, v2;
	v10 =	vadd.bf16 v10, v13;
	[tilespmem:s13+$0x90] =	vst v14  }
0xe6: {  	v9 =	vunpack.i.l.bf16.f32 v9;
	v8 =	vld [tilespmem:s14+$0xFFFFFF90];
	[tilespmem:s13+$0xFFFFFF70] =	vst v11;
	v11 =	vunpack.i.u.bf16.f32 v6;
	v13 =	vunpack.i.l.bf16.f32 v6  }
0xe7: {  	[tilespmem:s13+$0xFFFFFF60] =	vst v9;
	v9 =	vmax.bf16 v10, v2;
	v12 =	vadd.bf16 v15, v12;
	v6 =	vld [tilespmem:s29+$0x50]  }
0xe8: {  	s29 =	sadd.s32 $0x100, s29;
	[tilespmem:s13+$0xFFFFFFA0] =	vst v13;
	v10 =	vunpack.i.u.bf16.f32 v9;
	v13 =	vunpack.i.l.bf16.f32 v9;
	v9 =	vld [tilespmem:s14+$0x50]  }
0xe9: {  	[tilespmem:s13+$0xFFFFFFB0] =	vst v11  }
0xea: {  	[tilespmem:s13+$0xFFFFFFE0] =	vst v13  }
0xeb: {  	v11 =	vmax.bf16 v12, v2;
	v4 =	vadd.bf16 v7, v4;
	[tilespmem:s13+$0xFFFFFFF0] =	vst v10  }
0xec: {  	[tilespmem:s9+$0xE0] =	vst v3;
	v7 =	vunpack.i.l.bf16.f32 v11  }
0xed: {  	v5 =	vadd.bf16 v8, v5;
	v8 =	vunpack.i.u.bf16.f32 v11;
	v4 =	vmax.bf16 v4, v2;
	[tilespmem:s13+$0x20] =	vst v7  }
0xee: {  	v7 =	vunpack.i.l.bf16.f32 v4;
	[tilespmem:s13+$0x30] =	vst v8  }
0xef: {  	v4 =	vunpack.i.u.bf16.f32 v4;
	v5 =	vmax.bf16 v5, v2;
	v6 =	vadd.bf16 v9, v6;
	[tilespmem:s13+$0x60] =	vst v7  }
0xf0: {  	[tilespmem:s13+$0x70] =	vst v4;
	v8 =	vunpack.i.l.bf16.f32 v5  }
0xf1: {  	v5 =	vunpack.i.u.bf16.f32 v5;
	[tilespmem:s13+$0xFFFFFF20] =	vst v8;
	v6 =	vmax.bf16 v6, v2  }
0xf2: {  	[tilespmem:s13+$0xFFFFFF30] =	vst v5;
	v5 =	vunpack.i.l.bf16.f32 v6  }
0xf3: {  	v4 =	vunpack.i.u.bf16.f32 v6;
	[tilespmem:s9+$0xA0] =	vst v5  }
0xf4: {  	s14 =	simm.s32 $0x100;
	[tilespmem:s9+$0xB0] =	vst v4  }
0xf5: {  	[spmem:s1] =	stream.indirect.scatter.add.f32 [tilespmem:s30], [sflag:$0x3], $0x40, s14, s4, $0xb8;
	[tilespmem:$0x12880] =	vst v63  }
0xf6: {  	_ =	swait.ge [sflag:s23], $0x80  }
0xf7: {  	[sflag:s23] =	ssyncset.done $0x0  }
0xf8: {  	[sflag:s23] =	ssyncadd.s32 $0xFFFFFF80  }
0xf9: {  	_ =	swait.ge [sflag:s23], $0x80  }
0xfa: {  	[sflag:s23] =	ssyncset.done $0x0  }
0xfb: {  	[sflag:s23] =	ssyncadd.s32 $0xFFFFFF80  }
0xfc: {  	[tilespmem:s15], [sflag:$0x1] =	stream.indirect.gather [hbm4b:s3+s4], $0x20, s2, s4, $0xb8;
	[tilespmem:$0x12880] =	vst v63  }
0xfd: {  	_ = 	snop  }
0xfe: {  	[tilespmem:s16], [sflag:$0x1] =	stream.indirect.gather [hbm4b:s5+s4], $0x20, s4, s4, $0xb8;
	[tilespmem:$0x12880] =	vst v63  }
0xff: {  	_ =	swait.ge [sflag:s24], $0x1000  }
0x100: {  	[sflag:s24] =	ssyncset.done $0x0  }
0x101: {  	[sflag:s24] =	ssyncadd.s32 $0xFFFFF000  }
0x102: {  	_ =	swait.ge [sflag:s24], $0x1000  }
0x103: {  	[sflag:s24] =	ssyncset.done $0x0  }
0x104: {  	s9 =	simm.s32 @!p0 $0x4;
	[sflag:s24] =	ssyncadd.s32 $0xFFFFF000  }
0x105: {  	_ =	swait.ge @!p0 [sflag:s9], $0x2000  }
0x106: {  	[sflag:s9] =	ssyncset.done @!p0 $0x0  }
0x107: {  	[sflag:s9] =	ssyncadd.s32 @!p0 $0xFFFFE000  }
0x108: {  	v3 =	vld [tilespmem:$0x4200]  }
0x109: {  	v4 =	vld [tilespmem:$0x4210]  }
0x10a: {  	v5 =	vld [tilespmem:$0x4220]  }
0x10b: {  	v6 =	vld [tilespmem:$0x4230]  }
0x10c: {  	v7 =	vld [tilespmem:$0x4240]  }
0x10d: {  	[tilespmem:$0x4280] =	vst v3;
	v3 =	vld [tilespmem:$0x4250]  }
0x10e: {  	s9 =	sadd.s32 $0x3, s11;
	[tilespmem:$0x4290] =	vst v4;
	v4 =	vld [tilespmem:$0x4260]  }
0x10f: {  	s11 =	smov.u32 s28;
	p0 =	slt.s32 s9, s28;
	[tilespmem:$0x42A0] =	vst v5;
	v5 =	vld [tilespmem:$0x4270]  }
0x110: {  	s11 =	smov.u32 @p0 s9;
	[tilespmem:$0x42B0] =	vst v6  }
0x111: {  	s9 =	sshll.u32 s11, $0x7;
	[tilespmem:$0x42C0] =	vst v7  }
0x112: {  	s9 =	sadd.s32 s12, s9;
	[tilespmem:$0x42D0] =	vst v3  }
0x113: {  	s9 =	sshrl.u32 s9, $0x3;
	[tilespmem:$0x42E0] =	vst v4  }
0x114: {  	s22 =	sadd.s32 s6, s9;
	[tilespmem:$0x42F0] =	vst v5  }
0x115: {  	[tilespmem:s17], [sflag:$0x6] =	stream.linear.gather [hbm4b:s22+s2], $0x80, $0x38;
	[tilespmem:$0x12880] =	vst v63  }
0x116: {  	s29 =	simm.s32 $0x4380;
	s9 =	sadd.s32 s7, s9  }
0x117: {  	[tilespmem:s18], [sflag:$0x6] =	stream.linear.gather [hbm4b:s9+s2], $0x80, $0x38;
	[tilespmem:$0x12880] =	vst v63  }
0x118: {  	s13 =	simm.s32 $0x5380;
	v3 =	vld [tilespmem:s29+$0x60]  }
0x119: {  	v4 =	vld [tilespmem:s13+$0x60]  }
0x11a: {  	v5 =	vld [tilespmem:s13+$0xFFFFFF80]  }
0x11b: {  	v6 =	vld [tilespmem:s29+$0xFFFFFFA0]  }
0x11c: {  	v7 =	vld [tilespmem:s13+$0xFFFFFFA0]  }
0x11d: {  	v8 =	vld [tilespmem:s29+$0xFFFFFFC0]  }
0x11e: {  	v9 =	vld [tilespmem:s13+$0xFFFFFFC0];
	v3 =	vadd.bf16 v4, v3  }
0x11f: {  	v10 =	vld [tilespmem:s13+$0xFFFFFFE0]  }
0x120: {  	v11 =	vld [tilespmem:s29+$0x0];
	v3 =	vmax.bf16 v3, v2  }
0x121: {  	s11 =	simm.s32 $0x6400;
	v4 =	vld [tilespmem:s29+$0xFFFFFFE0];
	v12 =	vunpack.i.l.bf16.f32 v3  }
0x122: {  	v6 =	vadd.bf16 v7, v6;
	v7 =	vld [tilespmem:s13+$0x0];
	v3 =	vunpack.i.u.bf16.f32 v3;
	[tilespmem:s11+$0xC0] =	vst v12  }
0x123: {  	v12 =	vld [tilespmem:s29+$0x20];
	[tilespmem:s11+$0xD0] =	vst v3  }
0x124: {  	v3 =	vmax.bf16 v6, v2;
	v6 =	vadd.bf16 v9, v8;
	v8 =	vld [tilespmem:s29+$0x70]  }
0x125: {  	v9 =	vunpack.i.l.bf16.f32 v3;
	v13 =	vld [tilespmem:s13+$0x70]  }
0x126: {  	v3 =	vunpack.i.u.bf16.f32 v3;
	v4 =	vadd.bf16 v10, v4;
	[tilespmem:s11+$0xFFFFFF40] =	vst v9;
	v6 =	vmax.bf16 v6, v2;
	v9 =	vld [tilespmem:s13+$0x20]  }
0x127: {  	v10 =	vld [tilespmem:s29+$0x40];
	[tilespmem:s11+$0xFFFFFF50] =	vst v3;
	v3 =	vunpack.i.l.bf16.f32 v6  }
0x128: {  	v6 =	vunpack.i.u.bf16.f32 v6;
	[tilespmem:s11+$0xFFFFFF80] =	vst v3;
	v3 =	vmax.bf16 v4, v2;
	v4 =	vadd.bf16 v7, v11;
	v7 =	vld [tilespmem:s13+$0x40]  }
0x129: {  	[tilespmem:s11+$0xFFFFFF90] =	vst v6;
	v11 =	vld [tilespmem:s29+$0xFFFFFF80];
	v6 =	vunpack.i.l.bf16.f32 v3  }
0x12a: {  	v3 =	vunpack.i.u.bf16.f32 v3;
	[tilespmem:s11+$0xFFFFFFC0] =	vst v6;
	v4 =	vmax.bf16 v4, v2;
	v6 =	vld [tilespmem:s29+$0xFFFFFFB0];
	v8 =	vadd.bf16 v13, v8  }
0x12b: {  	[tilespmem:s11+$0xFFFFFFD0] =	vst v3;
	v13 =	vld [tilespmem:s13+$0xFFFFFFB0];
	v3 =	vunpack.i.l.bf16.f32 v4;
	v9 =	vadd.bf16 v9, v12  }
0x12c: {  	v4 =	vunpack.i.u.bf16.f32 v4;
	v12 =	vld [tilespmem:s13+$0xFFFFFFD0];
	[tilespmem:s11+$0x0] =	vst v3;
	v8 =	vmax.bf16 v8, v2  }
0x12d: {  	v3 =	vld [tilespmem:s29+$0xFFFFFFD0];
	[tilespmem:s11+$0x10] =	vst v4;
	v4 =	vmax.bf16 v9, v2;
	v7 =	vadd.bf16 v7, v10;
	v9 =	vunpack.i.u.bf16.f32 v8  }
0x12e: {  	v5 =	vadd.bf16 v5, v11;
	v10 =	vld [tilespmem:s29+$0xFFFFFFF0];
	v11 =	vunpack.i.l.bf16.f32 v4;
	[tilespmem:s11+$0xF0] =	vst v9  }
0x12f: {  	v4 =	vunpack.i.u.bf16.f32 v4;
	v9 =	vld [tilespmem:s13+$0xFFFFFFF0];
	[tilespmem:s11+$0x40] =	vst v11;
	v7 =	vmax.bf16 v7, v2  }
0x130: {  	v14 =	vld [tilespmem:s29+$0x10];
	v5 =	vmax.bf16 v5, v2;
	[tilespmem:s11+$0x50] =	vst v4;
	v4 =	vunpack.i.l.bf16.f32 v7  }
0x131: {  	v6 =	vadd.bf16 v13, v6;
	v13 =	vld [tilespmem:s13+$0x10];
	v11 =	vunpack.i.l.bf16.f32 v5;
	[tilespmem:s11+$0x80] =	vst v4  }
0x132: {  	v5 =	vunpack.i.u.bf16.f32 v5;
	[tilespmem:s11+$0xFFFFFF00] =	vst v11;
	v4 =	vld [tilespmem:s29+$0x30];
	v12 =	vadd.bf16 v12, v3  }
0x133: {  	v11 =	vunpack.i.u.bf16.f32 v7;
	[tilespmem:s11+$0xFFFFFF10] =	vst v5;
	v6 =	vmax.bf16 v6, v2;
	v7 =	vld [tilespmem:s13+$0x30]  }
0x134: {  	v5 =	vld [tilespmem:s29+$0xFFFFFF90];
	v15 =	vunpack.i.u.bf16.f32 v6;
	[tilespmem:s11+$0x90] =	vst v11;
	v9 =	vadd.bf16 v9, v10;
	v10 =	vmax.bf16 v12, v2  }
0x135: {  	v3 =	vunpack.i.l.bf16.f32 v8;
	v8 =	vld [tilespmem:s13+$0xFFFFFF90];
	v6 =	vunpack.i.l.bf16.f32 v6;
	[tilespmem:s11+$0xFFFFFF70] =	vst v15;
	v11 =	vunpack.i.u.bf16.f32 v10  }
0x136: {  	[tilespmem:s11+$0xFFFFFF60] =	vst v6;
	v6 =	vld [tilespmem:s29+$0x50];
	v10 =	vunpack.i.l.bf16.f32 v10;
	v12 =	vadd.bf16 v13, v14;
	v9 =	vmax.bf16 v9, v2  }
0x137: {  	s14 =	simm.s32 $0x0;
	s22 =	simm.s32 $0x4480;
	s9 =	simm.s32 $0x6400;
	[tilespmem:s11+$0xFFFFFFA0] =	vst v10;
	v10 =	vunpack.i.u.bf16.f32 v9;
	v13 =	vunpack.i.l.bf16.f32 v9;
	v9 =	vld [tilespmem:s13+$0x50]  }
.LBB2_7:
0x138: {  	v14 =	vld [tilespmem:s22+$0x60];
	[tilespmem:s11+$0xFFFFFFB0] =	vst v11;
	v11 =	vmax.bf16 v12, v2;
	v4 =	vadd.bf16 v7, v4;
	s13 =	sadd.s32 $0x100, s13  }
0x139: {  	v7 =	vld [tilespmem:s13+$0x60];
	[tilespmem:s11+$0xFFFFFFE0] =	vst v13;
	v12 =	vunpack.i.u.bf16.f32 v11;
	v11 =	vunpack.i.l.bf16.f32 v11  }
0x13a: {  	v13 =	vld [tilespmem:s13+$0xFFFFFF80];
	v5 =	vadd.bf16 v8, v5;
	[tilespmem:s11+$0xFFFFFFF0] =	vst v10;
	v4 =	vmax.bf16 v4, v2  }
0x13b: {  	s14 =	sadd.s32 $0x8, s14;
	v8 =	vld [tilespmem:s22+$0xFFFFFFA0];
	[tilespmem:s11+$0x20] =	vst v11;
	v10 =	vunpack.i.u.bf16.f32 v4;
	v4 =	vunpack.i.l.bf16.f32 v4  }
0x13c: {  	p0 =	slt.u32 s14, $0x78;
	v11 =	vld [tilespmem:s13+$0xFFFFFFA0];
	v5 =	vmax.bf16 v5, v2;
	[tilespmem:s11+$0x30] =	vst v12;
	v6 =	vadd.bf16 v9, v6  }
0x13d: {  	v9 =	vld [tilespmem:s22+$0xFFFFFFC0];
	v12 =	vunpack.i.u.bf16.f32 v5;
	v5 =	vunpack.i.l.bf16.f32 v5;
	[tilespmem:s11+$0x60] =	vst v4  }
0x13e: {  	v4 =	vld [tilespmem:s13+$0xFFFFFFC0];
	v7 =	vadd.bf16 v7, v14;
	[tilespmem:s11+$0xFFFFFF20] =	vst v5;
	v5 =	vmax.bf16 v6, v2  }
0x13f: {  	v6 =	vld [tilespmem:s22+$0xFFFFFFE0];
	[tilespmem:s11+$0xFFFFFF30] =	vst v12;
	v12 =	vunpack.i.u.bf16.f32 v5;
	v5 =	vunpack.i.l.bf16.f32 v5  }
0x140: {  	v14 =	vld [tilespmem:s13+$0xFFFFFFE0];
	v7 =	vmax.bf16 v7, v2;
	[tilespmem:s11+$0x70] =	vst v10  }
0x141: {  	s11 =	sadd.s32 $0x200, s11;
	v8 =	vadd.bf16 v11, v8;
	v10 =	vld [tilespmem:s22+$0x0];
	v11 =	vunpack.i.l.bf16.f32 v7;
	[tilespmem:s9+$0xA0] =	vst v5  }
0x142: {  	v7 =	vunpack.i.u.bf16.f32 v7;
	v5 =	vld [tilespmem:s13+$0x0];
	[tilespmem:s11+$0xC0] =	vst v11  }
0x143: {  	v8 =	vmax.bf16 v8, v2;
	v4 =	vadd.bf16 v4, v9;
	v9 =	vld [tilespmem:s22+$0x20];
	[tilespmem:s11+$0xD0] =	vst v7  }
0x144: {  	v7 =	vunpack.i.u.bf16.f32 v8;
	v8 =	vunpack.i.l.bf16.f32 v8;
	v11 =	vld [tilespmem:s22+$0x70];
	[tilespmem:s9+$0xB0] =	vst v12  }
0x145: {  	[tilespmem:s11+$0xFFFFFF40] =	vst v8;
	v4 =	vmax.bf16 v4, v2;
	v6 =	vadd.bf16 v14, v6;
	v8 =	vld [tilespmem:s13+$0x70]  }
0x146: {  	[tilespmem:s11+$0xFFFFFF50] =	vst v7;
	v7 =	vunpack.i.u.bf16.f32 v4;
	v4 =	vunpack.i.l.bf16.f32 v4;
	v12 =	vld [tilespmem:s13+$0x20]  }
0x147: {  	[tilespmem:s11+$0xFFFFFF80] =	vst v4;
	v4 =	vmax.bf16 v6, v2;
	v5 =	vadd.bf16 v5, v10;
	v6 =	vld [tilespmem:s22+$0x40]  }
0x148: {  	[tilespmem:s11+$0xFFFFFF90] =	vst v7;
	v7 =	vunpack.i.u.bf16.f32 v4;
	v4 =	vunpack.i.l.bf16.f32 v4;
	v10 =	vld [tilespmem:s13+$0x40]  }
0x149: {  	v14 =	vld [tilespmem:s22+$0xFFFFFF80];
	[tilespmem:s11+$0xFFFFFFC0] =	vst v4;
	v4 =	vmax.bf16 v5, v2  }
0x14a: {  	v5 =	vld [tilespmem:s22+$0xFFFFFFB0];
	[tilespmem:s11+$0xFFFFFFD0] =	vst v7;
	v7 =	vunpack.i.u.bf16.f32 v4;
	v4 =	vunpack.i.l.bf16.f32 v4;
	v8 =	vadd.bf16 v8, v11  }
0x14b: {  	v11 =	vld [tilespmem:s13+$0xFFFFFFB0];
	[tilespmem:s11+$0x0] =	vst v4;
	v4 =	vadd.bf16 v12, v9  }
0x14c: {  	v9 =	vld [tilespmem:s22+$0xFFFFFFD0];
	[tilespmem:s11+$0x10] =	vst v7;
	v7 =	vmax.bf16 v8, v2  }
0x14d: {  	v8 =	vld [tilespmem:s13+$0xFFFFFFD0];
	v4 =	vmax.bf16 v4, v2;
	v6 =	vadd.bf16 v10, v6;
	v10 =	vunpack.i.u.bf16.f32 v7;
	[tilespmem:s9+$0xE0] =	vst v3;
	s9 =	smov.u32 s11  }
0x14e: {  	v12 =	vadd.bf16 v13, v14;
	v13 =	vld [tilespmem:s22+$0xFFFFFFF0];
	v14 =	vunpack.i.u.bf16.f32 v4;
	v3 =	vunpack.i.l.bf16.f32 v4;
	[tilespmem:s11+$0xF0] =	vst v10  }
0x14f: {  	v10 =	vld [tilespmem:s13+$0xFFFFFFF0];
	[tilespmem:s11+$0x40] =	vst v3;
	v4 =	vmax.bf16 v6, v2;
	v3 =	vunpack.i.l.bf16.f32 v7  }
0x150: {  	v6 =	vmax.bf16 v12, v2;
	v12 =	vld [tilespmem:s22+$0x10];
	[tilespmem:s11+$0x50] =	vst v14;
	v14 =	vunpack.i.u.bf16.f32 v4;
	v4 =	vunpack.i.l.bf16.f32 v4  }
0x151: {  	v5 =	vadd.bf16 v11, v5;
	v7 =	vunpack.i.u.bf16.f32 v6;
	v6 =	vunpack.i.l.bf16.f32 v6;
	v15 =	vld [tilespmem:s13+$0x10];
	[tilespmem:s11+$0x80] =	vst v4  }
0x152: {  	[tilespmem:s11+$0xFFFFFF00] =	vst v6;
	v6 =	vadd.bf16 v8, v9;
	v4 =	vld [tilespmem:s22+$0x30]  }
.Ltmp2:
0x153: {  	v9 =	vmax.bf16 v5, v2;
	[tilespmem:s11+$0xFFFFFF10] =	vst v7;
	v7 =	vld [tilespmem:s13+$0x30];
	(pc) =	sbr.rel @p0 .LBB2_7-.Ltmp2, $4  }
0x154: {  	v11 =	vunpack.i.u.bf16.f32 v9;
	v5 =	vld [tilespmem:s22+$0xFFFFFF90];
	v6 =	vmax.bf16 v6, v2;
	v10 =	vadd.bf16 v10, v13;
	[tilespmem:s11+$0x90] =	vst v14  }
0x155: {  	v9 =	vunpack.i.l.bf16.f32 v9;
	v8 =	vld [tilespmem:s13+$0xFFFFFF90];
	[tilespmem:s11+$0xFFFFFF70] =	vst v11;
	v11 =	vunpack.i.u.bf16.f32 v6;
	v13 =	vunpack.i.l.bf16.f32 v6  }
0x156: {  	[tilespmem:s11+$0xFFFFFF60] =	vst v9;
	v9 =	vmax.bf16 v10, v2;
	v12 =	vadd.bf16 v15, v12;
	v6 =	vld [tilespmem:s22+$0x50]  }
0x157: {  	s22 =	sadd.s32 $0x100, s22;
	[tilespmem:s11+$0xFFFFFFA0] =	vst v13;
	v10 =	vunpack.i.u.bf16.f32 v9;
	v13 =	vunpack.i.l.bf16.f32 v9;
	v9 =	vld [tilespmem:s13+$0x50]  }
0x158: {  	[tilespmem:s11+$0xFFFFFFB0] =	vst v11  }
0x159: {  	[tilespmem:s11+$0xFFFFFFE0] =	vst v13  }
0x15a: {  	v57 =	vmax.bf16 v12, v2;
	v4 =	vadd.bf16 v7, v4;
	[tilespmem:s11+$0xFFFFFFF0] =	vst v10  }
0x15b: {  	[tilespmem:s9+$0xE0] =	vst v3;
	v58 =	vunpack.i.l.bf16.f32 v57  }
0x15c: {  	v59 =	vunpack.i.u.bf16.f32 v57;
	v5 =	vadd.bf16 v8, v5;
	v4 =	vmax.bf16 v4, v2;
	[tilespmem:s11+$0x20] =	vst v58  }
0x15d: {  	[tilespmem:s11+$0x30] =	vst v59;
	v60 =	vunpack.i.l.bf16.f32 v4  }
0x15e: {  	v4 =	vunpack.i.u.bf16.f32 v4;
	v5 =	vmax.bf16 v5, v2;
	v6 =	vadd.bf16 v9, v6;
	[tilespmem:s11+$0x60] =	vst v60  }
0x15f: {  	[tilespmem:s11+$0x70] =	vst v4;
	v61 =	vunpack.i.l.bf16.f32 v5  }
0x160: {  	v5 =	vunpack.i.u.bf16.f32 v5;
	[tilespmem:s11+$0xFFFFFF20] =	vst v61;
	v6 =	vmax.bf16 v6, v2  }
0x161: {  	[tilespmem:s11+$0xFFFFFF30] =	vst v5;
	v62 =	vunpack.i.l.bf16.f32 v6  }
0x162: {  	v63 =	vunpack.i.u.bf16.f32 v6;
	[tilespmem:s9+$0xA0] =	vst v62  }
0x163: {  	s29 =	simm.s32 $0x4280;
	[tilespmem:s9+$0xB0] =	vst v63  }
0x164: {  	[spmem:s1] =	stream.indirect.scatter.add.f32 [tilespmem:s0], [sflag:$0x4], $0x40, s29, s4, $0xb8;
	[tilespmem:$0x12880] =	vst v63  }
0x165: {  	_ =	swait.ge [sflag:s8], $0x80  }
0x166: {  	[sflag:s8] =	ssyncset.done $0x0  }
0x167: {  	s10 =	sadd.s32 $0x1, s10;
	[sflag:s8] =	ssyncadd.s32 $0xFFFFFF80  }
0x168: {  	p0 =	sne.s32 s10, s25;
	_ =	swait.ge [sflag:s8], $0x80  }
.Ltmp3:
0x169: {  	[sflag:s8] =	ssyncset.done $0x0;
	(pc) =	sbr.rel @p0 .LBB2_4-.Ltmp3, $4  }
0x16a: {  	[sflag:s8] =	ssyncadd.s32 $0xFFFFFF80  }
0x16b: {  	[tilespmem:s19], [sflag:$0x2] =	stream.indirect.gather [hbm4b:s3+s4], $0x20, s17, s4, $0xb8;
	[tilespmem:$0x12880] =	vst v63  }
0x16c: {  	_ = 	snop  }
0x16d: {  	[tilespmem:s20], [sflag:$0x2] =	stream.indirect.gather [hbm4b:s5+s4], $0x20, s18, s4, $0xb8;
	[tilespmem:$0x12880] =	vst v63  }
0x16e: {  	_ =	swait.ge [sflag:s21], $0x1000  }
0x16f: {  	[sflag:s21] =	ssyncset.done $0x0  }
0x170: {  	[sflag:s21] =	ssyncadd.s32 $0xFFFFF000  }
0x171: {  	_ =	swait.ge [sflag:s21], $0x1000  }
0x172: {  	[sflag:s21] =	ssyncset.done $0x0  }
0x173: {  	s9 =	simm.s32 $0x3;
	[sflag:s21] =	ssyncadd.s32 $0xFFFFF000  }
0x174: {  	_ =	swait.ge [sflag:s9], $0x2000  }
0x175: {  	[sflag:s9] =	ssyncset.done $0x0  }
0x176: {  	[sflag:s9] =	ssyncadd.s32 $0xFFFFE000  }
0x177: {  	_ =	swait.ge [sflag:s24], $0x1000  }
0x178: {  	[sflag:s24] =	ssyncset.done $0x0  }
0x179: {  	[sflag:s24] =	ssyncadd.s32 $0xFFFFF000  }
0x17a: {  	_ =	swait.ge [sflag:s24], $0x1000  }
0x17b: {  	[sflag:s24] =	ssyncset.done $0x0  }
0x17c: {  	s22 =	simm.s32 $0x4;
	[sflag:s24] =	ssyncadd.s32 $0xFFFFF000  }
0x17d: {  	_ =	swait.ge [sflag:s22], $0x2000  }
0x17e: {  	[sflag:s22] =	ssyncset.done $0x0  }
0x17f: {  	[sflag:s22] =	ssyncadd.s32 $0xFFFFE000  }
0x180: {  	[bflag:$0x0] =	sbarrier.arrive $0xFFFF  }
0x181: {  	s22 =	rddreg [dreg:$0x5]  }
0x182: {  	[tilespmem:s30], [sflag:$0x7] =	stream.linear.gather [spmem:s22], $0x2000, $0x38;
	[tilespmem:$0x12880] =	vst v63  }
0x183: {  	_ =	swait.ge [sflag:s31], $0x2000  }
0x184: {  	[sflag:s31] =	ssyncset.done $0x0  }
0x185: {  	s10 =	rddreg [dreg:$0xb];
	[sflag:s31] =	ssyncadd.s32 $0xFFFFE000  }
0x186: {  	[hbm4b:s10+s2] =	stream.linear.scatter [tilespmem:s30], [sflag:$0x7], $0x2000, $0x38;
	[tilespmem:$0x12880] =	vst v63  }
0x187: {  	_ =	swait.ge [sflag:s31], $0x2000  }
0x188: {  	[sflag:s31] =	ssyncset.done $0x0  }
0x189: {  	s29 =	rddreg [dreg:$0x6];
	[sflag:s31] =	ssyncadd.s32 $0xFFFFE000  }
0x18a: {  	[tilespmem:s30], [sflag:$0x7] =	stream.linear.gather [spmem:s29], $0x2000, $0x38;
	[tilespmem:$0x12880] =	vst v63  }
0x18b: {  	_ =	swait.ge [sflag:s31], $0x2000  }
0x18c: {  	[sflag:s31] =	ssyncset.done $0x0  }
0x18d: {  	s11 =	rddreg [dreg:$0xc];
	[sflag:s31] =	ssyncadd.s32 $0xFFFFE000  }
0x18e: {  	[hbm4b:s11+s2] =	stream.linear.scatter [tilespmem:s30], [sflag:$0x7], $0x2000, $0x38;
	[tilespmem:$0x12880] =	vst v63  }
0x18f: {  	_ =	swait.ge [sflag:s31], $0x2000  }
0x190: {  	[sflag:s31] =	ssyncset.done $0x0  }
0x191: {  	s13 =	rddreg [dreg:$0x7];
	[sflag:s31] =	ssyncadd.s32 $0xFFFFE000  }
0x192: {  	[tilespmem:s30], [sflag:$0x7] =	stream.linear.gather [spmem:s13], $0x2000, $0x38;
	[tilespmem:$0x12880] =	vst v63  }
0x193: {  	_ =	swait.ge [sflag:s31], $0x2000  }
0x194: {  	[sflag:s31] =	ssyncset.done $0x0  }
0x195: {  	s14 =	rddreg [dreg:$0xd];
	[sflag:s31] =	ssyncadd.s32 $0xFFFFE000  }
0x196: {  	[hbm4b:s14+s2] =	stream.linear.scatter [tilespmem:s30], [sflag:$0x7], $0x2000, $0x38;
	[tilespmem:$0x12880] =	vst v63  }
0x197: {  	_ =	swait.ge [sflag:s31], $0x2000  }
0x198: {  	[sflag:s31] =	ssyncset.done $0x0  }
0x199: {  	s10 =	rddreg [dreg:$0x8];
	[sflag:s31] =	ssyncadd.s32 $0xFFFFE000  }
0x19a: {  	[tilespmem:s30], [sflag:$0x7] =	stream.linear.gather [spmem:s10], $0x2000, $0x38;
	[tilespmem:$0x12880] =	vst v63  }
0x19b: {  	_ =	swait.ge [sflag:s31], $0x2000  }
0x19c: {  	[sflag:s31] =	ssyncset.done $0x0  }
0x19d: {  	s11 =	rddreg [dreg:$0xe];
	[sflag:s31] =	ssyncadd.s32 $0xFFFFE000  }
0x19e: {  	[hbm4b:s11+s2] =	stream.linear.scatter [tilespmem:s30], [sflag:$0x7], $0x2000, $0x38;
	[tilespmem:$0x12880] =	vst v63  }
0x19f: {  	_ =	swait.ge [sflag:s31], $0x2000  }
0x1a0: {  	[sflag:s31] =	ssyncset.done $0x0  }
0x1a1: {  	s13 =	rddreg [dreg:$0x9];
	[sflag:s31] =	ssyncadd.s32 $0xFFFFE000  }
0x1a2: {  	[tilespmem:s30], [sflag:$0x7] =	stream.linear.gather [spmem:s13], $0x2000, $0x38;
	[tilespmem:$0x12880] =	vst v63  }
0x1a3: {  	_ =	swait.ge [sflag:s31], $0x2000  }
0x1a4: {  	[sflag:s31] =	ssyncset.done $0x0  }
0x1a5: {  	s14 =	rddreg [dreg:$0xf];
	[sflag:s31] =	ssyncadd.s32 $0xFFFFE000  }
0x1a6: {  	[hbm4b:s14+s2] =	stream.linear.scatter [tilespmem:s30], [sflag:$0x7], $0x2000, $0x38;
	[tilespmem:$0x12880] =	vst v63  }
0x1a7: {  	_ =	swait.ge [sflag:s31], $0x2000  }
0x1a8: {  	[sflag:s31] =	ssyncset.done $0x0  }
0x1a9: {  	s13 =	simm.s32 $0x8380;
	s10 =	rddreg [dreg:$0xa];
	[sflag:s31] =	ssyncadd.s32 $0xFFFFE000  }
0x1aa: {  	[tilespmem:s13], [sflag:$0x7] =	stream.linear.gather [spmem:s10], $0x280, $0x38;
	[tilespmem:$0x12880] =	vst v63  }
0x1ab: {  	_ =	swait.ge [sflag:s31], $0x280  }
0x1ac: {  	[sflag:s31] =	ssyncset.done $0x0  }
0x1ad: {  	s11 =	rddreg [dreg:$0x11];
	[sflag:s31] =	ssyncadd.s32 $0xFFFFFD80  }
0x1ae: {  	[hbm4b:s11+s2] =	stream.linear.scatter [tilespmem:s13], [sflag:$0x7], $0x280, $0x38;
	[tilespmem:$0x12880] =	vst v63  }
0x1af: {  	_ =	swait.ge [sflag:s31], $0x280  }
0x1b0: {  	s10 =	rddreg [dreg:$0x16]  }
0x1b1: {  	s14 =	rddreg [dreg:$0x15];
	s10 =	sadd.s32 $0x1, s10  }
0x1b2: {  	p0 =	sne.s32 s10, s14  }
.Ltmp4:
0x1b3: {  	_ = 	snop;
	(pc) =	sbr.rel @p0 .LBB2_1-.Ltmp4, $3  }
0x1b4: {  	_ =	sdelay $0x1  }
0x1b5: {  	[sflag:s31] =	ssyncset.done $0x0  }
0x1b6: {  	[sflag:s31] =	ssyncadd.s32 $0xFFFFFD80  }
0x1b7: {  	_ =	sfence.sel $0x180000  }
0x1b8: {  	[bflag:$0x0] =	sbarrier.arrive $0xFFFF  }
0x1b9: {  	_ =	strace $0x9000004A  }
0x1ba: {  	s0 =	stileid.u32;
	[bflag:$0x2] =	sbarrier.arrive $0xFFFF  }
0x1bb: {  	p0 =	sne.s32 s0, $0x0;
	s0 =	rddreg [dreg:$0x4]  }
0x1bc: {  	s0 =	sadd.s32 @!p0 $0x100000, s0  }
0x1bd: {  	[sflag:s0] =	ssyncadd.tile.s32 @!p0 $0x1;
	_ =	shalt  }
.Lfunc_end2:
_tile_overlayer_lowered:
.L_overlay_start_2:
0x1be: {  	(tag) =	ssettag $0x2  }
0x1bf: {  	s0 =	rddreg [dreg:$0x0];
	s2 =	stileid.u32  }
0x1c0: {  	s1 =	rddreg [dreg:$0x1];
	p0 =	sne.s32 s2, $0x0  }
0x1c1: {  	s3 =	rddreg [dreg:$0x2];
	[bflag:$0x3] =	sbarrier.arrive $0xFFFF;
	s2 =	simm.s32 @!p0 $0x1C07  }
0x1c2: {  	[timem:s3], [sflag:s2] =	dma.local @!p0 [hbm:s0], s1  }
0x1c3: {  	s0 =	simm.s32 @!p0 $0x7  }
0x1c4: {  	_ =	swait.ge @!p0 [sflag:s0], s1  }
0x1c5: {  	s1 =	ssub.s32 @!p0 $0x0, s1;
	[sflag:s0] =	ssyncset.done @!p0 $0x0  }
0x1c6: {  	[sflag:s0] =	ssyncadd.s32 @!p0 s1  }
0x1c7: {  	[bflag:$0x3] =	sbarrier.arrive $0xFFFF  }
0x1c8: {  	_ =	shalt  }

// kernel: kernel.7.cloned.1.call-start
scs
__scs_entry_jumppad:
0x0: {  	(pc) =	sbr.rel $0x88, $3  }
0x1: {  	(tag) =	ssettag $0x0;
	lr =	simm.s32 $0x1  }
0x2: {  	[smem:$0x3F8A] =	sst lr;
	_ =	strace $0xD0000000  }
0x3: {  	_ = 	snop  }
0x4: {  	_ = 	snop  }
0x5: {  	_ = 	snop  }
0x6: {  	_ = 	snop  }
0x7: {  	_ = 	snop  }
__scs_overlays_trampoline_lowered:
0x8: {  	[smem:$0x3F99] =	sst s0  }
0x9: {  	[smem:$0x3F9A] =	sst s1  }
0xa: {  	[smem:$0x3F9B] =	sst s2  }
0xb: {  	[smem:$0x3F9C] =	sst s3  }
0xc: {  	[smem:$0x3F9D] =	sst s4  }
0xd: {  	[smem:$0x3F9E] =	sst s5  }
0xe: {  	[smem:$0x3F9F] =	sst s6  }
0xf: {  	[smem:$0x3FA0] =	sst s7  }
0x10: {  	[smem:$0x3FA1] =	sst s8  }
0x11: {  	[smem:$0x3FA2] =	sst s9;
	s0 =	simm.s32 @!p0 $0x0  }
0x12: {  	s1 =	sld [smem:$0x3F88];
	s0 =	simm.s32 @p0 $0x1  }
0x13: {  	[smem:$0x3FA3] =	sst s0;
	s0 =	simm.s32 @!p1 $0x0  }
0x14: {  	s2 =	sld [smem:$0x3F87];
	s0 =	simm.s32 @p1 $0x1  }
0x15: {  	[smem:$0x3FA4] =	sst s0;
	s0 =	simm.s32 @!p2 $0x0  }
0x16: {  	s3 =	sld [smem:$0x3FDB];
	s0 =	simm.s32 @p2 $0x1  }
0x17: {  	s4 =	simm.s32 $0x1BF5;
	[smem:$0x3FA6] =	sst s0  }
0x18: {  	s0 =	sld [smem:$0x3F89];
	_ =	swait.ge [sflag:s4], $0x0  }
0x19: {  	s7 =	sld [smem:$0x3F8A]  }
0x1a: {  	s8 =	sadd.s32 $0xFFFFE003, lr  }
0x1b: {  	s9 =	sadd.s32 $0xFFFFFEF7, lr;
	s5 =	simm.s32 $0xFFFFFFFF;
	p2 =	slt.u32 s8, $0xFFFFF086  }
0x1c: {  	p1 =	slt.u32 s9, $0xF7A;
	s5 =	simm.s32 @!p2 $0x0  }
0x1d: {  	s5 =	simm.s32 @p1 $0x1;
	p0 =	seq.s32 s7, s2  }
0x1e: {  	s7 =	smul.u32 @!p0 $0xF7A, s2;
	p2 =	seq.s32 @!p0 s5, $0x0  }
0x1f: {  	s9 =	smul.u32 $0xF7A, s1;
	s8 =	simm.s32 @!p0 $0x1BF5;
	p2 =	por !p2, p0  }
0x20: {  	[sflag:s8] =	ssyncset.s32 @!p0 $0xFFFFF086;
	s6 =	sadd.s32 @!p0 s3, s7;
	s7 =	simm.s32 @!p0 $0x108  }
0x21: {  	s3 =	sadd.s32 s3, s9;
	s6 =	sadd.s32 @!p0 $0x88, s6;
	s7 =	simm.s32 @p2 $0x1082  }
0x22: {  	[simem:s7], [sflag:s8] =	dma.local @!p0 [hbm:s6], $0xF7A  }
0x23: {  	s9 =	sor.u32 $0xD0000000, s2;
	s6 =	simm.s32 $0x108;
	_ =	swait.ge @!p0 [sflag:s8], $0x0  }
0x24: {  	s3 =	sadd.s32 $0x88, s3;
	s6 =	simm.s32 @!p1 $0x1082;
	[sflag:s4] =	ssyncset.s32 $0xFFFFF086  }
0x25: {  	[simem:s6], [sflag:s4] =	dma.local [hbm:s3], $0xF7A  }
0x26: {  	[smem:$0x3F8A] =	sst s1;
	(tag) =	ssettag s2;
	_ =	strace s9  }
0x27: {  	s1 =	sld [smem:$0x3F9A]  }
0x28: {  	s2 =	sld [smem:$0x3F9B]  }
0x29: {  	s4 =	sld [smem:$0x3F9D]  }
0x2a: {  	p0 =	seq.s32 s5, $0x0;
	s5 =	sld [smem:$0x3F9E]  }
0x2b: {  	s6 =	sld [smem:$0x3F9F]  }
0x2c: {  	s7 =	sld [smem:$0x3FA0]  }
0x2d: {  	s3 =	simm.s32 $0x108;
	s8 =	sld [smem:$0x3FA1]  }
0x2e: {  	s3 =	simm.s32 @!p0 $0x1082;
	s9 =	sld [smem:$0x3FA2]  }
0x2f: {  	lr =	sadd.s32 s0, s3;
	s0 =	sld [smem:$0x3F99]  }
0x30: {  	s3 =	sld [smem:$0x3F9C]  }
0x31: {  	[smem:$0x3FA5] =	sst s10  }
0x32: {  	s10 =	sld [smem:$0x3FA3];
	_ =	sdelay $0x3  }
0x33: {  	p0 =	seq.s32 s10, $0x1;
	s10 =	sld [smem:$0x3FA5];
	_ =	sdelay $0x3  }
0x34: {  	[smem:$0x3FA5] =	sst s10  }
0x35: {  	s10 =	sld [smem:$0x3FA4];
	_ =	sdelay $0x3  }
0x36: {  	p1 =	seq.s32 s10, $0x1;
	s10 =	sld [smem:$0x3FA5];
	_ =	sdelay $0x3  }
0x37: {  	[smem:$0x3FA5] =	sst s10  }
0x38: {  	s10 =	sld [smem:$0x3FA6]  }
0x39: {  	_ = 	snop;
	(pc) =	sbr.ind lr, $3  }
0x3a: {  	_ = 	snop  }
0x3b: {  	_ = 	snop  }
0x3c: {  	p2 =	seq.s32 s10, $0x1;
	s10 =	sld [smem:$0x3FA5]  }
0x3d: {  	_ =	shalt  }
0x3e: {  	_ =	shalt  }
0x3f: {  	_ =	shalt  }
0x40: {  	_ =	shalt  }
0x41: {  	_ =	shalt  }
0x42: {  	_ =	shalt  }
0x43: {  	_ =	shalt  }
0x44: {  	_ =	shalt  }
0x45: {  	_ =	shalt  }
0x46: {  	_ =	shalt  }
0x47: {  	_ =	shalt  }
0x48: {  	_ =	shalt  }
0x49: {  	_ =	shalt  }
0x4a: {  	_ =	shalt  }
0x4b: {  	_ =	shalt  }
0x4c: {  	_ =	shalt  }
0x4d: {  	_ =	shalt  }
0x4e: {  	_ =	shalt  }
0x4f: {  	_ =	shalt  }
0x50: {  	_ =	shalt  }
0x51: {  	_ =	shalt  }
0x52: {  	_ =	shalt  }
0x53: {  	_ =	shalt  }
0x54: {  	_ =	shalt  }
0x55: {  	_ =	shalt  }
0x56: {  	_ =	shalt  }
0x57: {  	_ =	shalt  }
0x58: {  	_ =	shalt  }
0x59: {  	_ =	shalt  }
0x5a: {  	_ =	shalt  }
0x5b: {  	_ =	shalt  }
0x5c: {  	_ =	shalt  }
0x5d: {  	_ =	shalt  }
0x5e: {  	_ =	shalt  }
0x5f: {  	_ =	shalt  }
0x60: {  	_ =	shalt  }
0x61: {  	_ =	shalt  }
0x62: {  	_ =	shalt  }
0x63: {  	_ =	shalt  }
0x64: {  	_ =	shalt  }
0x65: {  	_ =	shalt  }
0x66: {  	_ =	shalt  }
0x67: {  	_ =	shalt  }
0x68: {  	_ =	shalt  }
0x69: {  	_ =	shalt  }
0x6a: {  	_ =	shalt  }
0x6b: {  	_ =	shalt  }
0x6c: {  	_ =	shalt  }
0x6d: {  	_ =	shalt  }
0x6e: {  	_ =	shalt  }
0x6f: {  	_ =	shalt  }
0x70: {  	_ =	shalt  }
0x71: {  	_ =	shalt  }
0x72: {  	_ =	shalt  }
0x73: {  	_ =	shalt  }
0x74: {  	_ =	shalt  }
0x75: {  	_ =	shalt  }
0x76: {  	_ =	shalt  }
0x77: {  	_ =	shalt  }
0x78: {  	_ =	shalt  }
0x79: {  	_ =	shalt  }
0x7a: {  	_ =	shalt  }
0x7b: {  	_ =	shalt  }
0x7c: {  	_ =	shalt  }
0x7d: {  	_ =	shalt  }
0x7e: {  	_ =	shalt  }
0x7f: {  	_ =	shalt  }
0x80: {  	_ =	shalt  }
0x81: {  	_ =	shalt  }
0x82: {  	_ =	shalt  }
0x83: {  	_ =	shalt  }
0x84: {  	_ =	shalt  }
0x85: {  	_ =	shalt  }
0x86: {  	_ =	shalt  }
0x87: {  	_ =	shalt  }
.Lfunc_end0:
.L_simem_size_0:
called_computation_lowered:
.L_overlay_start_0:
0x88: {  	s2 =	sld [smem:$0x3FD9]  }
0x89: {  	s3 =	sld [smem:$0x3FFE];
	_ =	sdelay $0x1  }
0x8a: {  	s1 =	srdreg.scid  }
0x8b: {  	s0 =	sand.u32 $0x1, s1  }
0x8c: {  	s14 =	sshll.u32 s0, $0xA;
	s2 =	sadd.s32 s3, s2  }
0x8d: {  	s2 =	sadd.s32 s2, s14  }
0x8e: {  	[smem:$0x3FB1] =	sst s2  }
0x8f: {  	_ = 	snop  }
0x90: {  	s2 =	sld [smem:$0x3FD0];
	_ =	sdelay $0x2  }
0x91: {  	s15 =	simm.s32 $0xA;
	s4 =	simm.s32 $0x10  }
0x92: {  	[smem:s4], [sflag:s15] =	dma.local [hbm:s2], $0x1  }
0x93: {  	_ =	swait.eq [sflag:s15], $0x1  }
0x94: {  	[sflag:s15] =	ssyncset.done $0x0  }
0x95: {  	[sflag:s15] =	ssyncadd.s32 $0xFFFFFFFF  }
0x96: {  	s16 =	sld [smem:$0x11];
	(tm) =	ssettm $0x1  }
0x97: {  	s17 =	sld [smem:$0x3FFB];
	_ =	sdelay $0x3  }
0x98: {  	_ =	strace s17  }
0x99: {  	s3 =	sld [smem:$0x3FFC];
	_ =	sdelay $0x3  }
0x9a: {  	_ =	strace s3  }
0x9b: {  	s3 =	sld [smem:$0x3FFD];
	_ =	sdelay $0x3  }
0x9c: {  	_ =	strace s3  }
0x9d: {  	_ =	strace $0x8FFFFFFF  }
0x9e: {  	s18 =	sld [smem:$0x3FDB];
	_ =	sdelay $0x1  }
0x9f: {  	s19 =	simm.s32 $_scs_section_size  }
0xa0: {  	s5 =	simm.s32 $_size__tile_overlayer_lowered;
	s6 =	simm.s32 $_tile_overlayer_lowered  }
0xa1: {  	s22 =	simm.s32 $0x1BFF;
	s21 =	sshll.u32 s6, $0x1;
	s3 =	sadd.s32 s19, s18  }
0xa2: {  	s7 =	simm.s32 $0x0;
	s20 =	sshll.u32 s5, $0x1;
	s5 =	sadd.s32 s21, s3  }
0xa3: {  	[timem:s7], [sflag:s22] =	dma.local [hbm:s5], s20  }
0xa4: {  	_ =	swait.ge [sflag:s22], s20  }
0xa5: {  	s4 =	ssub.s32 $0x0, s20;
	[sflag:s22] =	ssyncset.done $0x0  }
0xa6: {  	[sflag:s22] =	ssyncadd.s32 s4;
	_ =	sdelay $0x1  }
0xa7: {  	s23 =	simm.s32 $0x1B8B  }
0xa8: {  	_ =	swait.ge [sflag:s23], $0x1  }
0xa9: {  	[sflag:s23] =	ssyncset.done $0x0  }
0xaa: {  	s25 =	simm.s32 $0x1B8E;
	s24 =	sld [smem:$0x3FFE];
	[sflag:s23] =	ssyncadd.s32 $0xFFFFFFFF  }
0xab: {  	s26 =	simm.s32 $execute0_lowered;
	[smem:$0x3FD2] =	sst s25  }
0xac: {  	s5 =	sshll.u32 s26, $0x1;
	_ =	strace $0x80000046;
	[dreg:$0x1] =	wrdreg $0xFFFFFFFF  }
0xad: {  	s28 =	simm.s32 $_size_execute0_lowered;
	s3 =	sadd.s32 s3, s5;
	[dreg:$0x0] =	wrdreg $0x0  }
0xae: {  	s5 =	sshll.u32 s28, $0x1;
	[dreg:$0x2] =	wrdreg s3  }
0xaf: {  	[dreg:$0x3] =	wrdreg s5  }
0xb0: {  	[dreg:$0x4] =	wrdreg $0xC0  }
0xb1: {  	_ =	task [dreg:s7], $0x5FFFF  }
0xb2: {  	[dreg:$0x1] =	wrdreg $0xFFFFFFFF  }
0xb3: {  	[dreg:$0x0] =	wrdreg $0x60  }
0xb4: {  	[dreg:$0x2] =	wrdreg s24  }
0xb5: {  	[dreg:$0x3] =	wrdreg s16  }
0xb6: {  	[dreg:$0x4] =	wrdreg $0x86000  }
0xb7: {  	[dreg:$0x5] =	wrdreg $0x126000  }
0xb8: {  	[dreg:$0x6] =	wrdreg $0x9  }
0xb9: {  	_ =	task.clear_ibuf [dreg:s7], $0x7FFFF;
	_ =	strace $0x90000046  }
0xba: {  	s29 =	simm.s32 $0x9;
	_ =	strace $0x80000048  }
0xbb: {  	_ =	swait.ge [sflag:s29], $0x1  }
0xbc: {  	[sflag:s29] =	ssyncadd.s32 $0xFFFFFFFF  }
0xbd: {  	_ =	strace $0x90000048  }
0xbe: {  	_ =	sfence  }
0xbf: {  	s30 =	sld [smem:$0x0];
	_ =	sdelay $0x2  }
0xc0: {  	s31 =	sshll.u32 s1, $0xD;
	s1 =	sshrl.u32 s1, $0x2  }
0xc1: {  	s3 =	sand.u32 $0x4000, s31;
	s1 =	sadd.s32 s1, s30  }
0xc2: {  	s0 =	sor.u32 s3, s0;
	s1 =	sshll.u32 s1, $0x11  }
0xc3: {  	s0 =	sor.u32 s1, s0  }
0xc4: {  	s0 =	sadd.s32 $0x8F2B, s0  }
0xc5: {  	[sflag:s0] =	ssyncadd.remote.s32 $0x1  }
0xc6: {  	_ =	sfence.sel $0xFFFF  }
0xc7: {  	[dreg:$0x0] =	wrdreg $0xFFFFFFFF;
	(pc) =	sbr.abs _section_cstart, $3  }
0xc8: {  	[dreg:$0x1] =	wrdreg $0xFFFFFFFF  }
0xc9: {  	_ =	task.clear_ibuf [dreg:s7], $0x2FFFF;
	_ =	strace $0x9FFFFFFF  }
0xca: {  	(tm) =	ssettm $0x7FFFFFFF  }
0xcb: {  	_ =	shalt  }
tec
execute0_lowered:
.L_overlay_start_1:
0x0: {  	(tag) =	ssettag $0x1  }
0x1: {  	s0 =	rddreg [dreg:$0x0]  }
0x2: {  	s5 =	rddreg [dreg:$0x1]  }
0x3: {  	s1 =	rddreg [dreg:$0x2]  }
0x4: {  	s2 =	rddreg [dreg:$0x3];
	s3 =	simm.s32 $0x0;
	s6 =	srdreg.scid  }
0x5: {  	s16 =	stileid.u32;
	s14 =	simm.s32 $0x66;
	s31 =	simm.s32 $0x2180  }
0x6: {  	s30 =	simm.s32 $0x5;
	[smem:$0x7FF] =	sst s3;
	s4 =	sadd.s32 $0xF600, s0  }
0x7: {  	s9 =	sand.u32 $0x1, s6;
	s6 =	sadd.s32 $0x5800, s0;
	s23 =	smul.u32 $0xA000, s16  }
0x8: {  	s7 =	sadd.s32 $0x23400, s0;
	s8 =	sadd.s32 $0x19400, s0;
	s12 =	smul.u32 $0x280, s16  }
0x9: {  	s0 =	sadd.s32 $0x2D400, s0;
	_ =	strace $0x80000047;
	s13 =	smul.u32 $0x33000, s9  }
0xa: {  	s10 =	ssub.s32 $0x2, s9;
	p0 =	seq.s32 s9, $0x0;
	s19 =	smul.u32 $0xA0000, s9  }
0xb: {  	s9 =	smul.u32 $0x2800, s9;
	s11 =	sshrl.u32 s10, $0x1;
	s15 =	sadd.s32 $0x2000, s23  }
0xc: {  	s14 =	simm.s32 @!p0 $0x3A;
	s21 =	sadd.s32 s23, s1;
	s24 =	sadd.s32 $0x4000, s23  }
0xd: {  	s18 =	sadd.s32 $0x6000, s23;
	s26 =	sadd.s32 $0x8000, s23;
	s10 =	ssub.s32 s10, s11  }
0xe: {  	s17 =	sadd.s32 s15, s1;
	s16 =	smul.u32 s14, s16;
	s20 =	sadd.s32 s24, s1  }
0xf: {  	s25 =	sadd.s32 s18, s1;
	s11 =	sadd.s32 s23, s19;
	[dreg:$0x5] =	wrdreg s21  }
0x10: {  	s15 =	sadd.s32 s19, s15;
	s18 =	sadd.s32 s19, s18;
	[dreg:$0x6] =	wrdreg s17  }
0x11: {  	s9 =	sadd.s32 s12, s9;
	s12 =	sadd.s32 s12, s2;
	[dreg:$0x7] =	wrdreg s20  }
0x12: {  	s28 =	sadd.s32 $0xFFFFFFFE, s14;
	s29 =	sadd.s32 $0xFFFFFFFF, s14;
	[dreg:$0x8] =	wrdreg s25  }
0x13: {  	s17 =	sadd.s32 s19, s24;
	s19 =	sadd.s32 s19, s26;
	[dreg:$0xa] =	wrdreg s12  }
0x14: {  	s11 =	sshrl.u32 s11, $0x3;
	s15 =	sshrl.u32 s15, $0x3;
	s18 =	sshrl.u32 s18, $0x3  }
0x15: {  	s9 =	sshrl.u32 s9, $0x3;
	s25 =	smax.u32 s10, $0x1;
	s12 =	simm.s32 $0x0  }
0x16: {  	s16 =	sshll.u32 s16, $0x7;
	s11 =	sadd.s32 s0, s11;
	s19 =	sshrl.u32 s19, $0x3  }
0x17: {  	s5 =	sadd.s32 s5, s9;
	[dreg:$0x15] =	wrdreg s25;
	s25 =	simm.s32 $0x8300  }
0x18: {  	s9 =	simm.s32 $0x4280;
	s13 =	sadd.s32 s13, s16;
	[dreg:$0xb] =	wrdreg s11  }
0x19: {  	s16 =	sadd.s32 s26, s1;
	s11 =	sadd.s32 s0, s15;
	[dreg:$0x10] =	wrdreg s5  }
0x1a: {  	s26 =	sshrl.u32 s14, $0x1;
	s15 =	simm.s32 $0x8380;
	[dreg:$0x9] =	wrdreg s16  }
0x1b: {  	s16 =	sshrl.u32 s17, $0x3;
	[dreg:$0xc] =	wrdreg s11;
	s11 =	sadd.s32 s0, s18  }
0x1c: {  	s5 =	simm.s32 $0x2;
	s17 =	sadd.s32 s0, s16;
	[dreg:$0xe] =	wrdreg s11  }
0x1d: {  	s20 =	sshrl.u32 s13, $0x3;
	s0 =	sadd.s32 s0, s19;
	[dreg:$0xd] =	wrdreg s17  }
0x1e: {  	s22 =	sadd.s32 s7, s20;
	s23 =	sadd.s32 s8, s20;
	[dreg:$0xf] =	wrdreg s0  }
0x1f: {  	s16 =	simm.s32 $0x80;
	s19 =	simm.s32 $0x4180;
	[dreg:$0x11] =	wrdreg s22  }
0x20: {  	s11 =	simm.s32 $0x6;
	[dreg:$0x12] =	wrdreg s23;
	s0 =	sor.u32 $0x10, s20  }
0x21: {  	s20 =	simm.s32 $0x4200;
	s22 =	simm.s32 $0x5300;
	s24 =	sadd.s32 s7, s0  }
0x22: {  	s23 =	simm.s32 $0x1;
	s0 =	sadd.s32 s8, s0;
	[dreg:$0x13] =	wrdreg s24  }
0x23: {  	v0 =	vimm.f32 $0.0e+00;
	v1 =	vimm.f32 $1.000000000e+00;
	v2 =	vimm.bf16 $0.0e+00;
	[dreg:$0x14] =	wrdreg s0;
	s0 =	simm.s32 $0x7;
	s24 =	simm.s32 $0x100  }
.LBB2_1:
0x24: {  	[dreg:$0x16] =	wrdreg s12;
	s12 =	simm.s32 $0x100;
	s10 =	simm.s32 $0x0  }
.LBB2_2:
0x25: {  	p0 =	sne.s32 s12, $0x7F00;
	[tilespmem:s10+$0x21B0] =	vst v0;
	s14 =	smov.u32 s12;
	s12 =	sadd.s32 $0x100, s12  }
.Ltmp0:
0x26: {  	[tilespmem:s10+$0x21A0] =	vst v0;
	(pc) =	sbr.rel @p0 .LBB2_2-.Ltmp0, $3  }
0x27: {  	[tilespmem:s10+$0x2180] =	vst v0  }
0x28: {  	[tilespmem:s10+$0x2190] =	vst v0;
	_ =	sdelay $0x1  }
0x29: {  	s10 =	sshra.s32 s14, $0x2  }
0x2a: {  	[tilespmem:s10+$0x21B0] =	vst v0  }
0x2b: {  	[tilespmem:s10+$0x21A0] =	vst v0  }
0x2c: {  	[tilespmem:s10+$0x2180] =	vst v0  }
0x2d: {  	[tilespmem:s10+$0x2190] =	vst v0  }
0x2e: {  	[tilespmem:$0x8380] =	vst v0  }
0x2f: {  	[tilespmem:$0x8390] =	vst v0  }
0x30: {  	[tilespmem:$0x83A0] =	vst v0  }
0x31: {  	[tilespmem:$0x83B0] =	vst v0  }
0x32: {  	[tilespmem:$0x83C0] =	vst v0  }
0x33: {  	[tilespmem:$0x83D0] =	vst v0  }
0x34: {  	[tilespmem:$0x83E0] =	vst v0  }
0x35: {  	[tilespmem:$0x83F0] =	vst v0  }
0x36: {  	[tilespmem:$0x8400] =	vst v0  }
0x37: {  	[tilespmem:$0x8410] =	vst v0  }
0x38: {  	[tilespmem:$0x8420] =	vst v0  }
0x39: {  	[tilespmem:$0x8430] =	vst v0  }
0x3a: {  	[tilespmem:$0x8440] =	vst v0  }
0x3b: {  	[tilespmem:$0x8450] =	vst v0  }
0x3c: {  	[tilespmem:$0x8460] =	vst v0  }
0x3d: {  	[tilespmem:$0x8470] =	vst v0  }
0x3e: {  	[tilespmem:$0x8480] =	vst v0  }
0x3f: {  	[tilespmem:$0x8490] =	vst v0  }
0x40: {  	[tilespmem:$0x84A0] =	vst v0  }
0x41: {  	[tilespmem:$0x84B0] =	vst v0  }
0x42: {  	[tilespmem:$0x84C0] =	vst v0  }
0x43: {  	[tilespmem:$0x84D0] =	vst v0  }
0x44: {  	[tilespmem:$0x84E0] =	vst v0  }
0x45: {  	[tilespmem:$0x84F0] =	vst v0  }
0x46: {  	[tilespmem:$0x8500] =	vst v0  }
0x47: {  	[tilespmem:$0x8510] =	vst v0  }
0x48: {  	[tilespmem:$0x8520] =	vst v0  }
0x49: {  	[tilespmem:$0x8530] =	vst v0  }
0x4a: {  	[tilespmem:$0x8540] =	vst v0  }
0x4b: {  	[tilespmem:$0x8550] =	vst v0  }
0x4c: {  	[tilespmem:$0x8560] =	vst v0  }
0x4d: {  	[tilespmem:$0x8570] =	vst v0  }
0x4e: {  	[tilespmem:$0x8580] =	vst v0  }
0x4f: {  	[tilespmem:$0x8590] =	vst v0  }
0x50: {  	[tilespmem:$0x85A0] =	vst v0  }
0x51: {  	[tilespmem:$0x85B0] =	vst v0  }
0x52: {  	[tilespmem:$0x85C0] =	vst v0  }
0x53: {  	[tilespmem:$0x85D0] =	vst v0  }
0x54: {  	[tilespmem:$0x85E0] =	vst v0  }
0x55: {  	[tilespmem:$0x85F0] =	vst v0  }
0x56: {  	[tilespmem:$0x8300] =	vst v1  }
0x57: {  	[tilespmem:$0x8310] =	vst v1  }
0x58: {  	[tilespmem:$0x8320] =	vst v1  }
0x59: {  	[tilespmem:$0x8330] =	vst v1  }
0x5a: {  	[tilespmem:$0x8340] =	vst v1  }
0x5b: {  	[tilespmem:$0x8350] =	vst v1  }
0x5c: {  	[tilespmem:$0x8360] =	vst v1  }
0x5d: {  	[tilespmem:$0x8370] =	vst v1  }
0x5e: {  	[spmem:s21] =	stream.linear.scatter [tilespmem:s31], [sflag:$0x7], $0x2000, $0x38;
	[tilespmem:$0x12880] =	vst v63  }
0x5f: {  	_ =	swait.ge [sflag:s0], $0x2000  }
0x60: {  	[sflag:s0] =	ssyncset.done $0x0  }
0x61: {  	s18 =	rddreg [dreg:$0x6];
	[sflag:s0] =	ssyncadd.s32 $0xFFFFE000  }
0x62: {  	[spmem:s18] =	stream.linear.scatter [tilespmem:s31], [sflag:$0x7], $0x2000, $0x38;
	[tilespmem:$0x12880] =	vst v63  }
0x63: {  	_ =	swait.ge [sflag:s0], $0x2000  }
0x64: {  	[sflag:s0] =	ssyncset.done $0x0  }
0x65: {  	s21 =	rddreg [dreg:$0x7];
	[sflag:s0] =	ssyncadd.s32 $0xFFFFE000  }
0x66: {  	[spmem:s21] =	stream.linear.scatter [tilespmem:s31], [sflag:$0x7], $0x2000, $0x38;
	[tilespmem:$0x12880] =	vst v63  }
0x67: {  	_ =	swait.ge [sflag:s0], $0x2000  }
0x68: {  	[sflag:s0] =	ssyncset.done $0x0  }
0x69: {  	s12 =	rddreg [dreg:$0x8];
	[sflag:s0] =	ssyncadd.s32 $0xFFFFE000  }
0x6a: {  	[spmem:s12] =	stream.linear.scatter [tilespmem:s31], [sflag:$0x7], $0x2000, $0x38;
	[tilespmem:$0x12880] =	vst v63  }
0x6b: {  	_ =	swait.ge [sflag:s0], $0x2000  }
0x6c: {  	[sflag:s0] =	ssyncset.done $0x0  }
0x6d: {  	s14 =	rddreg [dreg:$0x9];
	[sflag:s0] =	ssyncadd.s32 $0xFFFFE000  }
0x6e: {  	[spmem:s14] =	stream.linear.scatter [tilespmem:s31], [sflag:$0x7], $0x2000, $0x38;
	[tilespmem:$0x12880] =	vst v63  }
0x6f: {  	_ =	swait.ge [sflag:s0], $0x2000  }
0x70: {  	[sflag:s0] =	ssyncset.done $0x0  }
0x71: {  	s17 =	rddreg [dreg:$0xa];
	[sflag:s0] =	ssyncadd.s32 $0xFFFFE000  }
0x72: {  	[spmem:s17] =	stream.linear.scatter [tilespmem:s15], [sflag:$0x7], $0x280, $0x38;
	[tilespmem:$0x12880] =	vst v63  }
0x73: {  	_ =	swait.ge [sflag:s0], $0x280  }
0x74: {  	[sflag:s0] =	ssyncset.done $0x0  }
0x75: {  	[sflag:s0] =	ssyncadd.s32 $0xFFFFFD80  }
0x76: {  	[bflag:$0x0] =	sbarrier.arrive $0xFFFF  }
0x77: {  	s12 =	simm.s32 $0x0;
	s18 =	rddreg [dreg:$0x11]  }
0x78: {  	[tilespmem:s12], [sflag:$0x7] =	stream.linear.gather [hbm4b:s18+s12], $0x80, $0x38;
	[tilespmem:$0x12880] =	vst v63  }
0x79: {  	_ =	swait.ge [sflag:s0], $0x80  }
0x7a: {  	[sflag:s0] =	ssyncset.done $0x0  }
0x7b: {  	s21 =	rddreg [dreg:$0x12];
	[sflag:s0] =	ssyncadd.s32 $0xFFFFFF80  }
0x7c: {  	[tilespmem:s16], [sflag:$0x7] =	stream.linear.gather [hbm4b:s21+s12], $0x80, $0x38;
	[tilespmem:$0x12880] =	vst v63  }
0x7d: {  	_ =	swait.ge [sflag:s0], $0x80  }
0x7e: {  	[sflag:s0] =	ssyncset.done $0x0  }
0x7f: {  	s14 =	simm.s32 $0x180;
	[sflag:s0] =	ssyncadd.s32 $0xFFFFFF80  }
0x80: {  	[tilespmem:s14], [sflag:$0x1] =	stream.indirect.gather [hbm4b:s4+s16], $0x20, s12, s16, $0xb8;
	[tilespmem:$0x12880] =	vst v63  }
0x81: {  	s15 =	simm.s32 $0x1180  }
0x82: {  	[tilespmem:s15], [sflag:$0x1] =	stream.indirect.gather [hbm4b:s6+s16], $0x20, s16, s16, $0xb8;
	[tilespmem:$0x12880] =	vst v63  }
0x83: {  	s17 =	rddreg [dreg:$0x13]  }
0x84: {  	[tilespmem:s19], [sflag:$0x7] =	stream.linear.gather [hbm4b:s17+s12], $0x80, $0x38;
	[tilespmem:$0x12880] =	vst v63  }
0x85: {  	_ =	swait.ge [sflag:s0], $0x80  }
0x86: {  	[sflag:s0] =	ssyncset.done $0x0  }
0x87: {  	s18 =	rddreg [dreg:$0x14];
	[sflag:s0] =	ssyncadd.s32 $0xFFFFFF80  }
0x88: {  	[tilespmem:s20], [sflag:$0x7] =	stream.linear.gather [hbm4b:s18+s12], $0x80, $0x38;
	[tilespmem:$0x12880] =	vst v63  }
0x89: {  	_ =	swait.ge [sflag:s0], $0x80  }
0x8a: {  	[sflag:s0] =	ssyncset.done $0x0  }
0x8b: {  	s21 =	simm.s32 $0x4300;
	[sflag:s0] =	ssyncadd.s32 $0xFFFFFF80  }
0x8c: {  	[tilespmem:s21], [sflag:$0x2] =	stream.indirect.gather [hbm4b:s4+s16], $0x20, s19, s16, $0xb8;
	[tilespmem:$0x12880] =	vst v63  }
0x8d: {  	_ = 	snop  }
0x8e: {  	[tilespmem:s22], [sflag:$0x2] =	stream.indirect.gather [hbm4b:s6+s16], $0x20, s20, s16, $0xb8;
	[tilespmem:$0x12880] =	vst v63  }
.LBB2_4:
0x8f: {  	_ =	swait.ge [sflag:s23], $0x1000  }
0x90: {  	[sflag:s23] =	ssyncset.done $0x0  }
0x91: {  	[sflag:s23] =	ssyncadd.s32 $0xFFFFF000  }
0x92: {  	_ =	swait.ge [sflag:s23], $0x1000  }
0x93: {  	p0 =	seq.s32 s12, $0x0;
	[sflag:s23] =	ssyncset.done $0x0  }
0x94: {  	s10 =	simm.s32 @!p0 $0x3;
	[sflag:s23] =	ssyncadd.s32 $0xFFFFF000  }
0x95: {  	_ =	swait.ge @!p0 [sflag:s10], $0x2000  }
0x96: {  	[sflag:s10] =	ssyncset.done @!p0 $0x0  }
0x97: {  	[sflag:s10] =	ssyncadd.s32 @!p0 $0xFFFFE000  }
0x98: {  	_ =	swait.ge @!p0 [sflag:s10], $0x80  }
0x99: {  	[sflag:s10] =	ssyncset.done @!p0 $0x0  }
0x9a: {  	[sflag:s10] =	ssyncadd.s32 @!p0 $0xFFFFFF80  }
0x9b: {  	v3 =	vld [tilespmem:$0x80]  }
0x9c: {  	v4 =	vld [tilespmem:$0x90]  }
0x9d: {  	v5 =	vld [tilespmem:$0xA0]  }
0x9e: {  	v6 =	vld [tilespmem:$0xB0]  }
0x9f: {  	v7 =	vld [tilespmem:$0xC0]  }
0xa0: {  	s14 =	sshll.u32 s12, $0x1;
	[tilespmem:$0x100] =	vst v3;
	v3 =	vld [tilespmem:$0xD0]  }
0xa1: {  	s10 =	sadd.s32 $0x2, s14;
	[tilespmem:$0x110] =	vst v4;
	v4 =	vld [tilespmem:$0xE0]  }
0xa2: {  	s15 =	smov.u32 s28;
	p1 =	slt.s32 s10, s28;
	[tilespmem:$0x120] =	vst v5;
	v5 =	vld [tilespmem:$0xF0]  }
0xa3: {  	s15 =	smov.u32 @p1 s10;
	[tilespmem:$0x130] =	vst v6  }
0xa4: {  	s10 =	sshll.u32 s15, $0x7;
	[tilespmem:$0x140] =	vst v7  }
0xa5: {  	s10 =	sadd.s32 s13, s10;
	[tilespmem:$0x150] =	vst v3  }
0xa6: {  	s10 =	sshrl.u32 s10, $0x3;
	[tilespmem:$0x160] =	vst v4  }
0xa7: {  	s21 =	sadd.s32 s7, s10;
	[tilespmem:$0x170] =	vst v5  }
0xa8: {  	[tilespmem:s3], [sflag:$0x5] =	stream.linear.gather [hbm4b:s21+s3], $0x80, $0x38;
	[tilespmem:$0x12880] =	vst v63  }
0xa9: {  	s17 =	simm.s32 $0x200;
	s10 =	sadd.s32 s8, s10  }
0xaa: {  	[tilespmem:s16], [sflag:$0x5] =	stream.linear.gather [hbm4b:s10+s3], $0x80, $0x38;
	[tilespmem:$0x12880] =	vst v63  }
0xab: {  	s10 =	simm.s32 $0x1200;
	v3 =	vld [tilespmem:s17+$0x60]  }
0xac: {  	v4 =	vld [tilespmem:s10+$0x60]  }
0xad: {  	v5 =	vld [tilespmem:s10+$0xFFFFFF80]  }
0xae: {  	v6 =	vld [tilespmem:s17+$0xFFFFFFA0]  }
0xaf: {  	v7 =	vld [tilespmem:s10+$0xFFFFFFA0]  }
0xb0: {  	v8 =	vld [tilespmem:s17+$0xFFFFFFC0]  }
0xb1: {  	v9 =	vld [tilespmem:s10+$0xFFFFFFC0];
	v3 =	vadd.bf16 v4, v3  }
0xb2: {  	v10 =	vld [tilespmem:s10+$0xFFFFFFE0]  }
0xb3: {  	v11 =	vld [tilespmem:s17+$0x0];
	v3 =	vmax.bf16 v3, v2  }
0xb4: {  	s15 =	simm.s32 $0x2280;
	v4 =	vld [tilespmem:s17+$0xFFFFFFE0];
	v12 =	vunpack.i.l.bf16.f32 v3  }
0xb5: {  	v6 =	vadd.bf16 v7, v6;
	v7 =	vld [tilespmem:s10+$0x0];
	v3 =	vunpack.i.u.bf16.f32 v3;
	[tilespmem:s15+$0xC0] =	vst v12  }
0xb6: {  	v12 =	vld [tilespmem:s17+$0x20];
	[tilespmem:s15+$0xD0] =	vst v3  }
0xb7: {  	v3 =	vmax.bf16 v6, v2;
	v6 =	vadd.bf16 v9, v8;
	v8 =	vld [tilespmem:s17+$0x70]  }
0xb8: {  	v9 =	vunpack.i.l.bf16.f32 v3;
	v13 =	vld [tilespmem:s10+$0x70]  }
0xb9: {  	v3 =	vunpack.i.u.bf16.f32 v3;
	v4 =	vadd.bf16 v10, v4;
	[tilespmem:s15+$0xFFFFFF40] =	vst v9;
	v6 =	vmax.bf16 v6, v2;
	v9 =	vld [tilespmem:s10+$0x20]  }
0xba: {  	v10 =	vld [tilespmem:s17+$0x40];
	[tilespmem:s15+$0xFFFFFF50] =	vst v3;
	v3 =	vunpack.i.l.bf16.f32 v6  }
0xbb: {  	v6 =	vunpack.i.u.bf16.f32 v6;
	[tilespmem:s15+$0xFFFFFF80] =	vst v3;
	v3 =	vmax.bf16 v4, v2;
	v4 =	vadd.bf16 v7, v11;
	v7 =	vld [tilespmem:s10+$0x40]  }
0xbc: {  	[tilespmem:s15+$0xFFFFFF90] =	vst v6;
	v11 =	vld [tilespmem:s17+$0xFFFFFF80];
	v6 =	vunpack.i.l.bf16.f32 v3  }
0xbd: {  	v3 =	vunpack.i.u.bf16.f32 v3;
	[tilespmem:s15+$0xFFFFFFC0] =	vst v6;
	v4 =	vmax.bf16 v4, v2;
	v6 =	vld [tilespmem:s17+$0xFFFFFFB0];
	v8 =	vadd.bf16 v13, v8  }
0xbe: {  	[tilespmem:s15+$0xFFFFFFD0] =	vst v3;
	v13 =	vld [tilespmem:s10+$0xFFFFFFB0];
	v3 =	vunpack.i.l.bf16.f32 v4;
	v9 =	vadd.bf16 v9, v12  }
0xbf: {  	v4 =	vunpack.i.u.bf16.f32 v4;
	v12 =	vld [tilespmem:s10+$0xFFFFFFD0];
	[tilespmem:s15+$0x0] =	vst v3;
	v8 =	vmax.bf16 v8, v2  }
0xc0: {  	v3 =	vld [tilespmem:s17+$0xFFFFFFD0];
	[tilespmem:s15+$0x10] =	vst v4;
	v4 =	vmax.bf16 v9, v2;
	v7 =	vadd.bf16 v7, v10;
	v9 =	vunpack.i.u.bf16.f32 v8  }
0xc1: {  	v5 =	vadd.bf16 v5, v11;
	v10 =	vld [tilespmem:s17+$0xFFFFFFF0];
	v11 =	vunpack.i.l.bf16.f32 v4;
	[tilespmem:s15+$0xF0] =	vst v9  }
0xc2: {  	v4 =	vunpack.i.u.bf16.f32 v4;
	v9 =	vld [tilespmem:s10+$0xFFFFFFF0];
	[tilespmem:s15+$0x40] =	vst v11;
	v7 =	vmax.bf16 v7, v2  }
0xc3: {  	v14 =	vld [tilespmem:s17+$0x10];
	v5 =	vmax.bf16 v5, v2;
	[tilespmem:s15+$0x50] =	vst v4;
	v4 =	vunpack.i.l.bf16.f32 v7  }
0xc4: {  	v6 =	vadd.bf16 v13, v6;
	v13 =	vld [tilespmem:s10+$0x10];
	v11 =	vunpack.i.l.bf16.f32 v5;
	[tilespmem:s15+$0x80] =	vst v4  }
0xc5: {  	v5 =	vunpack.i.u.bf16.f32 v5;
	[tilespmem:s15+$0xFFFFFF00] =	vst v11;
	v4 =	vld [tilespmem:s17+$0x30];
	v12 =	vadd.bf16 v12, v3  }
0xc6: {  	v11 =	vunpack.i.u.bf16.f32 v7;
	[tilespmem:s15+$0xFFFFFF10] =	vst v5;
	v6 =	vmax.bf16 v6, v2;
	v7 =	vld [tilespmem:s10+$0x30]  }
0xc7: {  	v5 =	vld [tilespmem:s17+$0xFFFFFF90];
	v15 =	vunpack.i.u.bf16.f32 v6;
	[tilespmem:s15+$0x90] =	vst v11;
	v9 =	vadd.bf16 v9, v10;
	v10 =	vmax.bf16 v12, v2  }
0xc8: {  	v3 =	vunpack.i.l.bf16.f32 v8;
	v8 =	vld [tilespmem:s10+$0xFFFFFF90];
	v6 =	vunpack.i.l.bf16.f32 v6;
	[tilespmem:s15+$0xFFFFFF70] =	vst v15;
	v11 =	vunpack.i.u.bf16.f32 v10  }
0xc9: {  	[tilespmem:s15+$0xFFFFFF60] =	vst v6;
	v6 =	vld [tilespmem:s17+$0x50];
	v10 =	vunpack.i.l.bf16.f32 v10;
	v12 =	vadd.bf16 v13, v14;
	v9 =	vmax.bf16 v9, v2  }
0xca: {  	s18 =	simm.s32 $0x0;
	s21 =	simm.s32 $0x300;
	s17 =	simm.s32 $0x2280;
	[tilespmem:s15+$0xFFFFFFA0] =	vst v10;
	v10 =	vunpack.i.u.bf16.f32 v9;
	v13 =	vunpack.i.l.bf16.f32 v9;
	v9 =	vld [tilespmem:s10+$0x50]  }
.LBB2_5:
0xcb: {  	v14 =	vld [tilespmem:s21+$0x60];
	[tilespmem:s15+$0xFFFFFFB0] =	vst v11;
	v11 =	vmax.bf16 v12, v2;
	v4 =	vadd.bf16 v7, v4;
	s10 =	sadd.s32 $0x100, s10  }
0xcc: {  	v7 =	vld [tilespmem:s10+$0x60];
	[tilespmem:s15+$0xFFFFFFE0] =	vst v13;
	v12 =	vunpack.i.u.bf16.f32 v11;
	v11 =	vunpack.i.l.bf16.f32 v11  }
0xcd: {  	v13 =	vld [tilespmem:s10+$0xFFFFFF80];
	v5 =	vadd.bf16 v8, v5;
	[tilespmem:s15+$0xFFFFFFF0] =	vst v10;
	v4 =	vmax.bf16 v4, v2  }
0xce: {  	s18 =	sadd.s32 $0x8, s18;
	v8 =	vld [tilespmem:s21+$0xFFFFFFA0];
	[tilespmem:s15+$0x20] =	vst v11;
	v10 =	vunpack.i.u.bf16.f32 v4;
	v4 =	vunpack.i.l.bf16.f32 v4  }
0xcf: {  	p1 =	slt.u32 s18, $0x78;
	v11 =	vld [tilespmem:s10+$0xFFFFFFA0];
	v5 =	vmax.bf16 v5, v2;
	[tilespmem:s15+$0x30] =	vst v12;
	v6 =	vadd.bf16 v9, v6  }
0xd0: {  	v9 =	vld [tilespmem:s21+$0xFFFFFFC0];
	v12 =	vunpack.i.u.bf16.f32 v5;
	v5 =	vunpack.i.l.bf16.f32 v5;
	[tilespmem:s15+$0x60] =	vst v4  }
0xd1: {  	v4 =	vld [tilespmem:s10+$0xFFFFFFC0];
	v7 =	vadd.bf16 v7, v14;
	[tilespmem:s15+$0xFFFFFF20] =	vst v5;
	v5 =	vmax.bf16 v6, v2  }
0xd2: {  	v6 =	vld [tilespmem:s21+$0xFFFFFFE0];
	[tilespmem:s15+$0xFFFFFF30] =	vst v12;
	v12 =	vunpack.i.u.bf16.f32 v5;
	v5 =	vunpack.i.l.bf16.f32 v5  }
0xd3: {  	v14 =	vld [tilespmem:s10+$0xFFFFFFE0];
	v7 =	vmax.bf16 v7, v2;
	[tilespmem:s15+$0x70] =	vst v10  }
0xd4: {  	s15 =	sadd.s32 $0x200, s15;
	v8 =	vadd.bf16 v11, v8;
	v10 =	vld [tilespmem:s21+$0x0];
	v11 =	vunpack.i.l.bf16.f32 v7;
	[tilespmem:s17+$0xA0] =	vst v5  }
0xd5: {  	v7 =	vunpack.i.u.bf16.f32 v7;
	v5 =	vld [tilespmem:s10+$0x0];
	[tilespmem:s15+$0xC0] =	vst v11  }
0xd6: {  	v8 =	vmax.bf16 v8, v2;
	v4 =	vadd.bf16 v4, v9;
	v9 =	vld [tilespmem:s21+$0x20];
	[tilespmem:s15+$0xD0] =	vst v7  }
0xd7: {  	v7 =	vunpack.i.u.bf16.f32 v8;
	v8 =	vunpack.i.l.bf16.f32 v8;
	v11 =	vld [tilespmem:s21+$0x70];
	[tilespmem:s17+$0xB0] =	vst v12  }
0xd8: {  	[tilespmem:s15+$0xFFFFFF40] =	vst v8;
	v4 =	vmax.bf16 v4, v2;
	v6 =	vadd.bf16 v14, v6;
	v8 =	vld [tilespmem:s10+$0x70]  }
0xd9: {  	[tilespmem:s15+$0xFFFFFF50] =	vst v7;
	v7 =	vunpack.i.u.bf16.f32 v4;
	v4 =	vunpack.i.l.bf16.f32 v4;
	v12 =	vld [tilespmem:s10+$0x20]  }
0xda: {  	[tilespmem:s15+$0xFFFFFF80] =	vst v4;
	v4 =	vmax.bf16 v6, v2;
	v5 =	vadd.bf16 v5, v10;
	v6 =	vld [tilespmem:s21+$0x40]  }
0xdb: {  	[tilespmem:s15+$0xFFFFFF90] =	vst v7;
	v7 =	vunpack.i.u.bf16.f32 v4;
	v4 =	vunpack.i.l.bf16.f32 v4;
	v10 =	vld [tilespmem:s10+$0x40]  }
0xdc: {  	v14 =	vld [tilespmem:s21+$0xFFFFFF80];
	[tilespmem:s15+$0xFFFFFFC0] =	vst v4;
	v4 =	vmax.bf16 v5, v2  }
0xdd: {  	v5 =	vld [tilespmem:s21+$0xFFFFFFB0];
	[tilespmem:s15+$0xFFFFFFD0] =	vst v7;
	v7 =	vunpack.i.u.bf16.f32 v4;
	v4 =	vunpack.i.l.bf16.f32 v4;
	v8 =	vadd.bf16 v8, v11  }
0xde: {  	v11 =	vld [tilespmem:s10+$0xFFFFFFB0];
	[tilespmem:s15+$0x0] =	vst v4;
	v4 =	vadd.bf16 v12, v9  }
0xdf: {  	v9 =	vld [tilespmem:s21+$0xFFFFFFD0];
	[tilespmem:s15+$0x10] =	vst v7;
	v7 =	vmax.bf16 v8, v2  }
0xe0: {  	v8 =	vld [tilespmem:s10+$0xFFFFFFD0];
	v4 =	vmax.bf16 v4, v2;
	v6 =	vadd.bf16 v10, v6;
	v10 =	vunpack.i.u.bf16.f32 v7;
	[tilespmem:s17+$0xE0] =	vst v3;
	s17 =	smov.u32 s15  }
0xe1: {  	v12 =	vadd.bf16 v13, v14;
	v13 =	vld [tilespmem:s21+$0xFFFFFFF0];
	v14 =	vunpack.i.u.bf16.f32 v4;
	v3 =	vunpack.i.l.bf16.f32 v4;
	[tilespmem:s15+$0xF0] =	vst v10  }
0xe2: {  	v10 =	vld [tilespmem:s10+$0xFFFFFFF0];
	[tilespmem:s15+$0x40] =	vst v3;
	v4 =	vmax.bf16 v6, v2;
	v3 =	vunpack.i.l.bf16.f32 v7  }
0xe3: {  	v6 =	vmax.bf16 v12, v2;
	v12 =	vld [tilespmem:s21+$0x10];
	[tilespmem:s15+$0x50] =	vst v14;
	v14 =	vunpack.i.u.bf16.f32 v4;
	v4 =	vunpack.i.l.bf16.f32 v4  }
0xe4: {  	v5 =	vadd.bf16 v11, v5;
	v7 =	vunpack.i.u.bf16.f32 v6;
	v6 =	vunpack.i.l.bf16.f32 v6;
	v15 =	vld [tilespmem:s10+$0x10];
	[tilespmem:s15+$0x80] =	vst v4  }
0xe5: {  	[tilespmem:s15+$0xFFFFFF00] =	vst v6;
	v6 =	vadd.bf16 v8, v9;
	v4 =	vld [tilespmem:s21+$0x30]  }
.Ltmp1:
0xe6: {  	v9 =	vmax.bf16 v5, v2;
	[tilespmem:s15+$0xFFFFFF10] =	vst v7;
	v7 =	vld [tilespmem:s10+$0x30];
	(pc) =	sbr.rel @p1 .LBB2_5-.Ltmp1, $4  }
0xe7: {  	v11 =	vunpack.i.u.bf16.f32 v9;
	v5 =	vld [tilespmem:s21+$0xFFFFFF90];
	v6 =	vmax.bf16 v6, v2;
	v10 =	vadd.bf16 v10, v13;
	[tilespmem:s15+$0x90] =	vst v14  }
0xe8: {  	v9 =	vunpack.i.l.bf16.f32 v9;
	v8 =	vld [tilespmem:s10+$0xFFFFFF90];
	[tilespmem:s15+$0xFFFFFF70] =	vst v11;
	v11 =	vunpack.i.u.bf16.f32 v6;
	v13 =	vunpack.i.l.bf16.f32 v6  }
0xe9: {  	[tilespmem:s15+$0xFFFFFF60] =	vst v9;
	v9 =	vmax.bf16 v10, v2;
	v12 =	vadd.bf16 v15, v12;
	v6 =	vld [tilespmem:s21+$0x50]  }
0xea: {  	s21 =	sadd.s32 $0x100, s21;
	[tilespmem:s15+$0xFFFFFFA0] =	vst v13;
	v10 =	vunpack.i.u.bf16.f32 v9;
	v13 =	vunpack.i.l.bf16.f32 v9;
	v9 =	vld [tilespmem:s10+$0x50]  }
0xeb: {  	[tilespmem:s15+$0xFFFFFFB0] =	vst v11  }
0xec: {  	[tilespmem:s15+$0xFFFFFFE0] =	vst v13  }
0xed: {  	v11 =	vmax.bf16 v12, v2;
	v4 =	vadd.bf16 v7, v4;
	[tilespmem:s15+$0xFFFFFFF0] =	vst v10  }
0xee: {  	[tilespmem:s17+$0xE0] =	vst v3;
	v7 =	vunpack.i.l.bf16.f32 v11  }
0xef: {  	v5 =	vadd.bf16 v8, v5;
	v8 =	vunpack.i.u.bf16.f32 v11;
	v4 =	vmax.bf16 v4, v2;
	[tilespmem:s15+$0x20] =	vst v7  }
0xf0: {  	v7 =	vunpack.i.l.bf16.f32 v4;
	[tilespmem:s15+$0x30] =	vst v8  }
0xf1: {  	v4 =	vunpack.i.u.bf16.f32 v4;
	v5 =	vmax.bf16 v5, v2;
	v6 =	vadd.bf16 v9, v6;
	[tilespmem:s15+$0x60] =	vst v7  }
0xf2: {  	[tilespmem:s15+$0x70] =	vst v4;
	v8 =	vunpack.i.l.bf16.f32 v5  }
0xf3: {  	v5 =	vunpack.i.u.bf16.f32 v5;
	[tilespmem:s15+$0xFFFFFF20] =	vst v8;
	v6 =	vmax.bf16 v6, v2  }
0xf4: {  	[tilespmem:s15+$0xFFFFFF30] =	vst v5;
	v5 =	vunpack.i.l.bf16.f32 v6  }
0xf5: {  	v4 =	vunpack.i.u.bf16.f32 v6;
	[tilespmem:s17+$0xA0] =	vst v5  }
0xf6: {  	[tilespmem:s17+$0xB0] =	vst v4  }
0xf7: {  	[spmem:s1] =	stream.indirect.scatter.add.f32 [tilespmem:s31], [sflag:$0x3], $0x40, s24, s16, $0xb8;
	[tilespmem:$0x12880] =	vst v63  }
0xf8: {  	_ = 	snop  }
0xf9: {  	[spmem:s2] =	stream.indirect.scatter.add.f32 [tilespmem:s25], [sflag:$0x3], $0x1, s24, s16, $0xb8;
	[tilespmem:$0x12880] =	vst v63  }
0xfa: {  	_ =	swait.ge [sflag:s30], $0x80  }
0xfb: {  	[sflag:s30] =	ssyncset.done $0x0  }
0xfc: {  	[sflag:s30] =	ssyncadd.s32 $0xFFFFFF80  }
0xfd: {  	_ =	swait.ge [sflag:s30], $0x80  }
0xfe: {  	[sflag:s30] =	ssyncset.done $0x0  }
0xff: {  	s10 =	simm.s32 $0x180;
	[sflag:s30] =	ssyncadd.s32 $0xFFFFFF80  }
0x100: {  	[tilespmem:s10], [sflag:$0x1] =	stream.indirect.gather [hbm4b:s4+s16], $0x20, s3, s16, $0xb8;
	[tilespmem:$0x12880] =	vst v63  }
0x101: {  	s17 =	simm.s32 $0x1180  }
0x102: {  	[tilespmem:s17], [sflag:$0x1] =	stream.indirect.gather [hbm4b:s6+s16], $0x20, s16, s16, $0xb8;
	[tilespmem:$0x12880] =	vst v63  }
0x103: {  	_ =	swait.ge [sflag:s5], $0x1000  }
0x104: {  	[sflag:s5] =	ssyncset.done $0x0  }
0x105: {  	[sflag:s5] =	ssyncadd.s32 $0xFFFFF000  }
0x106: {  	_ =	swait.ge [sflag:s5], $0x1000  }
0x107: {  	[sflag:s5] =	ssyncset.done $0x0  }
0x108: {  	s10 =	simm.s32 @!p0 $0x4;
	[sflag:s5] =	ssyncadd.s32 $0xFFFFF000  }
0x109: {  	_ =	swait.ge @!p0 [sflag:s10], $0x2000  }
0x10a: {  	[sflag:s10] =	ssyncset.done @!p0 $0x0  }
0x10b: {  	[sflag:s10] =	ssyncadd.s32 @!p0 $0xFFFFE000  }
0x10c: {  	_ =	swait.ge @!p0 [sflag:s10], $0x80  }
0x10d: {  	[sflag:s10] =	ssyncset.done @!p0 $0x0  }
0x10e: {  	[sflag:s10] =	ssyncadd.s32 @!p0 $0xFFFFFF80  }
0x10f: {  	v3 =	vld [tilespmem:$0x4200]  }
0x110: {  	v4 =	vld [tilespmem:$0x4210]  }
0x111: {  	v5 =	vld [tilespmem:$0x4220]  }
0x112: {  	v6 =	vld [tilespmem:$0x4230]  }
0x113: {  	v7 =	vld [tilespmem:$0x4240]  }
0x114: {  	[tilespmem:$0x4280] =	vst v3;
	v3 =	vld [tilespmem:$0x4250]  }
0x115: {  	s10 =	sadd.s32 $0x3, s14;
	[tilespmem:$0x4290] =	vst v4;
	v4 =	vld [tilespmem:$0x4260]  }
0x116: {  	s14 =	smov.u32 s29;
	p0 =	slt.s32 s10, s29;
	[tilespmem:$0x42A0] =	vst v5;
	v5 =	vld [tilespmem:$0x4270]  }
0x117: {  	s14 =	smov.u32 @p0 s10;
	[tilespmem:$0x42B0] =	vst v6  }
0x118: {  	s10 =	sshll.u32 s14, $0x7;
	[tilespmem:$0x42C0] =	vst v7  }
0x119: {  	s10 =	sadd.s32 s13, s10;
	[tilespmem:$0x42D0] =	vst v3  }
0x11a: {  	s10 =	sshrl.u32 s10, $0x3;
	[tilespmem:$0x42E0] =	vst v4  }
0x11b: {  	s18 =	sadd.s32 s7, s10;
	[tilespmem:$0x42F0] =	vst v5  }
0x11c: {  	[tilespmem:s19], [sflag:$0x6] =	stream.linear.gather [hbm4b:s18+s3], $0x80, $0x38;
	[tilespmem:$0x12880] =	vst v63  }
0x11d: {  	s21 =	simm.s32 $0x4380;
	s10 =	sadd.s32 s8, s10  }
0x11e: {  	[tilespmem:s20], [sflag:$0x6] =	stream.linear.gather [hbm4b:s10+s3], $0x80, $0x38;
	[tilespmem:$0x12880] =	vst v63  }
0x11f: {  	s10 =	simm.s32 $0x5380;
	v3 =	vld [tilespmem:s21+$0x60]  }
0x120: {  	v4 =	vld [tilespmem:s10+$0x60]  }
0x121: {  	v5 =	vld [tilespmem:s10+$0xFFFFFF80]  }
0x122: {  	v6 =	vld [tilespmem:s21+$0xFFFFFFA0]  }
0x123: {  	v7 =	vld [tilespmem:s10+$0xFFFFFFA0]  }
0x124: {  	v8 =	vld [tilespmem:s21+$0xFFFFFFC0]  }
0x125: {  	v9 =	vld [tilespmem:s10+$0xFFFFFFC0];
	v3 =	vadd.bf16 v4, v3  }
0x126: {  	v10 =	vld [tilespmem:s10+$0xFFFFFFE0]  }
0x127: {  	v11 =	vld [tilespmem:s21+$0x0];
	v3 =	vmax.bf16 v3, v2  }
0x128: {  	s14 =	simm.s32 $0x6400;
	v4 =	vld [tilespmem:s21+$0xFFFFFFE0];
	v12 =	vunpack.i.l.bf16.f32 v3  }
0x129: {  	v6 =	vadd.bf16 v7, v6;
	v7 =	vld [tilespmem:s10+$0x0];
	v3 =	vunpack.i.u.bf16.f32 v3;
	[tilespmem:s14+$0xC0] =	vst v12  }
0x12a: {  	v12 =	vld [tilespmem:s21+$0x20];
	[tilespmem:s14+$0xD0] =	vst v3  }
0x12b: {  	v3 =	vmax.bf16 v6, v2;
	v6 =	vadd.bf16 v9, v8;
	v8 =	vld [tilespmem:s21+$0x70]  }
0x12c: {  	v9 =	vunpack.i.l.bf16.f32 v3;
	v13 =	vld [tilespmem:s10+$0x70]  }
0x12d: {  	v3 =	vunpack.i.u.bf16.f32 v3;
	v4 =	vadd.bf16 v10, v4;
	[tilespmem:s14+$0xFFFFFF40] =	vst v9;
	v6 =	vmax.bf16 v6, v2;
	v9 =	vld [tilespmem:s10+$0x20]  }
0x12e: {  	v10 =	vld [tilespmem:s21+$0x40];
	[tilespmem:s14+$0xFFFFFF50] =	vst v3;
	v3 =	vunpack.i.l.bf16.f32 v6  }
0x12f: {  	v6 =	vunpack.i.u.bf16.f32 v6;
	[tilespmem:s14+$0xFFFFFF80] =	vst v3;
	v3 =	vmax.bf16 v4, v2;
	v4 =	vadd.bf16 v7, v11;
	v7 =	vld [tilespmem:s10+$0x40]  }
0x130: {  	[tilespmem:s14+$0xFFFFFF90] =	vst v6;
	v11 =	vld [tilespmem:s21+$0xFFFFFF80];
	v6 =	vunpack.i.l.bf16.f32 v3  }
0x131: {  	v3 =	vunpack.i.u.bf16.f32 v3;
	[tilespmem:s14+$0xFFFFFFC0] =	vst v6;
	v4 =	vmax.bf16 v4, v2;
	v6 =	vld [tilespmem:s21+$0xFFFFFFB0];
	v8 =	vadd.bf16 v13, v8  }
0x132: {  	[tilespmem:s14+$0xFFFFFFD0] =	vst v3;
	v13 =	vld [tilespmem:s10+$0xFFFFFFB0];
	v3 =	vunpack.i.l.bf16.f32 v4;
	v9 =	vadd.bf16 v9, v12  }
0x133: {  	v4 =	vunpack.i.u.bf16.f32 v4;
	v12 =	vld [tilespmem:s10+$0xFFFFFFD0];
	[tilespmem:s14+$0x0] =	vst v3;
	v8 =	vmax.bf16 v8, v2  }
0x134: {  	v3 =	vld [tilespmem:s21+$0xFFFFFFD0];
	[tilespmem:s14+$0x10] =	vst v4;
	v4 =	vmax.bf16 v9, v2;
	v7 =	vadd.bf16 v7, v10;
	v9 =	vunpack.i.u.bf16.f32 v8  }
0x135: {  	v5 =	vadd.bf16 v5, v11;
	v10 =	vld [tilespmem:s21+$0xFFFFFFF0];
	v11 =	vunpack.i.l.bf16.f32 v4;
	[tilespmem:s14+$0xF0] =	vst v9  }
0x136: {  	v4 =	vunpack.i.u.bf16.f32 v4;
	v9 =	vld [tilespmem:s10+$0xFFFFFFF0];
	[tilespmem:s14+$0x40] =	vst v11;
	v7 =	vmax.bf16 v7, v2  }
0x137: {  	v14 =	vld [tilespmem:s21+$0x10];
	v5 =	vmax.bf16 v5, v2;
	[tilespmem:s14+$0x50] =	vst v4;
	v4 =	vunpack.i.l.bf16.f32 v7  }
0x138: {  	v6 =	vadd.bf16 v13, v6;
	v13 =	vld [tilespmem:s10+$0x10];
	v11 =	vunpack.i.l.bf16.f32 v5;
	[tilespmem:s14+$0x80] =	vst v4  }
0x139: {  	v5 =	vunpack.i.u.bf16.f32 v5;
	[tilespmem:s14+$0xFFFFFF00] =	vst v11;
	v4 =	vld [tilespmem:s21+$0x30];
	v12 =	vadd.bf16 v12, v3  }
0x13a: {  	v11 =	vunpack.i.u.bf16.f32 v7;
	[tilespmem:s14+$0xFFFFFF10] =	vst v5;
	v6 =	vmax.bf16 v6, v2;
	v7 =	vld [tilespmem:s10+$0x30]  }
0x13b: {  	v5 =	vld [tilespmem:s21+$0xFFFFFF90];
	v15 =	vunpack.i.u.bf16.f32 v6;
	[tilespmem:s14+$0x90] =	vst v11;
	v9 =	vadd.bf16 v9, v10;
	v10 =	vmax.bf16 v12, v2  }
0x13c: {  	v3 =	vunpack.i.l.bf16.f32 v8;
	v8 =	vld [tilespmem:s10+$0xFFFFFF90];
	v6 =	vunpack.i.l.bf16.f32 v6;
	[tilespmem:s14+$0xFFFFFF70] =	vst v15;
	v11 =	vunpack.i.u.bf16.f32 v10  }
0x13d: {  	[tilespmem:s14+$0xFFFFFF60] =	vst v6;
	v6 =	vld [tilespmem:s21+$0x50];
	v10 =	vunpack.i.l.bf16.f32 v10;
	v12 =	vadd.bf16 v13, v14;
	v9 =	vmax.bf16 v9, v2  }
0x13e: {  	s15 =	simm.s32 $0x6400;
	s17 =	simm.s32 $0x0;
	s18 =	simm.s32 $0x4480;
	[tilespmem:s14+$0xFFFFFFA0] =	vst v10;
	v10 =	vunpack.i.u.bf16.f32 v9;
	v13 =	vunpack.i.l.bf16.f32 v9;
	v9 =	vld [tilespmem:s10+$0x50]  }
.LBB2_7:
0x13f: {  	v14 =	vld [tilespmem:s18+$0x60];
	[tilespmem:s14+$0xFFFFFFB0] =	vst v11;
	v11 =	vmax.bf16 v12, v2;
	v4 =	vadd.bf16 v7, v4;
	s10 =	sadd.s32 $0x100, s10  }
0x140: {  	v7 =	vld [tilespmem:s10+$0x60];
	[tilespmem:s14+$0xFFFFFFE0] =	vst v13;
	v12 =	vunpack.i.u.bf16.f32 v11;
	v11 =	vunpack.i.l.bf16.f32 v11  }
0x141: {  	v13 =	vld [tilespmem:s10+$0xFFFFFF80];
	v5 =	vadd.bf16 v8, v5;
	[tilespmem:s14+$0xFFFFFFF0] =	vst v10;
	v4 =	vmax.bf16 v4, v2  }
0x142: {  	s17 =	sadd.s32 $0x8, s17;
	v8 =	vld [tilespmem:s18+$0xFFFFFFA0];
	[tilespmem:s14+$0x20] =	vst v11;
	v10 =	vunpack.i.u.bf16.f32 v4;
	v4 =	vunpack.i.l.bf16.f32 v4  }
0x143: {  	p0 =	slt.u32 s17, $0x78;
	v11 =	vld [tilespmem:s10+$0xFFFFFFA0];
	v5 =	vmax.bf16 v5, v2;
	[tilespmem:s14+$0x30] =	vst v12;
	v6 =	vadd.bf16 v9, v6  }
0x144: {  	v9 =	vld [tilespmem:s18+$0xFFFFFFC0];
	v12 =	vunpack.i.u.bf16.f32 v5;
	v5 =	vunpack.i.l.bf16.f32 v5;
	[tilespmem:s14+$0x60] =	vst v4  }
0x145: {  	v4 =	vld [tilespmem:s10+$0xFFFFFFC0];
	v7 =	vadd.bf16 v7, v14;
	[tilespmem:s14+$0xFFFFFF20] =	vst v5;
	v5 =	vmax.bf16 v6, v2  }
0x146: {  	v6 =	vld [tilespmem:s18+$0xFFFFFFE0];
	[tilespmem:s14+$0xFFFFFF30] =	vst v12;
	v12 =	vunpack.i.u.bf16.f32 v5;
	v5 =	vunpack.i.l.bf16.f32 v5  }
0x147: {  	v14 =	vld [tilespmem:s10+$0xFFFFFFE0];
	v7 =	vmax.bf16 v7, v2;
	[tilespmem:s14+$0x70] =	vst v10  }
0x148: {  	s14 =	sadd.s32 $0x200, s14;
	v8 =	vadd.bf16 v11, v8;
	v10 =	vld [tilespmem:s18+$0x0];
	v11 =	vunpack.i.l.bf16.f32 v7;
	[tilespmem:s15+$0xA0] =	vst v5  }
0x149: {  	v7 =	vunpack.i.u.bf16.f32 v7;
	v5 =	vld [tilespmem:s10+$0x0];
	[tilespmem:s14+$0xC0] =	vst v11  }
0x14a: {  	v8 =	vmax.bf16 v8, v2;
	v4 =	vadd.bf16 v4, v9;
	v9 =	vld [tilespmem:s18+$0x20];
	[tilespmem:s14+$0xD0] =	vst v7  }
0x14b: {  	v7 =	vunpack.i.u.bf16.f32 v8;
	v8 =	vunpack.i.l.bf16.f32 v8;
	v11 =	vld [tilespmem:s18+$0x70];
	[tilespmem:s15+$0xB0] =	vst v12  }
0x14c: {  	[tilespmem:s14+$0xFFFFFF40] =	vst v8;
	v4 =	vmax.bf16 v4, v2;
	v6 =	vadd.bf16 v14, v6;
	v8 =	vld [tilespmem:s10+$0x70]  }
0x14d: {  	[tilespmem:s14+$0xFFFFFF50] =	vst v7;
	v7 =	vunpack.i.u.bf16.f32 v4;
	v4 =	vunpack.i.l.bf16.f32 v4;
	v12 =	vld [tilespmem:s10+$0x20]  }
0x14e: {  	[tilespmem:s14+$0xFFFFFF80] =	vst v4;
	v4 =	vmax.bf16 v6, v2;
	v5 =	vadd.bf16 v5, v10;
	v6 =	vld [tilespmem:s18+$0x40]  }
0x14f: {  	[tilespmem:s14+$0xFFFFFF90] =	vst v7;
	v7 =	vunpack.i.u.bf16.f32 v4;
	v4 =	vunpack.i.l.bf16.f32 v4;
	v10 =	vld [tilespmem:s10+$0x40]  }
0x150: {  	v14 =	vld [tilespmem:s18+$0xFFFFFF80];
	[tilespmem:s14+$0xFFFFFFC0] =	vst v4;
	v4 =	vmax.bf16 v5, v2  }
0x151: {  	v5 =	vld [tilespmem:s18+$0xFFFFFFB0];
	[tilespmem:s14+$0xFFFFFFD0] =	vst v7;
	v7 =	vunpack.i.u.bf16.f32 v4;
	v4 =	vunpack.i.l.bf16.f32 v4;
	v8 =	vadd.bf16 v8, v11  }
0x152: {  	v11 =	vld [tilespmem:s10+$0xFFFFFFB0];
	[tilespmem:s14+$0x0] =	vst v4;
	v4 =	vadd.bf16 v12, v9  }
0x153: {  	v9 =	vld [tilespmem:s18+$0xFFFFFFD0];
	[tilespmem:s14+$0x10] =	vst v7;
	v7 =	vmax.bf16 v8, v2  }
0x154: {  	v8 =	vld [tilespmem:s10+$0xFFFFFFD0];
	v4 =	vmax.bf16 v4, v2;
	v6 =	vadd.bf16 v10, v6;
	v10 =	vunpack.i.u.bf16.f32 v7;
	[tilespmem:s15+$0xE0] =	vst v3;
	s15 =	smov.u32 s14  }
0x155: {  	v12 =	vadd.bf16 v13, v14;
	v13 =	vld [tilespmem:s18+$0xFFFFFFF0];
	v14 =	vunpack.i.u.bf16.f32 v4;
	v3 =	vunpack.i.l.bf16.f32 v4;
	[tilespmem:s14+$0xF0] =	vst v10  }
0x156: {  	v10 =	vld [tilespmem:s10+$0xFFFFFFF0];
	[tilespmem:s14+$0x40] =	vst v3;
	v4 =	vmax.bf16 v6, v2;
	v3 =	vunpack.i.l.bf16.f32 v7  }
0x157: {  	v6 =	vmax.bf16 v12, v2;
	v12 =	vld [tilespmem:s18+$0x10];
	[tilespmem:s14+$0x50] =	vst v14;
	v14 =	vunpack.i.u.bf16.f32 v4;
	v4 =	vunpack.i.l.bf16.f32 v4  }
0x158: {  	v5 =	vadd.bf16 v11, v5;
	v7 =	vunpack.i.u.bf16.f32 v6;
	v6 =	vunpack.i.l.bf16.f32 v6;
	v15 =	vld [tilespmem:s10+$0x10];
	[tilespmem:s14+$0x80] =	vst v4  }
0x159: {  	[tilespmem:s14+$0xFFFFFF00] =	vst v6;
	v6 =	vadd.bf16 v8, v9;
	v4 =	vld [tilespmem:s18+$0x30]  }
.Ltmp2:
0x15a: {  	v9 =	vmax.bf16 v5, v2;
	[tilespmem:s14+$0xFFFFFF10] =	vst v7;
	v7 =	vld [tilespmem:s10+$0x30];
	(pc) =	sbr.rel @p0 .LBB2_7-.Ltmp2, $4  }
0x15b: {  	v11 =	vunpack.i.u.bf16.f32 v9;
	v5 =	vld [tilespmem:s18+$0xFFFFFF90];
	v6 =	vmax.bf16 v6, v2;
	v10 =	vadd.bf16 v10, v13;
	[tilespmem:s14+$0x90] =	vst v14  }
0x15c: {  	v9 =	vunpack.i.l.bf16.f32 v9;
	v8 =	vld [tilespmem:s10+$0xFFFFFF90];
	[tilespmem:s14+$0xFFFFFF70] =	vst v11;
	v11 =	vunpack.i.u.bf16.f32 v6;
	v13 =	vunpack.i.l.bf16.f32 v6  }
0x15d: {  	[tilespmem:s14+$0xFFFFFF60] =	vst v9;
	v9 =	vmax.bf16 v10, v2;
	v12 =	vadd.bf16 v15, v12;
	v6 =	vld [tilespmem:s18+$0x50]  }
0x15e: {  	s18 =	sadd.s32 $0x100, s18;
	[tilespmem:s14+$0xFFFFFFA0] =	vst v13;
	v10 =	vunpack.i.u.bf16.f32 v9;
	v13 =	vunpack.i.l.bf16.f32 v9;
	v9 =	vld [tilespmem:s10+$0x50]  }
0x15f: {  	[tilespmem:s14+$0xFFFFFFB0] =	vst v11  }
0x160: {  	[tilespmem:s14+$0xFFFFFFE0] =	vst v13  }
0x161: {  	v57 =	vmax.bf16 v12, v2;
	v4 =	vadd.bf16 v7, v4;
	[tilespmem:s14+$0xFFFFFFF0] =	vst v10  }
0x162: {  	[tilespmem:s15+$0xE0] =	vst v3;
	v58 =	vunpack.i.l.bf16.f32 v57  }
0x163: {  	v59 =	vunpack.i.u.bf16.f32 v57;
	v5 =	vadd.bf16 v8, v5;
	v4 =	vmax.bf16 v4, v2;
	[tilespmem:s14+$0x20] =	vst v58  }
0x164: {  	[tilespmem:s14+$0x30] =	vst v59;
	v60 =	vunpack.i.l.bf16.f32 v4  }
0x165: {  	v4 =	vunpack.i.u.bf16.f32 v4;
	v5 =	vmax.bf16 v5, v2;
	v6 =	vadd.bf16 v9, v6;
	[tilespmem:s14+$0x60] =	vst v60  }
0x166: {  	[tilespmem:s14+$0x70] =	vst v4;
	v61 =	vunpack.i.l.bf16.f32 v5  }
0x167: {  	v5 =	vunpack.i.u.bf16.f32 v5;
	[tilespmem:s14+$0xFFFFFF20] =	vst v61;
	v6 =	vmax.bf16 v6, v2  }
0x168: {  	[tilespmem:s14+$0xFFFFFF30] =	vst v5;
	v62 =	vunpack.i.l.bf16.f32 v6  }
0x169: {  	v63 =	vunpack.i.u.bf16.f32 v6;
	[tilespmem:s15+$0xA0] =	vst v62  }
0x16a: {  	s10 =	simm.s32 $0x6300;
	[tilespmem:s15+$0xB0] =	vst v63  }
0x16b: {  	[spmem:s1] =	stream.indirect.scatter.add.f32 [tilespmem:s10], [sflag:$0x4], $0x40, s9, s16, $0xb8;
	[tilespmem:$0x12880] =	vst v63  }
0x16c: {  	_ = 	snop  }
0x16d: {  	[spmem:s2] =	stream.indirect.scatter.add.f32 [tilespmem:s25], [sflag:$0x4], $0x1, s9, s16, $0xb8;
	[tilespmem:$0x12880] =	vst v63  }
0x16e: {  	_ =	swait.ge [sflag:s11], $0x80  }
0x16f: {  	[sflag:s11] =	ssyncset.done $0x0  }
0x170: {  	s12 =	sadd.s32 $0x1, s12;
	[sflag:s11] =	ssyncadd.s32 $0xFFFFFF80  }
0x171: {  	p0 =	sne.s32 s12, s26;
	_ =	swait.ge [sflag:s11], $0x80  }
.Ltmp3:
0x172: {  	[sflag:s11] =	ssyncset.done $0x0;
	(pc) =	sbr.rel @p0 .LBB2_4-.Ltmp3, $4  }
0x173: {  	s21 =	simm.s32 $0x4300;
	[sflag:s11] =	ssyncadd.s32 $0xFFFFFF80  }
0x174: {  	[tilespmem:s21], [sflag:$0x2] =	stream.indirect.gather [hbm4b:s4+s16], $0x20, s19, s16, $0xb8;
	[tilespmem:$0x12880] =	vst v63  }
0x175: {  	_ = 	snop  }
0x176: {  	[tilespmem:s22], [sflag:$0x2] =	stream.indirect.gather [hbm4b:s6+s16], $0x20, s20, s16, $0xb8;
	[tilespmem:$0x12880] =	vst v63  }
0x177: {  	_ =	swait.ge [sflag:s23], $0x1000  }
0x178: {  	[sflag:s23] =	ssyncset.done $0x0  }
0x179: {  	[sflag:s23] =	ssyncadd.s32 $0xFFFFF000  }
0x17a: {  	_ =	swait.ge [sflag:s23], $0x1000  }
0x17b: {  	[sflag:s23] =	ssyncset.done $0x0  }
0x17c: {  	s10 =	simm.s32 $0x3;
	[sflag:s23] =	ssyncadd.s32 $0xFFFFF000  }
0x17d: {  	_ =	swait.ge [sflag:s10], $0x2000  }
0x17e: {  	[sflag:s10] =	ssyncset.done $0x0  }
0x17f: {  	[sflag:s10] =	ssyncadd.s32 $0xFFFFE000  }
0x180: {  	_ =	swait.ge [sflag:s10], $0x80  }
0x181: {  	[sflag:s10] =	ssyncset.done $0x0  }
0x182: {  	[sflag:s10] =	ssyncadd.s32 $0xFFFFFF80  }
0x183: {  	_ =	swait.ge [sflag:s5], $0x1000  }
0x184: {  	[sflag:s5] =	ssyncset.done $0x0  }
0x185: {  	[sflag:s5] =	ssyncadd.s32 $0xFFFFF000  }
0x186: {  	_ =	swait.ge [sflag:s5], $0x1000  }
0x187: {  	[sflag:s5] =	ssyncset.done $0x0  }
0x188: {  	s14 =	simm.s32 $0x4;
	[sflag:s5] =	ssyncadd.s32 $0xFFFFF000  }
0x189: {  	_ =	swait.ge [sflag:s14], $0x2000  }
0x18a: {  	[sflag:s14] =	ssyncset.done $0x0  }
0x18b: {  	[sflag:s14] =	ssyncadd.s32 $0xFFFFE000  }
0x18c: {  	_ =	swait.ge [sflag:s14], $0x80  }
0x18d: {  	[sflag:s14] =	ssyncset.done $0x0  }
0x18e: {  	[sflag:s14] =	ssyncadd.s32 $0xFFFFFF80  }
0x18f: {  	[bflag:$0x0] =	sbarrier.arrive $0xFFFF  }
0x190: {  	s21 =	rddreg [dreg:$0x5]  }
0x191: {  	[tilespmem:s31], [sflag:$0x7] =	stream.linear.gather [spmem:s21], $0x2000, $0x38;
	[tilespmem:$0x12880] =	vst v63  }
0x192: {  	_ =	swait.ge [sflag:s0], $0x2000  }
0x193: {  	[sflag:s0] =	ssyncset.done $0x0  }
0x194: {  	s15 =	rddreg [dreg:$0xb];
	[sflag:s0] =	ssyncadd.s32 $0xFFFFE000  }
0x195: {  	[hbm4b:s15+s3] =	stream.linear.scatter [tilespmem:s31], [sflag:$0x7], $0x2000, $0x38;
	[tilespmem:$0x12880] =	vst v63  }
0x196: {  	_ =	swait.ge [sflag:s0], $0x2000  }
0x197: {  	[sflag:s0] =	ssyncset.done $0x0  }
0x198: {  	s17 =	rddreg [dreg:$0x6];
	[sflag:s0] =	ssyncadd.s32 $0xFFFFE000  }
0x199: {  	[tilespmem:s31], [sflag:$0x7] =	stream.linear.gather [spmem:s17], $0x2000, $0x38;
	[tilespmem:$0x12880] =	vst v63  }
0x19a: {  	_ =	swait.ge [sflag:s0], $0x2000  }
0x19b: {  	[sflag:s0] =	ssyncset.done $0x0  }
0x19c: {  	s18 =	rddreg [dreg:$0xc];
	[sflag:s0] =	ssyncadd.s32 $0xFFFFE000  }
0x19d: {  	[hbm4b:s18+s3] =	stream.linear.scatter [tilespmem:s31], [sflag:$0x7], $0x2000, $0x38;
	[tilespmem:$0x12880] =	vst v63  }
0x19e: {  	_ =	swait.ge [sflag:s0], $0x2000  }
0x19f: {  	[sflag:s0] =	ssyncset.done $0x0  }
0x1a0: {  	s12 =	rddreg [dreg:$0x7];
	[sflag:s0] =	ssyncadd.s32 $0xFFFFE000  }
0x1a1: {  	[tilespmem:s31], [sflag:$0x7] =	stream.linear.gather [spmem:s12], $0x2000, $0x38;
	[tilespmem:$0x12880] =	vst v63  }
0x1a2: {  	_ =	swait.ge [sflag:s0], $0x2000  }
0x1a3: {  	[sflag:s0] =	ssyncset.done $0x0  }
0x1a4: {  	s14 =	rddreg [dreg:$0xd];
	[sflag:s0] =	ssyncadd.s32 $0xFFFFE000  }
0x1a5: {  	[hbm4b:s14+s3] =	stream.linear.scatter [tilespmem:s31], [sflag:$0x7], $0x2000, $0x38;
	[tilespmem:$0x12880] =	vst v63  }
0x1a6: {  	_ =	swait.ge [sflag:s0], $0x2000  }
0x1a7: {  	[sflag:s0] =	ssyncset.done $0x0  }
0x1a8: {  	s15 =	rddreg [dreg:$0x8];
	[sflag:s0] =	ssyncadd.s32 $0xFFFFE000  }
0x1a9: {  	[tilespmem:s31], [sflag:$0x7] =	stream.linear.gather [spmem:s15], $0x2000, $0x38;
	[tilespmem:$0x12880] =	vst v63  }
0x1aa: {  	_ =	swait.ge [sflag:s0], $0x2000  }
0x1ab: {  	[sflag:s0] =	ssyncset.done $0x0  }
0x1ac: {  	s17 =	rddreg [dreg:$0xe];
	[sflag:s0] =	ssyncadd.s32 $0xFFFFE000  }
0x1ad: {  	[hbm4b:s17+s3] =	stream.linear.scatter [tilespmem:s31], [sflag:$0x7], $0x2000, $0x38;
	[tilespmem:$0x12880] =	vst v63  }
0x1ae: {  	_ =	swait.ge [sflag:s0], $0x2000  }
0x1af: {  	[sflag:s0] =	ssyncset.done $0x0  }
0x1b0: {  	s18 =	rddreg [dreg:$0x9];
	[sflag:s0] =	ssyncadd.s32 $0xFFFFE000  }
0x1b1: {  	[tilespmem:s31], [sflag:$0x7] =	stream.linear.gather [spmem:s18], $0x2000, $0x38;
	[tilespmem:$0x12880] =	vst v63  }
0x1b2: {  	_ =	swait.ge [sflag:s0], $0x2000  }
0x1b3: {  	[sflag:s0] =	ssyncset.done $0x0  }
0x1b4: {  	s12 =	rddreg [dreg:$0xf];
	[sflag:s0] =	ssyncadd.s32 $0xFFFFE000  }
0x1b5: {  	[hbm4b:s12+s3] =	stream.linear.scatter [tilespmem:s31], [sflag:$0x7], $0x2000, $0x38;
	[tilespmem:$0x12880] =	vst v63  }
0x1b6: {  	_ =	swait.ge [sflag:s0], $0x2000  }
0x1b7: {  	[sflag:s0] =	ssyncset.done $0x0  }
0x1b8: {  	s15 =	simm.s32 $0x8380;
	s14 =	rddreg [dreg:$0xa];
	[sflag:s0] =	ssyncadd.s32 $0xFFFFE000  }
0x1b9: {  	[tilespmem:s15], [sflag:$0x7] =	stream.linear.gather [spmem:s14], $0x280, $0x38;
	[tilespmem:$0x12880] =	vst v63  }
0x1ba: {  	_ =	swait.ge [sflag:s0], $0x280  }
0x1bb: {  	[sflag:s0] =	ssyncset.done $0x0  }
0x1bc: {  	s17 =	rddreg [dreg:$0x10];
	[sflag:s0] =	ssyncadd.s32 $0xFFFFFD80  }
0x1bd: {  	[hbm4b:s17+s3] =	stream.linear.scatter [tilespmem:s15], [sflag:$0x7], $0x280, $0x38;
	[tilespmem:$0x12880] =	vst v63  }
0x1be: {  	_ =	swait.ge [sflag:s0], $0x280  }
0x1bf: {  	s12 =	rddreg [dreg:$0x16]  }
0x1c0: {  	s18 =	rddreg [dreg:$0x15];
	s12 =	sadd.s32 $0x1, s12  }
0x1c1: {  	p0 =	sne.s32 s12, s18  }
.Ltmp4:
0x1c2: {  	_ = 	snop;
	(pc) =	sbr.rel @p0 .LBB2_1-.Ltmp4, $3  }
0x1c3: {  	_ =	sdelay $0x1  }
0x1c4: {  	[sflag:s0] =	ssyncset.done $0x0  }
0x1c5: {  	[sflag:s0] =	ssyncadd.s32 $0xFFFFFD80  }
0x1c6: {  	_ =	sfence.sel $0x180000  }
0x1c7: {  	[bflag:$0x0] =	sbarrier.arrive $0xFFFF  }
0x1c8: {  	_ =	strace $0x90000047  }
0x1c9: {  	s0 =	stileid.u32;
	[bflag:$0x2] =	sbarrier.arrive $0xFFFF  }
0x1ca: {  	p0 =	sne.s32 s0, $0x0;
	s0 =	rddreg [dreg:$0x4]  }
0x1cb: {  	s0 =	sadd.s32 @!p0 $0x100000, s0  }
0x1cc: {  	[sflag:s0] =	ssyncadd.tile.s32 @!p0 $0x1;
	_ =	shalt  }
.Lfunc_end2:
_tile_overlayer_lowered:
.L_overlay_start_2:
0x1cd: {  	(tag) =	ssettag $0x2  }
0x1ce: {  	s0 =	rddreg [dreg:$0x0];
	s2 =	stileid.u32  }
0x1cf: {  	s1 =	rddreg [dreg:$0x1];
	p0 =	sne.s32 s2, $0x0  }
0x1d0: {  	s3 =	rddreg [dreg:$0x2];
	[bflag:$0x3] =	sbarrier.arrive $0xFFFF;
	s2 =	simm.s32 @!p0 $0x1C07  }
0x1d1: {  	[timem:s3], [sflag:s2] =	dma.local @!p0 [hbm:s0], s1  }
0x1d2: {  	s0 =	simm.s32 @!p0 $0x7  }
0x1d3: {  	_ =	swait.ge @!p0 [sflag:s0], s1  }
0x1d4: {  	s1 =	ssub.s32 @!p0 $0x0, s1;
	[sflag:s0] =	ssyncset.done @!p0 $0x0  }
0x1d5: {  	[sflag:s0] =	ssyncadd.s32 @!p0 s1  }
0x1d6: {  	[bflag:$0x3] =	sbarrier.arrive $0xFFFF  }
0x1d7: {  	_ =	shalt  }

</sc_bundles>
